<compile_context>
chip_gen: v7x
topology: tpu7x:2x2x1
jax: 0.10.2.dev20260603
libtpu: 0.0.44.dev20260713+nightly
codegen_flags: <defaults>
</compile_context>

<pallas_src>
import functools

import numpy as np
import jax
import jax.numpy as jnp
from jax import lax
from jax.experimental import pallas as pl
from jax.experimental.pallas import tpu as pltpu
from jax.experimental.pallas import tpu_sc as plsc

_S, _B, _D, _DR = 577, 64, 768, 4
_NT = _S - 1
_K = _NT // 2
_KO = _K + 1
_ROWS = _KO * _B
_NC, _NS = 2, 16
_NW = _NC * _NS
_PW_LO, _PW_HI = 576, 584
_NW_LO = 24
_CHUNK = 64
_NBUF = 2
_TAIL = _PW_HI - _PW_LO
_L = 16
_KPAD = 304
_BW = _B // _NW
_SEG = _DR * _S

def _keep_row_table() -> np.ndarray:
    def threefry2x32(k1, k2, x0, x1):
        def rotl(x, r):
            return ((x << np.uint32(r)) | (x >> np.uint32(32 - r))).astype(np.uint32)
        ks = [np.uint32(k1), np.uint32(k2), np.uint32(k1 ^ k2 ^ 0x1BD11BDA)]
        rotations = ((13, 15, 26, 6), (17, 29, 16, 24))
        x0 = (x0 + ks[0]).astype(np.uint32)
        x1 = (x1 + ks[1]).astype(np.uint32)
        for i in range(5):
            for r in rotations[i % 2]:
                x0 = (x0 + x1).astype(np.uint32)
                x1 = rotl(x1, r)
                x1 = (x1 ^ x0).astype(np.uint32)
            x0 = (x0 + ks[(i + 1) % 3]).astype(np.uint32)
            x1 = (x1 + ks[(i + 2) % 3] + np.uint32(i + 1)).astype(np.uint32)
        return x0, x1

    idx = np.arange(_B * _NT, dtype=np.uint64)
    o0, o1 = threefry2x32(0, 1, (idx >> np.uint64(32)).astype(np.uint32),
                          (idx & np.uint64(0xFFFFFFFF)).astype(np.uint32))
    keys = ((o0 ^ o1) >> np.uint32(9)).astype(np.int64).reshape(_B, _NT)
    keep = np.argsort(-keys, axis=1, kind="stable")[:, :_K]
    cols = np.arange(_B, dtype=np.int32)[None, :]
    kept = keep.T.astype(np.int32) * _B + cols
    cls = np.broadcast_to((_S - 1) * _B + cols, (_KPAD - _K, _B))
    return np.concatenate([kept, cls], axis=0).reshape(-1).astype(np.int32)


_KEEP_ROWS = _keep_row_table()


def _worker_base():
    wid = lax.axis_index("s") * _NC + lax.axis_index("c")
    base = wid * _PW_LO + jnp.maximum(wid - _NW_LO, 0) * _TAIL
    return wid, base


def _sc_gather(xf, roif, g):
    mesh = plsc.VectorSubcoreMesh(core_axis_name="c", subcore_axis_name="s")
    nfull = _PW_LO // _CHUNK

    @functools.partial(
        pl.kernel,
        mesh=mesh,
        out_type=(
            jax.ShapeDtypeStruct((_ROWS, _D), jnp.float32),
            jax.ShapeDtypeStruct((_B * _DR * _KO,), jnp.float32),
        ),
        scratch_types=[
            pltpu.VMEM((_KPAD * _B,), jnp.int32),
            pltpu.VMEM((_NBUF, _CHUNK, _D), jnp.float32),
            pltpu.VMEM((_BW * _SEG,), jnp.float32),
            pltpu.VMEM((_BW * _DR * _KO,), jnp.float32),
            pltpu.SemaphoreType.DMA,
            [pltpu.SemaphoreType.DMA] * _NBUF,
        ],
        compiler_params=pltpu.CompilerParams(needs_layout_passes=False),
    )
    def k(x_hbm, roif_hbm, g_hbm, outx_hbm, outroi_hbm,
          g_v, buf_v, in_v, out_v, semx, semo):
        wid, base = _worker_base()
        pltpu.sync_copy(g_hbm, g_v)

        chunks = [(i * _CHUNK, _CHUNK) for i in range(nfull)] + [(_PW_LO, _TAIL)]
        assert all(s % 8 == 0 for s, _ in chunks) and nfull * _CHUNK == _PW_LO
        nch = len(chunks)

        def gather(c, slot):
            start, ln = chunks[c]
            src = pl.multiple_of(base + start, 8)
            return pltpu.async_copy(
                x_hbm.at[g_v.at[pl.ds(src, ln)]],
                buf_v.at[slot, pl.ds(0, ln)], semx)

        def out_async(c, slot):
            start, ln = chunks[c]
            return pltpu.async_copy(
                buf_v.at[slot, pl.ds(0, ln)],
                outx_hbm.at[pl.ds(base + start, ln)], semo[slot])

        cps = [gather(0, 0), None]
        outcp = [None] * _NBUF
        look = _NBUF - 1
        pltpu.sync_copy(roif_hbm.at[pl.ds(wid * _BW * _SEG, _BW * _SEG)],
                        in_v)

        lanes = jnp.arange(_L, dtype=jnp.int32)
        b0 = wid * _BW

        def roi_group(bb, grp):
            b = b0 + bb
            tab = plsc.load_gather(g_v, [lanes * _B + (grp * _L * _B + b)])
            s = lax.shift_right_logical(tab, 6)
            for c in range(_DR):
                val = plsc.load_gather(in_v, [s + (bb * _SEG + c * _S)])
                off = bb * _DR * _KO + c * _KO + grp * _L
                if grp * _L + _L <= _KO:
                    out_v[pl.ds(off, _L)] = val
                else:
                    tgt = jnp.minimum(lanes + off, _BW * _DR * _KO - 1)
                    plsc.store_scatter(out_v, [tgt], val,
                                       mask=lanes < _KO - grp * _L)

        roi_tasks = [(bb, grp)
                     for bb in range(_BW) for grp in range(_KPAD // _L)]
        per_iter = -(-len(roi_tasks) // nch)

        for c in range(nch):
            s = c % _NBUF
            if c + look < nch:
                t = (c + look) % _NBUF
                if outcp[t] is not None:
                    outcp[t].wait()
                    outcp[t] = None
                cps[t] = gather(c + look, t)
            for task in roi_tasks[c * per_iter:(c + 1) * per_iter]:
                roi_group(*task)
            cps[s].wait()
            if c < nch - 1:
                outcp[s] = out_async(c, s)
            else:
                @pl.when(wid >= _NW_LO)
                def _():
                    pltpu.sync_copy(
                        buf_v.at[s, pl.ds(0, _TAIL)],
                        outx_hbm.at[pl.ds(base + _PW_LO, _TAIL)])
        for s in range(_NBUF):
            if outcp[s] is not None:
                outcp[s].wait()

        pltpu.sync_copy(out_v,
                        outroi_hbm.at[pl.ds(wid * _BW * _DR * _KO,
                                            _BW * _DR * _KO)])

    return k(xf, roif, g)


def kernel(x, roi):
    xf = x.reshape(_S * _B, _D)
    roif = jnp.transpose(roi, (1, 2, 0)).reshape(-1)
    g = jnp.asarray(_KEEP_ROWS)
    outx, outroi = _sc_gather(xf, roif, g)
    return (outx.reshape(_KO, _B, _D),
            outroi.reshape(_B, _DR, _KO).transpose(2, 0, 1))

# --- scband reference (transcript-rebuilt; emitter-appended) ---
"""Pipeline reference for scband-patch-dropout-43928925503550 (READ-ONLY COPY).

The authoritative reference and input builder live on the scoring server;
editing this copy changes nothing except your own understanding.
"""

import jax, jax.numpy as jnp
import numpy as np

PROB = 0.5
EXCLUDE_CLS = True

def setup_inputs(seed: int = 0) -> dict:
    key = jax.random.key(seed)
    k1, k2 = jax.random.split(key)
    x = jax.random.normal(k1, (577, 64, 768), dtype=jnp.float32)
    roi = jax.random.uniform(k2, (577, 64, 4), dtype=jnp.float32)
    return {"x": x, "roi": roi}

def reference(x, roi):
    # Training-mode path of PatchDropout (prob fixed scalar = PROB).
    # x: [S, B, D], roi: [S, B, Dr]
    x = jnp.transpose(x, (1, 0, 2))
    roi = jnp.transpose(roi, (1, 0, 2))
    if EXCLUDE_CLS:
        cls_token, x = x[:, -1:], x[:, :-1]
        cls_roi, roi = roi[:, -1:], roi[:, :-1]
    batch = x.shape[0]
    num_tokens = x.shape[1]
    keep_prob = 1.0 - PROB
    num_patches_keep = max(1, int(num_tokens * keep_prob))
    rand = jax.random.normal(jax.random.key(1), (batch, num_tokens), dtype=jnp.float32)
    _, patch_indices_keep = jax.lax.top_k(rand, num_patches_keep)  # [B, K]
    x = jnp.take_along_axis(x, patch_indices_keep[:, :, None], axis=1)
    roi = jnp.take_along_axis(roi, patch_indices_keep[:, :, None], axis=1)
    if EXCLUDE_CLS:
        x = jnp.concatenate((x, cls_token), axis=1)
        roi = jnp.concatenate((roi, cls_roi), axis=1)
    x = jnp.transpose(x, (1, 0, 2))
    roi = jnp.transpose(roi, (1, 0, 2))
    return (x, roi)

if __name__ == "__main__":
    import jax
    _d = setup_inputs()
    print(jax.jit(kernel)(*tuple(_d.values())))

</pallas_src>

<mosaic_0001>
#map = affine_map<(d0, d1) -> (0, 0)>
#map1 = affine_map<(d0, d1) -> (0)>
module attributes {stable_mosaic.version = 14 : i64} {
  func.func @k(%arg0: i32, %arg1: i32, %arg2: memref<36928x768xf32, #tpu.memory_space<hbm>>, %arg3: memref<147712xf32, #tpu.memory_space<hbm>>, %arg4: memref<19456xi32, #tpu.memory_space<hbm>>, %arg5: memref<18496x768xf32, #tpu.memory_space<hbm>>, %arg6: memref<73984xf32, #tpu.memory_space<hbm>>, %arg7: memref<19456xi32, #tpu.memory_space<vmem>>, %arg8: memref<2x64x768xf32, #tpu.memory_space<vmem>>, %arg9: memref<4616xf32, #tpu.memory_space<vmem>>, %arg10: memref<2312xf32, #tpu.memory_space<vmem>>, %arg11: memref<!tpu.dma_semaphore, #tpu.memory_space<semaphore_mem>>, %arg12: memref<!tpu.dma_semaphore, #tpu.memory_space<semaphore_mem>>, %arg13: memref<!tpu.dma_semaphore, #tpu.memory_space<semaphore_mem>>) attributes {dimension_semantics = [#tpu.dimension_semantics<core_parallel>, #tpu.dimension_semantics<subcore_parallel>], iteration_bounds = array<i64: 2, 16>, scalar_prefetch = 0 : i64, scratch_operands = 7 : i64, tpu.core_type = #tpu.core_type<sc_vector_subcore>, window_params = [{transform_indices = #map}, {transform_indices = #map1}, {transform_indices = #map1}, {transform_indices = #map}, {transform_indices = #map1}]} {
    %mul3A = arith.constant 2 : i32
    %mul3A_0 = arith.muli %arg1, %mul3A : i32
    %add3A = arith.addi %mul3A_0, %arg0 : i32
    %mul3A_1 = arith.constant 576 : i32
    %mul3A_2 = arith.muli %add3A, %mul3A_1 : i32
    %sub3A = arith.constant 24 : i32
    %sub3A_3 = arith.subi %add3A, %sub3A : i32
    %max3A = arith.constant 0 : i32
    %max3A_4 = arith.maxsi %sub3A_3, %max3A : i32
    %mul3A_5 = arith.constant 8 : i32
    %mul3A_6 = arith.muli %max3A_4, %mul3A_5 : i32
    %add3A_7 = arith.addi %mul3A_2, %mul3A_6 : i32
    "tpu.region"() ({
      %run_scoped3A = tpu.sem_alloc : memref<!tpu.dma_semaphore, #tpu.memory_space<semaphore_mem>>
      tpu.enqueue_dma source(%arg4 : memref<19456xi32, #tpu.memory_space<hbm>>) target(%arg7 : memref<19456xi32, #tpu.memory_space<vmem>>) target_semaphore(%run_scoped3A : memref<!tpu.dma_semaphore, #tpu.memory_space<semaphore_mem>>)
      tpu.wait_dma2 semaphore(%run_scoped3A : memref<!tpu.dma_semaphore, #tpu.memory_space<semaphore_mem>>) src(%arg4 : memref<19456xi32, #tpu.memory_space<hbm>>) dst(%arg7 : memref<19456xi32, #tpu.memory_space<vmem>>)
      tpu.yield
    }) : () -> ()
    %add3A_8 = arith.constant 0 : i32
    %add3A_9 = arith.addi %add3A_7, %add3A_8 : i32
    %multiple_of3A = tpu.assume_multiple %add3A_9, 8 : i32
    %dma_start3A = arith.constant 0 : i32
    %dma_start3A_10 = arith.constant 0 : i32
    %dma_start3A_11 = arith.constant 0 : i32
    %dma_start3A_12 = tpu.memref_slice %arg8[%dma_start3A, %dma_start3A_10, %dma_start3A_11] : memref<2x64x768xf32, #tpu.memory_space<vmem>> -> memref<1x64x768xf32, #tpu.memory_space<vmem>>
    %dma_start3A_13 = tpu.memref_squeeze %dma_start3A_12 : memref<1x64x768xf32, #tpu.memory_space<vmem>> -> memref<64x768xf32, #tpu.memory_space<vmem>>
    %dma_start3A_14 = tpu.memref_slice %arg7[%multiple_of3A] : memref<19456xi32, #tpu.memory_space<vmem>> -> memref<64xi32, #tpu.memory_space<vmem>>
    %dma_start3A_15 = arith.constant 0 : i32
    %dma_start3A_16 = arith.constant 0 : i32
    %dma_start3A_17 = tpu.memref_slice %arg2[%dma_start3A_15, %dma_start3A_16] : memref<36928x768xf32, #tpu.memory_space<hbm>> -> memref<36928x768xf32, #tpu.memory_space<hbm>>
    tpu.enqueue_indirect_dma source(%dma_start3A_17 : memref<36928x768xf32, #tpu.memory_space<hbm>>) target(%dma_start3A_13 : memref<64x768xf32, #tpu.memory_space<vmem>>) offsets(%dma_start3A_14 : memref<64xi32, #tpu.memory_space<vmem>>) semaphore(%arg11 : memref<!tpu.dma_semaphore, #tpu.memory_space<semaphore_mem>>)
    %mul3A_18 = arith.constant 2 : i32
    %mul3A_19 = arith.muli %add3A, %mul3A_18 : i32
    %mul3A_20 = arith.constant 2308 : i32
    %mul3A_21 = arith.muli %mul3A_19, %mul3A_20 : i32
    "tpu.region"() ({
      %run_scoped3A = tpu.sem_alloc : memref<!tpu.dma_semaphore, #tpu.memory_space<semaphore_mem>>
      %dma_start3A_1938 = tpu.memref_slice %arg3[%mul3A_21] : memref<147712xf32, #tpu.memory_space<hbm>> -> memref<4616xf32, #tpu.memory_space<hbm>>
      %dma_start3A_1939 = tpu.memref_slice %arg3[%mul3A_21] : memref<147712xf32, #tpu.memory_space<hbm>> -> memref<4616xf32, #tpu.memory_space<hbm>>
      tpu.enqueue_dma source(%dma_start3A_1939 : memref<4616xf32, #tpu.memory_space<hbm>>) target(%arg9 : memref<4616xf32, #tpu.memory_space<vmem>>) target_semaphore(%run_scoped3A : memref<!tpu.dma_semaphore, #tpu.memory_space<semaphore_mem>>)
      %dma_wait3A_1940 = tpu.memref_slice %arg3[%mul3A_21] : memref<147712xf32, #tpu.memory_space<hbm>> -> memref<4616xf32, #tpu.memory_space<hbm>>
      %dma_wait3A_1941 = tpu.memref_slice %arg3[%mul3A_21] : memref<147712xf32, #tpu.memory_space<hbm>> -> memref<4616xf32, #tpu.memory_space<hbm>>
      tpu.wait_dma2 semaphore(%run_scoped3A : memref<!tpu.dma_semaphore, #tpu.memory_space<semaphore_mem>>) src(%dma_wait3A_1941 : memref<4616xf32, #tpu.memory_space<hbm>>) dst(%arg9 : memref<4616xf32, #tpu.memory_space<vmem>>)
      tpu.yield
    }) : () -> ()
    %iota3A = tpu.iota {dimensions = array<i32: 0>} : vector<16xi32>
    %mul3A_22 = arith.constant 2 : i32
    %mul3A_23 = arith.muli %add3A, %mul3A_22 : i32
    %add3A_24 = arith.constant 64 : i32
    %add3A_25 = arith.addi %add3A_7, %add3A_24 : i32
    %multiple_of3A_26 = tpu.assume_multiple %add3A_25, 8 : i32
    %dma_start3A_27 = arith.constant 1 : i32
    %dma_start3A_28 = arith.constant 0 : i32
    %dma_start3A_29 = arith.constant 0 : i32
    %dma_start3A_30 = tpu.memref_slice %arg8[%dma_start3A_27, %dma_start3A_28, %dma_start3A_29] : memref<2x64x768xf32, #tpu.memory_space<vmem>> -> memref<1x64x768xf32, #tpu.memory_space<vmem>>
    %dma_start3A_31 = tpu.memref_squeeze %dma_start3A_30 : memref<1x64x768xf32, #tpu.memory_space<vmem>> -> memref<64x768xf32, #tpu.memory_space<vmem>>
    %dma_start3A_32 = tpu.memref_slice %arg7[%multiple_of3A_26] : memref<19456xi32, #tpu.memory_space<vmem>> -> memref<64xi32, #tpu.memory_space<vmem>>
    %dma_start3A_33 = arith.constant 0 : i32
    %dma_start3A_34 = arith.constant 0 : i32
    %dma_start3A_35 = tpu.memref_slice %arg2[%dma_start3A_33, %dma_start3A_34] : memref<36928x768xf32, #tpu.memory_space<hbm>> -> memref<36928x768xf32, #tpu.memory_space<hbm>>
    tpu.enqueue_indirect_dma source(%dma_start3A_35 : memref<36928x768xf32, #tpu.memory_space<hbm>>) target(%dma_start3A_31 : memref<64x768xf32, #tpu.memory_space<vmem>>) offsets(%dma_start3A_32 : memref<64xi32, #tpu.memory_space<vmem>>) semaphore(%arg11 : memref<!tpu.dma_semaphore, #tpu.memory_space<semaphore_mem>>)
    %add3A_36 = arith.constant 0 : i32
    %add3A_37 = arith.addi %mul3A_23, %add3A_36 : i32
    %mul3A_38 = arith.constant 64 : i32
    %mul3A_39 = vector.broadcast %mul3A_38 : i32 to vector<16xi32>
    %mul3A_40 = arith.muli %iota3A, %mul3A_39 : vector<16xi32>
    %add3A_41 = arith.constant 0 : i32
    %add3A_42 = arith.addi %add3A_41, %add3A_37 : i32
    %add3A_43 = vector.broadcast %add3A_42 : i32 to vector<16xi32>
    %add3A_44 = arith.addi %mul3A_40, %add3A_43 : vector<16xi32>
    %gather3A = tpu.vector_load_idx %arg7[%add3A_44] : memref<19456xi32, #tpu.memory_space<vmem>>[vector<16xi32>], vector<16xi32>,
    %shift_right_logical3A = arith.constant 6 : i32
    %shift_right_logical3A_45 = vector.broadcast %shift_right_logical3A : i32 to vector<16xi32>
    %shift_right_logical3A_46 = arith.shrui %gather3A, %shift_right_logical3A_45 : vector<16xi32>
    %add3A_47 = arith.constant 0 : i32
    %add3A_48 = vector.broadcast %add3A_47 : i32 to vector<16xi32>
    %add3A_49 = arith.addi %shift_right_logical3A_46, %add3A_48 : vector<16xi32>
    %gather3A_50 = tpu.vector_load_idx %arg9[%add3A_49] : memref<4616xf32, #tpu.memory_space<vmem>>[vector<16xi32>], vector<16xf32>,
    %swap3A = arith.constant 0 : index
    %swap3A_51 = tpu.vector_load %arg10[%swap3A] {strides = array<i32>} : memref<2312xf32, #tpu.memory_space<vmem>>, vector<16xf32>,
    tpu.vector_store %arg10[%swap3A], %gather3A_50 {strides = array<i32>} : memref<2312xf32, #tpu.memory_space<vmem>>, vector<16xf32>,
    %add3A_52 = arith.constant 577 : i32
    %add3A_53 = vector.broadcast %add3A_52 : i32 to vector<16xi32>
    %add3A_54 = arith.addi %shift_right_logical3A_46, %add3A_53 : vector<16xi32>
    %gather3A_55 = tpu.vector_load_idx %arg9[%add3A_54] : memref<4616xf32, #tpu.memory_space<vmem>>[vector<16xi32>], vector<16xf32>,
    %swap3A_56 = arith.constant 289 : index
    %swap3A_57 = tpu.vector_load %arg10[%swap3A_56] {strides = array<i32>} : memref<2312xf32, #tpu.memory_space<vmem>>, vector<16xf32>,
    tpu.vector_store %arg10[%swap3A_56], %gather3A_55 {strides = array<i32>} : memref<2312xf32, #tpu.memory_space<vmem>>, vector<16xf32>,
    %add3A_58 = arith.constant 1154 : i32
    %add3A_59 = vector.broadcast %add3A_58 : i32 to vector<16xi32>
    %add3A_60 = arith.addi %shift_right_logical3A_46, %add3A_59 : vector<16xi32>
    %gather3A_61 = tpu.vector_load_idx %arg9[%add3A_60] : memref<4616xf32, #tpu.memory_space<vmem>>[vector<16xi32>], vector<16xf32>,
    %swap3A_62 = arith.constant 578 : index
    %swap3A_63 = tpu.vector_load %arg10[%swap3A_62] {strides = array<i32>} : memref<2312xf32, #tpu.memory_space<vmem>>, vector<16xf32>,
    tpu.vector_store %arg10[%swap3A_62], %gather3A_61 {strides = array<i32>} : memref<2312xf32, #tpu.memory_space<vmem>>, vector<16xf32>,
    %add3A_64 = arith.constant 1731 : i32
    %add3A_65 = vector.broadcast %add3A_64 : i32 to vector<16xi32>
    %add3A_66 = arith.addi %shift_right_logical3A_46, %add3A_65 : vector<16xi32>
    %gather3A_67 = tpu.vector_load_idx %arg9[%add3A_66] : memref<4616xf32, #tpu.memory_space<vmem>>[vector<16xi32>], vector<16xf32>,
    %swap3A_68 = arith.constant 867 : index
    %swap3A_69 = tpu.vector_load %arg10[%swap3A_68] {strides = array<i32>} : memref<2312xf32, #tpu.memory_space<vmem>>, vector<16xf32>,
    tpu.vector_store %arg10[%swap3A_68], %gather3A_67 {strides = array<i32>} : memref<2312xf32, #tpu.memory_space<vmem>>, vector<16xf32>,
    %add3A_70 = arith.constant 0 : i32
    %add3A_71 = arith.addi %mul3A_23, %add3A_70 : i32
    %mul3A_72 = arith.constant 64 : i32
    %mul3A_73 = vector.broadcast %mul3A_72 : i32 to vector<16xi32>
    %mul3A_74 = arith.muli %iota3A, %mul3A_73 : vector<16xi32>
    %add3A_75 = arith.constant 1024 : i32
    %add3A_76 = arith.addi %add3A_75, %add3A_71 : i32
    %add3A_77 = vector.broadcast %add3A_76 : i32 to vector<16xi32>
    %add3A_78 = arith.addi %mul3A_74, %add3A_77 : vector<16xi32>
    %gather3A_79 = tpu.vector_load_idx %arg7[%add3A_78] : memref<19456xi32, #tpu.memory_space<vmem>>[vector<16xi32>], vector<16xi32>,
    %shift_right_logical3A_80 = arith.constant 6 : i32
    %shift_right_logical3A_81 = vector.broadcast %shift_right_logical3A_80 : i32 to vector<16xi32>
    %shift_right_logical3A_82 = arith.shrui %gather3A_79, %shift_right_logical3A_81 : vector<16xi32>
    %add3A_83 = arith.constant 0 : i32
    %add3A_84 = vector.broadcast %add3A_83 : i32 to vector<16xi32>
    %add3A_85 = arith.addi %shift_right_logical3A_82, %add3A_84 : vector<16xi32>
    %gather3A_86 = tpu.vector_load_idx %arg9[%add3A_85] : memref<4616xf32, #tpu.memory_space<vmem>>[vector<16xi32>], vector<16xf32>,
    %swap3A_87 = arith.constant 16 : index
    %swap3A_88 = tpu.vector_load %arg10[%swap3A_87] {strides = array<i32>} : memref<2312xf32, #tpu.memory_space<vmem>>, vector<16xf32>,
    tpu.vector_store %arg10[%swap3A_87], %gather3A_86 {strides = array<i32>} : memref<2312xf32, #tpu.memory_space<vmem>>, vector<16xf32>,
    %add3A_89 = arith.constant 577 : i32
    %add3A_90 = vector.broadcast %add3A_89 : i32 to vector<16xi32>
    %add3A_91 = arith.addi %shift_right_logical3A_82, %add3A_90 : vector<16xi32>
    %gather3A_92 = tpu.vector_load_idx %arg9[%add3A_91] : memref<4616xf32, #tpu.memory_space<vmem>>[vector<16xi32>], vector<16xf32>,
    %swap3A_93 = arith.constant 305 : index
    %swap3A_94 = tpu.vector_load %arg10[%swap3A_93] {strides = array<i32>} : memref<2312xf32, #tpu.memory_space<vmem>>, vector<16xf32>,
    tpu.vector_store %arg10[%swap3A_93], %gather3A_92 {strides = array<i32>} : memref<2312xf32, #tpu.memory_space<vmem>>, vector<16xf32>,
    %add3A_95 = arith.constant 1154 : i32
    %add3A_96 = vector.broadcast %add3A_95 : i32 to vector<16xi32>
    %add3A_97 = arith.addi %shift_right_logical3A_82, %add3A_96 : vector<16xi32>
    %gather3A_98 = tpu.vector_load_idx %arg9[%add3A_97] : memref<4616xf32, #tpu.memory_space<vmem>>[vector<16xi32>], vector<16xf32>,
    %swap3A_99 = arith.constant 594 : index
    %swap3A_100 = tpu.vector_load %arg10[%swap3A_99] {strides = array<i32>} : memref<2312xf32, #tpu.memory_space<vmem>>, vector<16xf32>,
    tpu.vector_store %arg10[%swap3A_99], %gather3A_98 {strides = array<i32>} : memref<2312xf32, #tpu.memory_space<vmem>>, vector<16xf32>,
    %add3A_101 = arith.constant 1731 : i32
    %add3A_102 = vector.broadcast %add3A_101 : i32 to vector<16xi32>
    %add3A_103 = arith.addi %shift_right_logical3A_82, %add3A_102 : vector<16xi32>
    %gather3A_104 = tpu.vector_load_idx %arg9[%add3A_103] : memref<4616xf32, #tpu.memory_space<vmem>>[vector<16xi32>], vector<16xf32>,
    %swap3A_105 = arith.constant 883 : index
    %swap3A_106 = tpu.vector_load %arg10[%swap3A_105] {strides = array<i32>} : memref<2312xf32, #tpu.memory_space<vmem>>, vector<16xf32>,
    tpu.vector_store %arg10[%swap3A_105], %gather3A_104 {strides = array<i32>} : memref<2312xf32, #tpu.memory_space<vmem>>, vector<16xf32>,
    %add3A_107 = arith.constant 0 : i32
    %add3A_108 = arith.addi %mul3A_23, %add3A_107 : i32
    %mul3A_109 = arith.constant 64 : i32
    %mul3A_110 = vector.broadcast %mul3A_109 : i32 to vector<16xi32>
    %mul3A_111 = arith.muli %iota3A, %mul3A_110 : vector<16xi32>
    %add3A_112 = arith.constant 2048 : i32
    %add3A_113 = arith.addi %add3A_112, %add3A_108 : i32
    %add3A_114 = vector.broadcast %add3A_113 : i32 to vector<16xi32>
    %add3A_115 = arith.addi %mul3A_111, %add3A_114 : vector<16xi32>
    %gather3A_116 = tpu.vector_load_idx %arg7[%add3A_115] : memref<19456xi32, #tpu.memory_space<vmem>>[vector<16xi32>], vector<16xi32>,
    %shift_right_logical3A_117 = arith.constant 6 : i32
    %shift_right_logical3A_118 = vector.broadcast %shift_right_logical3A_117 : i32 to vector<16xi32>
    %shift_right_logical3A_119 = arith.shrui %gather3A_116, %shift_right_logical3A_118 : vector<16xi32>
    %add3A_120 = arith.constant 0 : i32
    %add3A_121 = vector.broadcast %add3A_120 : i32 to vector<16xi32>
    %add3A_122 = arith.addi %shift_right_logical3A_119, %add3A_121 : vector<16xi32>
    %gather3A_123 = tpu.vector_load_idx %arg9[%add3A_122] : memref<4616xf32, #tpu.memory_space<vmem>>[vector<16xi32>], vector<16xf32>,
    %swap3A_124 = arith.constant 32 : index
    %swap3A_125 = tpu.vector_load %arg10[%swap3A_124] {strides = array<i32>} : memref<2312xf32, #tpu.memory_space<vmem>>, vector<16xf32>,
    tpu.vector_store %arg10[%swap3A_124], %gather3A_123 {strides = array<i32>} : memref<2312xf32, #tpu.memory_space<vmem>>, vector<16xf32>,
    %add3A_126 = arith.constant 577 : i32
    %add3A_127 = vector.broadcast %add3A_126 : i32 to vector<16xi32>
    %add3A_128 = arith.addi %shift_right_logical3A_119, %add3A_127 : vector<16xi32>
    %gather3A_129 = tpu.vector_load_idx %arg9[%add3A_128] : memref<4616xf32, #tpu.memory_space<vmem>>[vector<16xi32>], vector<16xf32>,
    %swap3A_130 = arith.constant 321 : index
    %swap3A_131 = tpu.vector_load %arg10[%swap3A_130] {strides = array<i32>} : memref<2312xf32, #tpu.memory_space<vmem>>, vector<16xf32>,
    tpu.vector_store %arg10[%swap3A_130], %gather3A_129 {strides = array<i32>} : memref<2312xf32, #tpu.memory_space<vmem>>, vector<16xf32>,
    %add3A_132 = arith.constant 1154 : i32
    %add3A_133 = vector.broadcast %add3A_132 : i32 to vector<16xi32>
    %add3A_134 = arith.addi %shift_right_logical3A_119, %add3A_133 : vector<16xi32>
    %gather3A_135 = tpu.vector_load_idx %arg9[%add3A_134] : memref<4616xf32, #tpu.memory_space<vmem>>[vector<16xi32>], vector<16xf32>,
    %swap3A_136 = arith.constant 610 : index
    %swap3A_137 = tpu.vector_load %arg10[%swap3A_136] {strides = array<i32>} : memref<2312xf32, #tpu.memory_space<vmem>>, vector<16xf32>,
    tpu.vector_store %arg10[%swap3A_136], %gather3A_135 {strides = array<i32>} : memref<2312xf32, #tpu.memory_space<vmem>>, vector<16xf32>,
    %add3A_138 = arith.constant 1731 : i32
    %add3A_139 = vector.broadcast %add3A_138 : i32 to vector<16xi32>
    %add3A_140 = arith.addi %shift_right_logical3A_119, %add3A_139 : vector<16xi32>
    %gather3A_141 = tpu.vector_load_idx %arg9[%add3A_140] : memref<4616xf32, #tpu.memory_space<vmem>>[vector<16xi32>], vector<16xf32>,
    %swap3A_142 = arith.constant 899 : index
    %swap3A_143 = tpu.vector_load %arg10[%swap3A_142] {strides = array<i32>} : memref<2312xf32, #tpu.memory_space<vmem>>, vector<16xf32>,
    tpu.vector_store %arg10[%swap3A_142], %gather3A_141 {strides = array<i32>} : memref<2312xf32, #tpu.memory_space<vmem>>, vector<16xf32>,
    %add3A_144 = arith.constant 0 : i32
    %add3A_145 = arith.addi %mul3A_23, %add3A_144 : i32
    %mul3A_146 = arith.constant 64 : i32
    %mul3A_147 = vector.broadcast %mul3A_146 : i32 to vector<16xi32>
    %mul3A_148 = arith.muli %iota3A, %mul3A_147 : vector<16xi32>
    %add3A_149 = arith.constant 3072 : i32
    %add3A_150 = arith.addi %add3A_149, %add3A_145 : i32
    %add3A_151 = vector.broadcast %add3A_150 : i32 to vector<16xi32>
    %add3A_152 = arith.addi %mul3A_148, %add3A_151 : vector<16xi32>
    %gather3A_153 = tpu.vector_load_idx %arg7[%add3A_152] : memref<19456xi32, #tpu.memory_space<vmem>>[vector<16xi32>], vector<16xi32>,
    %shift_right_logical3A_154 = arith.constant 6 : i32
    %shift_right_logical3A_155 = vector.broadcast %shift_right_logical3A_154 : i32 to vector<16xi32>
    %shift_right_logical3A_156 = arith.shrui %gather3A_153, %shift_right_logical3A_155 : vector<16xi32>
    %add3A_157 = arith.constant 0 : i32
    %add3A_158 = vector.broadcast %add3A_157 : i32 to vector<16xi32>
    %add3A_159 = arith.addi %shift_right_logical3A_156, %add3A_158 : vector<16xi32>
    %gather3A_160 = tpu.vector_load_idx %arg9[%add3A_159] : memref<4616xf32, #tpu.memory_space<vmem>>[vector<16xi32>], vector<16xf32>,
    %swap3A_161 = arith.constant 48 : index
    %swap3A_162 = tpu.vector_load %arg10[%swap3A_161] {strides = array<i32>} : memref<2312xf32, #tpu.memory_space<vmem>>, vector<16xf32>,
    tpu.vector_store %arg10[%swap3A_161], %gather3A_160 {strides = array<i32>} : memref<2312xf32, #tpu.memory_space<vmem>>, vector<16xf32>,
    %add3A_163 = arith.constant 577 : i32
    %add3A_164 = vector.broadcast %add3A_163 : i32 to vector<16xi32>
    %add3A_165 = arith.addi %shift_right_logical3A_156, %add3A_164 : vector<16xi32>
    %gather3A_166 = tpu.vector_load_idx %arg9[%add3A_165] : memref<4616xf32, #tpu.memory_space<vmem>>[vector<16xi32>], vector<16xf32>,
    %swap3A_167 = arith.constant 337 : index
    %swap3A_168 = tpu.vector_load %arg10[%swap3A_167] {strides = array<i32>} : memref<2312xf32, #tpu.memory_space<vmem>>, vector<16xf32>,
    tpu.vector_store %arg10[%swap3A_167], %gather3A_166 {strides = array<i32>} : memref<2312xf32, #tpu.memory_space<vmem>>, vector<16xf32>,
    %add3A_169 = arith.constant 1154 : i32
    %add3A_170 = vector.broadcast %add3A_169 : i32 to vector<16xi32>
    %add3A_171 = arith.addi %shift_right_logical3A_156, %add3A_170 : vector<16xi32>
    %gather3A_172 = tpu.vector_load_idx %arg9[%add3A_171] : memref<4616xf32, #tpu.memory_space<vmem>>[vector<16xi32>], vector<16xf32>,
    %swap3A_173 = arith.constant 626 : index
    %swap3A_174 = tpu.vector_load %arg10[%swap3A_173] {strides = array<i32>} : memref<2312xf32, #tpu.memory_space<vmem>>, vector<16xf32>,
    tpu.vector_store %arg10[%swap3A_173], %gather3A_172 {strides = array<i32>} : memref<2312xf32, #tpu.memory_space<vmem>>, vector<16xf32>,
    %add3A_175 = arith.constant 1731 : i32
    %add3A_176 = vector.broadcast %add3A_175 : i32 to vector<16xi32>
    %add3A_177 = arith.addi %shift_right_logical3A_156, %add3A_176 : vector<16xi32>
    %gather3A_178 = tpu.vector_load_idx %arg9[%add3A_177] : memref<4616xf32, #tpu.memory_space<vmem>>[vector<16xi32>], vector<16xf32>,
    %swap3A_179 = arith.constant 915 : index
    %swap3A_180 = tpu.vector_load %arg10[%swap3A_179] {strides = array<i32>} : memref<2312xf32, #tpu.memory_space<vmem>>, vector<16xf32>,
    tpu.vector_store %arg10[%swap3A_179], %gather3A_178 {strides = array<i32>} : memref<2312xf32, #tpu.memory_space<vmem>>, vector<16xf32>,
    %dma_wait3A = arith.constant 0 : i32
    %dma_wait3A_181 = arith.constant 0 : i32
    %dma_wait3A_182 = arith.constant 0 : i32
    %dma_wait3A_183 = tpu.memref_slice %arg8[%dma_wait3A, %dma_wait3A_181, %dma_wait3A_182] : memref<2x64x768xf32, #tpu.memory_space<vmem>> -> memref<1x64x768xf32, #tpu.memory_space<vmem>>
    %dma_wait3A_184 = tpu.memref_squeeze %dma_wait3A_183 : memref<1x64x768xf32, #tpu.memory_space<vmem>> -> memref<64x768xf32, #tpu.memory_space<vmem>>
    %dma_wait3A_185 = tpu.memref_slice %arg7[%multiple_of3A] : memref<19456xi32, #tpu.memory_space<vmem>> -> memref<64xi32, #tpu.memory_space<vmem>>
    %dma_wait3A_186 = arith.constant 0 : i32
    %dma_wait3A_187 = arith.constant 0 : i32
    %dma_wait3A_188 = tpu.memref_slice %arg2[%dma_wait3A_186, %dma_wait3A_187] : memref<36928x768xf32, #tpu.memory_space<hbm>> -> memref<36928x768xf32, #tpu.memory_space<hbm>>
    tpu.wait_indirect_dma semaphore(%arg11 : memref<!tpu.dma_semaphore, #tpu.memory_space<semaphore_mem>>) src(%dma_wait3A_188 : memref<36928x768xf32, #tpu.memory_space<hbm>>) dst(%dma_wait3A_184 : memref<64x768xf32, #tpu.memory_space<vmem>>)
    %add3A_189 = arith.constant 0 : i32
    %add3A_190 = arith.addi %add3A_7, %add3A_189 : i32
    %dma_start3A_191 = arith.constant 0 : i32
    %dma_start3A_192 = arith.constant 0 : i32
    %dma_start3A_193 = arith.constant 0 : i32
    %dma_start3A_194 = tpu.memref_slice %arg8[%dma_start3A_191, %dma_start3A_192, %dma_start3A_193] : memref<2x64x768xf32, #tpu.memory_space<vmem>> -> memref<1x64x768xf32, #tpu.memory_space<vmem>>
    %dma_start3A_195 = tpu.memref_squeeze %dma_start3A_194 : memref<1x64x768xf32, #tpu.memory_space<vmem>> -> memref<64x768xf32, #tpu.memory_space<vmem>>
    %dma_start3A_196 = arith.constant 0 : i32
    %dma_start3A_197 = tpu.memref_slice %arg5[%add3A_190, %dma_start3A_196] : memref<18496x768xf32, #tpu.memory_space<hbm>> -> memref<64x768xf32, #tpu.memory_space<hbm>>
    %dma_start3A_198 = arith.constant 0 : i32
    %dma_start3A_199 = tpu.memref_slice %arg5[%add3A_190, %dma_start3A_198] : memref<18496x768xf32, #tpu.memory_space<hbm>> -> memref<64x768xf32, #tpu.memory_space<hbm>>
    %dma_start3A_200 = arith.constant 0 : i32
    %dma_start3A_201 = arith.constant 0 : i32
    %dma_start3A_202 = tpu.memref_slice %arg8[%dma_start3A_191, %dma_start3A_200, %dma_start3A_201] : memref<2x64x768xf32, #tpu.memory_space<vmem>> -> memref<1x64x768xf32, #tpu.memory_space<vmem>>
    %dma_start3A_203 = tpu.memref_squeeze %dma_start3A_202 : memref<1x64x768xf32, #tpu.memory_space<vmem>> -> memref<64x768xf32, #tpu.memory_space<vmem>>
    tpu.enqueue_dma source(%dma_start3A_203 : memref<64x768xf32, #tpu.memory_space<vmem>>) target(%dma_start3A_199 : memref<64x768xf32, #tpu.memory_space<hbm>>) target_semaphore(%arg12 : memref<!tpu.dma_semaphore, #tpu.memory_space<semaphore_mem>>)
    %dma_wait3A_204 = arith.constant 0 : i32
    %dma_wait3A_205 = arith.constant 0 : i32
    %dma_wait3A_206 = arith.constant 0 : i32
    %dma_wait3A_207 = tpu.memref_slice %arg8[%dma_wait3A_204, %dma_wait3A_205, %dma_wait3A_206] : memref<2x64x768xf32, #tpu.memory_space<vmem>> -> memref<1x64x768xf32, #tpu.memory_space<vmem>>
    %dma_wait3A_208 = tpu.memref_squeeze %dma_wait3A_207 : memref<1x64x768xf32, #tpu.memory_space<vmem>> -> memref<64x768xf32, #tpu.memory_space<vmem>>
    %dma_wait3A_209 = arith.constant 0 : i32
    %dma_wait3A_210 = tpu.memref_slice %arg5[%add3A_190, %dma_wait3A_209] : memref<18496x768xf32, #tpu.memory_space<hbm>> -> memref<64x768xf32, #tpu.memory_space<hbm>>
    %dma_wait3A_211 = arith.constant 0 : i32
    %dma_wait3A_212 = tpu.memref_slice %arg5[%add3A_190, %dma_wait3A_211] : memref<18496x768xf32, #tpu.memory_space<hbm>> -> memref<64x768xf32, #tpu.memory_space<hbm>>
    %dma_wait3A_213 = arith.constant 0 : i32
    %dma_wait3A_214 = arith.constant 0 : i32
    %dma_wait3A_215 = tpu.memref_slice %arg8[%dma_wait3A_204, %dma_wait3A_213, %dma_wait3A_214] : memref<2x64x768xf32, #tpu.memory_space<vmem>> -> memref<1x64x768xf32, #tpu.memory_space<vmem>>
    %dma_wait3A_216 = tpu.memref_squeeze %dma_wait3A_215 : memref<1x64x768xf32, #tpu.memory_space<vmem>> -> memref<64x768xf32, #tpu.memory_space<vmem>>
    tpu.wait_dma2 semaphore(%arg12 : memref<!tpu.dma_semaphore, #tpu.memory_space<semaphore_mem>>) src(%dma_wait3A_216 : memref<64x768xf32, #tpu.memory_space<vmem>>) dst(%dma_wait3A_212 : memref<64x768xf32, #tpu.memory_space<hbm>>)
    %add3A_217 = arith.constant 128 : i32
    %add3A_218 = arith.addi %add3A_7, %add3A_217 : i32
    %multiple_of3A_219 = tpu.assume_multiple %add3A_218, 8 : i32
    %dma_start3A_220 = arith.constant 0 : i32
    %dma_start3A_221 = arith.constant 0 : i32
    %dma_start3A_222 = arith.constant 0 : i32
    %dma_start3A_223 = tpu.memref_slice %arg8[%dma_start3A_220, %dma_start3A_221, %dma_start3A_222] : memref<2x64x768xf32, #tpu.memory_space<vmem>> -> memref<1x64x768xf32, #tpu.memory_space<vmem>>
    %dma_start3A_224 = tpu.memref_squeeze %dma_start3A_223 : memref<1x64x768xf32, #tpu.memory_space<vmem>> -> memref<64x768xf32, #tpu.memory_space<vmem>>
    %dma_start3A_225 = tpu.memref_slice %arg7[%multiple_of3A_219] : memref<19456xi32, #tpu.memory_space<vmem>> -> memref<64xi32, #tpu.memory_space<vmem>>
    %dma_start3A_226 = arith.constant 0 : i32
    %dma_start3A_227 = arith.constant 0 : i32
    %dma_start3A_228 = tpu.memref_slice %arg2[%dma_start3A_226, %dma_start3A_227] : memref<36928x768xf32, #tpu.memory_space<hbm>> -> memref<36928x768xf32, #tpu.memory_space<hbm>>
    tpu.enqueue_indirect_dma source(%dma_start3A_228 : memref<36928x768xf32, #tpu.memory_space<hbm>>) target(%dma_start3A_224 : memref<64x768xf32, #tpu.memory_space<vmem>>) offsets(%dma_start3A_225 : memref<64xi32, #tpu.memory_space<vmem>>) semaphore(%arg11 : memref<!tpu.dma_semaphore, #tpu.memory_space<semaphore_mem>>)
    %add3A_229 = arith.constant 0 : i32
    %add3A_230 = arith.addi %mul3A_23, %add3A_229 : i32
    %mul3A_231 = arith.constant 64 : i32
    %mul3A_232 = vector.broadcast %mul3A_231 : i32 to vector<16xi32>
    %mul3A_233 = arith.muli %iota3A, %mul3A_232 : vector<16xi32>
    %add3A_234 = arith.constant 4096 : i32
    %add3A_235 = arith.addi %add3A_234, %add3A_230 : i32
    %add3A_236 = vector.broadcast %add3A_235 : i32 to vector<16xi32>
    %add3A_237 = arith.addi %mul3A_233, %add3A_236 : vector<16xi32>
    %gather3A_238 = tpu.vector_load_idx %arg7[%add3A_237] : memref<19456xi32, #tpu.memory_space<vmem>>[vector<16xi32>], vector<16xi32>,
    %shift_right_logical3A_239 = arith.constant 6 : i32
    %shift_right_logical3A_240 = vector.broadcast %shift_right_logical3A_239 : i32 to vector<16xi32>
    %shift_right_logical3A_241 = arith.shrui %gather3A_238, %shift_right_logical3A_240 : vector<16xi32>
    %add3A_242 = arith.constant 0 : i32
    %add3A_243 = vector.broadcast %add3A_242 : i32 to vector<16xi32>
    %add3A_244 = arith.addi %shift_right_logical3A_241, %add3A_243 : vector<16xi32>
    %gather3A_245 = tpu.vector_load_idx %arg9[%add3A_244] : memref<4616xf32, #tpu.memory_space<vmem>>[vector<16xi32>], vector<16xf32>,
    %swap3A_246 = arith.constant 64 : index
    %swap3A_247 = tpu.vector_load %arg10[%swap3A_246] {strides = array<i32>} : memref<2312xf32, #tpu.memory_space<vmem>>, vector<16xf32>,
    tpu.vector_store %arg10[%swap3A_246], %gather3A_245 {strides = array<i32>} : memref<2312xf32, #tpu.memory_space<vmem>>, vector<16xf32>,
    %add3A_248 = arith.constant 577 : i32
    %add3A_249 = vector.broadcast %add3A_248 : i32 to vector<16xi32>
    %add3A_250 = arith.addi %shift_right_logical3A_241, %add3A_249 : vector<16xi32>
    %gather3A_251 = tpu.vector_load_idx %arg9[%add3A_250] : memref<4616xf32, #tpu.memory_space<vmem>>[vector<16xi32>], vector<16xf32>,
    %swap3A_252 = arith.constant 353 : index
    %swap3A_253 = tpu.vector_load %arg10[%swap3A_252] {strides = array<i32>} : memref<2312xf32, #tpu.memory_space<vmem>>, vector<16xf32>,
    tpu.vector_store %arg10[%swap3A_252], %gather3A_251 {strides = array<i32>} : memref<2312xf32, #tpu.memory_space<vmem>>, vector<16xf32>,
    %add3A_254 = arith.constant 1154 : i32
    %add3A_255 = vector.broadcast %add3A_254 : i32 to vector<16xi32>
    %add3A_256 = arith.addi %shift_right_logical3A_241, %add3A_255 : vector<16xi32>
    %gather3A_257 = tpu.vector_load_idx %arg9[%add3A_256] : memref<4616xf32, #tpu.memory_space<vmem>>[vector<16xi32>], vector<16xf32>,
    %swap3A_258 = arith.constant 642 : index
    %swap3A_259 = tpu.vector_load %arg10[%swap3A_258] {strides = array<i32>} : memref<2312xf32, #tpu.memory_space<vmem>>, vector<16xf32>,
    tpu.vector_store %arg10[%swap3A_258], %gather3A_257 {strides = array<i32>} : memref<2312xf32, #tpu.memory_space<vmem>>, vector<16xf32>,
    %add3A_260 = arith.constant 1731 : i32
    %add3A_261 = vector.broadcast %add3A_260 : i32 to vector<16xi32>
    %add3A_262 = arith.addi %shift_right_logical3A_241, %add3A_261 : vector<16xi32>
    %gather3A_263 = tpu.vector_load_idx %arg9[%add3A_262] : memref<4616xf32, #tpu.memory_space<vmem>>[vector<16xi32>], vector<16xf32>,
    %swap3A_264 = arith.constant 931 : index
    %swap3A_265 = tpu.vector_load %arg10[%swap3A_264] {strides = array<i32>} : memref<2312xf32, #tpu.memory_space<vmem>>, vector<16xf32>,
    tpu.vector_store %arg10[%swap3A_264], %gather3A_263 {strides = array<i32>} : memref<2312xf32, #tpu.memory_space<vmem>>, vector<16xf32>,
    %add3A_266 = arith.constant 0 : i32
    %add3A_267 = arith.addi %mul3A_23, %add3A_266 : i32
    %mul3A_268 = arith.constant 64 : i32
    %mul3A_269 = vector.broadcast %mul3A_268 : i32 to vector<16xi32>
    %mul3A_270 = arith.muli %iota3A, %mul3A_269 : vector<16xi32>
    %add3A_271 = arith.constant 5120 : i32
    %add3A_272 = arith.addi %add3A_271, %add3A_267 : i32
    %add3A_273 = vector.broadcast %add3A_272 : i32 to vector<16xi32>
    %add3A_274 = arith.addi %mul3A_270, %add3A_273 : vector<16xi32>
    %gather3A_275 = tpu.vector_load_idx %arg7[%add3A_274] : memref<19456xi32, #tpu.memory_space<vmem>>[vector<16xi32>], vector<16xi32>,
    %shift_right_logical3A_276 = arith.constant 6 : i32
    %shift_right_logical3A_277 = vector.broadcast %shift_right_logical3A_276 : i32 to vector<16xi32>
    %shift_right_logical3A_278 = arith.shrui %gather3A_275, %shift_right_logical3A_277 : vector<16xi32>
    %add3A_279 = arith.constant 0 : i32
    %add3A_280 = vector.broadcast %add3A_279 : i32 to vector<16xi32>
    %add3A_281 = arith.addi %shift_right_logical3A_278, %add3A_280 : vector<16xi32>
    %gather3A_282 = tpu.vector_load_idx %arg9[%add3A_281] : memref<4616xf32, #tpu.memory_space<vmem>>[vector<16xi32>], vector<16xf32>,
    %swap3A_283 = arith.constant 80 : index
    %swap3A_284 = tpu.vector_load %arg10[%swap3A_283] {strides = array<i32>} : memref<2312xf32, #tpu.memory_space<vmem>>, vector<16xf32>,
    tpu.vector_store %arg10[%swap3A_283], %gather3A_282 {strides = array<i32>} : memref<2312xf32, #tpu.memory_space<vmem>>, vector<16xf32>,
    %add3A_285 = arith.constant 577 : i32
    %add3A_286 = vector.broadcast %add3A_285 : i32 to vector<16xi32>
    %add3A_287 = arith.addi %shift_right_logical3A_278, %add3A_286 : vector<16xi32>
    %gather3A_288 = tpu.vector_load_idx %arg9[%add3A_287] : memref<4616xf32, #tpu.memory_space<vmem>>[vector<16xi32>], vector<16xf32>,
    %swap3A_289 = arith.constant 369 : index
    %swap3A_290 = tpu.vector_load %arg10[%swap3A_289] {strides = array<i32>} : memref<2312xf32, #tpu.memory_space<vmem>>, vector<16xf32>,
    tpu.vector_store %arg10[%swap3A_289], %gather3A_288 {strides = array<i32>} : memref<2312xf32, #tpu.memory_space<vmem>>, vector<16xf32>,
    %add3A_291 = arith.constant 1154 : i32
    %add3A_292 = vector.broadcast %add3A_291 : i32 to vector<16xi32>
    %add3A_293 = arith.addi %shift_right_logical3A_278, %add3A_292 : vector<16xi32>
    %gather3A_294 = tpu.vector_load_idx %arg9[%add3A_293] : memref<4616xf32, #tpu.memory_space<vmem>>[vector<16xi32>], vector<16xf32>,
    %swap3A_295 = arith.constant 658 : index
    %swap3A_296 = tpu.vector_load %arg10[%swap3A_295] {strides = array<i32>} : memref<2312xf32, #tpu.memory_space<vmem>>, vector<16xf32>,
    tpu.vector_store %arg10[%swap3A_295], %gather3A_294 {strides = array<i32>} : memref<2312xf32, #tpu.memory_space<vmem>>, vector<16xf32>,
    %add3A_297 = arith.constant 1731 : i32
    %add3A_298 = vector.broadcast %add3A_297 : i32 to vector<16xi32>
    %add3A_299 = arith.addi %shift_right_logical3A_278, %add3A_298 : vector<16xi32>
    %gather3A_300 = tpu.vector_load_idx %arg9[%add3A_299] : memref<4616xf32, #tpu.memory_space<vmem>>[vector<16xi32>], vector<16xf32>,
    %swap3A_301 = arith.constant 947 : index
    %swap3A_302 = tpu.vector_load %arg10[%swap3A_301] {strides = array<i32>} : memref<2312xf32, #tpu.memory_space<vmem>>, vector<16xf32>,
    tpu.vector_store %arg10[%swap3A_301], %gather3A_300 {strides = array<i32>} : memref<2312xf32, #tpu.memory_space<vmem>>, vector<16xf32>,
    %add3A_303 = arith.constant 0 : i32
    %add3A_304 = arith.addi %mul3A_23, %add3A_303 : i32
    %mul3A_305 = arith.constant 64 : i32
    %mul3A_306 = vector.broadcast %mul3A_305 : i32 to vector<16xi32>
    %mul3A_307 = arith.muli %iota3A, %mul3A_306 : vector<16xi32>
    %add3A_308 = arith.constant 6144 : i32
    %add3A_309 = arith.addi %add3A_308, %add3A_304 : i32
    %add3A_310 = vector.broadcast %add3A_309 : i32 to vector<16xi32>
    %add3A_311 = arith.addi %mul3A_307, %add3A_310 : vector<16xi32>
    %gather3A_312 = tpu.vector_load_idx %arg7[%add3A_311] : memref<19456xi32, #tpu.memory_space<vmem>>[vector<16xi32>], vector<16xi32>,
    %shift_right_logical3A_313 = arith.constant 6 : i32
    %shift_right_logical3A_314 = vector.broadcast %shift_right_logical3A_313 : i32 to vector<16xi32>
    %shift_right_logical3A_315 = arith.shrui %gather3A_312, %shift_right_logical3A_314 : vector<16xi32>
    %add3A_316 = arith.constant 0 : i32
    %add3A_317 = vector.broadcast %add3A_316 : i32 to vector<16xi32>
    %add3A_318 = arith.addi %shift_right_logical3A_315, %add3A_317 : vector<16xi32>
    %gather3A_319 = tpu.vector_load_idx %arg9[%add3A_318] : memref<4616xf32, #tpu.memory_space<vmem>>[vector<16xi32>], vector<16xf32>,
    %swap3A_320 = arith.constant 96 : index
    %swap3A_321 = tpu.vector_load %arg10[%swap3A_320] {strides = array<i32>} : memref<2312xf32, #tpu.memory_space<vmem>>, vector<16xf32>,
    tpu.vector_store %arg10[%swap3A_320], %gather3A_319 {strides = array<i32>} : memref<2312xf32, #tpu.memory_space<vmem>>, vector<16xf32>,
    %add3A_322 = arith.constant 577 : i32
    %add3A_323 = vector.broadcast %add3A_322 : i32 to vector<16xi32>
    %add3A_324 = arith.addi %shift_right_logical3A_315, %add3A_323 : vector<16xi32>
    %gather3A_325 = tpu.vector_load_idx %arg9[%add3A_324] : memref<4616xf32, #tpu.memory_space<vmem>>[vector<16xi32>], vector<16xf32>,
    %swap3A_326 = arith.constant 385 : index
    %swap3A_327 = tpu.vector_load %arg10[%swap3A_326] {strides = array<i32>} : memref<2312xf32, #tpu.memory_space<vmem>>, vector<16xf32>,
    tpu.vector_store %arg10[%swap3A_326], %gather3A_325 {strides = array<i32>} : memref<2312xf32, #tpu.memory_space<vmem>>, vector<16xf32>,
    %add3A_328 = arith.constant 1154 : i32
    %add3A_329 = vector.broadcast %add3A_328 : i32 to vector<16xi32>
    %add3A_330 = arith.addi %shift_right_logical3A_315, %add3A_329 : vector<16xi32>
    %gather3A_331 = tpu.vector_load_idx %arg9[%add3A_330] : memref<4616xf32, #tpu.memory_space<vmem>>[vector<16xi32>], vector<16xf32>,
    %swap3A_332 = arith.constant 674 : index
    %swap3A_333 = tpu.vector_load %arg10[%swap3A_332] {strides = array<i32>} : memref<2312xf32, #tpu.memory_space<vmem>>, vector<16xf32>,
    tpu.vector_store %arg10[%swap3A_332], %gather3A_331 {strides = array<i32>} : memref<2312xf32, #tpu.memory_space<vmem>>, vector<16xf32>,
    %add3A_334 = arith.constant 1731 : i32
    %add3A_335 = vector.broadcast %add3A_334 : i32 to vector<16xi32>
    %add3A_336 = arith.addi %shift_right_logical3A_315, %add3A_335 : vector<16xi32>
    %gather3A_337 = tpu.vector_load_idx %arg9[%add3A_336] : memref<4616xf32, #tpu.memory_space<vmem>>[vector<16xi32>], vector<16xf32>,
    %swap3A_338 = arith.constant 963 : index
    %swap3A_339 = tpu.vector_load %arg10[%swap3A_338] {strides = array<i32>} : memref<2312xf32, #tpu.memory_space<vmem>>, vector<16xf32>,
    tpu.vector_store %arg10[%swap3A_338], %gather3A_337 {strides = array<i32>} : memref<2312xf32, #tpu.memory_space<vmem>>, vector<16xf32>,
    %add3A_340 = arith.constant 0 : i32
    %add3A_341 = arith.addi %mul3A_23, %add3A_340 : i32
    %mul3A_342 = arith.constant 64 : i32
    %mul3A_343 = vector.broadcast %mul3A_342 : i32 to vector<16xi32>
    %mul3A_344 = arith.muli %iota3A, %mul3A_343 : vector<16xi32>
    %add3A_345 = arith.constant 7168 : i32
    %add3A_346 = arith.addi %add3A_345, %add3A_341 : i32
    %add3A_347 = vector.broadcast %add3A_346 : i32 to vector<16xi32>
    %add3A_348 = arith.addi %mul3A_344, %add3A_347 : vector<16xi32>
    %gather3A_349 = tpu.vector_load_idx %arg7[%add3A_348] : memref<19456xi32, #tpu.memory_space<vmem>>[vector<16xi32>], vector<16xi32>,
    %shift_right_logical3A_350 = arith.constant 6 : i32
    %shift_right_logical3A_351 = vector.broadcast %shift_right_logical3A_350 : i32 to vector<16xi32>
    %shift_right_logical3A_352 = arith.shrui %gather3A_349, %shift_right_logical3A_351 : vector<16xi32>
    %add3A_353 = arith.constant 0 : i32
    %add3A_354 = vector.broadcast %add3A_353 : i32 to vector<16xi32>
    %add3A_355 = arith.addi %shift_right_logical3A_352, %add3A_354 : vector<16xi32>
    %gather3A_356 = tpu.vector_load_idx %arg9[%add3A_355] : memref<4616xf32, #tpu.memory_space<vmem>>[vector<16xi32>], vector<16xf32>,
    %swap3A_357 = arith.constant 112 : index
    %swap3A_358 = tpu.vector_load %arg10[%swap3A_357] {strides = array<i32>} : memref<2312xf32, #tpu.memory_space<vmem>>, vector<16xf32>,
    tpu.vector_store %arg10[%swap3A_357], %gather3A_356 {strides = array<i32>} : memref<2312xf32, #tpu.memory_space<vmem>>, vector<16xf32>,
    %add3A_359 = arith.constant 577 : i32
    %add3A_360 = vector.broadcast %add3A_359 : i32 to vector<16xi32>
    %add3A_361 = arith.addi %shift_right_logical3A_352, %add3A_360 : vector<16xi32>
    %gather3A_362 = tpu.vector_load_idx %arg9[%add3A_361] : memref<4616xf32, #tpu.memory_space<vmem>>[vector<16xi32>], vector<16xf32>,
    %swap3A_363 = arith.constant 401 : index
    %swap3A_364 = tpu.vector_load %arg10[%swap3A_363] {strides = array<i32>} : memref<2312xf32, #tpu.memory_space<vmem>>, vector<16xf32>,
    tpu.vector_store %arg10[%swap3A_363], %gather3A_362 {strides = array<i32>} : memref<2312xf32, #tpu.memory_space<vmem>>, vector<16xf32>,
    %add3A_365 = arith.constant 1154 : i32
    %add3A_366 = vector.broadcast %add3A_365 : i32 to vector<16xi32>
    %add3A_367 = arith.addi %shift_right_logical3A_352, %add3A_366 : vector<16xi32>
    %gather3A_368 = tpu.vector_load_idx %arg9[%add3A_367] : memref<4616xf32, #tpu.memory_space<vmem>>[vector<16xi32>], vector<16xf32>,
    %swap3A_369 = arith.constant 690 : index
    %swap3A_370 = tpu.vector_load %arg10[%swap3A_369] {strides = array<i32>} : memref<2312xf32, #tpu.memory_space<vmem>>, vector<16xf32>,
    tpu.vector_store %arg10[%swap3A_369], %gather3A_368 {strides = array<i32>} : memref<2312xf32, #tpu.memory_space<vmem>>, vector<16xf32>,
    %add3A_371 = arith.constant 1731 : i32
    %add3A_372 = vector.broadcast %add3A_371 : i32 to vector<16xi32>
    %add3A_373 = arith.addi %shift_right_logical3A_352, %add3A_372 : vector<16xi32>
    %gather3A_374 = tpu.vector_load_idx %arg9[%add3A_373] : memref<4616xf32, #tpu.memory_space<vmem>>[vector<16xi32>], vector<16xf32>,
    %swap3A_375 = arith.constant 979 : index
    %swap3A_376 = tpu.vector_load %arg10[%swap3A_375] {strides = array<i32>} : memref<2312xf32, #tpu.memory_space<vmem>>, vector<16xf32>,
    tpu.vector_store %arg10[%swap3A_375], %gather3A_374 {strides = array<i32>} : memref<2312xf32, #tpu.memory_space<vmem>>, vector<16xf32>,
    %dma_wait3A_377 = arith.constant 1 : i32
    %dma_wait3A_378 = arith.constant 0 : i32
    %dma_wait3A_379 = arith.constant 0 : i32
    %dma_wait3A_380 = tpu.memref_slice %arg8[%dma_wait3A_377, %dma_wait3A_378, %dma_wait3A_379] : memref<2x64x768xf32, #tpu.memory_space<vmem>> -> memref<1x64x768xf32, #tpu.memory_space<vmem>>
    %dma_wait3A_381 = tpu.memref_squeeze %dma_wait3A_380 : memref<1x64x768xf32, #tpu.memory_space<vmem>> -> memref<64x768xf32, #tpu.memory_space<vmem>>
    %dma_wait3A_382 = tpu.memref_slice %arg7[%multiple_of3A_26] : memref<19456xi32, #tpu.memory_space<vmem>> -> memref<64xi32, #tpu.memory_space<vmem>>
    %dma_wait3A_383 = arith.constant 0 : i32
    %dma_wait3A_384 = arith.constant 0 : i32
    %dma_wait3A_385 = tpu.memref_slice %arg2[%dma_wait3A_383, %dma_wait3A_384] : memref<36928x768xf32, #tpu.memory_space<hbm>> -> memref<36928x768xf32, #tpu.memory_space<hbm>>
    tpu.wait_indirect_dma semaphore(%arg11 : memref<!tpu.dma_semaphore, #tpu.memory_space<semaphore_mem>>) src(%dma_wait3A_385 : memref<36928x768xf32, #tpu.memory_space<hbm>>) dst(%dma_wait3A_381 : memref<64x768xf32, #tpu.memory_space<vmem>>)
    %add3A_386 = arith.constant 64 : i32
    %add3A_387 = arith.addi %add3A_7, %add3A_386 : i32
    %dma_start3A_388 = arith.constant 1 : i32
    %dma_start3A_389 = arith.constant 0 : i32
    %dma_start3A_390 = arith.constant 0 : i32
    %dma_start3A_391 = tpu.memref_slice %arg8[%dma_start3A_388, %dma_start3A_389, %dma_start3A_390] : memref<2x64x768xf32, #tpu.memory_space<vmem>> -> memref<1x64x768xf32, #tpu.memory_space<vmem>>
    %dma_start3A_392 = tpu.memref_squeeze %dma_start3A_391 : memref<1x64x768xf32, #tpu.memory_space<vmem>> -> memref<64x768xf32, #tpu.memory_space<vmem>>
    %dma_start3A_393 = arith.constant 0 : i32
    %dma_start3A_394 = tpu.memref_slice %arg5[%add3A_387, %dma_start3A_393] : memref<18496x768xf32, #tpu.memory_space<hbm>> -> memref<64x768xf32, #tpu.memory_space<hbm>>
    %dma_start3A_395 = arith.constant 0 : i32
    %dma_start3A_396 = tpu.memref_slice %arg5[%add3A_387, %dma_start3A_395] : memref<18496x768xf32, #tpu.memory_space<hbm>> -> memref<64x768xf32, #tpu.memory_space<hbm>>
    %dma_start3A_397 = arith.constant 0 : i32
    %dma_start3A_398 = arith.constant 0 : i32
    %dma_start3A_399 = tpu.memref_slice %arg8[%dma_start3A_388, %dma_start3A_397, %dma_start3A_398] : memref<2x64x768xf32, #tpu.memory_space<vmem>> -> memref<1x64x768xf32, #tpu.memory_space<vmem>>
    %dma_start3A_400 = tpu.memref_squeeze %dma_start3A_399 : memref<1x64x768xf32, #tpu.memory_space<vmem>> -> memref<64x768xf32, #tpu.memory_space<vmem>>
    tpu.enqueue_dma source(%dma_start3A_400 : memref<64x768xf32, #tpu.memory_space<vmem>>) target(%dma_start3A_396 : memref<64x768xf32, #tpu.memory_space<hbm>>) target_semaphore(%arg13 : memref<!tpu.dma_semaphore, #tpu.memory_space<semaphore_mem>>)
    %dma_wait3A_401 = arith.constant 1 : i32
    %dma_wait3A_402 = arith.constant 0 : i32
    %dma_wait3A_403 = arith.constant 0 : i32
    %dma_wait3A_404 = tpu.memref_slice %arg8[%dma_wait3A_401, %dma_wait3A_402, %dma_wait3A_403] : memref<2x64x768xf32, #tpu.memory_space<vmem>> -> memref<1x64x768xf32, #tpu.memory_space<vmem>>
    %dma_wait3A_405 = tpu.memref_squeeze %dma_wait3A_404 : memref<1x64x768xf32, #tpu.memory_space<vmem>> -> memref<64x768xf32, #tpu.memory_space<vmem>>
    %dma_wait3A_406 = arith.constant 0 : i32
    %dma_wait3A_407 = tpu.memref_slice %arg5[%add3A_387, %dma_wait3A_406] : memref<18496x768xf32, #tpu.memory_space<hbm>> -> memref<64x768xf32, #tpu.memory_space<hbm>>
    %dma_wait3A_408 = arith.constant 0 : i32
    %dma_wait3A_409 = tpu.memref_slice %arg5[%add3A_387, %dma_wait3A_408] : memref<18496x768xf32, #tpu.memory_space<hbm>> -> memref<64x768xf32, #tpu.memory_space<hbm>>
    %dma_wait3A_410 = arith.constant 0 : i32
    %dma_wait3A_411 = arith.constant 0 : i32
    %dma_wait3A_412 = tpu.memref_slice %arg8[%dma_wait3A_401, %dma_wait3A_410, %dma_wait3A_411] : memref<2x64x768xf32, #tpu.memory_space<vmem>> -> memref<1x64x768xf32, #tpu.memory_space<vmem>>
    %dma_wait3A_413 = tpu.memref_squeeze %dma_wait3A_412 : memref<1x64x768xf32, #tpu.memory_space<vmem>> -> memref<64x768xf32, #tpu.memory_space<vmem>>
    tpu.wait_dma2 semaphore(%arg13 : memref<!tpu.dma_semaphore, #tpu.memory_space<semaphore_mem>>) src(%dma_wait3A_413 : memref<64x768xf32, #tpu.memory_space<vmem>>) dst(%dma_wait3A_409 : memref<64x768xf32, #tpu.memory_space<hbm>>)
    %add3A_414 = arith.constant 192 : i32
    %add3A_415 = arith.addi %add3A_7, %add3A_414 : i32
    %multiple_of3A_416 = tpu.assume_multiple %add3A_415, 8 : i32
    %dma_start3A_417 = arith.constant 1 : i32
    %dma_start3A_418 = arith.constant 0 : i32
    %dma_start3A_419 = arith.constant 0 : i32
    %dma_start3A_420 = tpu.memref_slice %arg8[%dma_start3A_417, %dma_start3A_418, %dma_start3A_419] : memref<2x64x768xf32, #tpu.memory_space<vmem>> -> memref<1x64x768xf32, #tpu.memory_space<vmem>>
    %dma_start3A_421 = tpu.memref_squeeze %dma_start3A_420 : memref<1x64x768xf32, #tpu.memory_space<vmem>> -> memref<64x768xf32, #tpu.memory_space<vmem>>
    %dma_start3A_422 = tpu.memref_slice %arg7[%multiple_of3A_416] : memref<19456xi32, #tpu.memory_space<vmem>> -> memref<64xi32, #tpu.memory_space<vmem>>
    %dma_start3A_423 = arith.constant 0 : i32
    %dma_start3A_424 = arith.constant 0 : i32
    %dma_start3A_425 = tpu.memref_slice %arg2[%dma_start3A_423, %dma_start3A_424] : memref<36928x768xf32, #tpu.memory_space<hbm>> -> memref<36928x768xf32, #tpu.memory_space<hbm>>
    tpu.enqueue_indirect_dma source(%dma_start3A_425 : memref<36928x768xf32, #tpu.memory_space<hbm>>) target(%dma_start3A_421 : memref<64x768xf32, #tpu.memory_space<vmem>>) offsets(%dma_start3A_422 : memref<64xi32, #tpu.memory_space<vmem>>) semaphore(%arg11 : memref<!tpu.dma_semaphore, #tpu.memory_space<semaphore_mem>>)
    %add3A_426 = arith.constant 0 : i32
    %add3A_427 = arith.addi %mul3A_23, %add3A_426 : i32
    %mul3A_428 = arith.constant 64 : i32
    %mul3A_429 = vector.broadcast %mul3A_428 : i32 to vector<16xi32>
    %mul3A_430 = arith.muli %iota3A, %mul3A_429 : vector<16xi32>
    %add3A_431 = arith.constant 8192 : i32
    %add3A_432 = arith.addi %add3A_431, %add3A_427 : i32
    %add3A_433 = vector.broadcast %add3A_432 : i32 to vector<16xi32>
    %add3A_434 = arith.addi %mul3A_430, %add3A_433 : vector<16xi32>
    %gather3A_435 = tpu.vector_load_idx %arg7[%add3A_434] : memref<19456xi32, #tpu.memory_space<vmem>>[vector<16xi32>], vector<16xi32>,
    %shift_right_logical3A_436 = arith.constant 6 : i32
    %shift_right_logical3A_437 = vector.broadcast %shift_right_logical3A_436 : i32 to vector<16xi32>
    %shift_right_logical3A_438 = arith.shrui %gather3A_435, %shift_right_logical3A_437 : vector<16xi32>
    %add3A_439 = arith.constant 0 : i32
    %add3A_440 = vector.broadcast %add3A_439 : i32 to vector<16xi32>
    %add3A_441 = arith.addi %shift_right_logical3A_438, %add3A_440 : vector<16xi32>
    %gather3A_442 = tpu.vector_load_idx %arg9[%add3A_441] : memref<4616xf32, #tpu.memory_space<vmem>>[vector<16xi32>], vector<16xf32>,
    %swap3A_443 = arith.constant 128 : index
    %swap3A_444 = tpu.vector_load %arg10[%swap3A_443] {strides = array<i32>} : memref<2312xf32, #tpu.memory_space<vmem>>, vector<16xf32>,
    tpu.vector_store %arg10[%swap3A_443], %gather3A_442 {strides = array<i32>} : memref<2312xf32, #tpu.memory_space<vmem>>, vector<16xf32>,
    %add3A_445 = arith.constant 577 : i32
    %add3A_446 = vector.broadcast %add3A_445 : i32 to vector<16xi32>
    %add3A_447 = arith.addi %shift_right_logical3A_438, %add3A_446 : vector<16xi32>
    %gather3A_448 = tpu.vector_load_idx %arg9[%add3A_447] : memref<4616xf32, #tpu.memory_space<vmem>>[vector<16xi32>], vector<16xf32>,
    %swap3A_449 = arith.constant 417 : index
    %swap3A_450 = tpu.vector_load %arg10[%swap3A_449] {strides = array<i32>} : memref<2312xf32, #tpu.memory_space<vmem>>, vector<16xf32>,
    tpu.vector_store %arg10[%swap3A_449], %gather3A_448 {strides = array<i32>} : memref<2312xf32, #tpu.memory_space<vmem>>, vector<16xf32>,
    %add3A_451 = arith.constant 1154 : i32
    %add3A_452 = vector.broadcast %add3A_451 : i32 to vector<16xi32>
    %add3A_453 = arith.addi %shift_right_logical3A_438, %add3A_452 : vector<16xi32>
    %gather3A_454 = tpu.vector_load_idx %arg9[%add3A_453] : memref<4616xf32, #tpu.memory_space<vmem>>[vector<16xi32>], vector<16xf32>,
    %swap3A_455 = arith.constant 706 : index
    %swap3A_456 = tpu.vector_load %arg10[%swap3A_455] {strides = array<i32>} : memref<2312xf32, #tpu.memory_space<vmem>>, vector<16xf32>,
    tpu.vector_store %arg10[%swap3A_455], %gather3A_454 {strides = array<i32>} : memref<2312xf32, #tpu.memory_space<vmem>>, vector<16xf32>,
    %add3A_457 = arith.constant 1731 : i32
    %add3A_458 = vector.broadcast %add3A_457 : i32 to vector<16xi32>
    %add3A_459 = arith.addi %shift_right_logical3A_438, %add3A_458 : vector<16xi32>
    %gather3A_460 = tpu.vector_load_idx %arg9[%add3A_459] : memref<4616xf32, #tpu.memory_space<vmem>>[vector<16xi32>], vector<16xf32>,
    %swap3A_461 = arith.constant 995 : index
    %swap3A_462 = tpu.vector_load %arg10[%swap3A_461] {strides = array<i32>} : memref<2312xf32, #tpu.memory_space<vmem>>, vector<16xf32>,
    tpu.vector_store %arg10[%swap3A_461], %gather3A_460 {strides = array<i32>} : memref<2312xf32, #tpu.memory_space<vmem>>, vector<16xf32>,
    %add3A_463 = arith.constant 0 : i32
    %add3A_464 = arith.addi %mul3A_23, %add3A_463 : i32
    %mul3A_465 = arith.constant 64 : i32
    %mul3A_466 = vector.broadcast %mul3A_465 : i32 to vector<16xi32>
    %mul3A_467 = arith.muli %iota3A, %mul3A_466 : vector<16xi32>
    %add3A_468 = arith.constant 9216 : i32
    %add3A_469 = arith.addi %add3A_468, %add3A_464 : i32
    %add3A_470 = vector.broadcast %add3A_469 : i32 to vector<16xi32>
    %add3A_471 = arith.addi %mul3A_467, %add3A_470 : vector<16xi32>
    %gather3A_472 = tpu.vector_load_idx %arg7[%add3A_471] : memref<19456xi32, #tpu.memory_space<vmem>>[vector<16xi32>], vector<16xi32>,
    %shift_right_logical3A_473 = arith.constant 6 : i32
    %shift_right_logical3A_474 = vector.broadcast %shift_right_logical3A_473 : i32 to vector<16xi32>
    %shift_right_logical3A_475 = arith.shrui %gather3A_472, %shift_right_logical3A_474 : vector<16xi32>
    %add3A_476 = arith.constant 0 : i32
    %add3A_477 = vector.broadcast %add3A_476 : i32 to vector<16xi32>
    %add3A_478 = arith.addi %shift_right_logical3A_475, %add3A_477 : vector<16xi32>
    %gather3A_479 = tpu.vector_load_idx %arg9[%add3A_478] : memref<4616xf32, #tpu.memory_space<vmem>>[vector<16xi32>], vector<16xf32>,
    %swap3A_480 = arith.constant 144 : index
    %swap3A_481 = tpu.vector_load %arg10[%swap3A_480] {strides = array<i32>} : memref<2312xf32, #tpu.memory_space<vmem>>, vector<16xf32>,
    tpu.vector_store %arg10[%swap3A_480], %gather3A_479 {strides = array<i32>} : memref<2312xf32, #tpu.memory_space<vmem>>, vector<16xf32>,
    %add3A_482 = arith.constant 577 : i32
    %add3A_483 = vector.broadcast %add3A_482 : i32 to vector<16xi32>
    %add3A_484 = arith.addi %shift_right_logical3A_475, %add3A_483 : vector<16xi32>
    %gather3A_485 = tpu.vector_load_idx %arg9[%add3A_484] : memref<4616xf32, #tpu.memory_space<vmem>>[vector<16xi32>], vector<16xf32>,
    %swap3A_486 = arith.constant 433 : index
    %swap3A_487 = tpu.vector_load %arg10[%swap3A_486] {strides = array<i32>} : memref<2312xf32, #tpu.memory_space<vmem>>, vector<16xf32>,
    tpu.vector_store %arg10[%swap3A_486], %gather3A_485 {strides = array<i32>} : memref<2312xf32, #tpu.memory_space<vmem>>, vector<16xf32>,
    %add3A_488 = arith.constant 1154 : i32
    %add3A_489 = vector.broadcast %add3A_488 : i32 to vector<16xi32>
    %add3A_490 = arith.addi %shift_right_logical3A_475, %add3A_489 : vector<16xi32>
    %gather3A_491 = tpu.vector_load_idx %arg9[%add3A_490] : memref<4616xf32, #tpu.memory_space<vmem>>[vector<16xi32>], vector<16xf32>,
    %swap3A_492 = arith.constant 722 : index
    %swap3A_493 = tpu.vector_load %arg10[%swap3A_492] {strides = array<i32>} : memref<2312xf32, #tpu.memory_space<vmem>>, vector<16xf32>,
    tpu.vector_store %arg10[%swap3A_492], %gather3A_491 {strides = array<i32>} : memref<2312xf32, #tpu.memory_space<vmem>>, vector<16xf32>,
    %add3A_494 = arith.constant 1731 : i32
    %add3A_495 = vector.broadcast %add3A_494 : i32 to vector<16xi32>
    %add3A_496 = arith.addi %shift_right_logical3A_475, %add3A_495 : vector<16xi32>
    %gather3A_497 = tpu.vector_load_idx %arg9[%add3A_496] : memref<4616xf32, #tpu.memory_space<vmem>>[vector<16xi32>], vector<16xf32>,
    %swap3A_498 = arith.constant 1011 : index
    %swap3A_499 = tpu.vector_load %arg10[%swap3A_498] {strides = array<i32>} : memref<2312xf32, #tpu.memory_space<vmem>>, vector<16xf32>,
    tpu.vector_store %arg10[%swap3A_498], %gather3A_497 {strides = array<i32>} : memref<2312xf32, #tpu.memory_space<vmem>>, vector<16xf32>,
    %add3A_500 = arith.constant 0 : i32
    %add3A_501 = arith.addi %mul3A_23, %add3A_500 : i32
    %mul3A_502 = arith.constant 64 : i32
    %mul3A_503 = vector.broadcast %mul3A_502 : i32 to vector<16xi32>
    %mul3A_504 = arith.muli %iota3A, %mul3A_503 : vector<16xi32>
    %add3A_505 = arith.constant 10240 : i32
    %add3A_506 = arith.addi %add3A_505, %add3A_501 : i32
    %add3A_507 = vector.broadcast %add3A_506 : i32 to vector<16xi32>
    %add3A_508 = arith.addi %mul3A_504, %add3A_507 : vector<16xi32>
    %gather3A_509 = tpu.vector_load_idx %arg7[%add3A_508] : memref<19456xi32, #tpu.memory_space<vmem>>[vector<16xi32>], vector<16xi32>,
    %shift_right_logical3A_510 = arith.constant 6 : i32
    %shift_right_logical3A_511 = vector.broadcast %shift_right_logical3A_510 : i32 to vector<16xi32>
    %shift_right_logical3A_512 = arith.shrui %gather3A_509, %shift_right_logical3A_511 : vector<16xi32>
    %add3A_513 = arith.constant 0 : i32
    %add3A_514 = vector.broadcast %add3A_513 : i32 to vector<16xi32>
    %add3A_515 = arith.addi %shift_right_logical3A_512, %add3A_514 : vector<16xi32>
    %gather3A_516 = tpu.vector_load_idx %arg9[%add3A_515] : memref<4616xf32, #tpu.memory_space<vmem>>[vector<16xi32>], vector<16xf32>,
    %swap3A_517 = arith.constant 160 : index
    %swap3A_518 = tpu.vector_load %arg10[%swap3A_517] {strides = array<i32>} : memref<2312xf32, #tpu.memory_space<vmem>>, vector<16xf32>,
    tpu.vector_store %arg10[%swap3A_517], %gather3A_516 {strides = array<i32>} : memref<2312xf32, #tpu.memory_space<vmem>>, vector<16xf32>,
    %add3A_519 = arith.constant 577 : i32
    %add3A_520 = vector.broadcast %add3A_519 : i32 to vector<16xi32>
    %add3A_521 = arith.addi %shift_right_logical3A_512, %add3A_520 : vector<16xi32>
    %gather3A_522 = tpu.vector_load_idx %arg9[%add3A_521] : memref<4616xf32, #tpu.memory_space<vmem>>[vector<16xi32>], vector<16xf32>,
    %swap3A_523 = arith.constant 449 : index
    %swap3A_524 = tpu.vector_load %arg10[%swap3A_523] {strides = array<i32>} : memref<2312xf32, #tpu.memory_space<vmem>>, vector<16xf32>,
    tpu.vector_store %arg10[%swap3A_523], %gather3A_522 {strides = array<i32>} : memref<2312xf32, #tpu.memory_space<vmem>>, vector<16xf32>,
    %add3A_525 = arith.constant 1154 : i32
    %add3A_526 = vector.broadcast %add3A_525 : i32 to vector<16xi32>
    %add3A_527 = arith.addi %shift_right_logical3A_512, %add3A_526 : vector<16xi32>
    %gather3A_528 = tpu.vector_load_idx %arg9[%add3A_527] : memref<4616xf32, #tpu.memory_space<vmem>>[vector<16xi32>], vector<16xf32>,
    %swap3A_529 = arith.constant 738 : index
    %swap3A_530 = tpu.vector_load %arg10[%swap3A_529] {strides = array<i32>} : memref<2312xf32, #tpu.memory_space<vmem>>, vector<16xf32>,
    tpu.vector_store %arg10[%swap3A_529], %gather3A_528 {strides = array<i32>} : memref<2312xf32, #tpu.memory_space<vmem>>, vector<16xf32>,
    %add3A_531 = arith.constant 1731 : i32
    %add3A_532 = vector.broadcast %add3A_531 : i32 to vector<16xi32>
    %add3A_533 = arith.addi %shift_right_logical3A_512, %add3A_532 : vector<16xi32>
    %gather3A_534 = tpu.vector_load_idx %arg9[%add3A_533] : memref<4616xf32, #tpu.memory_space<vmem>>[vector<16xi32>], vector<16xf32>,
    %swap3A_535 = arith.constant 1027 : index
    %swap3A_536 = tpu.vector_load %arg10[%swap3A_535] {strides = array<i32>} : memref<2312xf32, #tpu.memory_space<vmem>>, vector<16xf32>,
    tpu.vector_store %arg10[%swap3A_535], %gather3A_534 {strides = array<i32>} : memref<2312xf32, #tpu.memory_space<vmem>>, vector<16xf32>,
    %add3A_537 = arith.constant 0 : i32
    %add3A_538 = arith.addi %mul3A_23, %add3A_537 : i32
    %mul3A_539 = arith.constant 64 : i32
    %mul3A_540 = vector.broadcast %mul3A_539 : i32 to vector<16xi32>
    %mul3A_541 = arith.muli %iota3A, %mul3A_540 : vector<16xi32>
    %add3A_542 = arith.constant 11264 : i32
    %add3A_543 = arith.addi %add3A_542, %add3A_538 : i32
    %add3A_544 = vector.broadcast %add3A_543 : i32 to vector<16xi32>
    %add3A_545 = arith.addi %mul3A_541, %add3A_544 : vector<16xi32>
    %gather3A_546 = tpu.vector_load_idx %arg7[%add3A_545] : memref<19456xi32, #tpu.memory_space<vmem>>[vector<16xi32>], vector<16xi32>,
    %shift_right_logical3A_547 = arith.constant 6 : i32
    %shift_right_logical3A_548 = vector.broadcast %shift_right_logical3A_547 : i32 to vector<16xi32>
    %shift_right_logical3A_549 = arith.shrui %gather3A_546, %shift_right_logical3A_548 : vector<16xi32>
    %add3A_550 = arith.constant 0 : i32
    %add3A_551 = vector.broadcast %add3A_550 : i32 to vector<16xi32>
    %add3A_552 = arith.addi %shift_right_logical3A_549, %add3A_551 : vector<16xi32>
    %gather3A_553 = tpu.vector_load_idx %arg9[%add3A_552] : memref<4616xf32, #tpu.memory_space<vmem>>[vector<16xi32>], vector<16xf32>,
    %swap3A_554 = arith.constant 176 : index
    %swap3A_555 = tpu.vector_load %arg10[%swap3A_554] {strides = array<i32>} : memref<2312xf32, #tpu.memory_space<vmem>>, vector<16xf32>,
    tpu.vector_store %arg10[%swap3A_554], %gather3A_553 {strides = array<i32>} : memref<2312xf32, #tpu.memory_space<vmem>>, vector<16xf32>,
    %add3A_556 = arith.constant 577 : i32
    %add3A_557 = vector.broadcast %add3A_556 : i32 to vector<16xi32>
    %add3A_558 = arith.addi %shift_right_logical3A_549, %add3A_557 : vector<16xi32>
    %gather3A_559 = tpu.vector_load_idx %arg9[%add3A_558] : memref<4616xf32, #tpu.memory_space<vmem>>[vector<16xi32>], vector<16xf32>,
    %swap3A_560 = arith.constant 465 : index
    %swap3A_561 = tpu.vector_load %arg10[%swap3A_560] {strides = array<i32>} : memref<2312xf32, #tpu.memory_space<vmem>>, vector<16xf32>,
    tpu.vector_store %arg10[%swap3A_560], %gather3A_559 {strides = array<i32>} : memref<2312xf32, #tpu.memory_space<vmem>>, vector<16xf32>,
    %add3A_562 = arith.constant 1154 : i32
    %add3A_563 = vector.broadcast %add3A_562 : i32 to vector<16xi32>
    %add3A_564 = arith.addi %shift_right_logical3A_549, %add3A_563 : vector<16xi32>
    %gather3A_565 = tpu.vector_load_idx %arg9[%add3A_564] : memref<4616xf32, #tpu.memory_space<vmem>>[vector<16xi32>], vector<16xf32>,
    %swap3A_566 = arith.constant 754 : index
    %swap3A_567 = tpu.vector_load %arg10[%swap3A_566] {strides = array<i32>} : memref<2312xf32, #tpu.memory_space<vmem>>, vector<16xf32>,
    tpu.vector_store %arg10[%swap3A_566], %gather3A_565 {strides = array<i32>} : memref<2312xf32, #tpu.memory_space<vmem>>, vector<16xf32>,
    %add3A_568 = arith.constant 1731 : i32
    %add3A_569 = vector.broadcast %add3A_568 : i32 to vector<16xi32>
    %add3A_570 = arith.addi %shift_right_logical3A_549, %add3A_569 : vector<16xi32>
    %gather3A_571 = tpu.vector_load_idx %arg9[%add3A_570] : memref<4616xf32, #tpu.memory_space<vmem>>[vector<16xi32>], vector<16xf32>,
    %swap3A_572 = arith.constant 1043 : index
    %swap3A_573 = tpu.vector_load %arg10[%swap3A_572] {strides = array<i32>} : memref<2312xf32, #tpu.memory_space<vmem>>, vector<16xf32>,
    tpu.vector_store %arg10[%swap3A_572], %gather3A_571 {strides = array<i32>} : memref<2312xf32, #tpu.memory_space<vmem>>, vector<16xf32>,
    %dma_wait3A_574 = arith.constant 0 : i32
    %dma_wait3A_575 = arith.constant 0 : i32
    %dma_wait3A_576 = arith.constant 0 : i32
    %dma_wait3A_577 = tpu.memref_slice %arg8[%dma_wait3A_574, %dma_wait3A_575, %dma_wait3A_576] : memref<2x64x768xf32, #tpu.memory_space<vmem>> -> memref<1x64x768xf32, #tpu.memory_space<vmem>>
    %dma_wait3A_578 = tpu.memref_squeeze %dma_wait3A_577 : memref<1x64x768xf32, #tpu.memory_space<vmem>> -> memref<64x768xf32, #tpu.memory_space<vmem>>
    %dma_wait3A_579 = tpu.memref_slice %arg7[%multiple_of3A_219] : memref<19456xi32, #tpu.memory_space<vmem>> -> memref<64xi32, #tpu.memory_space<vmem>>
    %dma_wait3A_580 = arith.constant 0 : i32
    %dma_wait3A_581 = arith.constant 0 : i32
    %dma_wait3A_582 = tpu.memref_slice %arg2[%dma_wait3A_580, %dma_wait3A_581] : memref<36928x768xf32, #tpu.memory_space<hbm>> -> memref<36928x768xf32, #tpu.memory_space<hbm>>
    tpu.wait_indirect_dma semaphore(%arg11 : memref<!tpu.dma_semaphore, #tpu.memory_space<semaphore_mem>>) src(%dma_wait3A_582 : memref<36928x768xf32, #tpu.memory_space<hbm>>) dst(%dma_wait3A_578 : memref<64x768xf32, #tpu.memory_space<vmem>>)
    %add3A_583 = arith.constant 128 : i32
    %add3A_584 = arith.addi %add3A_7, %add3A_583 : i32
    %dma_start3A_585 = arith.constant 0 : i32
    %dma_start3A_586 = arith.constant 0 : i32
    %dma_start3A_587 = arith.constant 0 : i32
    %dma_start3A_588 = tpu.memref_slice %arg8[%dma_start3A_585, %dma_start3A_586, %dma_start3A_587] : memref<2x64x768xf32, #tpu.memory_space<vmem>> -> memref<1x64x768xf32, #tpu.memory_space<vmem>>
    %dma_start3A_589 = tpu.memref_squeeze %dma_start3A_588 : memref<1x64x768xf32, #tpu.memory_space<vmem>> -> memref<64x768xf32, #tpu.memory_space<vmem>>
    %dma_start3A_590 = arith.constant 0 : i32
    %dma_start3A_591 = tpu.memref_slice %arg5[%add3A_584, %dma_start3A_590] : memref<18496x768xf32, #tpu.memory_space<hbm>> -> memref<64x768xf32, #tpu.memory_space<hbm>>
    %dma_start3A_592 = arith.constant 0 : i32
    %dma_start3A_593 = tpu.memref_slice %arg5[%add3A_584, %dma_start3A_592] : memref<18496x768xf32, #tpu.memory_space<hbm>> -> memref<64x768xf32, #tpu.memory_space<hbm>>
    %dma_start3A_594 = arith.constant 0 : i32
    %dma_start3A_595 = arith.constant 0 : i32
    %dma_start3A_596 = tpu.memref_slice %arg8[%dma_start3A_585, %dma_start3A_594, %dma_start3A_595] : memref<2x64x768xf32, #tpu.memory_space<vmem>> -> memref<1x64x768xf32, #tpu.memory_space<vmem>>
    %dma_start3A_597 = tpu.memref_squeeze %dma_start3A_596 : memref<1x64x768xf32, #tpu.memory_space<vmem>> -> memref<64x768xf32, #tpu.memory_space<vmem>>
    tpu.enqueue_dma source(%dma_start3A_597 : memref<64x768xf32, #tpu.memory_space<vmem>>) target(%dma_start3A_593 : memref<64x768xf32, #tpu.memory_space<hbm>>) target_semaphore(%arg12 : memref<!tpu.dma_semaphore, #tpu.memory_space<semaphore_mem>>)
    %dma_wait3A_598 = arith.constant 0 : i32
    %dma_wait3A_599 = arith.constant 0 : i32
    %dma_wait3A_600 = arith.constant 0 : i32
    %dma_wait3A_601 = tpu.memref_slice %arg8[%dma_wait3A_598, %dma_wait3A_599, %dma_wait3A_600] : memref<2x64x768xf32, #tpu.memory_space<vmem>> -> memref<1x64x768xf32, #tpu.memory_space<vmem>>
    %dma_wait3A_602 = tpu.memref_squeeze %dma_wait3A_601 : memref<1x64x768xf32, #tpu.memory_space<vmem>> -> memref<64x768xf32, #tpu.memory_space<vmem>>
    %dma_wait3A_603 = arith.constant 0 : i32
    %dma_wait3A_604 = tpu.memref_slice %arg5[%add3A_584, %dma_wait3A_603] : memref<18496x768xf32, #tpu.memory_space<hbm>> -> memref<64x768xf32, #tpu.memory_space<hbm>>
    %dma_wait3A_605 = arith.constant 0 : i32
    %dma_wait3A_606 = tpu.memref_slice %arg5[%add3A_584, %dma_wait3A_605] : memref<18496x768xf32, #tpu.memory_space<hbm>> -> memref<64x768xf32, #tpu.memory_space<hbm>>
    %dma_wait3A_607 = arith.constant 0 : i32
    %dma_wait3A_608 = arith.constant 0 : i32
    %dma_wait3A_609 = tpu.memref_slice %arg8[%dma_wait3A_598, %dma_wait3A_607, %dma_wait3A_608] : memref<2x64x768xf32, #tpu.memory_space<vmem>> -> memref<1x64x768xf32, #tpu.memory_space<vmem>>
    %dma_wait3A_610 = tpu.memref_squeeze %dma_wait3A_609 : memref<1x64x768xf32, #tpu.memory_space<vmem>> -> memref<64x768xf32, #tpu.memory_space<vmem>>
    tpu.wait_dma2 semaphore(%arg12 : memref<!tpu.dma_semaphore, #tpu.memory_space<semaphore_mem>>) src(%dma_wait3A_610 : memref<64x768xf32, #tpu.memory_space<vmem>>) dst(%dma_wait3A_606 : memref<64x768xf32, #tpu.memory_space<hbm>>)
    %add3A_611 = arith.constant 256 : i32
    %add3A_612 = arith.addi %add3A_7, %add3A_611 : i32
    %multiple_of3A_613 = tpu.assume_multiple %add3A_612, 8 : i32
    %dma_start3A_614 = arith.constant 0 : i32
    %dma_start3A_615 = arith.constant 0 : i32
    %dma_start3A_616 = arith.constant 0 : i32
    %dma_start3A_617 = tpu.memref_slice %arg8[%dma_start3A_614, %dma_start3A_615, %dma_start3A_616] : memref<2x64x768xf32, #tpu.memory_space<vmem>> -> memref<1x64x768xf32, #tpu.memory_space<vmem>>
    %dma_start3A_618 = tpu.memref_squeeze %dma_start3A_617 : memref<1x64x768xf32, #tpu.memory_space<vmem>> -> memref<64x768xf32, #tpu.memory_space<vmem>>
    %dma_start3A_619 = tpu.memref_slice %arg7[%multiple_of3A_613] : memref<19456xi32, #tpu.memory_space<vmem>> -> memref<64xi32, #tpu.memory_space<vmem>>
    %dma_start3A_620 = arith.constant 0 : i32
    %dma_start3A_621 = arith.constant 0 : i32
    %dma_start3A_622 = tpu.memref_slice %arg2[%dma_start3A_620, %dma_start3A_621] : memref<36928x768xf32, #tpu.memory_space<hbm>> -> memref<36928x768xf32, #tpu.memory_space<hbm>>
    tpu.enqueue_indirect_dma source(%dma_start3A_622 : memref<36928x768xf32, #tpu.memory_space<hbm>>) target(%dma_start3A_618 : memref<64x768xf32, #tpu.memory_space<vmem>>) offsets(%dma_start3A_619 : memref<64xi32, #tpu.memory_space<vmem>>) semaphore(%arg11 : memref<!tpu.dma_semaphore, #tpu.memory_space<semaphore_mem>>)
    %add3A_623 = arith.constant 0 : i32
    %add3A_624 = arith.addi %mul3A_23, %add3A_623 : i32
    %mul3A_625 = arith.constant 64 : i32
    %mul3A_626 = vector.broadcast %mul3A_625 : i32 to vector<16xi32>
    %mul3A_627 = arith.muli %iota3A, %mul3A_626 : vector<16xi32>
    %add3A_628 = arith.constant 12288 : i32
    %add3A_629 = arith.addi %add3A_628, %add3A_624 : i32
    %add3A_630 = vector.broadcast %add3A_629 : i32 to vector<16xi32>
    %add3A_631 = arith.addi %mul3A_627, %add3A_630 : vector<16xi32>
    %gather3A_632 = tpu.vector_load_idx %arg7[%add3A_631] : memref<19456xi32, #tpu.memory_space<vmem>>[vector<16xi32>], vector<16xi32>,
    %shift_right_logical3A_633 = arith.constant 6 : i32
    %shift_right_logical3A_634 = vector.broadcast %shift_right_logical3A_633 : i32 to vector<16xi32>
    %shift_right_logical3A_635 = arith.shrui %gather3A_632, %shift_right_logical3A_634 : vector<16xi32>
    %add3A_636 = arith.constant 0 : i32
    %add3A_637 = vector.broadcast %add3A_636 : i32 to vector<16xi32>
    %add3A_638 = arith.addi %shift_right_logical3A_635, %add3A_637 : vector<16xi32>
    %gather3A_639 = tpu.vector_load_idx %arg9[%add3A_638] : memref<4616xf32, #tpu.memory_space<vmem>>[vector<16xi32>], vector<16xf32>,
    %swap3A_640 = arith.constant 192 : index
    %swap3A_641 = tpu.vector_load %arg10[%swap3A_640] {strides = array<i32>} : memref<2312xf32, #tpu.memory_space<vmem>>, vector<16xf32>,
    tpu.vector_store %arg10[%swap3A_640], %gather3A_639 {strides = array<i32>} : memref<2312xf32, #tpu.memory_space<vmem>>, vector<16xf32>,
    %add3A_642 = arith.constant 577 : i32
    %add3A_643 = vector.broadcast %add3A_642 : i32 to vector<16xi32>
    %add3A_644 = arith.addi %shift_right_logical3A_635, %add3A_643 : vector<16xi32>
    %gather3A_645 = tpu.vector_load_idx %arg9[%add3A_644] : memref<4616xf32, #tpu.memory_space<vmem>>[vector<16xi32>], vector<16xf32>,
    %swap3A_646 = arith.constant 481 : index
    %swap3A_647 = tpu.vector_load %arg10[%swap3A_646] {strides = array<i32>} : memref<2312xf32, #tpu.memory_space<vmem>>, vector<16xf32>,
    tpu.vector_store %arg10[%swap3A_646], %gather3A_645 {strides = array<i32>} : memref<2312xf32, #tpu.memory_space<vmem>>, vector<16xf32>,
    %add3A_648 = arith.constant 1154 : i32
    %add3A_649 = vector.broadcast %add3A_648 : i32 to vector<16xi32>
    %add3A_650 = arith.addi %shift_right_logical3A_635, %add3A_649 : vector<16xi32>
    %gather3A_651 = tpu.vector_load_idx %arg9[%add3A_650] : memref<4616xf32, #tpu.memory_space<vmem>>[vector<16xi32>], vector<16xf32>,
    %swap3A_652 = arith.constant 770 : index
    %swap3A_653 = tpu.vector_load %arg10[%swap3A_652] {strides = array<i32>} : memref<2312xf32, #tpu.memory_space<vmem>>, vector<16xf32>,
    tpu.vector_store %arg10[%swap3A_652], %gather3A_651 {strides = array<i32>} : memref<2312xf32, #tpu.memory_space<vmem>>, vector<16xf32>,
    %add3A_654 = arith.constant 1731 : i32
    %add3A_655 = vector.broadcast %add3A_654 : i32 to vector<16xi32>
    %add3A_656 = arith.addi %shift_right_logical3A_635, %add3A_655 : vector<16xi32>
    %gather3A_657 = tpu.vector_load_idx %arg9[%add3A_656] : memref<4616xf32, #tpu.memory_space<vmem>>[vector<16xi32>], vector<16xf32>,
    %swap3A_658 = arith.constant 1059 : index
    %swap3A_659 = tpu.vector_load %arg10[%swap3A_658] {strides = array<i32>} : memref<2312xf32, #tpu.memory_space<vmem>>, vector<16xf32>,
    tpu.vector_store %arg10[%swap3A_658], %gather3A_657 {strides = array<i32>} : memref<2312xf32, #tpu.memory_space<vmem>>, vector<16xf32>,
    %add3A_660 = arith.constant 0 : i32
    %add3A_661 = arith.addi %mul3A_23, %add3A_660 : i32
    %mul3A_662 = arith.constant 64 : i32
    %mul3A_663 = vector.broadcast %mul3A_662 : i32 to vector<16xi32>
    %mul3A_664 = arith.muli %iota3A, %mul3A_663 : vector<16xi32>
    %add3A_665 = arith.constant 13312 : i32
    %add3A_666 = arith.addi %add3A_665, %add3A_661 : i32
    %add3A_667 = vector.broadcast %add3A_666 : i32 to vector<16xi32>
    %add3A_668 = arith.addi %mul3A_664, %add3A_667 : vector<16xi32>
    %gather3A_669 = tpu.vector_load_idx %arg7[%add3A_668] : memref<19456xi32, #tpu.memory_space<vmem>>[vector<16xi32>], vector<16xi32>,
    %shift_right_logical3A_670 = arith.constant 6 : i32
    %shift_right_logical3A_671 = vector.broadcast %shift_right_logical3A_670 : i32 to vector<16xi32>
    %shift_right_logical3A_672 = arith.shrui %gather3A_669, %shift_right_logical3A_671 : vector<16xi32>
    %add3A_673 = arith.constant 0 : i32
    %add3A_674 = vector.broadcast %add3A_673 : i32 to vector<16xi32>
    %add3A_675 = arith.addi %shift_right_logical3A_672, %add3A_674 : vector<16xi32>
    %gather3A_676 = tpu.vector_load_idx %arg9[%add3A_675] : memref<4616xf32, #tpu.memory_space<vmem>>[vector<16xi32>], vector<16xf32>,
    %swap3A_677 = arith.constant 208 : index
    %swap3A_678 = tpu.vector_load %arg10[%swap3A_677] {strides = array<i32>} : memref<2312xf32, #tpu.memory_space<vmem>>, vector<16xf32>,
    tpu.vector_store %arg10[%swap3A_677], %gather3A_676 {strides = array<i32>} : memref<2312xf32, #tpu.memory_space<vmem>>, vector<16xf32>,
    %add3A_679 = arith.constant 577 : i32
    %add3A_680 = vector.broadcast %add3A_679 : i32 to vector<16xi32>
    %add3A_681 = arith.addi %shift_right_logical3A_672, %add3A_680 : vector<16xi32>
    %gather3A_682 = tpu.vector_load_idx %arg9[%add3A_681] : memref<4616xf32, #tpu.memory_space<vmem>>[vector<16xi32>], vector<16xf32>,
    %swap3A_683 = arith.constant 497 : index
    %swap3A_684 = tpu.vector_load %arg10[%swap3A_683] {strides = array<i32>} : memref<2312xf32, #tpu.memory_space<vmem>>, vector<16xf32>,
    tpu.vector_store %arg10[%swap3A_683], %gather3A_682 {strides = array<i32>} : memref<2312xf32, #tpu.memory_space<vmem>>, vector<16xf32>,
    %add3A_685 = arith.constant 1154 : i32
    %add3A_686 = vector.broadcast %add3A_685 : i32 to vector<16xi32>
    %add3A_687 = arith.addi %shift_right_logical3A_672, %add3A_686 : vector<16xi32>
    %gather3A_688 = tpu.vector_load_idx %arg9[%add3A_687] : memref<4616xf32, #tpu.memory_space<vmem>>[vector<16xi32>], vector<16xf32>,
    %swap3A_689 = arith.constant 786 : index
    %swap3A_690 = tpu.vector_load %arg10[%swap3A_689] {strides = array<i32>} : memref<2312xf32, #tpu.memory_space<vmem>>, vector<16xf32>,
    tpu.vector_store %arg10[%swap3A_689], %gather3A_688 {strides = array<i32>} : memref<2312xf32, #tpu.memory_space<vmem>>, vector<16xf32>,
    %add3A_691 = arith.constant 1731 : i32
    %add3A_692 = vector.broadcast %add3A_691 : i32 to vector<16xi32>
    %add3A_693 = arith.addi %shift_right_logical3A_672, %add3A_692 : vector<16xi32>
    %gather3A_694 = tpu.vector_load_idx %arg9[%add3A_693] : memref<4616xf32, #tpu.memory_space<vmem>>[vector<16xi32>], vector<16xf32>,
    %swap3A_695 = arith.constant 1075 : index
    %swap3A_696 = tpu.vector_load %arg10[%swap3A_695] {strides = array<i32>} : memref<2312xf32, #tpu.memory_space<vmem>>, vector<16xf32>,
    tpu.vector_store %arg10[%swap3A_695], %gather3A_694 {strides = array<i32>} : memref<2312xf32, #tpu.memory_space<vmem>>, vector<16xf32>,
    %add3A_697 = arith.constant 0 : i32
    %add3A_698 = arith.addi %mul3A_23, %add3A_697 : i32
    %mul3A_699 = arith.constant 64 : i32
    %mul3A_700 = vector.broadcast %mul3A_699 : i32 to vector<16xi32>
    %mul3A_701 = arith.muli %iota3A, %mul3A_700 : vector<16xi32>
    %add3A_702 = arith.constant 14336 : i32
    %add3A_703 = arith.addi %add3A_702, %add3A_698 : i32
    %add3A_704 = vector.broadcast %add3A_703 : i32 to vector<16xi32>
    %add3A_705 = arith.addi %mul3A_701, %add3A_704 : vector<16xi32>
    %gather3A_706 = tpu.vector_load_idx %arg7[%add3A_705] : memref<19456xi32, #tpu.memory_space<vmem>>[vector<16xi32>], vector<16xi32>,
    %shift_right_logical3A_707 = arith.constant 6 : i32
    %shift_right_logical3A_708 = vector.broadcast %shift_right_logical3A_707 : i32 to vector<16xi32>
    %shift_right_logical3A_709 = arith.shrui %gather3A_706, %shift_right_logical3A_708 : vector<16xi32>
    %add3A_710 = arith.constant 0 : i32
    %add3A_711 = vector.broadcast %add3A_710 : i32 to vector<16xi32>
    %add3A_712 = arith.addi %shift_right_logical3A_709, %add3A_711 : vector<16xi32>
    %gather3A_713 = tpu.vector_load_idx %arg9[%add3A_712] : memref<4616xf32, #tpu.memory_space<vmem>>[vector<16xi32>], vector<16xf32>,
    %swap3A_714 = arith.constant 224 : index
    %swap3A_715 = tpu.vector_load %arg10[%swap3A_714] {strides = array<i32>} : memref<2312xf32, #tpu.memory_space<vmem>>, vector<16xf32>,
    tpu.vector_store %arg10[%swap3A_714], %gather3A_713 {strides = array<i32>} : memref<2312xf32, #tpu.memory_space<vmem>>, vector<16xf32>,
    %add3A_716 = arith.constant 577 : i32
    %add3A_717 = vector.broadcast %add3A_716 : i32 to vector<16xi32>
    %add3A_718 = arith.addi %shift_right_logical3A_709, %add3A_717 : vector<16xi32>
    %gather3A_719 = tpu.vector_load_idx %arg9[%add3A_718] : memref<4616xf32, #tpu.memory_space<vmem>>[vector<16xi32>], vector<16xf32>,
    %swap3A_720 = arith.constant 513 : index
    %swap3A_721 = tpu.vector_load %arg10[%swap3A_720] {strides = array<i32>} : memref<2312xf32, #tpu.memory_space<vmem>>, vector<16xf32>,
    tpu.vector_store %arg10[%swap3A_720], %gather3A_719 {strides = array<i32>} : memref<2312xf32, #tpu.memory_space<vmem>>, vector<16xf32>,
    %add3A_722 = arith.constant 1154 : i32
    %add3A_723 = vector.broadcast %add3A_722 : i32 to vector<16xi32>
    %add3A_724 = arith.addi %shift_right_logical3A_709, %add3A_723 : vector<16xi32>
    %gather3A_725 = tpu.vector_load_idx %arg9[%add3A_724] : memref<4616xf32, #tpu.memory_space<vmem>>[vector<16xi32>], vector<16xf32>,
    %swap3A_726 = arith.constant 802 : index
    %swap3A_727 = tpu.vector_load %arg10[%swap3A_726] {strides = array<i32>} : memref<2312xf32, #tpu.memory_space<vmem>>, vector<16xf32>,
    tpu.vector_store %arg10[%swap3A_726], %gather3A_725 {strides = array<i32>} : memref<2312xf32, #tpu.memory_space<vmem>>, vector<16xf32>,
    %add3A_728 = arith.constant 1731 : i32
    %add3A_729 = vector.broadcast %add3A_728 : i32 to vector<16xi32>
    %add3A_730 = arith.addi %shift_right_logical3A_709, %add3A_729 : vector<16xi32>
    %gather3A_731 = tpu.vector_load_idx %arg9[%add3A_730] : memref<4616xf32, #tpu.memory_space<vmem>>[vector<16xi32>], vector<16xf32>,
    %swap3A_732 = arith.constant 1091 : index
    %swap3A_733 = tpu.vector_load %arg10[%swap3A_732] {strides = array<i32>} : memref<2312xf32, #tpu.memory_space<vmem>>, vector<16xf32>,
    tpu.vector_store %arg10[%swap3A_732], %gather3A_731 {strides = array<i32>} : memref<2312xf32, #tpu.memory_space<vmem>>, vector<16xf32>,
    %add3A_734 = arith.constant 0 : i32
    %add3A_735 = arith.addi %mul3A_23, %add3A_734 : i32
    %mul3A_736 = arith.constant 64 : i32
    %mul3A_737 = vector.broadcast %mul3A_736 : i32 to vector<16xi32>
    %mul3A_738 = arith.muli %iota3A, %mul3A_737 : vector<16xi32>
    %add3A_739 = arith.constant 15360 : i32
    %add3A_740 = arith.addi %add3A_739, %add3A_735 : i32
    %add3A_741 = vector.broadcast %add3A_740 : i32 to vector<16xi32>
    %add3A_742 = arith.addi %mul3A_738, %add3A_741 : vector<16xi32>
    %gather3A_743 = tpu.vector_load_idx %arg7[%add3A_742] : memref<19456xi32, #tpu.memory_space<vmem>>[vector<16xi32>], vector<16xi32>,
    %shift_right_logical3A_744 = arith.constant 6 : i32
    %shift_right_logical3A_745 = vector.broadcast %shift_right_logical3A_744 : i32 to vector<16xi32>
    %shift_right_logical3A_746 = arith.shrui %gather3A_743, %shift_right_logical3A_745 : vector<16xi32>
    %add3A_747 = arith.constant 0 : i32
    %add3A_748 = vector.broadcast %add3A_747 : i32 to vector<16xi32>
    %add3A_749 = arith.addi %shift_right_logical3A_746, %add3A_748 : vector<16xi32>
    %gather3A_750 = tpu.vector_load_idx %arg9[%add3A_749] : memref<4616xf32, #tpu.memory_space<vmem>>[vector<16xi32>], vector<16xf32>,
    %swap3A_751 = arith.constant 240 : index
    %swap3A_752 = tpu.vector_load %arg10[%swap3A_751] {strides = array<i32>} : memref<2312xf32, #tpu.memory_space<vmem>>, vector<16xf32>,
    tpu.vector_store %arg10[%swap3A_751], %gather3A_750 {strides = array<i32>} : memref<2312xf32, #tpu.memory_space<vmem>>, vector<16xf32>,
    %add3A_753 = arith.constant 577 : i32
    %add3A_754 = vector.broadcast %add3A_753 : i32 to vector<16xi32>
    %add3A_755 = arith.addi %shift_right_logical3A_746, %add3A_754 : vector<16xi32>
    %gather3A_756 = tpu.vector_load_idx %arg9[%add3A_755] : memref<4616xf32, #tpu.memory_space<vmem>>[vector<16xi32>], vector<16xf32>,
    %swap3A_757 = arith.constant 529 : index
    %swap3A_758 = tpu.vector_load %arg10[%swap3A_757] {strides = array<i32>} : memref<2312xf32, #tpu.memory_space<vmem>>, vector<16xf32>,
    tpu.vector_store %arg10[%swap3A_757], %gather3A_756 {strides = array<i32>} : memref<2312xf32, #tpu.memory_space<vmem>>, vector<16xf32>,
    %add3A_759 = arith.constant 1154 : i32
    %add3A_760 = vector.broadcast %add3A_759 : i32 to vector<16xi32>
    %add3A_761 = arith.addi %shift_right_logical3A_746, %add3A_760 : vector<16xi32>
    %gather3A_762 = tpu.vector_load_idx %arg9[%add3A_761] : memref<4616xf32, #tpu.memory_space<vmem>>[vector<16xi32>], vector<16xf32>,
    %swap3A_763 = arith.constant 818 : index
    %swap3A_764 = tpu.vector_load %arg10[%swap3A_763] {strides = array<i32>} : memref<2312xf32, #tpu.memory_space<vmem>>, vector<16xf32>,
    tpu.vector_store %arg10[%swap3A_763], %gather3A_762 {strides = array<i32>} : memref<2312xf32, #tpu.memory_space<vmem>>, vector<16xf32>,
    %add3A_765 = arith.constant 1731 : i32
    %add3A_766 = vector.broadcast %add3A_765 : i32 to vector<16xi32>
    %add3A_767 = arith.addi %shift_right_logical3A_746, %add3A_766 : vector<16xi32>
    %gather3A_768 = tpu.vector_load_idx %arg9[%add3A_767] : memref<4616xf32, #tpu.memory_space<vmem>>[vector<16xi32>], vector<16xf32>,
    %swap3A_769 = arith.constant 1107 : index
    %swap3A_770 = tpu.vector_load %arg10[%swap3A_769] {strides = array<i32>} : memref<2312xf32, #tpu.memory_space<vmem>>, vector<16xf32>,
    tpu.vector_store %arg10[%swap3A_769], %gather3A_768 {strides = array<i32>} : memref<2312xf32, #tpu.memory_space<vmem>>, vector<16xf32>,
    %dma_wait3A_771 = arith.constant 1 : i32
    %dma_wait3A_772 = arith.constant 0 : i32
    %dma_wait3A_773 = arith.constant 0 : i32
    %dma_wait3A_774 = tpu.memref_slice %arg8[%dma_wait3A_771, %dma_wait3A_772, %dma_wait3A_773] : memref<2x64x768xf32, #tpu.memory_space<vmem>> -> memref<1x64x768xf32, #tpu.memory_space<vmem>>
    %dma_wait3A_775 = tpu.memref_squeeze %dma_wait3A_774 : memref<1x64x768xf32, #tpu.memory_space<vmem>> -> memref<64x768xf32, #tpu.memory_space<vmem>>
    %dma_wait3A_776 = tpu.memref_slice %arg7[%multiple_of3A_416] : memref<19456xi32, #tpu.memory_space<vmem>> -> memref<64xi32, #tpu.memory_space<vmem>>
    %dma_wait3A_777 = arith.constant 0 : i32
    %dma_wait3A_778 = arith.constant 0 : i32
    %dma_wait3A_779 = tpu.memref_slice %arg2[%dma_wait3A_777, %dma_wait3A_778] : memref<36928x768xf32, #tpu.memory_space<hbm>> -> memref<36928x768xf32, #tpu.memory_space<hbm>>
    tpu.wait_indirect_dma semaphore(%arg11 : memref<!tpu.dma_semaphore, #tpu.memory_space<semaphore_mem>>) src(%dma_wait3A_779 : memref<36928x768xf32, #tpu.memory_space<hbm>>) dst(%dma_wait3A_775 : memref<64x768xf32, #tpu.memory_space<vmem>>)
    %add3A_780 = arith.constant 192 : i32
    %add3A_781 = arith.addi %add3A_7, %add3A_780 : i32
    %dma_start3A_782 = arith.constant 1 : i32
    %dma_start3A_783 = arith.constant 0 : i32
    %dma_start3A_784 = arith.constant 0 : i32
    %dma_start3A_785 = tpu.memref_slice %arg8[%dma_start3A_782, %dma_start3A_783, %dma_start3A_784] : memref<2x64x768xf32, #tpu.memory_space<vmem>> -> memref<1x64x768xf32, #tpu.memory_space<vmem>>
    %dma_start3A_786 = tpu.memref_squeeze %dma_start3A_785 : memref<1x64x768xf32, #tpu.memory_space<vmem>> -> memref<64x768xf32, #tpu.memory_space<vmem>>
    %dma_start3A_787 = arith.constant 0 : i32
    %dma_start3A_788 = tpu.memref_slice %arg5[%add3A_781, %dma_start3A_787] : memref<18496x768xf32, #tpu.memory_space<hbm>> -> memref<64x768xf32, #tpu.memory_space<hbm>>
    %dma_start3A_789 = arith.constant 0 : i32
    %dma_start3A_790 = tpu.memref_slice %arg5[%add3A_781, %dma_start3A_789] : memref<18496x768xf32, #tpu.memory_space<hbm>> -> memref<64x768xf32, #tpu.memory_space<hbm>>
    %dma_start3A_791 = arith.constant 0 : i32
    %dma_start3A_792 = arith.constant 0 : i32
    %dma_start3A_793 = tpu.memref_slice %arg8[%dma_start3A_782, %dma_start3A_791, %dma_start3A_792] : memref<2x64x768xf32, #tpu.memory_space<vmem>> -> memref<1x64x768xf32, #tpu.memory_space<vmem>>
    %dma_start3A_794 = tpu.memref_squeeze %dma_start3A_793 : memref<1x64x768xf32, #tpu.memory_space<vmem>> -> memref<64x768xf32, #tpu.memory_space<vmem>>
    tpu.enqueue_dma source(%dma_start3A_794 : memref<64x768xf32, #tpu.memory_space<vmem>>) target(%dma_start3A_790 : memref<64x768xf32, #tpu.memory_space<hbm>>) target_semaphore(%arg13 : memref<!tpu.dma_semaphore, #tpu.memory_space<semaphore_mem>>)
    %dma_wait3A_795 = arith.constant 1 : i32
    %dma_wait3A_796 = arith.constant 0 : i32
    %dma_wait3A_797 = arith.constant 0 : i32
    %dma_wait3A_798 = tpu.memref_slice %arg8[%dma_wait3A_795, %dma_wait3A_796, %dma_wait3A_797] : memref<2x64x768xf32, #tpu.memory_space<vmem>> -> memref<1x64x768xf32, #tpu.memory_space<vmem>>
    %dma_wait3A_799 = tpu.memref_squeeze %dma_wait3A_798 : memref<1x64x768xf32, #tpu.memory_space<vmem>> -> memref<64x768xf32, #tpu.memory_space<vmem>>
    %dma_wait3A_800 = arith.constant 0 : i32
    %dma_wait3A_801 = tpu.memref_slice %arg5[%add3A_781, %dma_wait3A_800] : memref<18496x768xf32, #tpu.memory_space<hbm>> -> memref<64x768xf32, #tpu.memory_space<hbm>>
    %dma_wait3A_802 = arith.constant 0 : i32
    %dma_wait3A_803 = tpu.memref_slice %arg5[%add3A_781, %dma_wait3A_802] : memref<18496x768xf32, #tpu.memory_space<hbm>> -> memref<64x768xf32, #tpu.memory_space<hbm>>
    %dma_wait3A_804 = arith.constant 0 : i32
    %dma_wait3A_805 = arith.constant 0 : i32
    %dma_wait3A_806 = tpu.memref_slice %arg8[%dma_wait3A_795, %dma_wait3A_804, %dma_wait3A_805] : memref<2x64x768xf32, #tpu.memory_space<vmem>> -> memref<1x64x768xf32, #tpu.memory_space<vmem>>
    %dma_wait3A_807 = tpu.memref_squeeze %dma_wait3A_806 : memref<1x64x768xf32, #tpu.memory_space<vmem>> -> memref<64x768xf32, #tpu.memory_space<vmem>>
    tpu.wait_dma2 semaphore(%arg13 : memref<!tpu.dma_semaphore, #tpu.memory_space<semaphore_mem>>) src(%dma_wait3A_807 : memref<64x768xf32, #tpu.memory_space<vmem>>) dst(%dma_wait3A_803 : memref<64x768xf32, #tpu.memory_space<hbm>>)
    %add3A_808 = arith.constant 320 : i32
    %add3A_809 = arith.addi %add3A_7, %add3A_808 : i32
    %multiple_of3A_810 = tpu.assume_multiple %add3A_809, 8 : i32
    %dma_start3A_811 = arith.constant 1 : i32
    %dma_start3A_812 = arith.constant 0 : i32
    %dma_start3A_813 = arith.constant 0 : i32
    %dma_start3A_814 = tpu.memref_slice %arg8[%dma_start3A_811, %dma_start3A_812, %dma_start3A_813] : memref<2x64x768xf32, #tpu.memory_space<vmem>> -> memref<1x64x768xf32, #tpu.memory_space<vmem>>
    %dma_start3A_815 = tpu.memref_squeeze %dma_start3A_814 : memref<1x64x768xf32, #tpu.memory_space<vmem>> -> memref<64x768xf32, #tpu.memory_space<vmem>>
    %dma_start3A_816 = tpu.memref_slice %arg7[%multiple_of3A_810] : memref<19456xi32, #tpu.memory_space<vmem>> -> memref<64xi32, #tpu.memory_space<vmem>>
    %dma_start3A_817 = arith.constant 0 : i32
    %dma_start3A_818 = arith.constant 0 : i32
    %dma_start3A_819 = tpu.memref_slice %arg2[%dma_start3A_817, %dma_start3A_818] : memref<36928x768xf32, #tpu.memory_space<hbm>> -> memref<36928x768xf32, #tpu.memory_space<hbm>>
    tpu.enqueue_indirect_dma source(%dma_start3A_819 : memref<36928x768xf32, #tpu.memory_space<hbm>>) target(%dma_start3A_815 : memref<64x768xf32, #tpu.memory_space<vmem>>) offsets(%dma_start3A_816 : memref<64xi32, #tpu.memory_space<vmem>>) semaphore(%arg11 : memref<!tpu.dma_semaphore, #tpu.memory_space<semaphore_mem>>)
    %add3A_820 = arith.constant 0 : i32
    %add3A_821 = arith.addi %mul3A_23, %add3A_820 : i32
    %mul3A_822 = arith.constant 64 : i32
    %mul3A_823 = vector.broadcast %mul3A_822 : i32 to vector<16xi32>
    %mul3A_824 = arith.muli %iota3A, %mul3A_823 : vector<16xi32>
    %add3A_825 = arith.constant 16384 : i32
    %add3A_826 = arith.addi %add3A_825, %add3A_821 : i32
    %add3A_827 = vector.broadcast %add3A_826 : i32 to vector<16xi32>
    %add3A_828 = arith.addi %mul3A_824, %add3A_827 : vector<16xi32>
    %gather3A_829 = tpu.vector_load_idx %arg7[%add3A_828] : memref<19456xi32, #tpu.memory_space<vmem>>[vector<16xi32>], vector<16xi32>,
    %shift_right_logical3A_830 = arith.constant 6 : i32
    %shift_right_logical3A_831 = vector.broadcast %shift_right_logical3A_830 : i32 to vector<16xi32>
    %shift_right_logical3A_832 = arith.shrui %gather3A_829, %shift_right_logical3A_831 : vector<16xi32>
    %add3A_833 = arith.constant 0 : i32
    %add3A_834 = vector.broadcast %add3A_833 : i32 to vector<16xi32>
    %add3A_835 = arith.addi %shift_right_logical3A_832, %add3A_834 : vector<16xi32>
    %gather3A_836 = tpu.vector_load_idx %arg9[%add3A_835] : memref<4616xf32, #tpu.memory_space<vmem>>[vector<16xi32>], vector<16xf32>,
    %swap3A_837 = arith.constant 256 : index
    %swap3A_838 = tpu.vector_load %arg10[%swap3A_837] {strides = array<i32>} : memref<2312xf32, #tpu.memory_space<vmem>>, vector<16xf32>,
    tpu.vector_store %arg10[%swap3A_837], %gather3A_836 {strides = array<i32>} : memref<2312xf32, #tpu.memory_space<vmem>>, vector<16xf32>,
    %add3A_839 = arith.constant 577 : i32
    %add3A_840 = vector.broadcast %add3A_839 : i32 to vector<16xi32>
    %add3A_841 = arith.addi %shift_right_logical3A_832, %add3A_840 : vector<16xi32>
    %gather3A_842 = tpu.vector_load_idx %arg9[%add3A_841] : memref<4616xf32, #tpu.memory_space<vmem>>[vector<16xi32>], vector<16xf32>,
    %swap3A_843 = arith.constant 545 : index
    %swap3A_844 = tpu.vector_load %arg10[%swap3A_843] {strides = array<i32>} : memref<2312xf32, #tpu.memory_space<vmem>>, vector<16xf32>,
    tpu.vector_store %arg10[%swap3A_843], %gather3A_842 {strides = array<i32>} : memref<2312xf32, #tpu.memory_space<vmem>>, vector<16xf32>,
    %add3A_845 = arith.constant 1154 : i32
    %add3A_846 = vector.broadcast %add3A_845 : i32 to vector<16xi32>
    %add3A_847 = arith.addi %shift_right_logical3A_832, %add3A_846 : vector<16xi32>
    %gather3A_848 = tpu.vector_load_idx %arg9[%add3A_847] : memref<4616xf32, #tpu.memory_space<vmem>>[vector<16xi32>], vector<16xf32>,
    %swap3A_849 = arith.constant 834 : index
    %swap3A_850 = tpu.vector_load %arg10[%swap3A_849] {strides = array<i32>} : memref<2312xf32, #tpu.memory_space<vmem>>, vector<16xf32>,
    tpu.vector_store %arg10[%swap3A_849], %gather3A_848 {strides = array<i32>} : memref<2312xf32, #tpu.memory_space<vmem>>, vector<16xf32>,
    %add3A_851 = arith.constant 1731 : i32
    %add3A_852 = vector.broadcast %add3A_851 : i32 to vector<16xi32>
    %add3A_853 = arith.addi %shift_right_logical3A_832, %add3A_852 : vector<16xi32>
    %gather3A_854 = tpu.vector_load_idx %arg9[%add3A_853] : memref<4616xf32, #tpu.memory_space<vmem>>[vector<16xi32>], vector<16xf32>,
    %swap3A_855 = arith.constant 1123 : index
    %swap3A_856 = tpu.vector_load %arg10[%swap3A_855] {strides = array<i32>} : memref<2312xf32, #tpu.memory_space<vmem>>, vector<16xf32>,
    tpu.vector_store %arg10[%swap3A_855], %gather3A_854 {strides = array<i32>} : memref<2312xf32, #tpu.memory_space<vmem>>, vector<16xf32>,
    %add3A_857 = arith.constant 0 : i32
    %add3A_858 = arith.addi %mul3A_23, %add3A_857 : i32
    %mul3A_859 = arith.constant 64 : i32
    %mul3A_860 = vector.broadcast %mul3A_859 : i32 to vector<16xi32>
    %mul3A_861 = arith.muli %iota3A, %mul3A_860 : vector<16xi32>
    %add3A_862 = arith.constant 17408 : i32
    %add3A_863 = arith.addi %add3A_862, %add3A_858 : i32
    %add3A_864 = vector.broadcast %add3A_863 : i32 to vector<16xi32>
    %add3A_865 = arith.addi %mul3A_861, %add3A_864 : vector<16xi32>
    %gather3A_866 = tpu.vector_load_idx %arg7[%add3A_865] : memref<19456xi32, #tpu.memory_space<vmem>>[vector<16xi32>], vector<16xi32>,
    %shift_right_logical3A_867 = arith.constant 6 : i32
    %shift_right_logical3A_868 = vector.broadcast %shift_right_logical3A_867 : i32 to vector<16xi32>
    %shift_right_logical3A_869 = arith.shrui %gather3A_866, %shift_right_logical3A_868 : vector<16xi32>
    %add3A_870 = arith.constant 0 : i32
    %add3A_871 = vector.broadcast %add3A_870 : i32 to vector<16xi32>
    %add3A_872 = arith.addi %shift_right_logical3A_869, %add3A_871 : vector<16xi32>
    %gather3A_873 = tpu.vector_load_idx %arg9[%add3A_872] : memref<4616xf32, #tpu.memory_space<vmem>>[vector<16xi32>], vector<16xf32>,
    %swap3A_874 = arith.constant 272 : index
    %swap3A_875 = tpu.vector_load %arg10[%swap3A_874] {strides = array<i32>} : memref<2312xf32, #tpu.memory_space<vmem>>, vector<16xf32>,
    tpu.vector_store %arg10[%swap3A_874], %gather3A_873 {strides = array<i32>} : memref<2312xf32, #tpu.memory_space<vmem>>, vector<16xf32>,
    %add3A_876 = arith.constant 577 : i32
    %add3A_877 = vector.broadcast %add3A_876 : i32 to vector<16xi32>
    %add3A_878 = arith.addi %shift_right_logical3A_869, %add3A_877 : vector<16xi32>
    %gather3A_879 = tpu.vector_load_idx %arg9[%add3A_878] : memref<4616xf32, #tpu.memory_space<vmem>>[vector<16xi32>], vector<16xf32>,
    %swap3A_880 = arith.constant 561 : index
    %swap3A_881 = tpu.vector_load %arg10[%swap3A_880] {strides = array<i32>} : memref<2312xf32, #tpu.memory_space<vmem>>, vector<16xf32>,
    tpu.vector_store %arg10[%swap3A_880], %gather3A_879 {strides = array<i32>} : memref<2312xf32, #tpu.memory_space<vmem>>, vector<16xf32>,
    %add3A_882 = arith.constant 1154 : i32
    %add3A_883 = vector.broadcast %add3A_882 : i32 to vector<16xi32>
    %add3A_884 = arith.addi %shift_right_logical3A_869, %add3A_883 : vector<16xi32>
    %gather3A_885 = tpu.vector_load_idx %arg9[%add3A_884] : memref<4616xf32, #tpu.memory_space<vmem>>[vector<16xi32>], vector<16xf32>,
    %swap3A_886 = arith.constant 850 : index
    %swap3A_887 = tpu.vector_load %arg10[%swap3A_886] {strides = array<i32>} : memref<2312xf32, #tpu.memory_space<vmem>>, vector<16xf32>,
    tpu.vector_store %arg10[%swap3A_886], %gather3A_885 {strides = array<i32>} : memref<2312xf32, #tpu.memory_space<vmem>>, vector<16xf32>,
    %add3A_888 = arith.constant 1731 : i32
    %add3A_889 = vector.broadcast %add3A_888 : i32 to vector<16xi32>
    %add3A_890 = arith.addi %shift_right_logical3A_869, %add3A_889 : vector<16xi32>
    %gather3A_891 = tpu.vector_load_idx %arg9[%add3A_890] : memref<4616xf32, #tpu.memory_space<vmem>>[vector<16xi32>], vector<16xf32>,
    %swap3A_892 = arith.constant 1139 : index
    %swap3A_893 = tpu.vector_load %arg10[%swap3A_892] {strides = array<i32>} : memref<2312xf32, #tpu.memory_space<vmem>>, vector<16xf32>,
    tpu.vector_store %arg10[%swap3A_892], %gather3A_891 {strides = array<i32>} : memref<2312xf32, #tpu.memory_space<vmem>>, vector<16xf32>,
    %add3A_894 = arith.constant 0 : i32
    %add3A_895 = arith.addi %mul3A_23, %add3A_894 : i32
    %mul3A_896 = arith.constant 64 : i32
    %mul3A_897 = vector.broadcast %mul3A_896 : i32 to vector<16xi32>
    %mul3A_898 = arith.muli %iota3A, %mul3A_897 : vector<16xi32>
    %add3A_899 = arith.constant 18432 : i32
    %add3A_900 = arith.addi %add3A_899, %add3A_895 : i32
    %add3A_901 = vector.broadcast %add3A_900 : i32 to vector<16xi32>
    %add3A_902 = arith.addi %mul3A_898, %add3A_901 : vector<16xi32>
    %gather3A_903 = tpu.vector_load_idx %arg7[%add3A_902] : memref<19456xi32, #tpu.memory_space<vmem>>[vector<16xi32>], vector<16xi32>,
    %shift_right_logical3A_904 = arith.constant 6 : i32
    %shift_right_logical3A_905 = vector.broadcast %shift_right_logical3A_904 : i32 to vector<16xi32>
    %shift_right_logical3A_906 = arith.shrui %gather3A_903, %shift_right_logical3A_905 : vector<16xi32>
    %add3A_907 = arith.constant 0 : i32
    %add3A_908 = vector.broadcast %add3A_907 : i32 to vector<16xi32>
    %add3A_909 = arith.addi %shift_right_logical3A_906, %add3A_908 : vector<16xi32>
    %gather3A_910 = tpu.vector_load_idx %arg9[%add3A_909] : memref<4616xf32, #tpu.memory_space<vmem>>[vector<16xi32>], vector<16xf32>,
    %add3A_911 = arith.constant 288 : i32
    %add3A_912 = vector.broadcast %add3A_911 : i32 to vector<16xi32>
    %add3A_913 = arith.addi %iota3A, %add3A_912 : vector<16xi32>
    %min3A = arith.constant 2311 : i32
    %min3A_914 = vector.broadcast %min3A : i32 to vector<16xi32>
    %min3A_915 = arith.minsi %add3A_913, %min3A_914 : vector<16xi32>
    %lt3A = arith.constant 1 : i32
    %lt3A_916 = vector.broadcast %lt3A : i32 to vector<16xi32>
    %lt3A_917 = arith.cmpi slt, %iota3A, %lt3A_916 : vector<16xi32>
    tpu.vector_store_idx %arg10[%min3A_915], %gather3A_910 masked %lt3A_917 : memref<2312xf32, #tpu.memory_space<vmem>>[vector<16xi32>], vector<16xf32>, vector<16xi1>
    %add3A_918 = arith.constant 577 : i32
    %add3A_919 = vector.broadcast %add3A_918 : i32 to vector<16xi32>
    %add3A_920 = arith.addi %shift_right_logical3A_906, %add3A_919 : vector<16xi32>
    %gather3A_921 = tpu.vector_load_idx %arg9[%add3A_920] : memref<4616xf32, #tpu.memory_space<vmem>>[vector<16xi32>], vector<16xf32>,
    %add3A_922 = arith.constant 577 : i32
    %add3A_923 = vector.broadcast %add3A_922 : i32 to vector<16xi32>
    %add3A_924 = arith.addi %iota3A, %add3A_923 : vector<16xi32>
    %min3A_925 = arith.constant 2311 : i32
    %min3A_926 = vector.broadcast %min3A_925 : i32 to vector<16xi32>
    %min3A_927 = arith.minsi %add3A_924, %min3A_926 : vector<16xi32>
    %lt3A_928 = arith.constant 1 : i32
    %lt3A_929 = vector.broadcast %lt3A_928 : i32 to vector<16xi32>
    %lt3A_930 = arith.cmpi slt, %iota3A, %lt3A_929 : vector<16xi32>
    tpu.vector_store_idx %arg10[%min3A_927], %gather3A_921 masked %lt3A_930 : memref<2312xf32, #tpu.memory_space<vmem>>[vector<16xi32>], vector<16xf32>, vector<16xi1>
    %add3A_931 = arith.constant 1154 : i32
    %add3A_932 = vector.broadcast %add3A_931 : i32 to vector<16xi32>
    %add3A_933 = arith.addi %shift_right_logical3A_906, %add3A_932 : vector<16xi32>
    %gather3A_934 = tpu.vector_load_idx %arg9[%add3A_933] : memref<4616xf32, #tpu.memory_space<vmem>>[vector<16xi32>], vector<16xf32>,
    %add3A_935 = arith.constant 866 : i32
    %add3A_936 = vector.broadcast %add3A_935 : i32 to vector<16xi32>
    %add3A_937 = arith.addi %iota3A, %add3A_936 : vector<16xi32>
    %min3A_938 = arith.constant 2311 : i32
    %min3A_939 = vector.broadcast %min3A_938 : i32 to vector<16xi32>
    %min3A_940 = arith.minsi %add3A_937, %min3A_939 : vector<16xi32>
    %lt3A_941 = arith.constant 1 : i32
    %lt3A_942 = vector.broadcast %lt3A_941 : i32 to vector<16xi32>
    %lt3A_943 = arith.cmpi slt, %iota3A, %lt3A_942 : vector<16xi32>
    tpu.vector_store_idx %arg10[%min3A_940], %gather3A_934 masked %lt3A_943 : memref<2312xf32, #tpu.memory_space<vmem>>[vector<16xi32>], vector<16xf32>, vector<16xi1>
    %add3A_944 = arith.constant 1731 : i32
    %add3A_945 = vector.broadcast %add3A_944 : i32 to vector<16xi32>
    %add3A_946 = arith.addi %shift_right_logical3A_906, %add3A_945 : vector<16xi32>
    %gather3A_947 = tpu.vector_load_idx %arg9[%add3A_946] : memref<4616xf32, #tpu.memory_space<vmem>>[vector<16xi32>], vector<16xf32>,
    %add3A_948 = arith.constant 1155 : i32
    %add3A_949 = vector.broadcast %add3A_948 : i32 to vector<16xi32>
    %add3A_950 = arith.addi %iota3A, %add3A_949 : vector<16xi32>
    %min3A_951 = arith.constant 2311 : i32
    %min3A_952 = vector.broadcast %min3A_951 : i32 to vector<16xi32>
    %min3A_953 = arith.minsi %add3A_950, %min3A_952 : vector<16xi32>
    %lt3A_954 = arith.constant 1 : i32
    %lt3A_955 = vector.broadcast %lt3A_954 : i32 to vector<16xi32>
    %lt3A_956 = arith.cmpi slt, %iota3A, %lt3A_955 : vector<16xi32>
    tpu.vector_store_idx %arg10[%min3A_953], %gather3A_947 masked %lt3A_956 : memref<2312xf32, #tpu.memory_space<vmem>>[vector<16xi32>], vector<16xf32>, vector<16xi1>
    %add3A_957 = arith.constant 1 : i32
    %add3A_958 = arith.addi %mul3A_23, %add3A_957 : i32
    %mul3A_959 = arith.constant 64 : i32
    %mul3A_960 = vector.broadcast %mul3A_959 : i32 to vector<16xi32>
    %mul3A_961 = arith.muli %iota3A, %mul3A_960 : vector<16xi32>
    %add3A_962 = arith.constant 0 : i32
    %add3A_963 = arith.addi %add3A_962, %add3A_958 : i32
    %add3A_964 = vector.broadcast %add3A_963 : i32 to vector<16xi32>
    %add3A_965 = arith.addi %mul3A_961, %add3A_964 : vector<16xi32>
    %gather3A_966 = tpu.vector_load_idx %arg7[%add3A_965] : memref<19456xi32, #tpu.memory_space<vmem>>[vector<16xi32>], vector<16xi32>,
    %shift_right_logical3A_967 = arith.constant 6 : i32
    %shift_right_logical3A_968 = vector.broadcast %shift_right_logical3A_967 : i32 to vector<16xi32>
    %shift_right_logical3A_969 = arith.shrui %gather3A_966, %shift_right_logical3A_968 : vector<16xi32>
    %add3A_970 = arith.constant 2308 : i32
    %add3A_971 = vector.broadcast %add3A_970 : i32 to vector<16xi32>
    %add3A_972 = arith.addi %shift_right_logical3A_969, %add3A_971 : vector<16xi32>
    %gather3A_973 = tpu.vector_load_idx %arg9[%add3A_972] : memref<4616xf32, #tpu.memory_space<vmem>>[vector<16xi32>], vector<16xf32>,
    %swap3A_974 = arith.constant 1156 : index
    %swap3A_975 = tpu.vector_load %arg10[%swap3A_974] {strides = array<i32>} : memref<2312xf32, #tpu.memory_space<vmem>>, vector<16xf32>,
    tpu.vector_store %arg10[%swap3A_974], %gather3A_973 {strides = array<i32>} : memref<2312xf32, #tpu.memory_space<vmem>>, vector<16xf32>,
    %add3A_976 = arith.constant 2885 : i32
    %add3A_977 = vector.broadcast %add3A_976 : i32 to vector<16xi32>
    %add3A_978 = arith.addi %shift_right_logical3A_969, %add3A_977 : vector<16xi32>
    %gather3A_979 = tpu.vector_load_idx %arg9[%add3A_978] : memref<4616xf32, #tpu.memory_space<vmem>>[vector<16xi32>], vector<16xf32>,
    %swap3A_980 = arith.constant 1445 : index
    %swap3A_981 = tpu.vector_load %arg10[%swap3A_980] {strides = array<i32>} : memref<2312xf32, #tpu.memory_space<vmem>>, vector<16xf32>,
    tpu.vector_store %arg10[%swap3A_980], %gather3A_979 {strides = array<i32>} : memref<2312xf32, #tpu.memory_space<vmem>>, vector<16xf32>,
    %add3A_982 = arith.constant 3462 : i32
    %add3A_983 = vector.broadcast %add3A_982 : i32 to vector<16xi32>
    %add3A_984 = arith.addi %shift_right_logical3A_969, %add3A_983 : vector<16xi32>
    %gather3A_985 = tpu.vector_load_idx %arg9[%add3A_984] : memref<4616xf32, #tpu.memory_space<vmem>>[vector<16xi32>], vector<16xf32>,
    %swap3A_986 = arith.constant 1734 : index
    %swap3A_987 = tpu.vector_load %arg10[%swap3A_986] {strides = array<i32>} : memref<2312xf32, #tpu.memory_space<vmem>>, vector<16xf32>,
    tpu.vector_store %arg10[%swap3A_986], %gather3A_985 {strides = array<i32>} : memref<2312xf32, #tpu.memory_space<vmem>>, vector<16xf32>,
    %add3A_988 = arith.constant 4039 : i32
    %add3A_989 = vector.broadcast %add3A_988 : i32 to vector<16xi32>
    %add3A_990 = arith.addi %shift_right_logical3A_969, %add3A_989 : vector<16xi32>
    %gather3A_991 = tpu.vector_load_idx %arg9[%add3A_990] : memref<4616xf32, #tpu.memory_space<vmem>>[vector<16xi32>], vector<16xf32>,
    %swap3A_992 = arith.constant 2023 : index
    %swap3A_993 = tpu.vector_load %arg10[%swap3A_992] {strides = array<i32>} : memref<2312xf32, #tpu.memory_space<vmem>>, vector<16xf32>,
    tpu.vector_store %arg10[%swap3A_992], %gather3A_991 {strides = array<i32>} : memref<2312xf32, #tpu.memory_space<vmem>>, vector<16xf32>,
    %dma_wait3A_994 = arith.constant 0 : i32
    %dma_wait3A_995 = arith.constant 0 : i32
    %dma_wait3A_996 = arith.constant 0 : i32
    %dma_wait3A_997 = tpu.memref_slice %arg8[%dma_wait3A_994, %dma_wait3A_995, %dma_wait3A_996] : memref<2x64x768xf32, #tpu.memory_space<vmem>> -> memref<1x64x768xf32, #tpu.memory_space<vmem>>
    %dma_wait3A_998 = tpu.memref_squeeze %dma_wait3A_997 : memref<1x64x768xf32, #tpu.memory_space<vmem>> -> memref<64x768xf32, #tpu.memory_space<vmem>>
    %dma_wait3A_999 = tpu.memref_slice %arg7[%multiple_of3A_613] : memref<19456xi32, #tpu.memory_space<vmem>> -> memref<64xi32, #tpu.memory_space<vmem>>
    %dma_wait3A_1000 = arith.constant 0 : i32
    %dma_wait3A_1001 = arith.constant 0 : i32
    %dma_wait3A_1002 = tpu.memref_slice %arg2[%dma_wait3A_1000, %dma_wait3A_1001] : memref<36928x768xf32, #tpu.memory_space<hbm>> -> memref<36928x768xf32, #tpu.memory_space<hbm>>
    tpu.wait_indirect_dma semaphore(%arg11 : memref<!tpu.dma_semaphore, #tpu.memory_space<semaphore_mem>>) src(%dma_wait3A_1002 : memref<36928x768xf32, #tpu.memory_space<hbm>>) dst(%dma_wait3A_998 : memref<64x768xf32, #tpu.memory_space<vmem>>)
    %add3A_1003 = arith.constant 256 : i32
    %add3A_1004 = arith.addi %add3A_7, %add3A_1003 : i32
    %dma_start3A_1005 = arith.constant 0 : i32
    %dma_start3A_1006 = arith.constant 0 : i32
    %dma_start3A_1007 = arith.constant 0 : i32
    %dma_start3A_1008 = tpu.memref_slice %arg8[%dma_start3A_1005, %dma_start3A_1006, %dma_start3A_1007] : memref<2x64x768xf32, #tpu.memory_space<vmem>> -> memref<1x64x768xf32, #tpu.memory_space<vmem>>
    %dma_start3A_1009 = tpu.memref_squeeze %dma_start3A_1008 : memref<1x64x768xf32, #tpu.memory_space<vmem>> -> memref<64x768xf32, #tpu.memory_space<vmem>>
    %dma_start3A_1010 = arith.constant 0 : i32
    %dma_start3A_1011 = tpu.memref_slice %arg5[%add3A_1004, %dma_start3A_1010] : memref<18496x768xf32, #tpu.memory_space<hbm>> -> memref<64x768xf32, #tpu.memory_space<hbm>>
    %dma_start3A_1012 = arith.constant 0 : i32
    %dma_start3A_1013 = tpu.memref_slice %arg5[%add3A_1004, %dma_start3A_1012] : memref<18496x768xf32, #tpu.memory_space<hbm>> -> memref<64x768xf32, #tpu.memory_space<hbm>>
    %dma_start3A_1014 = arith.constant 0 : i32
    %dma_start3A_1015 = arith.constant 0 : i32
    %dma_start3A_1016 = tpu.memref_slice %arg8[%dma_start3A_1005, %dma_start3A_1014, %dma_start3A_1015] : memref<2x64x768xf32, #tpu.memory_space<vmem>> -> memref<1x64x768xf32, #tpu.memory_space<vmem>>
    %dma_start3A_1017 = tpu.memref_squeeze %dma_start3A_1016 : memref<1x64x768xf32, #tpu.memory_space<vmem>> -> memref<64x768xf32, #tpu.memory_space<vmem>>
    tpu.enqueue_dma source(%dma_start3A_1017 : memref<64x768xf32, #tpu.memory_space<vmem>>) target(%dma_start3A_1013 : memref<64x768xf32, #tpu.memory_space<hbm>>) target_semaphore(%arg12 : memref<!tpu.dma_semaphore, #tpu.memory_space<semaphore_mem>>)
    %dma_wait3A_1018 = arith.constant 0 : i32
    %dma_wait3A_1019 = arith.constant 0 : i32
    %dma_wait3A_1020 = arith.constant 0 : i32
    %dma_wait3A_1021 = tpu.memref_slice %arg8[%dma_wait3A_1018, %dma_wait3A_1019, %dma_wait3A_1020] : memref<2x64x768xf32, #tpu.memory_space<vmem>> -> memref<1x64x768xf32, #tpu.memory_space<vmem>>
    %dma_wait3A_1022 = tpu.memref_squeeze %dma_wait3A_1021 : memref<1x64x768xf32, #tpu.memory_space<vmem>> -> memref<64x768xf32, #tpu.memory_space<vmem>>
    %dma_wait3A_1023 = arith.constant 0 : i32
    %dma_wait3A_1024 = tpu.memref_slice %arg5[%add3A_1004, %dma_wait3A_1023] : memref<18496x768xf32, #tpu.memory_space<hbm>> -> memref<64x768xf32, #tpu.memory_space<hbm>>
    %dma_wait3A_1025 = arith.constant 0 : i32
    %dma_wait3A_1026 = tpu.memref_slice %arg5[%add3A_1004, %dma_wait3A_1025] : memref<18496x768xf32, #tpu.memory_space<hbm>> -> memref<64x768xf32, #tpu.memory_space<hbm>>
    %dma_wait3A_1027 = arith.constant 0 : i32
    %dma_wait3A_1028 = arith.constant 0 : i32
    %dma_wait3A_1029 = tpu.memref_slice %arg8[%dma_wait3A_1018, %dma_wait3A_1027, %dma_wait3A_1028] : memref<2x64x768xf32, #tpu.memory_space<vmem>> -> memref<1x64x768xf32, #tpu.memory_space<vmem>>
    %dma_wait3A_1030 = tpu.memref_squeeze %dma_wait3A_1029 : memref<1x64x768xf32, #tpu.memory_space<vmem>> -> memref<64x768xf32, #tpu.memory_space<vmem>>
    tpu.wait_dma2 semaphore(%arg12 : memref<!tpu.dma_semaphore, #tpu.memory_space<semaphore_mem>>) src(%dma_wait3A_1030 : memref<64x768xf32, #tpu.memory_space<vmem>>) dst(%dma_wait3A_1026 : memref<64x768xf32, #tpu.memory_space<hbm>>)
    %add3A_1031 = arith.constant 384 : i32
    %add3A_1032 = arith.addi %add3A_7, %add3A_1031 : i32
    %multiple_of3A_1033 = tpu.assume_multiple %add3A_1032, 8 : i32
    %dma_start3A_1034 = arith.constant 0 : i32
    %dma_start3A_1035 = arith.constant 0 : i32
    %dma_start3A_1036 = arith.constant 0 : i32
    %dma_start3A_1037 = tpu.memref_slice %arg8[%dma_start3A_1034, %dma_start3A_1035, %dma_start3A_1036] : memref<2x64x768xf32, #tpu.memory_space<vmem>> -> memref<1x64x768xf32, #tpu.memory_space<vmem>>
    %dma_start3A_1038 = tpu.memref_squeeze %dma_start3A_1037 : memref<1x64x768xf32, #tpu.memory_space<vmem>> -> memref<64x768xf32, #tpu.memory_space<vmem>>
    %dma_start3A_1039 = tpu.memref_slice %arg7[%multiple_of3A_1033] : memref<19456xi32, #tpu.memory_space<vmem>> -> memref<64xi32, #tpu.memory_space<vmem>>
    %dma_start3A_1040 = arith.constant 0 : i32
    %dma_start3A_1041 = arith.constant 0 : i32
    %dma_start3A_1042 = tpu.memref_slice %arg2[%dma_start3A_1040, %dma_start3A_1041] : memref<36928x768xf32, #tpu.memory_space<hbm>> -> memref<36928x768xf32, #tpu.memory_space<hbm>>
    tpu.enqueue_indirect_dma source(%dma_start3A_1042 : memref<36928x768xf32, #tpu.memory_space<hbm>>) target(%dma_start3A_1038 : memref<64x768xf32, #tpu.memory_space<vmem>>) offsets(%dma_start3A_1039 : memref<64xi32, #tpu.memory_space<vmem>>) semaphore(%arg11 : memref<!tpu.dma_semaphore, #tpu.memory_space<semaphore_mem>>)
    %add3A_1043 = arith.constant 1 : i32
    %add3A_1044 = arith.addi %mul3A_23, %add3A_1043 : i32
    %mul3A_1045 = arith.constant 64 : i32
    %mul3A_1046 = vector.broadcast %mul3A_1045 : i32 to vector<16xi32>
    %mul3A_1047 = arith.muli %iota3A, %mul3A_1046 : vector<16xi32>
    %add3A_1048 = arith.constant 1024 : i32
    %add3A_1049 = arith.addi %add3A_1048, %add3A_1044 : i32
    %add3A_1050 = vector.broadcast %add3A_1049 : i32 to vector<16xi32>
    %add3A_1051 = arith.addi %mul3A_1047, %add3A_1050 : vector<16xi32>
    %gather3A_1052 = tpu.vector_load_idx %arg7[%add3A_1051] : memref<19456xi32, #tpu.memory_space<vmem>>[vector<16xi32>], vector<16xi32>,
    %shift_right_logical3A_1053 = arith.constant 6 : i32
    %shift_right_logical3A_1054 = vector.broadcast %shift_right_logical3A_1053 : i32 to vector<16xi32>
    %shift_right_logical3A_1055 = arith.shrui %gather3A_1052, %shift_right_logical3A_1054 : vector<16xi32>
    %add3A_1056 = arith.constant 2308 : i32
    %add3A_1057 = vector.broadcast %add3A_1056 : i32 to vector<16xi32>
    %add3A_1058 = arith.addi %shift_right_logical3A_1055, %add3A_1057 : vector<16xi32>
    %gather3A_1059 = tpu.vector_load_idx %arg9[%add3A_1058] : memref<4616xf32, #tpu.memory_space<vmem>>[vector<16xi32>], vector<16xf32>,
    %swap3A_1060 = arith.constant 1172 : index
    %swap3A_1061 = tpu.vector_load %arg10[%swap3A_1060] {strides = array<i32>} : memref<2312xf32, #tpu.memory_space<vmem>>, vector<16xf32>,
    tpu.vector_store %arg10[%swap3A_1060], %gather3A_1059 {strides = array<i32>} : memref<2312xf32, #tpu.memory_space<vmem>>, vector<16xf32>,
    %add3A_1062 = arith.constant 2885 : i32
    %add3A_1063 = vector.broadcast %add3A_1062 : i32 to vector<16xi32>
    %add3A_1064 = arith.addi %shift_right_logical3A_1055, %add3A_1063 : vector<16xi32>
    %gather3A_1065 = tpu.vector_load_idx %arg9[%add3A_1064] : memref<4616xf32, #tpu.memory_space<vmem>>[vector<16xi32>], vector<16xf32>,
    %swap3A_1066 = arith.constant 1461 : index
    %swap3A_1067 = tpu.vector_load %arg10[%swap3A_1066] {strides = array<i32>} : memref<2312xf32, #tpu.memory_space<vmem>>, vector<16xf32>,
    tpu.vector_store %arg10[%swap3A_1066], %gather3A_1065 {strides = array<i32>} : memref<2312xf32, #tpu.memory_space<vmem>>, vector<16xf32>,
    %add3A_1068 = arith.constant 3462 : i32
    %add3A_1069 = vector.broadcast %add3A_1068 : i32 to vector<16xi32>
    %add3A_1070 = arith.addi %shift_right_logical3A_1055, %add3A_1069 : vector<16xi32>
    %gather3A_1071 = tpu.vector_load_idx %arg9[%add3A_1070] : memref<4616xf32, #tpu.memory_space<vmem>>[vector<16xi32>], vector<16xf32>,
    %swap3A_1072 = arith.constant 1750 : index
    %swap3A_1073 = tpu.vector_load %arg10[%swap3A_1072] {strides = array<i32>} : memref<2312xf32, #tpu.memory_space<vmem>>, vector<16xf32>,
    tpu.vector_store %arg10[%swap3A_1072], %gather3A_1071 {strides = array<i32>} : memref<2312xf32, #tpu.memory_space<vmem>>, vector<16xf32>,
    %add3A_1074 = arith.constant 4039 : i32
    %add3A_1075 = vector.broadcast %add3A_1074 : i32 to vector<16xi32>
    %add3A_1076 = arith.addi %shift_right_logical3A_1055, %add3A_1075 : vector<16xi32>
    %gather3A_1077 = tpu.vector_load_idx %arg9[%add3A_1076] : memref<4616xf32, #tpu.memory_space<vmem>>[vector<16xi32>], vector<16xf32>,
    %swap3A_1078 = arith.constant 2039 : index
    %swap3A_1079 = tpu.vector_load %arg10[%swap3A_1078] {strides = array<i32>} : memref<2312xf32, #tpu.memory_space<vmem>>, vector<16xf32>,
    tpu.vector_store %arg10[%swap3A_1078], %gather3A_1077 {strides = array<i32>} : memref<2312xf32, #tpu.memory_space<vmem>>, vector<16xf32>,
    %add3A_1080 = arith.constant 1 : i32
    %add3A_1081 = arith.addi %mul3A_23, %add3A_1080 : i32
    %mul3A_1082 = arith.constant 64 : i32
    %mul3A_1083 = vector.broadcast %mul3A_1082 : i32 to vector<16xi32>
    %mul3A_1084 = arith.muli %iota3A, %mul3A_1083 : vector<16xi32>
    %add3A_1085 = arith.constant 2048 : i32
    %add3A_1086 = arith.addi %add3A_1085, %add3A_1081 : i32
    %add3A_1087 = vector.broadcast %add3A_1086 : i32 to vector<16xi32>
    %add3A_1088 = arith.addi %mul3A_1084, %add3A_1087 : vector<16xi32>
    %gather3A_1089 = tpu.vector_load_idx %arg7[%add3A_1088] : memref<19456xi32, #tpu.memory_space<vmem>>[vector<16xi32>], vector<16xi32>,
    %shift_right_logical3A_1090 = arith.constant 6 : i32
    %shift_right_logical3A_1091 = vector.broadcast %shift_right_logical3A_1090 : i32 to vector<16xi32>
    %shift_right_logical3A_1092 = arith.shrui %gather3A_1089, %shift_right_logical3A_1091 : vector<16xi32>
    %add3A_1093 = arith.constant 2308 : i32
    %add3A_1094 = vector.broadcast %add3A_1093 : i32 to vector<16xi32>
    %add3A_1095 = arith.addi %shift_right_logical3A_1092, %add3A_1094 : vector<16xi32>
    %gather3A_1096 = tpu.vector_load_idx %arg9[%add3A_1095] : memref<4616xf32, #tpu.memory_space<vmem>>[vector<16xi32>], vector<16xf32>,
    %swap3A_1097 = arith.constant 1188 : index
    %swap3A_1098 = tpu.vector_load %arg10[%swap3A_1097] {strides = array<i32>} : memref<2312xf32, #tpu.memory_space<vmem>>, vector<16xf32>,
    tpu.vector_store %arg10[%swap3A_1097], %gather3A_1096 {strides = array<i32>} : memref<2312xf32, #tpu.memory_space<vmem>>, vector<16xf32>,
    %add3A_1099 = arith.constant 2885 : i32
    %add3A_1100 = vector.broadcast %add3A_1099 : i32 to vector<16xi32>
    %add3A_1101 = arith.addi %shift_right_logical3A_1092, %add3A_1100 : vector<16xi32>
    %gather3A_1102 = tpu.vector_load_idx %arg9[%add3A_1101] : memref<4616xf32, #tpu.memory_space<vmem>>[vector<16xi32>], vector<16xf32>,
    %swap3A_1103 = arith.constant 1477 : index
    %swap3A_1104 = tpu.vector_load %arg10[%swap3A_1103] {strides = array<i32>} : memref<2312xf32, #tpu.memory_space<vmem>>, vector<16xf32>,
    tpu.vector_store %arg10[%swap3A_1103], %gather3A_1102 {strides = array<i32>} : memref<2312xf32, #tpu.memory_space<vmem>>, vector<16xf32>,
    %add3A_1105 = arith.constant 3462 : i32
    %add3A_1106 = vector.broadcast %add3A_1105 : i32 to vector<16xi32>
    %add3A_1107 = arith.addi %shift_right_logical3A_1092, %add3A_1106 : vector<16xi32>
    %gather3A_1108 = tpu.vector_load_idx %arg9[%add3A_1107] : memref<4616xf32, #tpu.memory_space<vmem>>[vector<16xi32>], vector<16xf32>,
    %swap3A_1109 = arith.constant 1766 : index
    %swap3A_1110 = tpu.vector_load %arg10[%swap3A_1109] {strides = array<i32>} : memref<2312xf32, #tpu.memory_space<vmem>>, vector<16xf32>,
    tpu.vector_store %arg10[%swap3A_1109], %gather3A_1108 {strides = array<i32>} : memref<2312xf32, #tpu.memory_space<vmem>>, vector<16xf32>,
    %add3A_1111 = arith.constant 4039 : i32
    %add3A_1112 = vector.broadcast %add3A_1111 : i32 to vector<16xi32>
    %add3A_1113 = arith.addi %shift_right_logical3A_1092, %add3A_1112 : vector<16xi32>
    %gather3A_1114 = tpu.vector_load_idx %arg9[%add3A_1113] : memref<4616xf32, #tpu.memory_space<vmem>>[vector<16xi32>], vector<16xf32>,
    %swap3A_1115 = arith.constant 2055 : index
    %swap3A_1116 = tpu.vector_load %arg10[%swap3A_1115] {strides = array<i32>} : memref<2312xf32, #tpu.memory_space<vmem>>, vector<16xf32>,
    tpu.vector_store %arg10[%swap3A_1115], %gather3A_1114 {strides = array<i32>} : memref<2312xf32, #tpu.memory_space<vmem>>, vector<16xf32>,
    %add3A_1117 = arith.constant 1 : i32
    %add3A_1118 = arith.addi %mul3A_23, %add3A_1117 : i32
    %mul3A_1119 = arith.constant 64 : i32
    %mul3A_1120 = vector.broadcast %mul3A_1119 : i32 to vector<16xi32>
    %mul3A_1121 = arith.muli %iota3A, %mul3A_1120 : vector<16xi32>
    %add3A_1122 = arith.constant 3072 : i32
    %add3A_1123 = arith.addi %add3A_1122, %add3A_1118 : i32
    %add3A_1124 = vector.broadcast %add3A_1123 : i32 to vector<16xi32>
    %add3A_1125 = arith.addi %mul3A_1121, %add3A_1124 : vector<16xi32>
    %gather3A_1126 = tpu.vector_load_idx %arg7[%add3A_1125] : memref<19456xi32, #tpu.memory_space<vmem>>[vector<16xi32>], vector<16xi32>,
    %shift_right_logical3A_1127 = arith.constant 6 : i32
    %shift_right_logical3A_1128 = vector.broadcast %shift_right_logical3A_1127 : i32 to vector<16xi32>
    %shift_right_logical3A_1129 = arith.shrui %gather3A_1126, %shift_right_logical3A_1128 : vector<16xi32>
    %add3A_1130 = arith.constant 2308 : i32
    %add3A_1131 = vector.broadcast %add3A_1130 : i32 to vector<16xi32>
    %add3A_1132 = arith.addi %shift_right_logical3A_1129, %add3A_1131 : vector<16xi32>
    %gather3A_1133 = tpu.vector_load_idx %arg9[%add3A_1132] : memref<4616xf32, #tpu.memory_space<vmem>>[vector<16xi32>], vector<16xf32>,
    %swap3A_1134 = arith.constant 1204 : index
    %swap3A_1135 = tpu.vector_load %arg10[%swap3A_1134] {strides = array<i32>} : memref<2312xf32, #tpu.memory_space<vmem>>, vector<16xf32>,
    tpu.vector_store %arg10[%swap3A_1134], %gather3A_1133 {strides = array<i32>} : memref<2312xf32, #tpu.memory_space<vmem>>, vector<16xf32>,
    %add3A_1136 = arith.constant 2885 : i32
    %add3A_1137 = vector.broadcast %add3A_1136 : i32 to vector<16xi32>
    %add3A_1138 = arith.addi %shift_right_logical3A_1129, %add3A_1137 : vector<16xi32>
    %gather3A_1139 = tpu.vector_load_idx %arg9[%add3A_1138] : memref<4616xf32, #tpu.memory_space<vmem>>[vector<16xi32>], vector<16xf32>,
    %swap3A_1140 = arith.constant 1493 : index
    %swap3A_1141 = tpu.vector_load %arg10[%swap3A_1140] {strides = array<i32>} : memref<2312xf32, #tpu.memory_space<vmem>>, vector<16xf32>,
    tpu.vector_store %arg10[%swap3A_1140], %gather3A_1139 {strides = array<i32>} : memref<2312xf32, #tpu.memory_space<vmem>>, vector<16xf32>,
    %add3A_1142 = arith.constant 3462 : i32
    %add3A_1143 = vector.broadcast %add3A_1142 : i32 to vector<16xi32>
    %add3A_1144 = arith.addi %shift_right_logical3A_1129, %add3A_1143 : vector<16xi32>
    %gather3A_1145 = tpu.vector_load_idx %arg9[%add3A_1144] : memref<4616xf32, #tpu.memory_space<vmem>>[vector<16xi32>], vector<16xf32>,
    %swap3A_1146 = arith.constant 1782 : index
    %swap3A_1147 = tpu.vector_load %arg10[%swap3A_1146] {strides = array<i32>} : memref<2312xf32, #tpu.memory_space<vmem>>, vector<16xf32>,
    tpu.vector_store %arg10[%swap3A_1146], %gather3A_1145 {strides = array<i32>} : memref<2312xf32, #tpu.memory_space<vmem>>, vector<16xf32>,
    %add3A_1148 = arith.constant 4039 : i32
    %add3A_1149 = vector.broadcast %add3A_1148 : i32 to vector<16xi32>
    %add3A_1150 = arith.addi %shift_right_logical3A_1129, %add3A_1149 : vector<16xi32>
    %gather3A_1151 = tpu.vector_load_idx %arg9[%add3A_1150] : memref<4616xf32, #tpu.memory_space<vmem>>[vector<16xi32>], vector<16xf32>,
    %swap3A_1152 = arith.constant 2071 : index
    %swap3A_1153 = tpu.vector_load %arg10[%swap3A_1152] {strides = array<i32>} : memref<2312xf32, #tpu.memory_space<vmem>>, vector<16xf32>,
    tpu.vector_store %arg10[%swap3A_1152], %gather3A_1151 {strides = array<i32>} : memref<2312xf32, #tpu.memory_space<vmem>>, vector<16xf32>,
    %add3A_1154 = arith.constant 1 : i32
    %add3A_1155 = arith.addi %mul3A_23, %add3A_1154 : i32
    %mul3A_1156 = arith.constant 64 : i32
    %mul3A_1157 = vector.broadcast %mul3A_1156 : i32 to vector<16xi32>
    %mul3A_1158 = arith.muli %iota3A, %mul3A_1157 : vector<16xi32>
    %add3A_1159 = arith.constant 4096 : i32
    %add3A_1160 = arith.addi %add3A_1159, %add3A_1155 : i32
    %add3A_1161 = vector.broadcast %add3A_1160 : i32 to vector<16xi32>
    %add3A_1162 = arith.addi %mul3A_1158, %add3A_1161 : vector<16xi32>
    %gather3A_1163 = tpu.vector_load_idx %arg7[%add3A_1162] : memref<19456xi32, #tpu.memory_space<vmem>>[vector<16xi32>], vector<16xi32>,
    %shift_right_logical3A_1164 = arith.constant 6 : i32
    %shift_right_logical3A_1165 = vector.broadcast %shift_right_logical3A_1164 : i32 to vector<16xi32>
    %shift_right_logical3A_1166 = arith.shrui %gather3A_1163, %shift_right_logical3A_1165 : vector<16xi32>
    %add3A_1167 = arith.constant 2308 : i32
    %add3A_1168 = vector.broadcast %add3A_1167 : i32 to vector<16xi32>
    %add3A_1169 = arith.addi %shift_right_logical3A_1166, %add3A_1168 : vector<16xi32>
    %gather3A_1170 = tpu.vector_load_idx %arg9[%add3A_1169] : memref<4616xf32, #tpu.memory_space<vmem>>[vector<16xi32>], vector<16xf32>,
    %swap3A_1171 = arith.constant 1220 : index
    %swap3A_1172 = tpu.vector_load %arg10[%swap3A_1171] {strides = array<i32>} : memref<2312xf32, #tpu.memory_space<vmem>>, vector<16xf32>,
    tpu.vector_store %arg10[%swap3A_1171], %gather3A_1170 {strides = array<i32>} : memref<2312xf32, #tpu.memory_space<vmem>>, vector<16xf32>,
    %add3A_1173 = arith.constant 2885 : i32
    %add3A_1174 = vector.broadcast %add3A_1173 : i32 to vector<16xi32>
    %add3A_1175 = arith.addi %shift_right_logical3A_1166, %add3A_1174 : vector<16xi32>
    %gather3A_1176 = tpu.vector_load_idx %arg9[%add3A_1175] : memref<4616xf32, #tpu.memory_space<vmem>>[vector<16xi32>], vector<16xf32>,
    %swap3A_1177 = arith.constant 1509 : index
    %swap3A_1178 = tpu.vector_load %arg10[%swap3A_1177] {strides = array<i32>} : memref<2312xf32, #tpu.memory_space<vmem>>, vector<16xf32>,
    tpu.vector_store %arg10[%swap3A_1177], %gather3A_1176 {strides = array<i32>} : memref<2312xf32, #tpu.memory_space<vmem>>, vector<16xf32>,
    %add3A_1179 = arith.constant 3462 : i32
    %add3A_1180 = vector.broadcast %add3A_1179 : i32 to vector<16xi32>
    %add3A_1181 = arith.addi %shift_right_logical3A_1166, %add3A_1180 : vector<16xi32>
    %gather3A_1182 = tpu.vector_load_idx %arg9[%add3A_1181] : memref<4616xf32, #tpu.memory_space<vmem>>[vector<16xi32>], vector<16xf32>,
    %swap3A_1183 = arith.constant 1798 : index
    %swap3A_1184 = tpu.vector_load %arg10[%swap3A_1183] {strides = array<i32>} : memref<2312xf32, #tpu.memory_space<vmem>>, vector<16xf32>,
    tpu.vector_store %arg10[%swap3A_1183], %gather3A_1182 {strides = array<i32>} : memref<2312xf32, #tpu.memory_space<vmem>>, vector<16xf32>,
    %add3A_1185 = arith.constant 4039 : i32
    %add3A_1186 = vector.broadcast %add3A_1185 : i32 to vector<16xi32>
    %add3A_1187 = arith.addi %shift_right_logical3A_1166, %add3A_1186 : vector<16xi32>
    %gather3A_1188 = tpu.vector_load_idx %arg9[%add3A_1187] : memref<4616xf32, #tpu.memory_space<vmem>>[vector<16xi32>], vector<16xf32>,
    %swap3A_1189 = arith.constant 2087 : index
    %swap3A_1190 = tpu.vector_load %arg10[%swap3A_1189] {strides = array<i32>} : memref<2312xf32, #tpu.memory_space<vmem>>, vector<16xf32>,
    tpu.vector_store %arg10[%swap3A_1189], %gather3A_1188 {strides = array<i32>} : memref<2312xf32, #tpu.memory_space<vmem>>, vector<16xf32>,
    %dma_wait3A_1191 = arith.constant 1 : i32
    %dma_wait3A_1192 = arith.constant 0 : i32
    %dma_wait3A_1193 = arith.constant 0 : i32
    %dma_wait3A_1194 = tpu.memref_slice %arg8[%dma_wait3A_1191, %dma_wait3A_1192, %dma_wait3A_1193] : memref<2x64x768xf32, #tpu.memory_space<vmem>> -> memref<1x64x768xf32, #tpu.memory_space<vmem>>
    %dma_wait3A_1195 = tpu.memref_squeeze %dma_wait3A_1194 : memref<1x64x768xf32, #tpu.memory_space<vmem>> -> memref<64x768xf32, #tpu.memory_space<vmem>>
    %dma_wait3A_1196 = tpu.memref_slice %arg7[%multiple_of3A_810] : memref<19456xi32, #tpu.memory_space<vmem>> -> memref<64xi32, #tpu.memory_space<vmem>>
    %dma_wait3A_1197 = arith.constant 0 : i32
    %dma_wait3A_1198 = arith.constant 0 : i32
    %dma_wait3A_1199 = tpu.memref_slice %arg2[%dma_wait3A_1197, %dma_wait3A_1198] : memref<36928x768xf32, #tpu.memory_space<hbm>> -> memref<36928x768xf32, #tpu.memory_space<hbm>>
    tpu.wait_indirect_dma semaphore(%arg11 : memref<!tpu.dma_semaphore, #tpu.memory_space<semaphore_mem>>) src(%dma_wait3A_1199 : memref<36928x768xf32, #tpu.memory_space<hbm>>) dst(%dma_wait3A_1195 : memref<64x768xf32, #tpu.memory_space<vmem>>)
    %add3A_1200 = arith.constant 320 : i32
    %add3A_1201 = arith.addi %add3A_7, %add3A_1200 : i32
    %dma_start3A_1202 = arith.constant 1 : i32
    %dma_start3A_1203 = arith.constant 0 : i32
    %dma_start3A_1204 = arith.constant 0 : i32
    %dma_start3A_1205 = tpu.memref_slice %arg8[%dma_start3A_1202, %dma_start3A_1203, %dma_start3A_1204] : memref<2x64x768xf32, #tpu.memory_space<vmem>> -> memref<1x64x768xf32, #tpu.memory_space<vmem>>
    %dma_start3A_1206 = tpu.memref_squeeze %dma_start3A_1205 : memref<1x64x768xf32, #tpu.memory_space<vmem>> -> memref<64x768xf32, #tpu.memory_space<vmem>>
    %dma_start3A_1207 = arith.constant 0 : i32
    %dma_start3A_1208 = tpu.memref_slice %arg5[%add3A_1201, %dma_start3A_1207] : memref<18496x768xf32, #tpu.memory_space<hbm>> -> memref<64x768xf32, #tpu.memory_space<hbm>>
    %dma_start3A_1209 = arith.constant 0 : i32
    %dma_start3A_1210 = tpu.memref_slice %arg5[%add3A_1201, %dma_start3A_1209] : memref<18496x768xf32, #tpu.memory_space<hbm>> -> memref<64x768xf32, #tpu.memory_space<hbm>>
    %dma_start3A_1211 = arith.constant 0 : i32
    %dma_start3A_1212 = arith.constant 0 : i32
    %dma_start3A_1213 = tpu.memref_slice %arg8[%dma_start3A_1202, %dma_start3A_1211, %dma_start3A_1212] : memref<2x64x768xf32, #tpu.memory_space<vmem>> -> memref<1x64x768xf32, #tpu.memory_space<vmem>>
    %dma_start3A_1214 = tpu.memref_squeeze %dma_start3A_1213 : memref<1x64x768xf32, #tpu.memory_space<vmem>> -> memref<64x768xf32, #tpu.memory_space<vmem>>
    tpu.enqueue_dma source(%dma_start3A_1214 : memref<64x768xf32, #tpu.memory_space<vmem>>) target(%dma_start3A_1210 : memref<64x768xf32, #tpu.memory_space<hbm>>) target_semaphore(%arg13 : memref<!tpu.dma_semaphore, #tpu.memory_space<semaphore_mem>>)
    %dma_wait3A_1215 = arith.constant 1 : i32
    %dma_wait3A_1216 = arith.constant 0 : i32
    %dma_wait3A_1217 = arith.constant 0 : i32
    %dma_wait3A_1218 = tpu.memref_slice %arg8[%dma_wait3A_1215, %dma_wait3A_1216, %dma_wait3A_1217] : memref<2x64x768xf32, #tpu.memory_space<vmem>> -> memref<1x64x768xf32, #tpu.memory_space<vmem>>
    %dma_wait3A_1219 = tpu.memref_squeeze %dma_wait3A_1218 : memref<1x64x768xf32, #tpu.memory_space<vmem>> -> memref<64x768xf32, #tpu.memory_space<vmem>>
    %dma_wait3A_1220 = arith.constant 0 : i32
    %dma_wait3A_1221 = tpu.memref_slice %arg5[%add3A_1201, %dma_wait3A_1220] : memref<18496x768xf32, #tpu.memory_space<hbm>> -> memref<64x768xf32, #tpu.memory_space<hbm>>
    %dma_wait3A_1222 = arith.constant 0 : i32
    %dma_wait3A_1223 = tpu.memref_slice %arg5[%add3A_1201, %dma_wait3A_1222] : memref<18496x768xf32, #tpu.memory_space<hbm>> -> memref<64x768xf32, #tpu.memory_space<hbm>>
    %dma_wait3A_1224 = arith.constant 0 : i32
    %dma_wait3A_1225 = arith.constant 0 : i32
    %dma_wait3A_1226 = tpu.memref_slice %arg8[%dma_wait3A_1215, %dma_wait3A_1224, %dma_wait3A_1225] : memref<2x64x768xf32, #tpu.memory_space<vmem>> -> memref<1x64x768xf32, #tpu.memory_space<vmem>>
    %dma_wait3A_1227 = tpu.memref_squeeze %dma_wait3A_1226 : memref<1x64x768xf32, #tpu.memory_space<vmem>> -> memref<64x768xf32, #tpu.memory_space<vmem>>
    tpu.wait_dma2 semaphore(%arg13 : memref<!tpu.dma_semaphore, #tpu.memory_space<semaphore_mem>>) src(%dma_wait3A_1227 : memref<64x768xf32, #tpu.memory_space<vmem>>) dst(%dma_wait3A_1223 : memref<64x768xf32, #tpu.memory_space<hbm>>)
    %add3A_1228 = arith.constant 448 : i32
    %add3A_1229 = arith.addi %add3A_7, %add3A_1228 : i32
    %multiple_of3A_1230 = tpu.assume_multiple %add3A_1229, 8 : i32
    %dma_start3A_1231 = arith.constant 1 : i32
    %dma_start3A_1232 = arith.constant 0 : i32
    %dma_start3A_1233 = arith.constant 0 : i32
    %dma_start3A_1234 = tpu.memref_slice %arg8[%dma_start3A_1231, %dma_start3A_1232, %dma_start3A_1233] : memref<2x64x768xf32, #tpu.memory_space<vmem>> -> memref<1x64x768xf32, #tpu.memory_space<vmem>>
    %dma_start3A_1235 = tpu.memref_squeeze %dma_start3A_1234 : memref<1x64x768xf32, #tpu.memory_space<vmem>> -> memref<64x768xf32, #tpu.memory_space<vmem>>
    %dma_start3A_1236 = tpu.memref_slice %arg7[%multiple_of3A_1230] : memref<19456xi32, #tpu.memory_space<vmem>> -> memref<64xi32, #tpu.memory_space<vmem>>
    %dma_start3A_1237 = arith.constant 0 : i32
    %dma_start3A_1238 = arith.constant 0 : i32
    %dma_start3A_1239 = tpu.memref_slice %arg2[%dma_start3A_1237, %dma_start3A_1238] : memref<36928x768xf32, #tpu.memory_space<hbm>> -> memref<36928x768xf32, #tpu.memory_space<hbm>>
    tpu.enqueue_indirect_dma source(%dma_start3A_1239 : memref<36928x768xf32, #tpu.memory_space<hbm>>) target(%dma_start3A_1235 : memref<64x768xf32, #tpu.memory_space<vmem>>) offsets(%dma_start3A_1236 : memref<64xi32, #tpu.memory_space<vmem>>) semaphore(%arg11 : memref<!tpu.dma_semaphore, #tpu.memory_space<semaphore_mem>>)
    %add3A_1240 = arith.constant 1 : i32
    %add3A_1241 = arith.addi %mul3A_23, %add3A_1240 : i32
    %mul3A_1242 = arith.constant 64 : i32
    %mul3A_1243 = vector.broadcast %mul3A_1242 : i32 to vector<16xi32>
    %mul3A_1244 = arith.muli %iota3A, %mul3A_1243 : vector<16xi32>
    %add3A_1245 = arith.constant 5120 : i32
    %add3A_1246 = arith.addi %add3A_1245, %add3A_1241 : i32
    %add3A_1247 = vector.broadcast %add3A_1246 : i32 to vector<16xi32>
    %add3A_1248 = arith.addi %mul3A_1244, %add3A_1247 : vector<16xi32>
    %gather3A_1249 = tpu.vector_load_idx %arg7[%add3A_1248] : memref<19456xi32, #tpu.memory_space<vmem>>[vector<16xi32>], vector<16xi32>,
    %shift_right_logical3A_1250 = arith.constant 6 : i32
    %shift_right_logical3A_1251 = vector.broadcast %shift_right_logical3A_1250 : i32 to vector<16xi32>
    %shift_right_logical3A_1252 = arith.shrui %gather3A_1249, %shift_right_logical3A_1251 : vector<16xi32>
    %add3A_1253 = arith.constant 2308 : i32
    %add3A_1254 = vector.broadcast %add3A_1253 : i32 to vector<16xi32>
    %add3A_1255 = arith.addi %shift_right_logical3A_1252, %add3A_1254 : vector<16xi32>
    %gather3A_1256 = tpu.vector_load_idx %arg9[%add3A_1255] : memref<4616xf32, #tpu.memory_space<vmem>>[vector<16xi32>], vector<16xf32>,
    %swap3A_1257 = arith.constant 1236 : index
    %swap3A_1258 = tpu.vector_load %arg10[%swap3A_1257] {strides = array<i32>} : memref<2312xf32, #tpu.memory_space<vmem>>, vector<16xf32>,
    tpu.vector_store %arg10[%swap3A_1257], %gather3A_1256 {strides = array<i32>} : memref<2312xf32, #tpu.memory_space<vmem>>, vector<16xf32>,
    %add3A_1259 = arith.constant 2885 : i32
    %add3A_1260 = vector.broadcast %add3A_1259 : i32 to vector<16xi32>
    %add3A_1261 = arith.addi %shift_right_logical3A_1252, %add3A_1260 : vector<16xi32>
    %gather3A_1262 = tpu.vector_load_idx %arg9[%add3A_1261] : memref<4616xf32, #tpu.memory_space<vmem>>[vector<16xi32>], vector<16xf32>,
    %swap3A_1263 = arith.constant 1525 : index
    %swap3A_1264 = tpu.vector_load %arg10[%swap3A_1263] {strides = array<i32>} : memref<2312xf32, #tpu.memory_space<vmem>>, vector<16xf32>,
    tpu.vector_store %arg10[%swap3A_1263], %gather3A_1262 {strides = array<i32>} : memref<2312xf32, #tpu.memory_space<vmem>>, vector<16xf32>,
    %add3A_1265 = arith.constant 3462 : i32
    %add3A_1266 = vector.broadcast %add3A_1265 : i32 to vector<16xi32>
    %add3A_1267 = arith.addi %shift_right_logical3A_1252, %add3A_1266 : vector<16xi32>
    %gather3A_1268 = tpu.vector_load_idx %arg9[%add3A_1267] : memref<4616xf32, #tpu.memory_space<vmem>>[vector<16xi32>], vector<16xf32>,
    %swap3A_1269 = arith.constant 1814 : index
    %swap3A_1270 = tpu.vector_load %arg10[%swap3A_1269] {strides = array<i32>} : memref<2312xf32, #tpu.memory_space<vmem>>, vector<16xf32>,
    tpu.vector_store %arg10[%swap3A_1269], %gather3A_1268 {strides = array<i32>} : memref<2312xf32, #tpu.memory_space<vmem>>, vector<16xf32>,
    %add3A_1271 = arith.constant 4039 : i32
    %add3A_1272 = vector.broadcast %add3A_1271 : i32 to vector<16xi32>
    %add3A_1273 = arith.addi %shift_right_logical3A_1252, %add3A_1272 : vector<16xi32>
    %gather3A_1274 = tpu.vector_load_idx %arg9[%add3A_1273] : memref<4616xf32, #tpu.memory_space<vmem>>[vector<16xi32>], vector<16xf32>,
    %swap3A_1275 = arith.constant 2103 : index
    %swap3A_1276 = tpu.vector_load %arg10[%swap3A_1275] {strides = array<i32>} : memref<2312xf32, #tpu.memory_space<vmem>>, vector<16xf32>,
    tpu.vector_store %arg10[%swap3A_1275], %gather3A_1274 {strides = array<i32>} : memref<2312xf32, #tpu.memory_space<vmem>>, vector<16xf32>,
    %add3A_1277 = arith.constant 1 : i32
    %add3A_1278 = arith.addi %mul3A_23, %add3A_1277 : i32
    %mul3A_1279 = arith.constant 64 : i32
    %mul3A_1280 = vector.broadcast %mul3A_1279 : i32 to vector<16xi32>
    %mul3A_1281 = arith.muli %iota3A, %mul3A_1280 : vector<16xi32>
    %add3A_1282 = arith.constant 6144 : i32
    %add3A_1283 = arith.addi %add3A_1282, %add3A_1278 : i32
    %add3A_1284 = vector.broadcast %add3A_1283 : i32 to vector<16xi32>
    %add3A_1285 = arith.addi %mul3A_1281, %add3A_1284 : vector<16xi32>
    %gather3A_1286 = tpu.vector_load_idx %arg7[%add3A_1285] : memref<19456xi32, #tpu.memory_space<vmem>>[vector<16xi32>], vector<16xi32>,
    %shift_right_logical3A_1287 = arith.constant 6 : i32
    %shift_right_logical3A_1288 = vector.broadcast %shift_right_logical3A_1287 : i32 to vector<16xi32>
    %shift_right_logical3A_1289 = arith.shrui %gather3A_1286, %shift_right_logical3A_1288 : vector<16xi32>
    %add3A_1290 = arith.constant 2308 : i32
    %add3A_1291 = vector.broadcast %add3A_1290 : i32 to vector<16xi32>
    %add3A_1292 = arith.addi %shift_right_logical3A_1289, %add3A_1291 : vector<16xi32>
    %gather3A_1293 = tpu.vector_load_idx %arg9[%add3A_1292] : memref<4616xf32, #tpu.memory_space<vmem>>[vector<16xi32>], vector<16xf32>,
    %swap3A_1294 = arith.constant 1252 : index
    %swap3A_1295 = tpu.vector_load %arg10[%swap3A_1294] {strides = array<i32>} : memref<2312xf32, #tpu.memory_space<vmem>>, vector<16xf32>,
    tpu.vector_store %arg10[%swap3A_1294], %gather3A_1293 {strides = array<i32>} : memref<2312xf32, #tpu.memory_space<vmem>>, vector<16xf32>,
    %add3A_1296 = arith.constant 2885 : i32
    %add3A_1297 = vector.broadcast %add3A_1296 : i32 to vector<16xi32>
    %add3A_1298 = arith.addi %shift_right_logical3A_1289, %add3A_1297 : vector<16xi32>
    %gather3A_1299 = tpu.vector_load_idx %arg9[%add3A_1298] : memref<4616xf32, #tpu.memory_space<vmem>>[vector<16xi32>], vector<16xf32>,
    %swap3A_1300 = arith.constant 1541 : index
    %swap3A_1301 = tpu.vector_load %arg10[%swap3A_1300] {strides = array<i32>} : memref<2312xf32, #tpu.memory_space<vmem>>, vector<16xf32>,
    tpu.vector_store %arg10[%swap3A_1300], %gather3A_1299 {strides = array<i32>} : memref<2312xf32, #tpu.memory_space<vmem>>, vector<16xf32>,
    %add3A_1302 = arith.constant 3462 : i32
    %add3A_1303 = vector.broadcast %add3A_1302 : i32 to vector<16xi32>
    %add3A_1304 = arith.addi %shift_right_logical3A_1289, %add3A_1303 : vector<16xi32>
    %gather3A_1305 = tpu.vector_load_idx %arg9[%add3A_1304] : memref<4616xf32, #tpu.memory_space<vmem>>[vector<16xi32>], vector<16xf32>,
    %swap3A_1306 = arith.constant 1830 : index
    %swap3A_1307 = tpu.vector_load %arg10[%swap3A_1306] {strides = array<i32>} : memref<2312xf32, #tpu.memory_space<vmem>>, vector<16xf32>,
    tpu.vector_store %arg10[%swap3A_1306], %gather3A_1305 {strides = array<i32>} : memref<2312xf32, #tpu.memory_space<vmem>>, vector<16xf32>,
    %add3A_1308 = arith.constant 4039 : i32
    %add3A_1309 = vector.broadcast %add3A_1308 : i32 to vector<16xi32>
    %add3A_1310 = arith.addi %shift_right_logical3A_1289, %add3A_1309 : vector<16xi32>
    %gather3A_1311 = tpu.vector_load_idx %arg9[%add3A_1310] : memref<4616xf32, #tpu.memory_space<vmem>>[vector<16xi32>], vector<16xf32>,
    %swap3A_1312 = arith.constant 2119 : index
    %swap3A_1313 = tpu.vector_load %arg10[%swap3A_1312] {strides = array<i32>} : memref<2312xf32, #tpu.memory_space<vmem>>, vector<16xf32>,
    tpu.vector_store %arg10[%swap3A_1312], %gather3A_1311 {strides = array<i32>} : memref<2312xf32, #tpu.memory_space<vmem>>, vector<16xf32>,
    %add3A_1314 = arith.constant 1 : i32
    %add3A_1315 = arith.addi %mul3A_23, %add3A_1314 : i32
    %mul3A_1316 = arith.constant 64 : i32
    %mul3A_1317 = vector.broadcast %mul3A_1316 : i32 to vector<16xi32>
    %mul3A_1318 = arith.muli %iota3A, %mul3A_1317 : vector<16xi32>
    %add3A_1319 = arith.constant 7168 : i32
    %add3A_1320 = arith.addi %add3A_1319, %add3A_1315 : i32
    %add3A_1321 = vector.broadcast %add3A_1320 : i32 to vector<16xi32>
    %add3A_1322 = arith.addi %mul3A_1318, %add3A_1321 : vector<16xi32>
    %gather3A_1323 = tpu.vector_load_idx %arg7[%add3A_1322] : memref<19456xi32, #tpu.memory_space<vmem>>[vector<16xi32>], vector<16xi32>,
    %shift_right_logical3A_1324 = arith.constant 6 : i32
    %shift_right_logical3A_1325 = vector.broadcast %shift_right_logical3A_1324 : i32 to vector<16xi32>
    %shift_right_logical3A_1326 = arith.shrui %gather3A_1323, %shift_right_logical3A_1325 : vector<16xi32>
    %add3A_1327 = arith.constant 2308 : i32
    %add3A_1328 = vector.broadcast %add3A_1327 : i32 to vector<16xi32>
    %add3A_1329 = arith.addi %shift_right_logical3A_1326, %add3A_1328 : vector<16xi32>
    %gather3A_1330 = tpu.vector_load_idx %arg9[%add3A_1329] : memref<4616xf32, #tpu.memory_space<vmem>>[vector<16xi32>], vector<16xf32>,
    %swap3A_1331 = arith.constant 1268 : index
    %swap3A_1332 = tpu.vector_load %arg10[%swap3A_1331] {strides = array<i32>} : memref<2312xf32, #tpu.memory_space<vmem>>, vector<16xf32>,
    tpu.vector_store %arg10[%swap3A_1331], %gather3A_1330 {strides = array<i32>} : memref<2312xf32, #tpu.memory_space<vmem>>, vector<16xf32>,
    %add3A_1333 = arith.constant 2885 : i32
    %add3A_1334 = vector.broadcast %add3A_1333 : i32 to vector<16xi32>
    %add3A_1335 = arith.addi %shift_right_logical3A_1326, %add3A_1334 : vector<16xi32>
    %gather3A_1336 = tpu.vector_load_idx %arg9[%add3A_1335] : memref<4616xf32, #tpu.memory_space<vmem>>[vector<16xi32>], vector<16xf32>,
    %swap3A_1337 = arith.constant 1557 : index
    %swap3A_1338 = tpu.vector_load %arg10[%swap3A_1337] {strides = array<i32>} : memref<2312xf32, #tpu.memory_space<vmem>>, vector<16xf32>,
    tpu.vector_store %arg10[%swap3A_1337], %gather3A_1336 {strides = array<i32>} : memref<2312xf32, #tpu.memory_space<vmem>>, vector<16xf32>,
    %add3A_1339 = arith.constant 3462 : i32
    %add3A_1340 = vector.broadcast %add3A_1339 : i32 to vector<16xi32>
    %add3A_1341 = arith.addi %shift_right_logical3A_1326, %add3A_1340 : vector<16xi32>
    %gather3A_1342 = tpu.vector_load_idx %arg9[%add3A_1341] : memref<4616xf32, #tpu.memory_space<vmem>>[vector<16xi32>], vector<16xf32>,
    %swap3A_1343 = arith.constant 1846 : index
    %swap3A_1344 = tpu.vector_load %arg10[%swap3A_1343] {strides = array<i32>} : memref<2312xf32, #tpu.memory_space<vmem>>, vector<16xf32>,
    tpu.vector_store %arg10[%swap3A_1343], %gather3A_1342 {strides = array<i32>} : memref<2312xf32, #tpu.memory_space<vmem>>, vector<16xf32>,
    %add3A_1345 = arith.constant 4039 : i32
    %add3A_1346 = vector.broadcast %add3A_1345 : i32 to vector<16xi32>
    %add3A_1347 = arith.addi %shift_right_logical3A_1326, %add3A_1346 : vector<16xi32>
    %gather3A_1348 = tpu.vector_load_idx %arg9[%add3A_1347] : memref<4616xf32, #tpu.memory_space<vmem>>[vector<16xi32>], vector<16xf32>,
    %swap3A_1349 = arith.constant 2135 : index
    %swap3A_1350 = tpu.vector_load %arg10[%swap3A_1349] {strides = array<i32>} : memref<2312xf32, #tpu.memory_space<vmem>>, vector<16xf32>,
    tpu.vector_store %arg10[%swap3A_1349], %gather3A_1348 {strides = array<i32>} : memref<2312xf32, #tpu.memory_space<vmem>>, vector<16xf32>,
    %add3A_1351 = arith.constant 1 : i32
    %add3A_1352 = arith.addi %mul3A_23, %add3A_1351 : i32
    %mul3A_1353 = arith.constant 64 : i32
    %mul3A_1354 = vector.broadcast %mul3A_1353 : i32 to vector<16xi32>
    %mul3A_1355 = arith.muli %iota3A, %mul3A_1354 : vector<16xi32>
    %add3A_1356 = arith.constant 8192 : i32
    %add3A_1357 = arith.addi %add3A_1356, %add3A_1352 : i32
    %add3A_1358 = vector.broadcast %add3A_1357 : i32 to vector<16xi32>
    %add3A_1359 = arith.addi %mul3A_1355, %add3A_1358 : vector<16xi32>
    %gather3A_1360 = tpu.vector_load_idx %arg7[%add3A_1359] : memref<19456xi32, #tpu.memory_space<vmem>>[vector<16xi32>], vector<16xi32>,
    %shift_right_logical3A_1361 = arith.constant 6 : i32
    %shift_right_logical3A_1362 = vector.broadcast %shift_right_logical3A_1361 : i32 to vector<16xi32>
    %shift_right_logical3A_1363 = arith.shrui %gather3A_1360, %shift_right_logical3A_1362 : vector<16xi32>
    %add3A_1364 = arith.constant 2308 : i32
    %add3A_1365 = vector.broadcast %add3A_1364 : i32 to vector<16xi32>
    %add3A_1366 = arith.addi %shift_right_logical3A_1363, %add3A_1365 : vector<16xi32>
    %gather3A_1367 = tpu.vector_load_idx %arg9[%add3A_1366] : memref<4616xf32, #tpu.memory_space<vmem>>[vector<16xi32>], vector<16xf32>,
    %swap3A_1368 = arith.constant 1284 : index
    %swap3A_1369 = tpu.vector_load %arg10[%swap3A_1368] {strides = array<i32>} : memref<2312xf32, #tpu.memory_space<vmem>>, vector<16xf32>,
    tpu.vector_store %arg10[%swap3A_1368], %gather3A_1367 {strides = array<i32>} : memref<2312xf32, #tpu.memory_space<vmem>>, vector<16xf32>,
    %add3A_1370 = arith.constant 2885 : i32
    %add3A_1371 = vector.broadcast %add3A_1370 : i32 to vector<16xi32>
    %add3A_1372 = arith.addi %shift_right_logical3A_1363, %add3A_1371 : vector<16xi32>
    %gather3A_1373 = tpu.vector_load_idx %arg9[%add3A_1372] : memref<4616xf32, #tpu.memory_space<vmem>>[vector<16xi32>], vector<16xf32>,
    %swap3A_1374 = arith.constant 1573 : index
    %swap3A_1375 = tpu.vector_load %arg10[%swap3A_1374] {strides = array<i32>} : memref<2312xf32, #tpu.memory_space<vmem>>, vector<16xf32>,
    tpu.vector_store %arg10[%swap3A_1374], %gather3A_1373 {strides = array<i32>} : memref<2312xf32, #tpu.memory_space<vmem>>, vector<16xf32>,
    %add3A_1376 = arith.constant 3462 : i32
    %add3A_1377 = vector.broadcast %add3A_1376 : i32 to vector<16xi32>
    %add3A_1378 = arith.addi %shift_right_logical3A_1363, %add3A_1377 : vector<16xi32>
    %gather3A_1379 = tpu.vector_load_idx %arg9[%add3A_1378] : memref<4616xf32, #tpu.memory_space<vmem>>[vector<16xi32>], vector<16xf32>,
    %swap3A_1380 = arith.constant 1862 : index
    %swap3A_1381 = tpu.vector_load %arg10[%swap3A_1380] {strides = array<i32>} : memref<2312xf32, #tpu.memory_space<vmem>>, vector<16xf32>,
    tpu.vector_store %arg10[%swap3A_1380], %gather3A_1379 {strides = array<i32>} : memref<2312xf32, #tpu.memory_space<vmem>>, vector<16xf32>,
    %add3A_1382 = arith.constant 4039 : i32
    %add3A_1383 = vector.broadcast %add3A_1382 : i32 to vector<16xi32>
    %add3A_1384 = arith.addi %shift_right_logical3A_1363, %add3A_1383 : vector<16xi32>
    %gather3A_1385 = tpu.vector_load_idx %arg9[%add3A_1384] : memref<4616xf32, #tpu.memory_space<vmem>>[vector<16xi32>], vector<16xf32>,
    %swap3A_1386 = arith.constant 2151 : index
    %swap3A_1387 = tpu.vector_load %arg10[%swap3A_1386] {strides = array<i32>} : memref<2312xf32, #tpu.memory_space<vmem>>, vector<16xf32>,
    tpu.vector_store %arg10[%swap3A_1386], %gather3A_1385 {strides = array<i32>} : memref<2312xf32, #tpu.memory_space<vmem>>, vector<16xf32>,
    %dma_wait3A_1388 = arith.constant 0 : i32
    %dma_wait3A_1389 = arith.constant 0 : i32
    %dma_wait3A_1390 = arith.constant 0 : i32
    %dma_wait3A_1391 = tpu.memref_slice %arg8[%dma_wait3A_1388, %dma_wait3A_1389, %dma_wait3A_1390] : memref<2x64x768xf32, #tpu.memory_space<vmem>> -> memref<1x64x768xf32, #tpu.memory_space<vmem>>
    %dma_wait3A_1392 = tpu.memref_squeeze %dma_wait3A_1391 : memref<1x64x768xf32, #tpu.memory_space<vmem>> -> memref<64x768xf32, #tpu.memory_space<vmem>>
    %dma_wait3A_1393 = tpu.memref_slice %arg7[%multiple_of3A_1033] : memref<19456xi32, #tpu.memory_space<vmem>> -> memref<64xi32, #tpu.memory_space<vmem>>
    %dma_wait3A_1394 = arith.constant 0 : i32
    %dma_wait3A_1395 = arith.constant 0 : i32
    %dma_wait3A_1396 = tpu.memref_slice %arg2[%dma_wait3A_1394, %dma_wait3A_1395] : memref<36928x768xf32, #tpu.memory_space<hbm>> -> memref<36928x768xf32, #tpu.memory_space<hbm>>
    tpu.wait_indirect_dma semaphore(%arg11 : memref<!tpu.dma_semaphore, #tpu.memory_space<semaphore_mem>>) src(%dma_wait3A_1396 : memref<36928x768xf32, #tpu.memory_space<hbm>>) dst(%dma_wait3A_1392 : memref<64x768xf32, #tpu.memory_space<vmem>>)
    %add3A_1397 = arith.constant 384 : i32
    %add3A_1398 = arith.addi %add3A_7, %add3A_1397 : i32
    %dma_start3A_1399 = arith.constant 0 : i32
    %dma_start3A_1400 = arith.constant 0 : i32
    %dma_start3A_1401 = arith.constant 0 : i32
    %dma_start3A_1402 = tpu.memref_slice %arg8[%dma_start3A_1399, %dma_start3A_1400, %dma_start3A_1401] : memref<2x64x768xf32, #tpu.memory_space<vmem>> -> memref<1x64x768xf32, #tpu.memory_space<vmem>>
    %dma_start3A_1403 = tpu.memref_squeeze %dma_start3A_1402 : memref<1x64x768xf32, #tpu.memory_space<vmem>> -> memref<64x768xf32, #tpu.memory_space<vmem>>
    %dma_start3A_1404 = arith.constant 0 : i32
    %dma_start3A_1405 = tpu.memref_slice %arg5[%add3A_1398, %dma_start3A_1404] : memref<18496x768xf32, #tpu.memory_space<hbm>> -> memref<64x768xf32, #tpu.memory_space<hbm>>
    %dma_start3A_1406 = arith.constant 0 : i32
    %dma_start3A_1407 = tpu.memref_slice %arg5[%add3A_1398, %dma_start3A_1406] : memref<18496x768xf32, #tpu.memory_space<hbm>> -> memref<64x768xf32, #tpu.memory_space<hbm>>
    %dma_start3A_1408 = arith.constant 0 : i32
    %dma_start3A_1409 = arith.constant 0 : i32
    %dma_start3A_1410 = tpu.memref_slice %arg8[%dma_start3A_1399, %dma_start3A_1408, %dma_start3A_1409] : memref<2x64x768xf32, #tpu.memory_space<vmem>> -> memref<1x64x768xf32, #tpu.memory_space<vmem>>
    %dma_start3A_1411 = tpu.memref_squeeze %dma_start3A_1410 : memref<1x64x768xf32, #tpu.memory_space<vmem>> -> memref<64x768xf32, #tpu.memory_space<vmem>>
    tpu.enqueue_dma source(%dma_start3A_1411 : memref<64x768xf32, #tpu.memory_space<vmem>>) target(%dma_start3A_1407 : memref<64x768xf32, #tpu.memory_space<hbm>>) target_semaphore(%arg12 : memref<!tpu.dma_semaphore, #tpu.memory_space<semaphore_mem>>)
    %dma_wait3A_1412 = arith.constant 0 : i32
    %dma_wait3A_1413 = arith.constant 0 : i32
    %dma_wait3A_1414 = arith.constant 0 : i32
    %dma_wait3A_1415 = tpu.memref_slice %arg8[%dma_wait3A_1412, %dma_wait3A_1413, %dma_wait3A_1414] : memref<2x64x768xf32, #tpu.memory_space<vmem>> -> memref<1x64x768xf32, #tpu.memory_space<vmem>>
    %dma_wait3A_1416 = tpu.memref_squeeze %dma_wait3A_1415 : memref<1x64x768xf32, #tpu.memory_space<vmem>> -> memref<64x768xf32, #tpu.memory_space<vmem>>
    %dma_wait3A_1417 = arith.constant 0 : i32
    %dma_wait3A_1418 = tpu.memref_slice %arg5[%add3A_1398, %dma_wait3A_1417] : memref<18496x768xf32, #tpu.memory_space<hbm>> -> memref<64x768xf32, #tpu.memory_space<hbm>>
    %dma_wait3A_1419 = arith.constant 0 : i32
    %dma_wait3A_1420 = tpu.memref_slice %arg5[%add3A_1398, %dma_wait3A_1419] : memref<18496x768xf32, #tpu.memory_space<hbm>> -> memref<64x768xf32, #tpu.memory_space<hbm>>
    %dma_wait3A_1421 = arith.constant 0 : i32
    %dma_wait3A_1422 = arith.constant 0 : i32
    %dma_wait3A_1423 = tpu.memref_slice %arg8[%dma_wait3A_1412, %dma_wait3A_1421, %dma_wait3A_1422] : memref<2x64x768xf32, #tpu.memory_space<vmem>> -> memref<1x64x768xf32, #tpu.memory_space<vmem>>
    %dma_wait3A_1424 = tpu.memref_squeeze %dma_wait3A_1423 : memref<1x64x768xf32, #tpu.memory_space<vmem>> -> memref<64x768xf32, #tpu.memory_space<vmem>>
    tpu.wait_dma2 semaphore(%arg12 : memref<!tpu.dma_semaphore, #tpu.memory_space<semaphore_mem>>) src(%dma_wait3A_1424 : memref<64x768xf32, #tpu.memory_space<vmem>>) dst(%dma_wait3A_1420 : memref<64x768xf32, #tpu.memory_space<hbm>>)
    %add3A_1425 = arith.constant 512 : i32
    %add3A_1426 = arith.addi %add3A_7, %add3A_1425 : i32
    %multiple_of3A_1427 = tpu.assume_multiple %add3A_1426, 8 : i32
    %dma_start3A_1428 = arith.constant 0 : i32
    %dma_start3A_1429 = arith.constant 0 : i32
    %dma_start3A_1430 = arith.constant 0 : i32
    %dma_start3A_1431 = tpu.memref_slice %arg8[%dma_start3A_1428, %dma_start3A_1429, %dma_start3A_1430] : memref<2x64x768xf32, #tpu.memory_space<vmem>> -> memref<1x64x768xf32, #tpu.memory_space<vmem>>
    %dma_start3A_1432 = tpu.memref_squeeze %dma_start3A_1431 : memref<1x64x768xf32, #tpu.memory_space<vmem>> -> memref<64x768xf32, #tpu.memory_space<vmem>>
    %dma_start3A_1433 = tpu.memref_slice %arg7[%multiple_of3A_1427] : memref<19456xi32, #tpu.memory_space<vmem>> -> memref<64xi32, #tpu.memory_space<vmem>>
    %dma_start3A_1434 = arith.constant 0 : i32
    %dma_start3A_1435 = arith.constant 0 : i32
    %dma_start3A_1436 = tpu.memref_slice %arg2[%dma_start3A_1434, %dma_start3A_1435] : memref<36928x768xf32, #tpu.memory_space<hbm>> -> memref<36928x768xf32, #tpu.memory_space<hbm>>
    tpu.enqueue_indirect_dma source(%dma_start3A_1436 : memref<36928x768xf32, #tpu.memory_space<hbm>>) target(%dma_start3A_1432 : memref<64x768xf32, #tpu.memory_space<vmem>>) offsets(%dma_start3A_1433 : memref<64xi32, #tpu.memory_space<vmem>>) semaphore(%arg11 : memref<!tpu.dma_semaphore, #tpu.memory_space<semaphore_mem>>)
    %add3A_1437 = arith.constant 1 : i32
    %add3A_1438 = arith.addi %mul3A_23, %add3A_1437 : i32
    %mul3A_1439 = arith.constant 64 : i32
    %mul3A_1440 = vector.broadcast %mul3A_1439 : i32 to vector<16xi32>
    %mul3A_1441 = arith.muli %iota3A, %mul3A_1440 : vector<16xi32>
    %add3A_1442 = arith.constant 9216 : i32
    %add3A_1443 = arith.addi %add3A_1442, %add3A_1438 : i32
    %add3A_1444 = vector.broadcast %add3A_1443 : i32 to vector<16xi32>
    %add3A_1445 = arith.addi %mul3A_1441, %add3A_1444 : vector<16xi32>
    %gather3A_1446 = tpu.vector_load_idx %arg7[%add3A_1445] : memref<19456xi32, #tpu.memory_space<vmem>>[vector<16xi32>], vector<16xi32>,
    %shift_right_logical3A_1447 = arith.constant 6 : i32
    %shift_right_logical3A_1448 = vector.broadcast %shift_right_logical3A_1447 : i32 to vector<16xi32>
    %shift_right_logical3A_1449 = arith.shrui %gather3A_1446, %shift_right_logical3A_1448 : vector<16xi32>
    %add3A_1450 = arith.constant 2308 : i32
    %add3A_1451 = vector.broadcast %add3A_1450 : i32 to vector<16xi32>
    %add3A_1452 = arith.addi %shift_right_logical3A_1449, %add3A_1451 : vector<16xi32>
    %gather3A_1453 = tpu.vector_load_idx %arg9[%add3A_1452] : memref<4616xf32, #tpu.memory_space<vmem>>[vector<16xi32>], vector<16xf32>,
    %swap3A_1454 = arith.constant 1300 : index
    %swap3A_1455 = tpu.vector_load %arg10[%swap3A_1454] {strides = array<i32>} : memref<2312xf32, #tpu.memory_space<vmem>>, vector<16xf32>,
    tpu.vector_store %arg10[%swap3A_1454], %gather3A_1453 {strides = array<i32>} : memref<2312xf32, #tpu.memory_space<vmem>>, vector<16xf32>,
    %add3A_1456 = arith.constant 2885 : i32
    %add3A_1457 = vector.broadcast %add3A_1456 : i32 to vector<16xi32>
    %add3A_1458 = arith.addi %shift_right_logical3A_1449, %add3A_1457 : vector<16xi32>
    %gather3A_1459 = tpu.vector_load_idx %arg9[%add3A_1458] : memref<4616xf32, #tpu.memory_space<vmem>>[vector<16xi32>], vector<16xf32>,
    %swap3A_1460 = arith.constant 1589 : index
    %swap3A_1461 = tpu.vector_load %arg10[%swap3A_1460] {strides = array<i32>} : memref<2312xf32, #tpu.memory_space<vmem>>, vector<16xf32>,
    tpu.vector_store %arg10[%swap3A_1460], %gather3A_1459 {strides = array<i32>} : memref<2312xf32, #tpu.memory_space<vmem>>, vector<16xf32>,
    %add3A_1462 = arith.constant 3462 : i32
    %add3A_1463 = vector.broadcast %add3A_1462 : i32 to vector<16xi32>
    %add3A_1464 = arith.addi %shift_right_logical3A_1449, %add3A_1463 : vector<16xi32>
    %gather3A_1465 = tpu.vector_load_idx %arg9[%add3A_1464] : memref<4616xf32, #tpu.memory_space<vmem>>[vector<16xi32>], vector<16xf32>,
    %swap3A_1466 = arith.constant 1878 : index
    %swap3A_1467 = tpu.vector_load %arg10[%swap3A_1466] {strides = array<i32>} : memref<2312xf32, #tpu.memory_space<vmem>>, vector<16xf32>,
    tpu.vector_store %arg10[%swap3A_1466], %gather3A_1465 {strides = array<i32>} : memref<2312xf32, #tpu.memory_space<vmem>>, vector<16xf32>,
    %add3A_1468 = arith.constant 4039 : i32
    %add3A_1469 = vector.broadcast %add3A_1468 : i32 to vector<16xi32>
    %add3A_1470 = arith.addi %shift_right_logical3A_1449, %add3A_1469 : vector<16xi32>
    %gather3A_1471 = tpu.vector_load_idx %arg9[%add3A_1470] : memref<4616xf32, #tpu.memory_space<vmem>>[vector<16xi32>], vector<16xf32>,
    %swap3A_1472 = arith.constant 2167 : index
    %swap3A_1473 = tpu.vector_load %arg10[%swap3A_1472] {strides = array<i32>} : memref<2312xf32, #tpu.memory_space<vmem>>, vector<16xf32>,
    tpu.vector_store %arg10[%swap3A_1472], %gather3A_1471 {strides = array<i32>} : memref<2312xf32, #tpu.memory_space<vmem>>, vector<16xf32>,
    %add3A_1474 = arith.constant 1 : i32
    %add3A_1475 = arith.addi %mul3A_23, %add3A_1474 : i32
    %mul3A_1476 = arith.constant 64 : i32
    %mul3A_1477 = vector.broadcast %mul3A_1476 : i32 to vector<16xi32>
    %mul3A_1478 = arith.muli %iota3A, %mul3A_1477 : vector<16xi32>
    %add3A_1479 = arith.constant 10240 : i32
    %add3A_1480 = arith.addi %add3A_1479, %add3A_1475 : i32
    %add3A_1481 = vector.broadcast %add3A_1480 : i32 to vector<16xi32>
    %add3A_1482 = arith.addi %mul3A_1478, %add3A_1481 : vector<16xi32>
    %gather3A_1483 = tpu.vector_load_idx %arg7[%add3A_1482] : memref<19456xi32, #tpu.memory_space<vmem>>[vector<16xi32>], vector<16xi32>,
    %shift_right_logical3A_1484 = arith.constant 6 : i32
    %shift_right_logical3A_1485 = vector.broadcast %shift_right_logical3A_1484 : i32 to vector<16xi32>
    %shift_right_logical3A_1486 = arith.shrui %gather3A_1483, %shift_right_logical3A_1485 : vector<16xi32>
    %add3A_1487 = arith.constant 2308 : i32
    %add3A_1488 = vector.broadcast %add3A_1487 : i32 to vector<16xi32>
    %add3A_1489 = arith.addi %shift_right_logical3A_1486, %add3A_1488 : vector<16xi32>
    %gather3A_1490 = tpu.vector_load_idx %arg9[%add3A_1489] : memref<4616xf32, #tpu.memory_space<vmem>>[vector<16xi32>], vector<16xf32>,
    %swap3A_1491 = arith.constant 1316 : index
    %swap3A_1492 = tpu.vector_load %arg10[%swap3A_1491] {strides = array<i32>} : memref<2312xf32, #tpu.memory_space<vmem>>, vector<16xf32>,
    tpu.vector_store %arg10[%swap3A_1491], %gather3A_1490 {strides = array<i32>} : memref<2312xf32, #tpu.memory_space<vmem>>, vector<16xf32>,
    %add3A_1493 = arith.constant 2885 : i32
    %add3A_1494 = vector.broadcast %add3A_1493 : i32 to vector<16xi32>
    %add3A_1495 = arith.addi %shift_right_logical3A_1486, %add3A_1494 : vector<16xi32>
    %gather3A_1496 = tpu.vector_load_idx %arg9[%add3A_1495] : memref<4616xf32, #tpu.memory_space<vmem>>[vector<16xi32>], vector<16xf32>,
    %swap3A_1497 = arith.constant 1605 : index
    %swap3A_1498 = tpu.vector_load %arg10[%swap3A_1497] {strides = array<i32>} : memref<2312xf32, #tpu.memory_space<vmem>>, vector<16xf32>,
    tpu.vector_store %arg10[%swap3A_1497], %gather3A_1496 {strides = array<i32>} : memref<2312xf32, #tpu.memory_space<vmem>>, vector<16xf32>,
    %add3A_1499 = arith.constant 3462 : i32
    %add3A_1500 = vector.broadcast %add3A_1499 : i32 to vector<16xi32>
    %add3A_1501 = arith.addi %shift_right_logical3A_1486, %add3A_1500 : vector<16xi32>
    %gather3A_1502 = tpu.vector_load_idx %arg9[%add3A_1501] : memref<4616xf32, #tpu.memory_space<vmem>>[vector<16xi32>], vector<16xf32>,
    %swap3A_1503 = arith.constant 1894 : index
    %swap3A_1504 = tpu.vector_load %arg10[%swap3A_1503] {strides = array<i32>} : memref<2312xf32, #tpu.memory_space<vmem>>, vector<16xf32>,
    tpu.vector_store %arg10[%swap3A_1503], %gather3A_1502 {strides = array<i32>} : memref<2312xf32, #tpu.memory_space<vmem>>, vector<16xf32>,
    %add3A_1505 = arith.constant 4039 : i32
    %add3A_1506 = vector.broadcast %add3A_1505 : i32 to vector<16xi32>
    %add3A_1507 = arith.addi %shift_right_logical3A_1486, %add3A_1506 : vector<16xi32>
    %gather3A_1508 = tpu.vector_load_idx %arg9[%add3A_1507] : memref<4616xf32, #tpu.memory_space<vmem>>[vector<16xi32>], vector<16xf32>,
    %swap3A_1509 = arith.constant 2183 : index
    %swap3A_1510 = tpu.vector_load %arg10[%swap3A_1509] {strides = array<i32>} : memref<2312xf32, #tpu.memory_space<vmem>>, vector<16xf32>,
    tpu.vector_store %arg10[%swap3A_1509], %gather3A_1508 {strides = array<i32>} : memref<2312xf32, #tpu.memory_space<vmem>>, vector<16xf32>,
    %add3A_1511 = arith.constant 1 : i32
    %add3A_1512 = arith.addi %mul3A_23, %add3A_1511 : i32
    %mul3A_1513 = arith.constant 64 : i32
    %mul3A_1514 = vector.broadcast %mul3A_1513 : i32 to vector<16xi32>
    %mul3A_1515 = arith.muli %iota3A, %mul3A_1514 : vector<16xi32>
    %add3A_1516 = arith.constant 11264 : i32
    %add3A_1517 = arith.addi %add3A_1516, %add3A_1512 : i32
    %add3A_1518 = vector.broadcast %add3A_1517 : i32 to vector<16xi32>
    %add3A_1519 = arith.addi %mul3A_1515, %add3A_1518 : vector<16xi32>
    %gather3A_1520 = tpu.vector_load_idx %arg7[%add3A_1519] : memref<19456xi32, #tpu.memory_space<vmem>>[vector<16xi32>], vector<16xi32>,
    %shift_right_logical3A_1521 = arith.constant 6 : i32
    %shift_right_logical3A_1522 = vector.broadcast %shift_right_logical3A_1521 : i32 to vector<16xi32>
    %shift_right_logical3A_1523 = arith.shrui %gather3A_1520, %shift_right_logical3A_1522 : vector<16xi32>
    %add3A_1524 = arith.constant 2308 : i32
    %add3A_1525 = vector.broadcast %add3A_1524 : i32 to vector<16xi32>
    %add3A_1526 = arith.addi %shift_right_logical3A_1523, %add3A_1525 : vector<16xi32>
    %gather3A_1527 = tpu.vector_load_idx %arg9[%add3A_1526] : memref<4616xf32, #tpu.memory_space<vmem>>[vector<16xi32>], vector<16xf32>,
    %swap3A_1528 = arith.constant 1332 : index
    %swap3A_1529 = tpu.vector_load %arg10[%swap3A_1528] {strides = array<i32>} : memref<2312xf32, #tpu.memory_space<vmem>>, vector<16xf32>,
    tpu.vector_store %arg10[%swap3A_1528], %gather3A_1527 {strides = array<i32>} : memref<2312xf32, #tpu.memory_space<vmem>>, vector<16xf32>,
    %add3A_1530 = arith.constant 2885 : i32
    %add3A_1531 = vector.broadcast %add3A_1530 : i32 to vector<16xi32>
    %add3A_1532 = arith.addi %shift_right_logical3A_1523, %add3A_1531 : vector<16xi32>
    %gather3A_1533 = tpu.vector_load_idx %arg9[%add3A_1532] : memref<4616xf32, #tpu.memory_space<vmem>>[vector<16xi32>], vector<16xf32>,
    %swap3A_1534 = arith.constant 1621 : index
    %swap3A_1535 = tpu.vector_load %arg10[%swap3A_1534] {strides = array<i32>} : memref<2312xf32, #tpu.memory_space<vmem>>, vector<16xf32>,
    tpu.vector_store %arg10[%swap3A_1534], %gather3A_1533 {strides = array<i32>} : memref<2312xf32, #tpu.memory_space<vmem>>, vector<16xf32>,
    %add3A_1536 = arith.constant 3462 : i32
    %add3A_1537 = vector.broadcast %add3A_1536 : i32 to vector<16xi32>
    %add3A_1538 = arith.addi %shift_right_logical3A_1523, %add3A_1537 : vector<16xi32>
    %gather3A_1539 = tpu.vector_load_idx %arg9[%add3A_1538] : memref<4616xf32, #tpu.memory_space<vmem>>[vector<16xi32>], vector<16xf32>,
    %swap3A_1540 = arith.constant 1910 : index
    %swap3A_1541 = tpu.vector_load %arg10[%swap3A_1540] {strides = array<i32>} : memref<2312xf32, #tpu.memory_space<vmem>>, vector<16xf32>,
    tpu.vector_store %arg10[%swap3A_1540], %gather3A_1539 {strides = array<i32>} : memref<2312xf32, #tpu.memory_space<vmem>>, vector<16xf32>,
    %add3A_1542 = arith.constant 4039 : i32
    %add3A_1543 = vector.broadcast %add3A_1542 : i32 to vector<16xi32>
    %add3A_1544 = arith.addi %shift_right_logical3A_1523, %add3A_1543 : vector<16xi32>
    %gather3A_1545 = tpu.vector_load_idx %arg9[%add3A_1544] : memref<4616xf32, #tpu.memory_space<vmem>>[vector<16xi32>], vector<16xf32>,
    %swap3A_1546 = arith.constant 2199 : index
    %swap3A_1547 = tpu.vector_load %arg10[%swap3A_1546] {strides = array<i32>} : memref<2312xf32, #tpu.memory_space<vmem>>, vector<16xf32>,
    tpu.vector_store %arg10[%swap3A_1546], %gather3A_1545 {strides = array<i32>} : memref<2312xf32, #tpu.memory_space<vmem>>, vector<16xf32>,
    %add3A_1548 = arith.constant 1 : i32
    %add3A_1549 = arith.addi %mul3A_23, %add3A_1548 : i32
    %mul3A_1550 = arith.constant 64 : i32
    %mul3A_1551 = vector.broadcast %mul3A_1550 : i32 to vector<16xi32>
    %mul3A_1552 = arith.muli %iota3A, %mul3A_1551 : vector<16xi32>
    %add3A_1553 = arith.constant 12288 : i32
    %add3A_1554 = arith.addi %add3A_1553, %add3A_1549 : i32
    %add3A_1555 = vector.broadcast %add3A_1554 : i32 to vector<16xi32>
    %add3A_1556 = arith.addi %mul3A_1552, %add3A_1555 : vector<16xi32>
    %gather3A_1557 = tpu.vector_load_idx %arg7[%add3A_1556] : memref<19456xi32, #tpu.memory_space<vmem>>[vector<16xi32>], vector<16xi32>,
    %shift_right_logical3A_1558 = arith.constant 6 : i32
    %shift_right_logical3A_1559 = vector.broadcast %shift_right_logical3A_1558 : i32 to vector<16xi32>
    %shift_right_logical3A_1560 = arith.shrui %gather3A_1557, %shift_right_logical3A_1559 : vector<16xi32>
    %add3A_1561 = arith.constant 2308 : i32
    %add3A_1562 = vector.broadcast %add3A_1561 : i32 to vector<16xi32>
    %add3A_1563 = arith.addi %shift_right_logical3A_1560, %add3A_1562 : vector<16xi32>
    %gather3A_1564 = tpu.vector_load_idx %arg9[%add3A_1563] : memref<4616xf32, #tpu.memory_space<vmem>>[vector<16xi32>], vector<16xf32>,
    %swap3A_1565 = arith.constant 1348 : index
    %swap3A_1566 = tpu.vector_load %arg10[%swap3A_1565] {strides = array<i32>} : memref<2312xf32, #tpu.memory_space<vmem>>, vector<16xf32>,
    tpu.vector_store %arg10[%swap3A_1565], %gather3A_1564 {strides = array<i32>} : memref<2312xf32, #tpu.memory_space<vmem>>, vector<16xf32>,
    %add3A_1567 = arith.constant 2885 : i32
    %add3A_1568 = vector.broadcast %add3A_1567 : i32 to vector<16xi32>
    %add3A_1569 = arith.addi %shift_right_logical3A_1560, %add3A_1568 : vector<16xi32>
    %gather3A_1570 = tpu.vector_load_idx %arg9[%add3A_1569] : memref<4616xf32, #tpu.memory_space<vmem>>[vector<16xi32>], vector<16xf32>,
    %swap3A_1571 = arith.constant 1637 : index
    %swap3A_1572 = tpu.vector_load %arg10[%swap3A_1571] {strides = array<i32>} : memref<2312xf32, #tpu.memory_space<vmem>>, vector<16xf32>,
    tpu.vector_store %arg10[%swap3A_1571], %gather3A_1570 {strides = array<i32>} : memref<2312xf32, #tpu.memory_space<vmem>>, vector<16xf32>,
    %add3A_1573 = arith.constant 3462 : i32
    %add3A_1574 = vector.broadcast %add3A_1573 : i32 to vector<16xi32>
    %add3A_1575 = arith.addi %shift_right_logical3A_1560, %add3A_1574 : vector<16xi32>
    %gather3A_1576 = tpu.vector_load_idx %arg9[%add3A_1575] : memref<4616xf32, #tpu.memory_space<vmem>>[vector<16xi32>], vector<16xf32>,
    %swap3A_1577 = arith.constant 1926 : index
    %swap3A_1578 = tpu.vector_load %arg10[%swap3A_1577] {strides = array<i32>} : memref<2312xf32, #tpu.memory_space<vmem>>, vector<16xf32>,
    tpu.vector_store %arg10[%swap3A_1577], %gather3A_1576 {strides = array<i32>} : memref<2312xf32, #tpu.memory_space<vmem>>, vector<16xf32>,
    %add3A_1579 = arith.constant 4039 : i32
    %add3A_1580 = vector.broadcast %add3A_1579 : i32 to vector<16xi32>
    %add3A_1581 = arith.addi %shift_right_logical3A_1560, %add3A_1580 : vector<16xi32>
    %gather3A_1582 = tpu.vector_load_idx %arg9[%add3A_1581] : memref<4616xf32, #tpu.memory_space<vmem>>[vector<16xi32>], vector<16xf32>,
    %swap3A_1583 = arith.constant 2215 : index
    %swap3A_1584 = tpu.vector_load %arg10[%swap3A_1583] {strides = array<i32>} : memref<2312xf32, #tpu.memory_space<vmem>>, vector<16xf32>,
    tpu.vector_store %arg10[%swap3A_1583], %gather3A_1582 {strides = array<i32>} : memref<2312xf32, #tpu.memory_space<vmem>>, vector<16xf32>,
    %dma_wait3A_1585 = arith.constant 1 : i32
    %dma_wait3A_1586 = arith.constant 0 : i32
    %dma_wait3A_1587 = arith.constant 0 : i32
    %dma_wait3A_1588 = tpu.memref_slice %arg8[%dma_wait3A_1585, %dma_wait3A_1586, %dma_wait3A_1587] : memref<2x64x768xf32, #tpu.memory_space<vmem>> -> memref<1x64x768xf32, #tpu.memory_space<vmem>>
    %dma_wait3A_1589 = tpu.memref_squeeze %dma_wait3A_1588 : memref<1x64x768xf32, #tpu.memory_space<vmem>> -> memref<64x768xf32, #tpu.memory_space<vmem>>
    %dma_wait3A_1590 = tpu.memref_slice %arg7[%multiple_of3A_1230] : memref<19456xi32, #tpu.memory_space<vmem>> -> memref<64xi32, #tpu.memory_space<vmem>>
    %dma_wait3A_1591 = arith.constant 0 : i32
    %dma_wait3A_1592 = arith.constant 0 : i32
    %dma_wait3A_1593 = tpu.memref_slice %arg2[%dma_wait3A_1591, %dma_wait3A_1592] : memref<36928x768xf32, #tpu.memory_space<hbm>> -> memref<36928x768xf32, #tpu.memory_space<hbm>>
    tpu.wait_indirect_dma semaphore(%arg11 : memref<!tpu.dma_semaphore, #tpu.memory_space<semaphore_mem>>) src(%dma_wait3A_1593 : memref<36928x768xf32, #tpu.memory_space<hbm>>) dst(%dma_wait3A_1589 : memref<64x768xf32, #tpu.memory_space<vmem>>)
    %add3A_1594 = arith.constant 448 : i32
    %add3A_1595 = arith.addi %add3A_7, %add3A_1594 : i32
    %dma_start3A_1596 = arith.constant 1 : i32
    %dma_start3A_1597 = arith.constant 0 : i32
    %dma_start3A_1598 = arith.constant 0 : i32
    %dma_start3A_1599 = tpu.memref_slice %arg8[%dma_start3A_1596, %dma_start3A_1597, %dma_start3A_1598] : memref<2x64x768xf32, #tpu.memory_space<vmem>> -> memref<1x64x768xf32, #tpu.memory_space<vmem>>
    %dma_start3A_1600 = tpu.memref_squeeze %dma_start3A_1599 : memref<1x64x768xf32, #tpu.memory_space<vmem>> -> memref<64x768xf32, #tpu.memory_space<vmem>>
    %dma_start3A_1601 = arith.constant 0 : i32
    %dma_start3A_1602 = tpu.memref_slice %arg5[%add3A_1595, %dma_start3A_1601] : memref<18496x768xf32, #tpu.memory_space<hbm>> -> memref<64x768xf32, #tpu.memory_space<hbm>>
    %dma_start3A_1603 = arith.constant 0 : i32
    %dma_start3A_1604 = tpu.memref_slice %arg5[%add3A_1595, %dma_start3A_1603] : memref<18496x768xf32, #tpu.memory_space<hbm>> -> memref<64x768xf32, #tpu.memory_space<hbm>>
    %dma_start3A_1605 = arith.constant 0 : i32
    %dma_start3A_1606 = arith.constant 0 : i32
    %dma_start3A_1607 = tpu.memref_slice %arg8[%dma_start3A_1596, %dma_start3A_1605, %dma_start3A_1606] : memref<2x64x768xf32, #tpu.memory_space<vmem>> -> memref<1x64x768xf32, #tpu.memory_space<vmem>>
    %dma_start3A_1608 = tpu.memref_squeeze %dma_start3A_1607 : memref<1x64x768xf32, #tpu.memory_space<vmem>> -> memref<64x768xf32, #tpu.memory_space<vmem>>
    tpu.enqueue_dma source(%dma_start3A_1608 : memref<64x768xf32, #tpu.memory_space<vmem>>) target(%dma_start3A_1604 : memref<64x768xf32, #tpu.memory_space<hbm>>) target_semaphore(%arg13 : memref<!tpu.dma_semaphore, #tpu.memory_space<semaphore_mem>>)
    %dma_wait3A_1609 = arith.constant 1 : i32
    %dma_wait3A_1610 = arith.constant 0 : i32
    %dma_wait3A_1611 = arith.constant 0 : i32
    %dma_wait3A_1612 = tpu.memref_slice %arg8[%dma_wait3A_1609, %dma_wait3A_1610, %dma_wait3A_1611] : memref<2x64x768xf32, #tpu.memory_space<vmem>> -> memref<1x64x768xf32, #tpu.memory_space<vmem>>
    %dma_wait3A_1613 = tpu.memref_squeeze %dma_wait3A_1612 : memref<1x64x768xf32, #tpu.memory_space<vmem>> -> memref<64x768xf32, #tpu.memory_space<vmem>>
    %dma_wait3A_1614 = arith.constant 0 : i32
    %dma_wait3A_1615 = tpu.memref_slice %arg5[%add3A_1595, %dma_wait3A_1614] : memref<18496x768xf32, #tpu.memory_space<hbm>> -> memref<64x768xf32, #tpu.memory_space<hbm>>
    %dma_wait3A_1616 = arith.constant 0 : i32
    %dma_wait3A_1617 = tpu.memref_slice %arg5[%add3A_1595, %dma_wait3A_1616] : memref<18496x768xf32, #tpu.memory_space<hbm>> -> memref<64x768xf32, #tpu.memory_space<hbm>>
    %dma_wait3A_1618 = arith.constant 0 : i32
    %dma_wait3A_1619 = arith.constant 0 : i32
    %dma_wait3A_1620 = tpu.memref_slice %arg8[%dma_wait3A_1609, %dma_wait3A_1618, %dma_wait3A_1619] : memref<2x64x768xf32, #tpu.memory_space<vmem>> -> memref<1x64x768xf32, #tpu.memory_space<vmem>>
    %dma_wait3A_1621 = tpu.memref_squeeze %dma_wait3A_1620 : memref<1x64x768xf32, #tpu.memory_space<vmem>> -> memref<64x768xf32, #tpu.memory_space<vmem>>
    tpu.wait_dma2 semaphore(%arg13 : memref<!tpu.dma_semaphore, #tpu.memory_space<semaphore_mem>>) src(%dma_wait3A_1621 : memref<64x768xf32, #tpu.memory_space<vmem>>) dst(%dma_wait3A_1617 : memref<64x768xf32, #tpu.memory_space<hbm>>)
    %add3A_1622 = arith.constant 576 : i32
    %add3A_1623 = arith.addi %add3A_7, %add3A_1622 : i32
    %multiple_of3A_1624 = tpu.assume_multiple %add3A_1623, 8 : i32
    %dma_start3A_1625 = arith.constant 1 : i32
    %dma_start3A_1626 = arith.constant 0 : i32
    %dma_start3A_1627 = arith.constant 0 : i32
    %dma_start3A_1628 = tpu.memref_slice %arg8[%dma_start3A_1625, %dma_start3A_1626, %dma_start3A_1627] : memref<2x64x768xf32, #tpu.memory_space<vmem>> -> memref<1x8x768xf32, #tpu.memory_space<vmem>>
    %dma_start3A_1629 = tpu.memref_squeeze %dma_start3A_1628 : memref<1x8x768xf32, #tpu.memory_space<vmem>> -> memref<8x768xf32, #tpu.memory_space<vmem>>
    %dma_start3A_1630 = tpu.memref_slice %arg7[%multiple_of3A_1624] : memref<19456xi32, #tpu.memory_space<vmem>> -> memref<8xi32, #tpu.memory_space<vmem>>
    %dma_start3A_1631 = arith.constant 0 : i32
    %dma_start3A_1632 = arith.constant 0 : i32
    %dma_start3A_1633 = tpu.memref_slice %arg2[%dma_start3A_1631, %dma_start3A_1632] : memref<36928x768xf32, #tpu.memory_space<hbm>> -> memref<36928x768xf32, #tpu.memory_space<hbm>>
    tpu.enqueue_indirect_dma source(%dma_start3A_1633 : memref<36928x768xf32, #tpu.memory_space<hbm>>) target(%dma_start3A_1629 : memref<8x768xf32, #tpu.memory_space<vmem>>) offsets(%dma_start3A_1630 : memref<8xi32, #tpu.memory_space<vmem>>) semaphore(%arg11 : memref<!tpu.dma_semaphore, #tpu.memory_space<semaphore_mem>>)
    %add3A_1634 = arith.constant 1 : i32
    %add3A_1635 = arith.addi %mul3A_23, %add3A_1634 : i32
    %mul3A_1636 = arith.constant 64 : i32
    %mul3A_1637 = vector.broadcast %mul3A_1636 : i32 to vector<16xi32>
    %mul3A_1638 = arith.muli %iota3A, %mul3A_1637 : vector<16xi32>
    %add3A_1639 = arith.constant 13312 : i32
    %add3A_1640 = arith.addi %add3A_1639, %add3A_1635 : i32
    %add3A_1641 = vector.broadcast %add3A_1640 : i32 to vector<16xi32>
    %add3A_1642 = arith.addi %mul3A_1638, %add3A_1641 : vector<16xi32>
    %gather3A_1643 = tpu.vector_load_idx %arg7[%add3A_1642] : memref<19456xi32, #tpu.memory_space<vmem>>[vector<16xi32>], vector<16xi32>,
    %shift_right_logical3A_1644 = arith.constant 6 : i32
    %shift_right_logical3A_1645 = vector.broadcast %shift_right_logical3A_1644 : i32 to vector<16xi32>
    %shift_right_logical3A_1646 = arith.shrui %gather3A_1643, %shift_right_logical3A_1645 : vector<16xi32>
    %add3A_1647 = arith.constant 2308 : i32
    %add3A_1648 = vector.broadcast %add3A_1647 : i32 to vector<16xi32>
    %add3A_1649 = arith.addi %shift_right_logical3A_1646, %add3A_1648 : vector<16xi32>
    %gather3A_1650 = tpu.vector_load_idx %arg9[%add3A_1649] : memref<4616xf32, #tpu.memory_space<vmem>>[vector<16xi32>], vector<16xf32>,
    %swap3A_1651 = arith.constant 1364 : index
    %swap3A_1652 = tpu.vector_load %arg10[%swap3A_1651] {strides = array<i32>} : memref<2312xf32, #tpu.memory_space<vmem>>, vector<16xf32>,
    tpu.vector_store %arg10[%swap3A_1651], %gather3A_1650 {strides = array<i32>} : memref<2312xf32, #tpu.memory_space<vmem>>, vector<16xf32>,
    %add3A_1653 = arith.constant 2885 : i32
    %add3A_1654 = vector.broadcast %add3A_1653 : i32 to vector<16xi32>
    %add3A_1655 = arith.addi %shift_right_logical3A_1646, %add3A_1654 : vector<16xi32>
    %gather3A_1656 = tpu.vector_load_idx %arg9[%add3A_1655] : memref<4616xf32, #tpu.memory_space<vmem>>[vector<16xi32>], vector<16xf32>,
    %swap3A_1657 = arith.constant 1653 : index
    %swap3A_1658 = tpu.vector_load %arg10[%swap3A_1657] {strides = array<i32>} : memref<2312xf32, #tpu.memory_space<vmem>>, vector<16xf32>,
    tpu.vector_store %arg10[%swap3A_1657], %gather3A_1656 {strides = array<i32>} : memref<2312xf32, #tpu.memory_space<vmem>>, vector<16xf32>,
    %add3A_1659 = arith.constant 3462 : i32
    %add3A_1660 = vector.broadcast %add3A_1659 : i32 to vector<16xi32>
    %add3A_1661 = arith.addi %shift_right_logical3A_1646, %add3A_1660 : vector<16xi32>
    %gather3A_1662 = tpu.vector_load_idx %arg9[%add3A_1661] : memref<4616xf32, #tpu.memory_space<vmem>>[vector<16xi32>], vector<16xf32>,
    %swap3A_1663 = arith.constant 1942 : index
    %swap3A_1664 = tpu.vector_load %arg10[%swap3A_1663] {strides = array<i32>} : memref<2312xf32, #tpu.memory_space<vmem>>, vector<16xf32>,
    tpu.vector_store %arg10[%swap3A_1663], %gather3A_1662 {strides = array<i32>} : memref<2312xf32, #tpu.memory_space<vmem>>, vector<16xf32>,
    %add3A_1665 = arith.constant 4039 : i32
    %add3A_1666 = vector.broadcast %add3A_1665 : i32 to vector<16xi32>
    %add3A_1667 = arith.addi %shift_right_logical3A_1646, %add3A_1666 : vector<16xi32>
    %gather3A_1668 = tpu.vector_load_idx %arg9[%add3A_1667] : memref<4616xf32, #tpu.memory_space<vmem>>[vector<16xi32>], vector<16xf32>,
    %swap3A_1669 = arith.constant 2231 : index
    %swap3A_1670 = tpu.vector_load %arg10[%swap3A_1669] {strides = array<i32>} : memref<2312xf32, #tpu.memory_space<vmem>>, vector<16xf32>,
    tpu.vector_store %arg10[%swap3A_1669], %gather3A_1668 {strides = array<i32>} : memref<2312xf32, #tpu.memory_space<vmem>>, vector<16xf32>,
    %add3A_1671 = arith.constant 1 : i32
    %add3A_1672 = arith.addi %mul3A_23, %add3A_1671 : i32
    %mul3A_1673 = arith.constant 64 : i32
    %mul3A_1674 = vector.broadcast %mul3A_1673 : i32 to vector<16xi32>
    %mul3A_1675 = arith.muli %iota3A, %mul3A_1674 : vector<16xi32>
    %add3A_1676 = arith.constant 14336 : i32
    %add3A_1677 = arith.addi %add3A_1676, %add3A_1672 : i32
    %add3A_1678 = vector.broadcast %add3A_1677 : i32 to vector<16xi32>
    %add3A_1679 = arith.addi %mul3A_1675, %add3A_1678 : vector<16xi32>
    %gather3A_1680 = tpu.vector_load_idx %arg7[%add3A_1679] : memref<19456xi32, #tpu.memory_space<vmem>>[vector<16xi32>], vector<16xi32>,
    %shift_right_logical3A_1681 = arith.constant 6 : i32
    %shift_right_logical3A_1682 = vector.broadcast %shift_right_logical3A_1681 : i32 to vector<16xi32>
    %shift_right_logical3A_1683 = arith.shrui %gather3A_1680, %shift_right_logical3A_1682 : vector<16xi32>
    %add3A_1684 = arith.constant 2308 : i32
    %add3A_1685 = vector.broadcast %add3A_1684 : i32 to vector<16xi32>
    %add3A_1686 = arith.addi %shift_right_logical3A_1683, %add3A_1685 : vector<16xi32>
    %gather3A_1687 = tpu.vector_load_idx %arg9[%add3A_1686] : memref<4616xf32, #tpu.memory_space<vmem>>[vector<16xi32>], vector<16xf32>,
    %swap3A_1688 = arith.constant 1380 : index
    %swap3A_1689 = tpu.vector_load %arg10[%swap3A_1688] {strides = array<i32>} : memref<2312xf32, #tpu.memory_space<vmem>>, vector<16xf32>,
    tpu.vector_store %arg10[%swap3A_1688], %gather3A_1687 {strides = array<i32>} : memref<2312xf32, #tpu.memory_space<vmem>>, vector<16xf32>,
    %add3A_1690 = arith.constant 2885 : i32
    %add3A_1691 = vector.broadcast %add3A_1690 : i32 to vector<16xi32>
    %add3A_1692 = arith.addi %shift_right_logical3A_1683, %add3A_1691 : vector<16xi32>
    %gather3A_1693 = tpu.vector_load_idx %arg9[%add3A_1692] : memref<4616xf32, #tpu.memory_space<vmem>>[vector<16xi32>], vector<16xf32>,
    %swap3A_1694 = arith.constant 1669 : index
    %swap3A_1695 = tpu.vector_load %arg10[%swap3A_1694] {strides = array<i32>} : memref<2312xf32, #tpu.memory_space<vmem>>, vector<16xf32>,
    tpu.vector_store %arg10[%swap3A_1694], %gather3A_1693 {strides = array<i32>} : memref<2312xf32, #tpu.memory_space<vmem>>, vector<16xf32>,
    %add3A_1696 = arith.constant 3462 : i32
    %add3A_1697 = vector.broadcast %add3A_1696 : i32 to vector<16xi32>
    %add3A_1698 = arith.addi %shift_right_logical3A_1683, %add3A_1697 : vector<16xi32>
    %gather3A_1699 = tpu.vector_load_idx %arg9[%add3A_1698] : memref<4616xf32, #tpu.memory_space<vmem>>[vector<16xi32>], vector<16xf32>,
    %swap3A_1700 = arith.constant 1958 : index
    %swap3A_1701 = tpu.vector_load %arg10[%swap3A_1700] {strides = array<i32>} : memref<2312xf32, #tpu.memory_space<vmem>>, vector<16xf32>,
    tpu.vector_store %arg10[%swap3A_1700], %gather3A_1699 {strides = array<i32>} : memref<2312xf32, #tpu.memory_space<vmem>>, vector<16xf32>,
    %add3A_1702 = arith.constant 4039 : i32
    %add3A_1703 = vector.broadcast %add3A_1702 : i32 to vector<16xi32>
    %add3A_1704 = arith.addi %shift_right_logical3A_1683, %add3A_1703 : vector<16xi32>
    %gather3A_1705 = tpu.vector_load_idx %arg9[%add3A_1704] : memref<4616xf32, #tpu.memory_space<vmem>>[vector<16xi32>], vector<16xf32>,
    %swap3A_1706 = arith.constant 2247 : index
    %swap3A_1707 = tpu.vector_load %arg10[%swap3A_1706] {strides = array<i32>} : memref<2312xf32, #tpu.memory_space<vmem>>, vector<16xf32>,
    tpu.vector_store %arg10[%swap3A_1706], %gather3A_1705 {strides = array<i32>} : memref<2312xf32, #tpu.memory_space<vmem>>, vector<16xf32>,
    %add3A_1708 = arith.constant 1 : i32
    %add3A_1709 = arith.addi %mul3A_23, %add3A_1708 : i32
    %mul3A_1710 = arith.constant 64 : i32
    %mul3A_1711 = vector.broadcast %mul3A_1710 : i32 to vector<16xi32>
    %mul3A_1712 = arith.muli %iota3A, %mul3A_1711 : vector<16xi32>
    %add3A_1713 = arith.constant 15360 : i32
    %add3A_1714 = arith.addi %add3A_1713, %add3A_1709 : i32
    %add3A_1715 = vector.broadcast %add3A_1714 : i32 to vector<16xi32>
    %add3A_1716 = arith.addi %mul3A_1712, %add3A_1715 : vector<16xi32>
    %gather3A_1717 = tpu.vector_load_idx %arg7[%add3A_1716] : memref<19456xi32, #tpu.memory_space<vmem>>[vector<16xi32>], vector<16xi32>,
    %shift_right_logical3A_1718 = arith.constant 6 : i32
    %shift_right_logical3A_1719 = vector.broadcast %shift_right_logical3A_1718 : i32 to vector<16xi32>
    %shift_right_logical3A_1720 = arith.shrui %gather3A_1717, %shift_right_logical3A_1719 : vector<16xi32>
    %add3A_1721 = arith.constant 2308 : i32
    %add3A_1722 = vector.broadcast %add3A_1721 : i32 to vector<16xi32>
    %add3A_1723 = arith.addi %shift_right_logical3A_1720, %add3A_1722 : vector<16xi32>
    %gather3A_1724 = tpu.vector_load_idx %arg9[%add3A_1723] : memref<4616xf32, #tpu.memory_space<vmem>>[vector<16xi32>], vector<16xf32>,
    %swap3A_1725 = arith.constant 1396 : index
    %swap3A_1726 = tpu.vector_load %arg10[%swap3A_1725] {strides = array<i32>} : memref<2312xf32, #tpu.memory_space<vmem>>, vector<16xf32>,
    tpu.vector_store %arg10[%swap3A_1725], %gather3A_1724 {strides = array<i32>} : memref<2312xf32, #tpu.memory_space<vmem>>, vector<16xf32>,
    %add3A_1727 = arith.constant 2885 : i32
    %add3A_1728 = vector.broadcast %add3A_1727 : i32 to vector<16xi32>
    %add3A_1729 = arith.addi %shift_right_logical3A_1720, %add3A_1728 : vector<16xi32>
    %gather3A_1730 = tpu.vector_load_idx %arg9[%add3A_1729] : memref<4616xf32, #tpu.memory_space<vmem>>[vector<16xi32>], vector<16xf32>,
    %swap3A_1731 = arith.constant 1685 : index
    %swap3A_1732 = tpu.vector_load %arg10[%swap3A_1731] {strides = array<i32>} : memref<2312xf32, #tpu.memory_space<vmem>>, vector<16xf32>,
    tpu.vector_store %arg10[%swap3A_1731], %gather3A_1730 {strides = array<i32>} : memref<2312xf32, #tpu.memory_space<vmem>>, vector<16xf32>,
    %add3A_1733 = arith.constant 3462 : i32
    %add3A_1734 = vector.broadcast %add3A_1733 : i32 to vector<16xi32>
    %add3A_1735 = arith.addi %shift_right_logical3A_1720, %add3A_1734 : vector<16xi32>
    %gather3A_1736 = tpu.vector_load_idx %arg9[%add3A_1735] : memref<4616xf32, #tpu.memory_space<vmem>>[vector<16xi32>], vector<16xf32>,
    %swap3A_1737 = arith.constant 1974 : index
    %swap3A_1738 = tpu.vector_load %arg10[%swap3A_1737] {strides = array<i32>} : memref<2312xf32, #tpu.memory_space<vmem>>, vector<16xf32>,
    tpu.vector_store %arg10[%swap3A_1737], %gather3A_1736 {strides = array<i32>} : memref<2312xf32, #tpu.memory_space<vmem>>, vector<16xf32>,
    %add3A_1739 = arith.constant 4039 : i32
    %add3A_1740 = vector.broadcast %add3A_1739 : i32 to vector<16xi32>
    %add3A_1741 = arith.addi %shift_right_logical3A_1720, %add3A_1740 : vector<16xi32>
    %gather3A_1742 = tpu.vector_load_idx %arg9[%add3A_1741] : memref<4616xf32, #tpu.memory_space<vmem>>[vector<16xi32>], vector<16xf32>,
    %swap3A_1743 = arith.constant 2263 : index
    %swap3A_1744 = tpu.vector_load %arg10[%swap3A_1743] {strides = array<i32>} : memref<2312xf32, #tpu.memory_space<vmem>>, vector<16xf32>,
    tpu.vector_store %arg10[%swap3A_1743], %gather3A_1742 {strides = array<i32>} : memref<2312xf32, #tpu.memory_space<vmem>>, vector<16xf32>,
    %add3A_1745 = arith.constant 1 : i32
    %add3A_1746 = arith.addi %mul3A_23, %add3A_1745 : i32
    %mul3A_1747 = arith.constant 64 : i32
    %mul3A_1748 = vector.broadcast %mul3A_1747 : i32 to vector<16xi32>
    %mul3A_1749 = arith.muli %iota3A, %mul3A_1748 : vector<16xi32>
    %add3A_1750 = arith.constant 16384 : i32
    %add3A_1751 = arith.addi %add3A_1750, %add3A_1746 : i32
    %add3A_1752 = vector.broadcast %add3A_1751 : i32 to vector<16xi32>
    %add3A_1753 = arith.addi %mul3A_1749, %add3A_1752 : vector<16xi32>
    %gather3A_1754 = tpu.vector_load_idx %arg7[%add3A_1753] : memref<19456xi32, #tpu.memory_space<vmem>>[vector<16xi32>], vector<16xi32>,
    %shift_right_logical3A_1755 = arith.constant 6 : i32
    %shift_right_logical3A_1756 = vector.broadcast %shift_right_logical3A_1755 : i32 to vector<16xi32>
    %shift_right_logical3A_1757 = arith.shrui %gather3A_1754, %shift_right_logical3A_1756 : vector<16xi32>
    %add3A_1758 = arith.constant 2308 : i32
    %add3A_1759 = vector.broadcast %add3A_1758 : i32 to vector<16xi32>
    %add3A_1760 = arith.addi %shift_right_logical3A_1757, %add3A_1759 : vector<16xi32>
    %gather3A_1761 = tpu.vector_load_idx %arg9[%add3A_1760] : memref<4616xf32, #tpu.memory_space<vmem>>[vector<16xi32>], vector<16xf32>,
    %swap3A_1762 = arith.constant 1412 : index
    %swap3A_1763 = tpu.vector_load %arg10[%swap3A_1762] {strides = array<i32>} : memref<2312xf32, #tpu.memory_space<vmem>>, vector<16xf32>,
    tpu.vector_store %arg10[%swap3A_1762], %gather3A_1761 {strides = array<i32>} : memref<2312xf32, #tpu.memory_space<vmem>>, vector<16xf32>,
    %add3A_1764 = arith.constant 2885 : i32
    %add3A_1765 = vector.broadcast %add3A_1764 : i32 to vector<16xi32>
    %add3A_1766 = arith.addi %shift_right_logical3A_1757, %add3A_1765 : vector<16xi32>
    %gather3A_1767 = tpu.vector_load_idx %arg9[%add3A_1766] : memref<4616xf32, #tpu.memory_space<vmem>>[vector<16xi32>], vector<16xf32>,
    %swap3A_1768 = arith.constant 1701 : index
    %swap3A_1769 = tpu.vector_load %arg10[%swap3A_1768] {strides = array<i32>} : memref<2312xf32, #tpu.memory_space<vmem>>, vector<16xf32>,
    tpu.vector_store %arg10[%swap3A_1768], %gather3A_1767 {strides = array<i32>} : memref<2312xf32, #tpu.memory_space<vmem>>, vector<16xf32>,
    %add3A_1770 = arith.constant 3462 : i32
    %add3A_1771 = vector.broadcast %add3A_1770 : i32 to vector<16xi32>
    %add3A_1772 = arith.addi %shift_right_logical3A_1757, %add3A_1771 : vector<16xi32>
    %gather3A_1773 = tpu.vector_load_idx %arg9[%add3A_1772] : memref<4616xf32, #tpu.memory_space<vmem>>[vector<16xi32>], vector<16xf32>,
    %swap3A_1774 = arith.constant 1990 : index
    %swap3A_1775 = tpu.vector_load %arg10[%swap3A_1774] {strides = array<i32>} : memref<2312xf32, #tpu.memory_space<vmem>>, vector<16xf32>,
    tpu.vector_store %arg10[%swap3A_1774], %gather3A_1773 {strides = array<i32>} : memref<2312xf32, #tpu.memory_space<vmem>>, vector<16xf32>,
    %add3A_1776 = arith.constant 4039 : i32
    %add3A_1777 = vector.broadcast %add3A_1776 : i32 to vector<16xi32>
    %add3A_1778 = arith.addi %shift_right_logical3A_1757, %add3A_1777 : vector<16xi32>
    %gather3A_1779 = tpu.vector_load_idx %arg9[%add3A_1778] : memref<4616xf32, #tpu.memory_space<vmem>>[vector<16xi32>], vector<16xf32>,
    %swap3A_1780 = arith.constant 2279 : index
    %swap3A_1781 = tpu.vector_load %arg10[%swap3A_1780] {strides = array<i32>} : memref<2312xf32, #tpu.memory_space<vmem>>, vector<16xf32>,
    tpu.vector_store %arg10[%swap3A_1780], %gather3A_1779 {strides = array<i32>} : memref<2312xf32, #tpu.memory_space<vmem>>, vector<16xf32>,
    %dma_wait3A_1782 = arith.constant 0 : i32
    %dma_wait3A_1783 = arith.constant 0 : i32
    %dma_wait3A_1784 = arith.constant 0 : i32
    %dma_wait3A_1785 = tpu.memref_slice %arg8[%dma_wait3A_1782, %dma_wait3A_1783, %dma_wait3A_1784] : memref<2x64x768xf32, #tpu.memory_space<vmem>> -> memref<1x64x768xf32, #tpu.memory_space<vmem>>
    %dma_wait3A_1786 = tpu.memref_squeeze %dma_wait3A_1785 : memref<1x64x768xf32, #tpu.memory_space<vmem>> -> memref<64x768xf32, #tpu.memory_space<vmem>>
    %dma_wait3A_1787 = tpu.memref_slice %arg7[%multiple_of3A_1427] : memref<19456xi32, #tpu.memory_space<vmem>> -> memref<64xi32, #tpu.memory_space<vmem>>
    %dma_wait3A_1788 = arith.constant 0 : i32
    %dma_wait3A_1789 = arith.constant 0 : i32
    %dma_wait3A_1790 = tpu.memref_slice %arg2[%dma_wait3A_1788, %dma_wait3A_1789] : memref<36928x768xf32, #tpu.memory_space<hbm>> -> memref<36928x768xf32, #tpu.memory_space<hbm>>
    tpu.wait_indirect_dma semaphore(%arg11 : memref<!tpu.dma_semaphore, #tpu.memory_space<semaphore_mem>>) src(%dma_wait3A_1790 : memref<36928x768xf32, #tpu.memory_space<hbm>>) dst(%dma_wait3A_1786 : memref<64x768xf32, #tpu.memory_space<vmem>>)
    %add3A_1791 = arith.constant 512 : i32
    %add3A_1792 = arith.addi %add3A_7, %add3A_1791 : i32
    %dma_start3A_1793 = arith.constant 0 : i32
    %dma_start3A_1794 = arith.constant 0 : i32
    %dma_start3A_1795 = arith.constant 0 : i32
    %dma_start3A_1796 = tpu.memref_slice %arg8[%dma_start3A_1793, %dma_start3A_1794, %dma_start3A_1795] : memref<2x64x768xf32, #tpu.memory_space<vmem>> -> memref<1x64x768xf32, #tpu.memory_space<vmem>>
    %dma_start3A_1797 = tpu.memref_squeeze %dma_start3A_1796 : memref<1x64x768xf32, #tpu.memory_space<vmem>> -> memref<64x768xf32, #tpu.memory_space<vmem>>
    %dma_start3A_1798 = arith.constant 0 : i32
    %dma_start3A_1799 = tpu.memref_slice %arg5[%add3A_1792, %dma_start3A_1798] : memref<18496x768xf32, #tpu.memory_space<hbm>> -> memref<64x768xf32, #tpu.memory_space<hbm>>
    %dma_start3A_1800 = arith.constant 0 : i32
    %dma_start3A_1801 = tpu.memref_slice %arg5[%add3A_1792, %dma_start3A_1800] : memref<18496x768xf32, #tpu.memory_space<hbm>> -> memref<64x768xf32, #tpu.memory_space<hbm>>
    %dma_start3A_1802 = arith.constant 0 : i32
    %dma_start3A_1803 = arith.constant 0 : i32
    %dma_start3A_1804 = tpu.memref_slice %arg8[%dma_start3A_1793, %dma_start3A_1802, %dma_start3A_1803] : memref<2x64x768xf32, #tpu.memory_space<vmem>> -> memref<1x64x768xf32, #tpu.memory_space<vmem>>
    %dma_start3A_1805 = tpu.memref_squeeze %dma_start3A_1804 : memref<1x64x768xf32, #tpu.memory_space<vmem>> -> memref<64x768xf32, #tpu.memory_space<vmem>>
    tpu.enqueue_dma source(%dma_start3A_1805 : memref<64x768xf32, #tpu.memory_space<vmem>>) target(%dma_start3A_1801 : memref<64x768xf32, #tpu.memory_space<hbm>>) target_semaphore(%arg12 : memref<!tpu.dma_semaphore, #tpu.memory_space<semaphore_mem>>)
    %add3A_1806 = arith.constant 1 : i32
    %add3A_1807 = arith.addi %mul3A_23, %add3A_1806 : i32
    %mul3A_1808 = arith.constant 64 : i32
    %mul3A_1809 = vector.broadcast %mul3A_1808 : i32 to vector<16xi32>
    %mul3A_1810 = arith.muli %iota3A, %mul3A_1809 : vector<16xi32>
    %add3A_1811 = arith.constant 17408 : i32
    %add3A_1812 = arith.addi %add3A_1811, %add3A_1807 : i32
    %add3A_1813 = vector.broadcast %add3A_1812 : i32 to vector<16xi32>
    %add3A_1814 = arith.addi %mul3A_1810, %add3A_1813 : vector<16xi32>
    %gather3A_1815 = tpu.vector_load_idx %arg7[%add3A_1814] : memref<19456xi32, #tpu.memory_space<vmem>>[vector<16xi32>], vector<16xi32>,
    %shift_right_logical3A_1816 = arith.constant 6 : i32
    %shift_right_logical3A_1817 = vector.broadcast %shift_right_logical3A_1816 : i32 to vector<16xi32>
    %shift_right_logical3A_1818 = arith.shrui %gather3A_1815, %shift_right_logical3A_1817 : vector<16xi32>
    %add3A_1819 = arith.constant 2308 : i32
    %add3A_1820 = vector.broadcast %add3A_1819 : i32 to vector<16xi32>
    %add3A_1821 = arith.addi %shift_right_logical3A_1818, %add3A_1820 : vector<16xi32>
    %gather3A_1822 = tpu.vector_load_idx %arg9[%add3A_1821] : memref<4616xf32, #tpu.memory_space<vmem>>[vector<16xi32>], vector<16xf32>,
    %swap3A_1823 = arith.constant 1428 : index
    %swap3A_1824 = tpu.vector_load %arg10[%swap3A_1823] {strides = array<i32>} : memref<2312xf32, #tpu.memory_space<vmem>>, vector<16xf32>,
    tpu.vector_store %arg10[%swap3A_1823], %gather3A_1822 {strides = array<i32>} : memref<2312xf32, #tpu.memory_space<vmem>>, vector<16xf32>,
    %add3A_1825 = arith.constant 2885 : i32
    %add3A_1826 = vector.broadcast %add3A_1825 : i32 to vector<16xi32>
    %add3A_1827 = arith.addi %shift_right_logical3A_1818, %add3A_1826 : vector<16xi32>
    %gather3A_1828 = tpu.vector_load_idx %arg9[%add3A_1827] : memref<4616xf32, #tpu.memory_space<vmem>>[vector<16xi32>], vector<16xf32>,
    %swap3A_1829 = arith.constant 1717 : index
    %swap3A_1830 = tpu.vector_load %arg10[%swap3A_1829] {strides = array<i32>} : memref<2312xf32, #tpu.memory_space<vmem>>, vector<16xf32>,
    tpu.vector_store %arg10[%swap3A_1829], %gather3A_1828 {strides = array<i32>} : memref<2312xf32, #tpu.memory_space<vmem>>, vector<16xf32>,
    %add3A_1831 = arith.constant 3462 : i32
    %add3A_1832 = vector.broadcast %add3A_1831 : i32 to vector<16xi32>
    %add3A_1833 = arith.addi %shift_right_logical3A_1818, %add3A_1832 : vector<16xi32>
    %gather3A_1834 = tpu.vector_load_idx %arg9[%add3A_1833] : memref<4616xf32, #tpu.memory_space<vmem>>[vector<16xi32>], vector<16xf32>,
    %swap3A_1835 = arith.constant 2006 : index
    %swap3A_1836 = tpu.vector_load %arg10[%swap3A_1835] {strides = array<i32>} : memref<2312xf32, #tpu.memory_space<vmem>>, vector<16xf32>,
    tpu.vector_store %arg10[%swap3A_1835], %gather3A_1834 {strides = array<i32>} : memref<2312xf32, #tpu.memory_space<vmem>>, vector<16xf32>,
    %add3A_1837 = arith.constant 4039 : i32
    %add3A_1838 = vector.broadcast %add3A_1837 : i32 to vector<16xi32>
    %add3A_1839 = arith.addi %shift_right_logical3A_1818, %add3A_1838 : vector<16xi32>
    %gather3A_1840 = tpu.vector_load_idx %arg9[%add3A_1839] : memref<4616xf32, #tpu.memory_space<vmem>>[vector<16xi32>], vector<16xf32>,
    %swap3A_1841 = arith.constant 2295 : index
    %swap3A_1842 = tpu.vector_load %arg10[%swap3A_1841] {strides = array<i32>} : memref<2312xf32, #tpu.memory_space<vmem>>, vector<16xf32>,
    tpu.vector_store %arg10[%swap3A_1841], %gather3A_1840 {strides = array<i32>} : memref<2312xf32, #tpu.memory_space<vmem>>, vector<16xf32>,
    %add3A_1843 = arith.constant 1 : i32
    %add3A_1844 = arith.addi %mul3A_23, %add3A_1843 : i32
    %mul3A_1845 = arith.constant 64 : i32
    %mul3A_1846 = vector.broadcast %mul3A_1845 : i32 to vector<16xi32>
    %mul3A_1847 = arith.muli %iota3A, %mul3A_1846 : vector<16xi32>
    %add3A_1848 = arith.constant 18432 : i32
    %add3A_1849 = arith.addi %add3A_1848, %add3A_1844 : i32
    %add3A_1850 = vector.broadcast %add3A_1849 : i32 to vector<16xi32>
    %add3A_1851 = arith.addi %mul3A_1847, %add3A_1850 : vector<16xi32>
    %gather3A_1852 = tpu.vector_load_idx %arg7[%add3A_1851] : memref<19456xi32, #tpu.memory_space<vmem>>[vector<16xi32>], vector<16xi32>,
    %shift_right_logical3A_1853 = arith.constant 6 : i32
    %shift_right_logical3A_1854 = vector.broadcast %shift_right_logical3A_1853 : i32 to vector<16xi32>
    %shift_right_logical3A_1855 = arith.shrui %gather3A_1852, %shift_right_logical3A_1854 : vector<16xi32>
    %add3A_1856 = arith.constant 2308 : i32
    %add3A_1857 = vector.broadcast %add3A_1856 : i32 to vector<16xi32>
    %add3A_1858 = arith.addi %shift_right_logical3A_1855, %add3A_1857 : vector<16xi32>
    %gather3A_1859 = tpu.vector_load_idx %arg9[%add3A_1858] : memref<4616xf32, #tpu.memory_space<vmem>>[vector<16xi32>], vector<16xf32>,
    %add3A_1860 = arith.constant 1444 : i32
    %add3A_1861 = vector.broadcast %add3A_1860 : i32 to vector<16xi32>
    %add3A_1862 = arith.addi %iota3A, %add3A_1861 : vector<16xi32>
    %min3A_1863 = arith.constant 2311 : i32
    %min3A_1864 = vector.broadcast %min3A_1863 : i32 to vector<16xi32>
    %min3A_1865 = arith.minsi %add3A_1862, %min3A_1864 : vector<16xi32>
    %lt3A_1866 = arith.constant 1 : i32
    %lt3A_1867 = vector.broadcast %lt3A_1866 : i32 to vector<16xi32>
    %lt3A_1868 = arith.cmpi slt, %iota3A, %lt3A_1867 : vector<16xi32>
    tpu.vector_store_idx %arg10[%min3A_1865], %gather3A_1859 masked %lt3A_1868 : memref<2312xf32, #tpu.memory_space<vmem>>[vector<16xi32>], vector<16xf32>, vector<16xi1>
    %add3A_1869 = arith.constant 2885 : i32
    %add3A_1870 = vector.broadcast %add3A_1869 : i32 to vector<16xi32>
    %add3A_1871 = arith.addi %shift_right_logical3A_1855, %add3A_1870 : vector<16xi32>
    %gather3A_1872 = tpu.vector_load_idx %arg9[%add3A_1871] : memref<4616xf32, #tpu.memory_space<vmem>>[vector<16xi32>], vector<16xf32>,
    %add3A_1873 = arith.constant 1733 : i32
    %add3A_1874 = vector.broadcast %add3A_1873 : i32 to vector<16xi32>
    %add3A_1875 = arith.addi %iota3A, %add3A_1874 : vector<16xi32>
    %min3A_1876 = arith.constant 2311 : i32
    %min3A_1877 = vector.broadcast %min3A_1876 : i32 to vector<16xi32>
    %min3A_1878 = arith.minsi %add3A_1875, %min3A_1877 : vector<16xi32>
    %lt3A_1879 = arith.constant 1 : i32
    %lt3A_1880 = vector.broadcast %lt3A_1879 : i32 to vector<16xi32>
    %lt3A_1881 = arith.cmpi slt, %iota3A, %lt3A_1880 : vector<16xi32>
    tpu.vector_store_idx %arg10[%min3A_1878], %gather3A_1872 masked %lt3A_1881 : memref<2312xf32, #tpu.memory_space<vmem>>[vector<16xi32>], vector<16xf32>, vector<16xi1>
    %add3A_1882 = arith.constant 3462 : i32
    %add3A_1883 = vector.broadcast %add3A_1882 : i32 to vector<16xi32>
    %add3A_1884 = arith.addi %shift_right_logical3A_1855, %add3A_1883 : vector<16xi32>
    %gather3A_1885 = tpu.vector_load_idx %arg9[%add3A_1884] : memref<4616xf32, #tpu.memory_space<vmem>>[vector<16xi32>], vector<16xf32>,
    %add3A_1886 = arith.constant 2022 : i32
    %add3A_1887 = vector.broadcast %add3A_1886 : i32 to vector<16xi32>
    %add3A_1888 = arith.addi %iota3A, %add3A_1887 : vector<16xi32>
    %min3A_1889 = arith.constant 2311 : i32
    %min3A_1890 = vector.broadcast %min3A_1889 : i32 to vector<16xi32>
    %min3A_1891 = arith.minsi %add3A_1888, %min3A_1890 : vector<16xi32>
    %lt3A_1892 = arith.constant 1 : i32
    %lt3A_1893 = vector.broadcast %lt3A_1892 : i32 to vector<16xi32>
    %lt3A_1894 = arith.cmpi slt, %iota3A, %lt3A_1893 : vector<16xi32>
    tpu.vector_store_idx %arg10[%min3A_1891], %gather3A_1885 masked %lt3A_1894 : memref<2312xf32, #tpu.memory_space<vmem>>[vector<16xi32>], vector<16xf32>, vector<16xi1>
    %add3A_1895 = arith.constant 4039 : i32
    %add3A_1896 = vector.broadcast %add3A_1895 : i32 to vector<16xi32>
    %add3A_1897 = arith.addi %shift_right_logical3A_1855, %add3A_1896 : vector<16xi32>
    %gather3A_1898 = tpu.vector_load_idx %arg9[%add3A_1897] : memref<4616xf32, #tpu.memory_space<vmem>>[vector<16xi32>], vector<16xf32>,
    %add3A_1899 = arith.constant 2311 : i32
    %add3A_1900 = vector.broadcast %add3A_1899 : i32 to vector<16xi32>
    %add3A_1901 = arith.addi %iota3A, %add3A_1900 : vector<16xi32>
    %min3A_1902 = arith.constant 2311 : i32
    %min3A_1903 = vector.broadcast %min3A_1902 : i32 to vector<16xi32>
    %min3A_1904 = arith.minsi %add3A_1901, %min3A_1903 : vector<16xi32>
    %lt3A_1905 = arith.constant 1 : i32
    %lt3A_1906 = vector.broadcast %lt3A_1905 : i32 to vector<16xi32>
    %lt3A_1907 = arith.cmpi slt, %iota3A, %lt3A_1906 : vector<16xi32>
    tpu.vector_store_idx %arg10[%min3A_1904], %gather3A_1898 masked %lt3A_1907 : memref<2312xf32, #tpu.memory_space<vmem>>[vector<16xi32>], vector<16xf32>, vector<16xi1>
    %dma_wait3A_1908 = arith.constant 1 : i32
    %dma_wait3A_1909 = arith.constant 0 : i32
    %dma_wait3A_1910 = arith.constant 0 : i32
    %dma_wait3A_1911 = tpu.memref_slice %arg8[%dma_wait3A_1908, %dma_wait3A_1909, %dma_wait3A_1910] : memref<2x64x768xf32, #tpu.memory_space<vmem>> -> memref<1x8x768xf32, #tpu.memory_space<vmem>>
    %dma_wait3A_1912 = tpu.memref_squeeze %dma_wait3A_1911 : memref<1x8x768xf32, #tpu.memory_space<vmem>> -> memref<8x768xf32, #tpu.memory_space<vmem>>
    %dma_wait3A_1913 = tpu.memref_slice %arg7[%multiple_of3A_1624] : memref<19456xi32, #tpu.memory_space<vmem>> -> memref<8xi32, #tpu.memory_space<vmem>>
    %dma_wait3A_1914 = arith.constant 0 : i32
    %dma_wait3A_1915 = arith.constant 0 : i32
    %dma_wait3A_1916 = tpu.memref_slice %arg2[%dma_wait3A_1914, %dma_wait3A_1915] : memref<36928x768xf32, #tpu.memory_space<hbm>> -> memref<36928x768xf32, #tpu.memory_space<hbm>>
    tpu.wait_indirect_dma semaphore(%arg11 : memref<!tpu.dma_semaphore, #tpu.memory_space<semaphore_mem>>) src(%dma_wait3A_1916 : memref<36928x768xf32, #tpu.memory_space<hbm>>) dst(%dma_wait3A_1912 : memref<8x768xf32, #tpu.memory_space<vmem>>)
    %ge3A = arith.constant 24 : i32
    %ge3A_1917 = arith.cmpi sge, %add3A, %ge3A : i32
    %convert_element_type3A = arith.extui %ge3A_1917 : i1 to i32
    %cond3A = arith.constant 0 : i32
    %cond3A_1918 = arith.cmpi ne, %convert_element_type3A, %cond3A : i32
    scf.if %cond3A_1918 {
      %add3A_1938 = arith.constant 576 : i32
      %add3A_1939 = arith.addi %add3A_7, %add3A_1938 : i32
      %run_scoped3A = arith.constant 1 : i32
      "tpu.region"() ({
        %run_scoped3A_1940 = tpu.sem_alloc : memref<!tpu.dma_semaphore, #tpu.memory_space<semaphore_mem>>
        %dma_start3A_1941 = arith.constant 0 : i32
        %dma_start3A_1942 = arith.constant 0 : i32
        %dma_start3A_1943 = tpu.memref_slice %arg8[%run_scoped3A, %dma_start3A_1941, %dma_start3A_1942] : memref<2x64x768xf32, #tpu.memory_space<vmem>> -> memref<1x8x768xf32, #tpu.memory_space<vmem>>
        %dma_start3A_1944 = tpu.memref_squeeze %dma_start3A_1943 : memref<1x8x768xf32, #tpu.memory_space<vmem>> -> memref<8x768xf32, #tpu.memory_space<vmem>>
        %dma_start3A_1945 = arith.constant 0 : i32
        %dma_start3A_1946 = tpu.memref_slice %arg5[%add3A_1939, %dma_start3A_1945] : memref<18496x768xf32, #tpu.memory_space<hbm>> -> memref<8x768xf32, #tpu.memory_space<hbm>>
        %dma_start3A_1947 = arith.constant 0 : i32
        %dma_start3A_1948 = tpu.memref_slice %arg5[%add3A_1939, %dma_start3A_1947] : memref<18496x768xf32, #tpu.memory_space<hbm>> -> memref<8x768xf32, #tpu.memory_space<hbm>>
        %dma_start3A_1949 = arith.constant 0 : i32
        %dma_start3A_1950 = arith.constant 0 : i32
        %dma_start3A_1951 = tpu.memref_slice %arg8[%run_scoped3A, %dma_start3A_1949, %dma_start3A_1950] : memref<2x64x768xf32, #tpu.memory_space<vmem>> -> memref<1x8x768xf32, #tpu.memory_space<vmem>>
        %dma_start3A_1952 = tpu.memref_squeeze %dma_start3A_1951 : memref<1x8x768xf32, #tpu.memory_space<vmem>> -> memref<8x768xf32, #tpu.memory_space<vmem>>
        tpu.enqueue_dma source(%dma_start3A_1952 : memref<8x768xf32, #tpu.memory_space<vmem>>) target(%dma_start3A_1948 : memref<8x768xf32, #tpu.memory_space<hbm>>) target_semaphore(%run_scoped3A_1940 : memref<!tpu.dma_semaphore, #tpu.memory_space<semaphore_mem>>)
        %dma_wait3A_1953 = arith.constant 0 : i32
        %dma_wait3A_1954 = arith.constant 0 : i32
        %dma_wait3A_1955 = tpu.memref_slice %arg8[%run_scoped3A, %dma_wait3A_1953, %dma_wait3A_1954] : memref<2x64x768xf32, #tpu.memory_space<vmem>> -> memref<1x8x768xf32, #tpu.memory_space<vmem>>
        %dma_wait3A_1956 = tpu.memref_squeeze %dma_wait3A_1955 : memref<1x8x768xf32, #tpu.memory_space<vmem>> -> memref<8x768xf32, #tpu.memory_space<vmem>>
        %dma_wait3A_1957 = arith.constant 0 : i32
        %dma_wait3A_1958 = tpu.memref_slice %arg5[%add3A_1939, %dma_wait3A_1957] : memref<18496x768xf32, #tpu.memory_space<hbm>> -> memref<8x768xf32, #tpu.memory_space<hbm>>
        %dma_wait3A_1959 = arith.constant 0 : i32
        %dma_wait3A_1960 = tpu.memref_slice %arg5[%add3A_1939, %dma_wait3A_1959] : memref<18496x768xf32, #tpu.memory_space<hbm>> -> memref<8x768xf32, #tpu.memory_space<hbm>>
        %dma_wait3A_1961 = arith.constant 0 : i32
        %dma_wait3A_1962 = arith.constant 0 : i32
        %dma_wait3A_1963 = tpu.memref_slice %arg8[%run_scoped3A, %dma_wait3A_1961, %dma_wait3A_1962] : memref<2x64x768xf32, #tpu.memory_space<vmem>> -> memref<1x8x768xf32, #tpu.memory_space<vmem>>
        %dma_wait3A_1964 = tpu.memref_squeeze %dma_wait3A_1963 : memref<1x8x768xf32, #tpu.memory_space<vmem>> -> memref<8x768xf32, #tpu.memory_space<vmem>>
        tpu.wait_dma2 semaphore(%run_scoped3A_1940 : memref<!tpu.dma_semaphore, #tpu.memory_space<semaphore_mem>>) src(%dma_wait3A_1964 : memref<8x768xf32, #tpu.memory_space<vmem>>) dst(%dma_wait3A_1960 : memref<8x768xf32, #tpu.memory_space<hbm>>)
        tpu.yield
      }) : () -> ()
    } else {
    }
    %dma_wait3A_1919 = arith.constant 0 : i32
    %dma_wait3A_1920 = arith.constant 0 : i32
    %dma_wait3A_1921 = arith.constant 0 : i32
    %dma_wait3A_1922 = tpu.memref_slice %arg8[%dma_wait3A_1919, %dma_wait3A_1920, %dma_wait3A_1921] : memref<2x64x768xf32, #tpu.memory_space<vmem>> -> memref<1x64x768xf32, #tpu.memory_space<vmem>>
    %dma_wait3A_1923 = tpu.memref_squeeze %dma_wait3A_1922 : memref<1x64x768xf32, #tpu.memory_space<vmem>> -> memref<64x768xf32, #tpu.memory_space<vmem>>
    %dma_wait3A_1924 = arith.constant 0 : i32
    %dma_wait3A_1925 = tpu.memref_slice %arg5[%add3A_1792, %dma_wait3A_1924] : memref<18496x768xf32, #tpu.memory_space<hbm>> -> memref<64x768xf32, #tpu.memory_space<hbm>>
    %dma_wait3A_1926 = arith.constant 0 : i32
    %dma_wait3A_1927 = tpu.memref_slice %arg5[%add3A_1792, %dma_wait3A_1926] : memref<18496x768xf32, #tpu.memory_space<hbm>> -> memref<64x768xf32, #tpu.memory_space<hbm>>
    %dma_wait3A_1928 = arith.constant 0 : i32
    %dma_wait3A_1929 = arith.constant 0 : i32
    %dma_wait3A_1930 = tpu.memref_slice %arg8[%dma_wait3A_1919, %dma_wait3A_1928, %dma_wait3A_1929] : memref<2x64x768xf32, #tpu.memory_space<vmem>> -> memref<1x64x768xf32, #tpu.memory_space<vmem>>
    %dma_wait3A_1931 = tpu.memref_squeeze %dma_wait3A_1930 : memref<1x64x768xf32, #tpu.memory_space<vmem>> -> memref<64x768xf32, #tpu.memory_space<vmem>>
    tpu.wait_dma2 semaphore(%arg12 : memref<!tpu.dma_semaphore, #tpu.memory_space<semaphore_mem>>) src(%dma_wait3A_1931 : memref<64x768xf32, #tpu.memory_space<vmem>>) dst(%dma_wait3A_1927 : memref<64x768xf32, #tpu.memory_space<hbm>>)
    %mul3A_1932 = arith.constant 2 : i32
    %mul3A_1933 = arith.muli %add3A, %mul3A_1932 : i32
    %mul3A_1934 = arith.constant 4 : i32
    %mul3A_1935 = arith.muli %mul3A_1933, %mul3A_1934 : i32
    %mul3A_1936 = arith.constant 289 : i32
    %mul3A_1937 = arith.muli %mul3A_1935, %mul3A_1936 : i32
    "tpu.region"() ({
      %run_scoped3A = tpu.sem_alloc : memref<!tpu.dma_semaphore, #tpu.memory_space<semaphore_mem>>
      %dma_start3A_1938 = tpu.memref_slice %arg6[%mul3A_1937] : memref<73984xf32, #tpu.memory_space<hbm>> -> memref<2312xf32, #tpu.memory_space<hbm>>
      %dma_start3A_1939 = tpu.memref_slice %arg6[%mul3A_1937] : memref<73984xf32, #tpu.memory_space<hbm>> -> memref<2312xf32, #tpu.memory_space<hbm>>
      tpu.enqueue_dma source(%arg10 : memref<2312xf32, #tpu.memory_space<vmem>>) target(%dma_start3A_1939 : memref<2312xf32, #tpu.memory_space<hbm>>) target_semaphore(%run_scoped3A : memref<!tpu.dma_semaphore, #tpu.memory_space<semaphore_mem>>)
      %dma_wait3A_1940 = tpu.memref_slice %arg6[%mul3A_1937] : memref<73984xf32, #tpu.memory_space<hbm>> -> memref<2312xf32, #tpu.memory_space<hbm>>
      %dma_wait3A_1941 = tpu.memref_slice %arg6[%mul3A_1937] : memref<73984xf32, #tpu.memory_space<hbm>> -> memref<2312xf32, #tpu.memory_space<hbm>>
      tpu.wait_dma2 semaphore(%run_scoped3A : memref<!tpu.dma_semaphore, #tpu.memory_space<semaphore_mem>>) src(%arg10 : memref<2312xf32, #tpu.memory_space<vmem>>) dst(%dma_wait3A_1941 : memref<2312xf32, #tpu.memory_space<hbm>>)
      tpu.yield
    }) : () -> ()
    return
  }
}

</mosaic_0001>

<sc_bundles>
// kernel: kernel.3.cloned.1.call-start
scs
__scs_entry_jumppad:
0x0: {  	(pc) =	sbr.rel $0x88, $3  }
0x1: {  	(tag) =	ssettag $0x0;
	lr =	simm.s32 $0x1  }
0x2: {  	[smem:$0x3F9F] =	sst lr;
	_ =	strace $0xD0000000  }
0x3: {  	_ = 	snop  }
0x4: {  	_ = 	snop  }
0x5: {  	_ = 	snop  }
0x6: {  	_ = 	snop  }
0x7: {  	_ = 	snop  }
__scs_overlays_trampoline_lowered:
0x8: {  	[smem:$0x3FAE] =	sst s0  }
0x9: {  	[smem:$0x3FAF] =	sst s1  }
0xa: {  	[smem:$0x3FB0] =	sst s2  }
0xb: {  	[smem:$0x3FB1] =	sst s3  }
0xc: {  	[smem:$0x3FB2] =	sst s4  }
0xd: {  	[smem:$0x3FB3] =	sst s5  }
0xe: {  	[smem:$0x3FB4] =	sst s6  }
0xf: {  	[smem:$0x3FB5] =	sst s7  }
0x10: {  	[smem:$0x3FB6] =	sst s8  }
0x11: {  	[smem:$0x3FB7] =	sst s9;
	s0 =	simm.s32 @!p0 $0x0  }
0x12: {  	s1 =	sld [smem:$0x3F9D];
	s0 =	simm.s32 @p0 $0x1  }
0x13: {  	[smem:$0x3FB8] =	sst s0;
	s0 =	simm.s32 @!p1 $0x0  }
0x14: {  	s2 =	sld [smem:$0x3F9C];
	s0 =	simm.s32 @p1 $0x1  }
0x15: {  	[smem:$0x3FB9] =	sst s0;
	s0 =	simm.s32 @!p2 $0x0  }
0x16: {  	s3 =	sld [smem:$0x3FDB];
	s0 =	simm.s32 @p2 $0x1  }
0x17: {  	s4 =	simm.s32 $0x1BF5;
	[smem:$0x3FBB] =	sst s0  }
0x18: {  	s0 =	sld [smem:$0x3F9E];
	_ =	swait.ge [sflag:s4], $0x0  }
0x19: {  	s7 =	sld [smem:$0x3F9F]  }
0x1a: {  	s8 =	sadd.s32 $0xFFFFE003, lr  }
0x1b: {  	s9 =	sadd.s32 $0xFFFFFEF7, lr;
	s5 =	simm.s32 $0xFFFFFFFF;
	p2 =	slt.u32 s8, $0xFFFFF086  }
0x1c: {  	p1 =	slt.u32 s9, $0xF7A;
	s5 =	simm.s32 @!p2 $0x0  }
0x1d: {  	s5 =	simm.s32 @p1 $0x1;
	p0 =	seq.s32 s7, s2  }
0x1e: {  	s7 =	smul.u32 @!p0 $0xF7A, s2;
	p2 =	seq.s32 @!p0 s5, $0x0  }
0x1f: {  	s9 =	smul.u32 $0xF7A, s1;
	s8 =	simm.s32 @!p0 $0x1BF5;
	p2 =	por !p2, p0  }
0x20: {  	[sflag:s8] =	ssyncset.s32 @!p0 $0xFFFFF086;
	s6 =	sadd.s32 @!p0 s3, s7;
	s7 =	simm.s32 @!p0 $0x108  }
0x21: {  	s3 =	sadd.s32 s3, s9;
	s6 =	sadd.s32 @!p0 $0x88, s6;
	s7 =	simm.s32 @p2 $0x1082  }
0x22: {  	[simem:s7], [sflag:s8] =	dma.local @!p0 [hbm:s6], $0xF7A  }
0x23: {  	s9 =	sor.u32 $0xD0000000, s2;
	s6 =	simm.s32 $0x108;
	_ =	swait.ge @!p0 [sflag:s8], $0x0  }
0x24: {  	s3 =	sadd.s32 $0x88, s3;
	s6 =	simm.s32 @!p1 $0x1082;
	[sflag:s4] =	ssyncset.s32 $0xFFFFF086  }
0x25: {  	[simem:s6], [sflag:s4] =	dma.local [hbm:s3], $0xF7A  }
0x26: {  	[smem:$0x3F9F] =	sst s1;
	(tag) =	ssettag s2;
	_ =	strace s9  }
0x27: {  	s1 =	sld [smem:$0x3FAF]  }
0x28: {  	s2 =	sld [smem:$0x3FB0]  }
0x29: {  	s4 =	sld [smem:$0x3FB2]  }
0x2a: {  	p0 =	seq.s32 s5, $0x0;
	s5 =	sld [smem:$0x3FB3]  }
0x2b: {  	s6 =	sld [smem:$0x3FB4]  }
0x2c: {  	s7 =	sld [smem:$0x3FB5]  }
0x2d: {  	s3 =	simm.s32 $0x108;
	s8 =	sld [smem:$0x3FB6]  }
0x2e: {  	s3 =	simm.s32 @!p0 $0x1082;
	s9 =	sld [smem:$0x3FB7]  }
0x2f: {  	lr =	sadd.s32 s0, s3;
	s0 =	sld [smem:$0x3FAE]  }
0x30: {  	s3 =	sld [smem:$0x3FB1]  }
0x31: {  	[smem:$0x3FBA] =	sst s10  }
0x32: {  	s10 =	sld [smem:$0x3FB8];
	_ =	sdelay $0x3  }
0x33: {  	p0 =	seq.s32 s10, $0x1;
	s10 =	sld [smem:$0x3FBA];
	_ =	sdelay $0x3  }
0x34: {  	[smem:$0x3FBA] =	sst s10  }
0x35: {  	s10 =	sld [smem:$0x3FB9];
	_ =	sdelay $0x3  }
0x36: {  	p1 =	seq.s32 s10, $0x1;
	s10 =	sld [smem:$0x3FBA];
	_ =	sdelay $0x3  }
0x37: {  	[smem:$0x3FBA] =	sst s10  }
0x38: {  	s10 =	sld [smem:$0x3FBB]  }
0x39: {  	_ = 	snop;
	(pc) =	sbr.ind lr, $3  }
0x3a: {  	_ = 	snop  }
0x3b: {  	_ = 	snop  }
0x3c: {  	p2 =	seq.s32 s10, $0x1;
	s10 =	sld [smem:$0x3FBA]  }
0x3d: {  	_ =	shalt  }
0x3e: {  	_ =	shalt  }
0x3f: {  	_ =	shalt  }
0x40: {  	_ =	shalt  }
0x41: {  	_ =	shalt  }
0x42: {  	_ =	shalt  }
0x43: {  	_ =	shalt  }
0x44: {  	_ =	shalt  }
0x45: {  	_ =	shalt  }
0x46: {  	_ =	shalt  }
0x47: {  	_ =	shalt  }
0x48: {  	_ =	shalt  }
0x49: {  	_ =	shalt  }
0x4a: {  	_ =	shalt  }
0x4b: {  	_ =	shalt  }
0x4c: {  	_ =	shalt  }
0x4d: {  	_ =	shalt  }
0x4e: {  	_ =	shalt  }
0x4f: {  	_ =	shalt  }
0x50: {  	_ =	shalt  }
0x51: {  	_ =	shalt  }
0x52: {  	_ =	shalt  }
0x53: {  	_ =	shalt  }
0x54: {  	_ =	shalt  }
0x55: {  	_ =	shalt  }
0x56: {  	_ =	shalt  }
0x57: {  	_ =	shalt  }
0x58: {  	_ =	shalt  }
0x59: {  	_ =	shalt  }
0x5a: {  	_ =	shalt  }
0x5b: {  	_ =	shalt  }
0x5c: {  	_ =	shalt  }
0x5d: {  	_ =	shalt  }
0x5e: {  	_ =	shalt  }
0x5f: {  	_ =	shalt  }
0x60: {  	_ =	shalt  }
0x61: {  	_ =	shalt  }
0x62: {  	_ =	shalt  }
0x63: {  	_ =	shalt  }
0x64: {  	_ =	shalt  }
0x65: {  	_ =	shalt  }
0x66: {  	_ =	shalt  }
0x67: {  	_ =	shalt  }
0x68: {  	_ =	shalt  }
0x69: {  	_ =	shalt  }
0x6a: {  	_ =	shalt  }
0x6b: {  	_ =	shalt  }
0x6c: {  	_ =	shalt  }
0x6d: {  	_ =	shalt  }
0x6e: {  	_ =	shalt  }
0x6f: {  	_ =	shalt  }
0x70: {  	_ =	shalt  }
0x71: {  	_ =	shalt  }
0x72: {  	_ =	shalt  }
0x73: {  	_ =	shalt  }
0x74: {  	_ =	shalt  }
0x75: {  	_ =	shalt  }
0x76: {  	_ =	shalt  }
0x77: {  	_ =	shalt  }
0x78: {  	_ =	shalt  }
0x79: {  	_ =	shalt  }
0x7a: {  	_ =	shalt  }
0x7b: {  	_ =	shalt  }
0x7c: {  	_ =	shalt  }
0x7d: {  	_ =	shalt  }
0x7e: {  	_ =	shalt  }
0x7f: {  	_ =	shalt  }
0x80: {  	_ =	shalt  }
0x81: {  	_ =	shalt  }
0x82: {  	_ =	shalt  }
0x83: {  	_ =	shalt  }
0x84: {  	_ =	shalt  }
0x85: {  	_ =	shalt  }
0x86: {  	_ =	shalt  }
0x87: {  	_ =	shalt  }
.Lfunc_end0:
.L_simem_size_0:
called_computation_lowered:
.L_overlay_start_0:
0x88: {  	s2 =	sld [smem:$0x3FD9]  }
0x89: {  	s3 =	sld [smem:$0x3FFE];
	_ =	sdelay $0x1  }
0x8a: {  	s1 =	srdreg.scid  }
0x8b: {  	s0 =	sand.u32 $0x1, s1  }
0x8c: {  	s14 =	sshll.u32 s0, $0xA;
	s2 =	sadd.s32 s3, s2  }
0x8d: {  	s2 =	sadd.s32 s2, s14  }
0x8e: {  	[smem:$0x3FC6] =	sst s2  }
0x8f: {  	_ = 	snop  }
0x90: {  	s2 =	sld [smem:$0x3FD0];
	_ =	sdelay $0x2  }
0x91: {  	s4 =	simm.s32 $0xA;
	s5 =	simm.s32 $0x10;
	s15 =	sld [smem:$0x3FC9]  }
0x92: {  	[smem:s5], [sflag:s4] =	dma.local [hbm:s2], $0x1  }
0x93: {  	_ =	swait.eq [sflag:s4], $0x1  }
0x94: {  	[sflag:s4] =	ssyncset.done $0x0  }
0x95: {  	s16 =	sld [smem:$0x10];
	[sflag:s4] =	ssyncadd.s32 $0xFFFFFFFF  }
0x96: {  	s17 =	sld [smem:$0x11];
	(tm) =	ssettm $0x1  }
0x97: {  	s18 =	sld [smem:$0x3FFB];
	_ =	sdelay $0x3  }
0x98: {  	_ =	strace s18  }
0x99: {  	s5 =	sld [smem:$0x3FFC];
	_ =	sdelay $0x3  }
0x9a: {  	_ =	strace s5  }
0x9b: {  	s5 =	sld [smem:$0x3FFD];
	_ =	sdelay $0x3  }
0x9c: {  	_ =	strace s5  }
0x9d: {  	_ =	strace $0x8FFFFFFF  }
0x9e: {  	s19 =	sld [smem:$0x3FDB];
	_ =	sdelay $0x1  }
0x9f: {  	s6 =	simm.s32 $_scs_section_size  }
0xa0: {  	s7 =	simm.s32 $_size__tile_overlayer_lowered;
	s8 =	simm.s32 $_tile_overlayer_lowered  }
0xa1: {  	s22 =	simm.s32 $0x1BFF;
	s21 =	sshll.u32 s8, $0x1;
	s5 =	sadd.s32 s6, s19  }
0xa2: {  	s9 =	simm.s32 $0x0;
	s20 =	sshll.u32 s7, $0x1;
	s7 =	sadd.s32 s21, s5  }
0xa3: {  	[timem:s9], [sflag:s22] =	dma.local [hbm:s7], s20  }
0xa4: {  	_ =	swait.ge [sflag:s22], s20  }
0xa5: {  	s6 =	ssub.s32 $0x0, s20;
	[sflag:s22] =	ssyncset.done $0x0  }
0xa6: {  	[sflag:s22] =	ssyncadd.s32 s6;
	_ =	sdelay $0x1  }
0xa7: {  	s23 =	simm.s32 $0x1B8B  }
0xa8: {  	_ =	swait.ge [sflag:s23], $0x1  }
0xa9: {  	[sflag:s23] =	ssyncset.done $0x0  }
0xaa: {  	s25 =	simm.s32 $0x1B8E;
	s24 =	sld [smem:$0x3FFE];
	[sflag:s23] =	ssyncadd.s32 $0xFFFFFFFF  }
0xab: {  	s26 =	simm.s32 $execute0_lowered;
	[smem:$0x3FD2] =	sst s25  }
0xac: {  	s7 =	sshll.u32 s26, $0x1;
	_ =	strace $0x80000046;
	[dreg:$0x1] =	wrdreg $0xFFFFFFFF  }
0xad: {  	s28 =	simm.s32 $_size_execute0_lowered;
	s5 =	sadd.s32 s5, s7;
	[dreg:$0x0] =	wrdreg $0x0  }
0xae: {  	s7 =	sshll.u32 s28, $0x1;
	[dreg:$0x2] =	wrdreg s5  }
0xaf: {  	[dreg:$0x3] =	wrdreg s7  }
0xb0: {  	[dreg:$0x4] =	wrdreg $0xC0  }
0xb1: {  	_ =	task [dreg:s9], $0x5FFFF  }
0xb2: {  	[dreg:$0x1] =	wrdreg $0xFFFFFFFF  }
0xb3: {  	[dreg:$0x0] =	wrdreg $0x60  }
0xb4: {  	[dreg:$0x2] =	wrdreg s15  }
0xb5: {  	[dreg:$0x3] =	wrdreg s24  }
0xb6: {  	[dreg:$0x4] =	wrdreg s17  }
0xb7: {  	[dreg:$0x5] =	wrdreg s16  }
0xb8: {  	[dreg:$0x6] =	wrdreg $0x9  }
0xb9: {  	_ =	task.clear_ibuf [dreg:s9], $0x7FFFF;
	_ =	strace $0x90000046  }
0xba: {  	s29 =	simm.s32 $0x9;
	_ =	strace $0x80000048  }
0xbb: {  	_ =	swait.ge [sflag:s29], $0x1  }
0xbc: {  	[sflag:s29] =	ssyncadd.s32 $0xFFFFFFFF  }
0xbd: {  	_ =	strace $0x90000048  }
0xbe: {  	_ =	sfence  }
0xbf: {  	s30 =	sld [smem:$0x0];
	_ =	sdelay $0x2  }
0xc0: {  	s31 =	sshll.u32 s1, $0xD;
	s1 =	sshrl.u32 s1, $0x2  }
0xc1: {  	s3 =	sand.u32 $0x4000, s31;
	s1 =	sadd.s32 s1, s30  }
0xc2: {  	s0 =	sor.u32 s3, s0;
	s1 =	sshll.u32 s1, $0x11  }
0xc3: {  	s0 =	sor.u32 s1, s0  }
0xc4: {  	s0 =	sadd.s32 $0x8F2B, s0  }
0xc5: {  	[sflag:s0] =	ssyncadd.remote.s32 $0x1  }
0xc6: {  	_ =	sfence.sel $0xFFFF  }
0xc7: {  	[dreg:$0x0] =	wrdreg $0xFFFFFFFF;
	(pc) =	sbr.abs _section_cstart, $3  }
0xc8: {  	[dreg:$0x1] =	wrdreg $0xFFFFFFFF  }
0xc9: {  	_ =	task.clear_ibuf [dreg:s9], $0x2FFFF;
	_ =	strace $0x9FFFFFFF  }
0xca: {  	(tm) =	ssettm $0x7FFFFFFF  }
0xcb: {  	_ =	shalt  }
tec
execute0_lowered:
.L_overlay_start_1:
0x0: {  	(tag) =	ssettag $0x1  }
0x1: {  	s1 =	rddreg [dreg:$0x0]  }
0x2: {  	s0 =	rddreg [dreg:$0x1]  }
0x3: {  	s3 =	srdreg.scid;
	s19 =	stileid.u32  }
0x4: {  	s2 =	rddreg [dreg:$0x2];
	s4 =	sand.u32 $0x1, s3;
	s20 =	sshll.u32 s19, $0x1  }
0x5: {  	[dreg:$0x5] =	wrdreg s2;
	s15 =	sor.u32 s4, s20  }
0x6: {  	s2 =	rddreg [dreg:$0x3];
	s3 =	simm.s32 $0x0;
	s5 =	smul.u32 $0x241, s15  }
0x7: {  	[smem:$0x7FF] =	sst s3;
	s7 =	smul.u32 $0x240, s15;
	s8 =	smax.u32 s15, $0x18  }
0x8: {  	s21 =	ssub.s32 $0x2, s4;
	s6 =	smul.u32 $0x121, s15;
	s22 =	sshll.u32 s8, $0x3  }
0x9: {  	_ =	strace $0x80000047;
	s23 =	sshrl.u32 s21, $0x1;
	s4 =	sadd.s32 s7, s22  }
0xa: {  	s16 =	ssub.s32 s21, s23;
	s9 =	sadd.s32 s5, s0;
	s24 =	sadd.s32 $0xFFFFFF40, s4  }
0xb: {  	s17 =	sadd.s32 s6, s0;
	s25 =	sadd.s32 $0xFFFFFF80, s4;
	[dreg:$0x12] =	wrdreg s24  }
0xc: {  	s9 =	sadd.s32 $0x800, s9;
	s26 =	sadd.s32 $0xFFFFFFC0, s4;
	[dreg:$0x13] =	wrdreg s25  }
0xd: {  	s29 =	sadd.s32 $0x40, s4;
	s13 =	sshrl.u32 s4, $0x3;
	[dreg:$0x6] =	wrdreg s9  }
0xe: {  	s30 =	sadd.s32 $0x80, s4;
	s20 =	sadd.s32 $0x100, s4;
	[dreg:$0x14] =	wrdreg s26  }
0xf: {  	s23 =	sadd.s32 $0x140, s4;
	s17 =	sadd.s32 $0x5200, s17;
	[dreg:$0x15] =	wrdreg s29  }
0x10: {  	s0 =	sshrl.u32 s24, $0x3;
	s11 =	sshrl.u32 s25, $0x3;
	[dreg:$0x16] =	wrdreg s30  }
0x11: {  	s28 =	sshrl.u32 s26, $0x3;
	s13 =	smul.u32 $0x300, s13;
	[dreg:$0x18] =	wrdreg s20  }
0x12: {  	s9 =	sshrl.u32 s30, $0x3;
	[dreg:$0x19] =	wrdreg s23;
	s26 =	sshrl.u32 s23, $0x3  }
0x13: {  	s23 =	sadd.s32 $0x180, s4;
	[dreg:$0x11] =	wrdreg s17;
	s10 =	smul.u32 $0x300, s0  }
0x14: {  	s0 =	sshll.u32 s15, $0x1;
	s12 =	smul.u32 $0x300, s28;
	s8 =	sadd.s32 s2, s13  }
0x15: {  	s28 =	sshrl.u32 s23, $0x3;
	s30 =	sor.u32 $0x4400, s0;
	[dreg:$0xa] =	wrdreg s8  }
0x16: {  	s23 =	sshllo.u32 s15, $0x1;
	s15 =	sor.u32 $0x4800, s0;
	[smem:$0x7F6] =	sst s30  }
0x17: {  	s11 =	smul.u32 $0x300, s11;
	s17 =	sor.u32 $0x801, s0;
	[smem:$0x7F7] =	sst s15  }
0x18: {  	s10 =	sadd.s32 s2, s10;
	[smem:$0x7F9] =	sst s17  }
0x19: {  	s11 =	sadd.s32 s2, s11;
	[dreg:$0x7] =	wrdreg s10  }
0x1a: {  	s12 =	sadd.s32 s2, s12;
	[dreg:$0x8] =	wrdreg s11  }
0x1b: {  	s30 =	sor.u32 $0x1801, s0;
	[dreg:$0x9] =	wrdreg s12  }
0x1c: {  	v47 =	vlaneseq.u32;
	s15 =	sor.u32 $0x1C01, s0;
	[smem:$0x7FC] =	sst s30  }
0x1d: {  	v37 =	vmul.u32 $0x40, v47;
	s14 =	sshrl.u32 s29, $0x3;
	s17 =	sor.u32 $0x2401, s0;
	[smem:$0x7FD] =	sst s15  }
0x1e: {  	s14 =	smul.u32 $0x300, s14;
	s8 =	sor.u32 $0xC00, s0;
	[dreg:$0x1d] =	wrdreg s17  }
0x1f: {  	s13 =	smul.u32 $0x300, s9;
	s9 =	sor.u32 $0x1000, s0;
	v3 =	vor.u32 s8, v37;
	s8 =	sld [smem:$0x7F6]  }
0x20: {  	v4 =	vor.u32 s9, v37;
	s11 =	sor.u32 $0x800, s0;
	s9 =	sld [smem:$0x7F7]  }
0x21: {  	s10 =	sadd.s32 s2, s14;
	[dreg:$0x1b] =	wrdreg s11  }
0x22: {  	s14 =	sadd.s32 $0xC0, s4;
	[dreg:$0xb] =	wrdreg s10  }
0x23: {  	s18 =	sadd.s32 s2, s13;
	[dreg:$0x17] =	wrdreg s14  }
0x24: {  	s13 =	smax.u32 s16, $0x1;
	s16 =	sor.u32 $0x401, s0;
	[dreg:$0xc] =	wrdreg s18  }
0x25: {  	[smem:$0x7F8] =	sst s16;
	s16 =	sor.u32 $0x2001, s0  }
0x26: {  	s24 =	sor.u32 $0x400, s0;
	[dreg:$0x1c] =	wrdreg s16  }
0x27: {  	v1 =	vor.u32 s24, v37;
	s22 =	sshrl.u32 s14, $0x3;
	s10 =	sor.u32 $0x1800, s0;
	s24 =	rddreg [dreg:$0x1b]  }
0x28: {  	s11 =	sor.u32 $0x3800, s0;
	s21 =	smul.u32 $0x300, s22;
	v6 =	vor.u32 s10, v37;
	s10 =	sld [smem:$0x7F8]  }
0x29: {  	s22 =	sshrl.u32 s20, $0x3;
	s20 =	sor.u32 $0x2C00, s0;
	v14 =	vor.u32 s11, v37;
	s11 =	sld [smem:$0x7F9]  }
0x2a: {  	v11 =	vor.u32 s20, v37;
	s20 =	sld [smem:$0x7FC]  }
0x2b: {  	p0 =	slt.u32 s19, $0xC;
	v19 =	vor.u32 s23, v37;
	s25 =	smul.u32 $0x300, s22;
	s23 =	rddreg [dreg:$0x1c]  }
0x2c: {  	s22 =	smul.u32 $0x300, s26;
	v2 =	vor.u32 s24, v37;
	s24 =	rddreg [dreg:$0x1d];
	s21 =	sadd.s32 s2, s21  }
0x2d: {  	vm0 =	vmmov $0xffff;
	s5 =	sor.u32 $0x1400, s0;
	[dreg:$0xd] =	wrdreg s21;
	s18 =	sadd.s32 s2, s25  }
0x2e: {  	v48 =	vimm.s32 $0x907;
	v39 =	vshrl.u32 v47, $0x3;
	v38 =	vand.u32 $0x7, v47;
	s19 =	sor.u32 $0x2800, s0;
	s29 =	sadd.s32 s2, s22;
	[dreg:$0xe] =	wrdreg s18  }
0x2f: {  	v40 =	vor.u32 $0x8, v47;
	v41 =	vor.u32 $0x120, v47;
	v42 =	vadd.s32 $0x241, v47;
	s31 =	sor.u32 $0x4000, s0;
	s22 =	sor.u32 $0xC01, s0;
	[dreg:$0xf] =	wrdreg s29  }
0x30: {  	v43 =	vadd.s32 $0x362, v47;
	v44 =	vadd.s32 $0x483, v47;
	v45 =	vadd.s32 $0x5A4, v47;
	s12 =	sor.u32 $0x3C00, s0;
	s25 =	sor.u32 $0x1001, s0;
	[smem:$0x7FA] =	sst s22  }
0x31: {  	v46 =	vadd.s32 $0x6C5, v47;
	v47 =	vadd.s32 $0x7E6, v47;
	v39 =	vmul.u32 $0x8, v39;
	s30 =	sor.u32 $0x3401, s0;
	[smem:$0x7FB] =	sst s25;
	s29 =	sor.u32 $0x1401, s0  }
0x32: {  	v0 =	vor.u32 s0, v37;
	v5 =	vor.u32 s5, v37;
	v10 =	vor.u32 s19, v37;
	s17 =	sor.u32 $0x3C01, s0;
	s22 =	sor.u32 $0x2801, s0;
	[dreg:$0x1f] =	wrdreg s29  }
0x33: {  	v16 =	vor.u32 s31, v37;
	s14 =	sor.u32 $0x4401, s0;
	v15 =	vor.u32 s12, v37;
	v32 =	vor.u32 s30, v37;
	s21 =	smul.u32 $0x300, s28;
	[dreg:$0x1e] =	wrdreg s22  }
0x34: {  	v34 =	vor.u32 s17, v37;
	s16 =	sor.u32 $0x3801, s0;
	v36 =	vor.u32 s14, v37;
	v17 =	vor.u32 s8, v37;
	s18 =	sor.u32 $0x2400, s0;
	s12 =	sld [smem:$0x7FA]  }
0x35: {  	s26 =	sor.u32 $0x3000, s0;
	v18 =	vor.u32 s9, v37;
	v33 =	vor.u32 s16, v37;
	s2 =	sadd.s32 s2, s21;
	v9 =	vor.u32 s18, v37;
	s18 =	sld [smem:$0x7FB]  }
0x36: {  	v12 =	vor.u32 s26, v37;
	v27 =	vor.u32 s23, v37;
	v28 =	vor.u32 s24, v37;
	s28 =	sor.u32 $0x3400, s0;
	s25 =	sor.u32 $0x2C01, s0;
	[dreg:$0x10] =	wrdreg s2  }
0x37: {  	v20 =	vor.u32 s10, v37;
	v21 =	vor.u32 s11, v37;
	v13 =	vor.u32 s28, v37;
	s21 =	sor.u32 $0x1C00, s0;
	s29 =	sor.u32 $0x3001, s0;
	s19 =	rddreg [dreg:$0x1f]  }
0x38: {  	v25 =	vor.u32 s20, v37;
	s22 =	sor.u32 $0x4001, s0;
	v30 =	vor.u32 s25, v37;
	s2 =	sor.u32 $0x2000, s0;
	v7 =	vor.u32 s21, v37;
	s21 =	sld [smem:$0x7FD]  }
0x39: {  	s28 =	rddreg [dreg:$0x1e];
	v31 =	vor.u32 s29, v37;
	v35 =	vor.u32 s22, v37;
	v8 =	vor.u32 s2, v37  }
0x3a: {  	s6 =	sadd.s32 $0x100, s1;
	s7 =	sadd.s32 $0x200, s1;
	s15 =	sor.u32 $0x4801, s0;
	v24 =	vor.u32 s19, v37;
	v29 =	vor.u32 s28, v37;
	v22 =	vor.u32 s12, v37  }
0x3b: {  	s31 =	simm.s32 $0x1;
	s26 =	simm.s32 $0x1CC00;
	s2 =	simm.s32 $0x2;
	v23 =	vor.u32 s18, v37;
	v26 =	vor.u32 s21, v37;
	v37 =	vor.u32 s15, v37  }
.LBB2_1:
0x3c: {  	[dreg:$0x1a] =	wrdreg s13  }
0x3d: {  	s19 =	rddreg [dreg:$0x5];
	s0 =	simm.s32 $0x4  }
0x3e: {  	[tilespmem:s3], [sflag:$0x4] =	stream.linear.gather [hbm4b:s19+s3], $0x4C00, $0x38;
	[tilespmem:$0x1E800] =	vst v63  }
0x3f: {  	_ =	swait.ge [sflag:s0], $0x4C00  }
0x40: {  	[sflag:s0] =	ssyncset.done $0x0  }
0x41: {  	[sflag:s0] =	ssyncadd.s32 $0xFFFFB400  }
0x42: {  	v49 =	vld [tilespmem:s4+$0xFFFFFF40];
	_ =	sdelay $0x4  }
0x43: {  	v50 =	vshrl.u32 v49, $0x3  }
0x44: {  	v50 =	vmul.u32 $0x30, v50  }
0x45: {  	v49 =	vand.u32 $0x7, v49  }
0x46: {  	v49 =	vor.u32 v49, v50  }
0x47: {  	v50 =	vperm.xlane v49, v38;
	_ =	sdelay $0x1  }
0x48: {  	v50 =	vadd.s32 v39, v50;
	_ =	sdelay $0x3  }
0x49: {  	s19 =	simm.s32 $0x4C00;
	v49 =	vperm.xlane v49, v40  }
0x4a: {  	[tilespmem:s19], [sflag:$0x1] =	stream.indirect_vreg.gather [hbm4b:s1+s3], $0x80, v50, vm0, $0xb8;
	[tilespmem:$0x1E800] =	vst v63  }
0x4b: {  	s5 =	simm.s32 $0x5400;
	v49 =	vadd.s32 v39, v49  }
0x4c: {  	[tilespmem:s5], [sflag:$0x1] =	stream.indirect_vreg.gather [hbm4b:s6+s3], $0x80, v50, vm0, $0xb8;
	[tilespmem:$0x1E800] =	vst v63  }
0x4d: {  	s20 =	simm.s32 $0x5C00  }
0x4e: {  	[tilespmem:s20], [sflag:$0x1] =	stream.indirect_vreg.gather [hbm4b:s7+s3], $0x80, v50, vm0, $0xb8;
	[tilespmem:$0x1E800] =	vst v63  }
0x4f: {  	s21 =	simm.s32 $0x6400  }
0x50: {  	[tilespmem:s21], [sflag:$0x1] =	stream.indirect_vreg.gather [hbm4b:s1+s3], $0x80, v49, vm0, $0xb8;
	[tilespmem:$0x1E800] =	vst v63  }
0x51: {  	s22 =	simm.s32 $0x6C00  }
0x52: {  	[tilespmem:s22], [sflag:$0x1] =	stream.indirect_vreg.gather [hbm4b:s6+s3], $0x80, v49, vm0, $0xb8;
	[tilespmem:$0x1E800] =	vst v63  }
0x53: {  	s23 =	simm.s32 $0x7400;
	s24 =	rddreg [dreg:$0x12]  }
0x54: {  	[tilespmem:s23], [sflag:$0x1] =	stream.indirect_vreg.gather [hbm4b:s7+s3], $0x80, v49, vm0, $0xb8;
	[tilespmem:$0x1E800] =	vst v63  }
0x55: {  	v49 =	vld [tilespmem:s24+$0x10];
	_ =	sdelay $0x4  }
0x56: {  	v58 =	vshrl.u32 v49, $0x3  }
0x57: {  	v50 =	vmul.u32 $0x30, v58  }
0x58: {  	v49 =	vand.u32 $0x7, v49  }
0x59: {  	v49 =	vor.u32 v49, v50  }
0x5a: {  	v50 =	vperm.xlane v49, v38;
	_ =	sdelay $0x1  }
0x5b: {  	v50 =	vadd.s32 v39, v50;
	_ =	sdelay $0x3  }
0x5c: {  	s25 =	simm.s32 $0x7C00;
	v49 =	vperm.xlane v49, v40  }
0x5d: {  	[tilespmem:s25], [sflag:$0x1] =	stream.indirect_vreg.gather [hbm4b:s1+s3], $0x80, v50, vm0, $0xb8;
	[tilespmem:$0x1E800] =	vst v63  }
0x5e: {  	s28 =	simm.s32 $0x8400;
	v49 =	vadd.s32 v39, v49  }
0x5f: {  	[tilespmem:s28], [sflag:$0x1] =	stream.indirect_vreg.gather [hbm4b:s6+s3], $0x80, v50, vm0, $0xb8;
	[tilespmem:$0x1E800] =	vst v63  }
0x60: {  	s29 =	simm.s32 $0x8C00  }
0x61: {  	[tilespmem:s29], [sflag:$0x1] =	stream.indirect_vreg.gather [hbm4b:s7+s3], $0x80, v50, vm0, $0xb8;
	[tilespmem:$0x1E800] =	vst v63  }
0x62: {  	s30 =	simm.s32 $0x9400  }
0x63: {  	[tilespmem:s30], [sflag:$0x1] =	stream.indirect_vreg.gather [hbm4b:s1+s3], $0x80, v49, vm0, $0xb8;
	[tilespmem:$0x1E800] =	vst v63  }
0x64: {  	s0 =	simm.s32 $0x9C00  }
0x65: {  	[tilespmem:s0], [sflag:$0x1] =	stream.indirect_vreg.gather [hbm4b:s6+s3], $0x80, v49, vm0, $0xb8;
	[tilespmem:$0x1E800] =	vst v63  }
0x66: {  	s9 =	simm.s32 $0xA400  }
0x67: {  	[tilespmem:s9], [sflag:$0x1] =	stream.indirect_vreg.gather [hbm4b:s7+s3], $0x80, v49, vm0, $0xb8;
	[tilespmem:$0x1E800] =	vst v63  }
0x68: {  	v49 =	vld [tilespmem:s24+$0x20];
	_ =	sdelay $0x4  }
0x69: {  	v59 =	vshrl.u32 v49, $0x3  }
0x6a: {  	v50 =	vmul.u32 $0x30, v59  }
0x6b: {  	v49 =	vand.u32 $0x7, v49  }
0x6c: {  	v49 =	vor.u32 v49, v50  }
0x6d: {  	v50 =	vperm.xlane v49, v38;
	_ =	sdelay $0x1  }
0x6e: {  	v50 =	vadd.s32 v39, v50;
	_ =	sdelay $0x3  }
0x6f: {  	s10 =	simm.s32 $0xAC00;
	v49 =	vperm.xlane v49, v40  }
0x70: {  	[tilespmem:s10], [sflag:$0x1] =	stream.indirect_vreg.gather [hbm4b:s1+s3], $0x80, v50, vm0, $0xb8;
	[tilespmem:$0x1E800] =	vst v63  }
0x71: {  	s11 =	simm.s32 $0xB400;
	v49 =	vadd.s32 v39, v49  }
0x72: {  	[tilespmem:s11], [sflag:$0x1] =	stream.indirect_vreg.gather [hbm4b:s6+s3], $0x80, v50, vm0, $0xb8;
	[tilespmem:$0x1E800] =	vst v63  }
0x73: {  	s13 =	simm.s32 $0xBC00  }
0x74: {  	[tilespmem:s13], [sflag:$0x1] =	stream.indirect_vreg.gather [hbm4b:s7+s3], $0x80, v50, vm0, $0xb8;
	[tilespmem:$0x1E800] =	vst v63  }
0x75: {  	s14 =	simm.s32 $0xC400  }
0x76: {  	[tilespmem:s14], [sflag:$0x1] =	stream.indirect_vreg.gather [hbm4b:s1+s3], $0x80, v49, vm0, $0xb8;
	[tilespmem:$0x1E800] =	vst v63  }
0x77: {  	s15 =	simm.s32 $0xCC00  }
0x78: {  	[tilespmem:s15], [sflag:$0x1] =	stream.indirect_vreg.gather [hbm4b:s6+s3], $0x80, v49, vm0, $0xb8;
	[tilespmem:$0x1E800] =	vst v63  }
0x79: {  	s16 =	simm.s32 $0xD400  }
0x7a: {  	[tilespmem:s16], [sflag:$0x1] =	stream.indirect_vreg.gather [hbm4b:s7+s3], $0x80, v49, vm0, $0xb8;
	[tilespmem:$0x1E800] =	vst v63  }
0x7b: {  	v49 =	vld [tilespmem:s24+$0x30];
	_ =	sdelay $0x4  }
0x7c: {  	v60 =	vshrl.u32 v49, $0x3  }
0x7d: {  	v50 =	vmul.u32 $0x30, v60  }
0x7e: {  	v49 =	vand.u32 $0x7, v49  }
0x7f: {  	v49 =	vor.u32 v49, v50  }
0x80: {  	v50 =	vperm.xlane v49, v38;
	_ =	sdelay $0x1  }
0x81: {  	v50 =	vadd.s32 v39, v50;
	_ =	sdelay $0x3  }
0x82: {  	s18 =	simm.s32 $0xDC00;
	v49 =	vperm.xlane v49, v40  }
0x83: {  	[tilespmem:s18], [sflag:$0x1] =	stream.indirect_vreg.gather [hbm4b:s1+s3], $0x80, v50, vm0, $0xb8;
	[tilespmem:$0x1E800] =	vst v63  }
0x84: {  	s19 =	simm.s32 $0xE400;
	v49 =	vadd.s32 v39, v49  }
0x85: {  	[tilespmem:s19], [sflag:$0x1] =	stream.indirect_vreg.gather [hbm4b:s6+s3], $0x80, v50, vm0, $0xb8;
	[tilespmem:$0x1E800] =	vst v63  }
0x86: {  	s20 =	simm.s32 $0xEC00  }
0x87: {  	[tilespmem:s20], [sflag:$0x1] =	stream.indirect_vreg.gather [hbm4b:s7+s3], $0x80, v50, vm0, $0xb8;
	[tilespmem:$0x1E800] =	vst v63  }
0x88: {  	s21 =	simm.s32 $0xF400  }
0x89: {  	[tilespmem:s21], [sflag:$0x1] =	stream.indirect_vreg.gather [hbm4b:s1+s3], $0x80, v49, vm0, $0xb8;
	[tilespmem:$0x1E800] =	vst v63  }
0x8a: {  	s22 =	simm.s32 $0xFC00  }
0x8b: {  	[tilespmem:s22], [sflag:$0x1] =	stream.indirect_vreg.gather [hbm4b:s6+s3], $0x80, v49, vm0, $0xb8;
	[tilespmem:$0x1E800] =	vst v63  }
0x8c: {  	s25 =	simm.s32 $0x10400  }
0x8d: {  	[tilespmem:s25], [sflag:$0x1] =	stream.indirect_vreg.gather [hbm4b:s7+s3], $0x80, v49, vm0, $0xb8;
	[tilespmem:$0x1E800] =	vst v63  }
0x8e: {  	s29 =	simm.s32 $0x4;
	s24 =	rddreg [dreg:$0x6]  }
0x8f: {  	[tilespmem:s26], [sflag:$0x4] =	stream.linear.gather [hbm4b:s24+s3], $0x1208, $0x38;
	[tilespmem:$0x1E800] =	vst v63  }
0x90: {  	_ =	swait.ge [sflag:s29], $0x1208  }
0x91: {  	[sflag:s29] =	ssyncset.done $0x0  }
0x92: {  	[sflag:s29] =	ssyncadd.s32 $0xFFFFEDF8  }
0x93: {  	v61 =	vld [tilespmem:s4+$0xFFFFFF80];
	_ =	sdelay $0x4  }
0x94: {  	v62 =	vshrl.u32 v61, $0x3  }
0x95: {  	v50 =	vmul.u32 $0x30, v62  }
0x96: {  	v49 =	vand.u32 $0x7, v61  }
0x97: {  	v49 =	vor.u32 v49, v50  }
0x98: {  	v50 =	vperm.xlane v49, v38;
	_ =	sdelay $0x1  }
0x99: {  	v50 =	vadd.s32 v39, v50;
	_ =	sdelay $0x3  }
0x9a: {  	s30 =	simm.s32 $0x10C00;
	v49 =	vperm.xlane v49, v40  }
0x9b: {  	[tilespmem:s30], [sflag:$0x1] =	stream.indirect_vreg.gather [hbm4b:s1+s3], $0x80, v50, vm0, $0xb8;
	[tilespmem:$0x1E800] =	vst v63  }
0x9c: {  	s0 =	simm.s32 $0x11400;
	v49 =	vadd.s32 v39, v49  }
0x9d: {  	[tilespmem:s0], [sflag:$0x1] =	stream.indirect_vreg.gather [hbm4b:s6+s3], $0x80, v50, vm0, $0xb8;
	[tilespmem:$0x1E800] =	vst v63  }
0x9e: {  	s9 =	simm.s32 $0x11C00  }
0x9f: {  	[tilespmem:s9], [sflag:$0x1] =	stream.indirect_vreg.gather [hbm4b:s7+s3], $0x80, v50, vm0, $0xb8;
	[tilespmem:$0x1E800] =	vst v63  }
0xa0: {  	s10 =	simm.s32 $0x12400  }
0xa1: {  	[tilespmem:s10], [sflag:$0x1] =	stream.indirect_vreg.gather [hbm4b:s1+s3], $0x80, v49, vm0, $0xb8;
	[tilespmem:$0x1E800] =	vst v63  }
0xa2: {  	s11 =	simm.s32 $0x12C00  }
0xa3: {  	[tilespmem:s11], [sflag:$0x1] =	stream.indirect_vreg.gather [hbm4b:s6+s3], $0x80, v49, vm0, $0xb8;
	[tilespmem:$0x1E800] =	vst v63  }
0xa4: {  	s13 =	simm.s32 $0x13400;
	s19 =	rddreg [dreg:$0x13]  }
0xa5: {  	[tilespmem:s13], [sflag:$0x1] =	stream.indirect_vreg.gather [hbm4b:s7+s3], $0x80, v49, vm0, $0xb8;
	[tilespmem:$0x1E800] =	vst v63  }
0xa6: {  	v49 =	vld [tilespmem:s19+$0x10];
	_ =	sdelay $0x4  }
0xa7: {  	v63 =	vshrl.u32 v49, $0x3  }
0xa8: {  	v50 =	vmul.u32 $0x30, v63  }
0xa9: {  	v49 =	vand.u32 $0x7, v49  }
0xaa: {  	v49 =	vor.u32 v49, v50  }
0xab: {  	v50 =	vperm.xlane v49, v38;
	_ =	sdelay $0x1  }
0xac: {  	v50 =	vadd.s32 v39, v50;
	_ =	sdelay $0x3  }
0xad: {  	s14 =	simm.s32 $0x13C00;
	v49 =	vperm.xlane v49, v40  }
0xae: {  	[tilespmem:s14], [sflag:$0x1] =	stream.indirect_vreg.gather [hbm4b:s1+s3], $0x80, v50, vm0, $0xb8;
	[tilespmem:$0x1E800] =	vst v63  }
0xaf: {  	s21 =	simm.s32 $0x14400;
	v49 =	vadd.s32 v39, v49  }
0xb0: {  	[tilespmem:s21], [sflag:$0x1] =	stream.indirect_vreg.gather [hbm4b:s6+s3], $0x80, v50, vm0, $0xb8;
	[tilespmem:$0x1E800] =	vst v63  }
0xb1: {  	s22 =	simm.s32 $0x14C00  }
0xb2: {  	[tilespmem:s22], [sflag:$0x1] =	stream.indirect_vreg.gather [hbm4b:s7+s3], $0x80, v50, vm0, $0xb8;
	[tilespmem:$0x1E800] =	vst v63  }
0xb3: {  	s24 =	simm.s32 $0x15400  }
0xb4: {  	[tilespmem:s24], [sflag:$0x1] =	stream.indirect_vreg.gather [hbm4b:s1+s3], $0x80, v49, vm0, $0xb8;
	[tilespmem:$0x1E800] =	vst v63  }
0xb5: {  	s25 =	simm.s32 $0x15C00  }
0xb6: {  	[tilespmem:s25], [sflag:$0x1] =	stream.indirect_vreg.gather [hbm4b:s6+s3], $0x80, v49, vm0, $0xb8;
	[tilespmem:$0x1E800] =	vst v63  }
0xb7: {  	s29 =	simm.s32 $0x16400  }
0xb8: {  	[tilespmem:s29], [sflag:$0x1] =	stream.indirect_vreg.gather [hbm4b:s7+s3], $0x80, v49, vm0, $0xb8;
	[tilespmem:$0x1E800] =	vst v63  }
0xb9: {  	v49 =	vld [tilespmem:s19+$0x20];
	_ =	sdelay $0x4  }
0xba: {  	v52 =	vshrl.u32 v49, $0x3  }
0xbb: {  	v50 =	vmul.u32 $0x30, v52  }
0xbc: {  	v49 =	vand.u32 $0x7, v49  }
0xbd: {  	v49 =	vor.u32 v49, v50  }
0xbe: {  	v50 =	vperm.xlane v49, v38;
	_ =	sdelay $0x1  }
0xbf: {  	v50 =	vadd.s32 v39, v50;
	_ =	sdelay $0x3  }
0xc0: {  	s30 =	simm.s32 $0x16C00;
	v49 =	vperm.xlane v49, v40  }
0xc1: {  	[tilespmem:s30], [sflag:$0x1] =	stream.indirect_vreg.gather [hbm4b:s1+s3], $0x80, v50, vm0, $0xb8;
	[tilespmem:$0x1E800] =	vst v63  }
0xc2: {  	s5 =	simm.s32 $0x17400;
	v49 =	vadd.s32 v39, v49  }
0xc3: {  	[tilespmem:s5], [sflag:$0x1] =	stream.indirect_vreg.gather [hbm4b:s6+s3], $0x80, v50, vm0, $0xb8;
	[tilespmem:$0x1E800] =	vst v63  }
0xc4: {  	s9 =	simm.s32 $0x17C00  }
0xc5: {  	[tilespmem:s9], [sflag:$0x1] =	stream.indirect_vreg.gather [hbm4b:s7+s3], $0x80, v50, vm0, $0xb8;
	[tilespmem:$0x1E800] =	vst v63  }
0xc6: {  	s10 =	simm.s32 $0x18400  }
0xc7: {  	[tilespmem:s10], [sflag:$0x1] =	stream.indirect_vreg.gather [hbm4b:s1+s3], $0x80, v49, vm0, $0xb8;
	[tilespmem:$0x1E800] =	vst v63  }
0xc8: {  	s11 =	simm.s32 $0x18C00  }
0xc9: {  	[tilespmem:s11], [sflag:$0x1] =	stream.indirect_vreg.gather [hbm4b:s6+s3], $0x80, v49, vm0, $0xb8;
	[tilespmem:$0x1E800] =	vst v63  }
0xca: {  	s13 =	simm.s32 $0x19400  }
0xcb: {  	[tilespmem:s13], [sflag:$0x1] =	stream.indirect_vreg.gather [hbm4b:s7+s3], $0x80, v49, vm0, $0xb8;
	[tilespmem:$0x1E800] =	vst v63  }
0xcc: {  	v49 =	vld [tilespmem:s19+$0x30];
	_ =	sdelay $0x4  }
0xcd: {  	v53 =	vshrl.u32 v49, $0x3  }
0xce: {  	v50 =	vmul.u32 $0x30, v53  }
0xcf: {  	v49 =	vand.u32 $0x7, v49  }
0xd0: {  	v49 =	vor.u32 v49, v50  }
0xd1: {  	v50 =	vperm.xlane v49, v38;
	_ =	sdelay $0x1  }
0xd2: {  	v50 =	vadd.s32 v39, v50;
	_ =	sdelay $0x3  }
0xd3: {  	s14 =	simm.s32 $0x19C00;
	v49 =	vperm.xlane v49, v40  }
0xd4: {  	[tilespmem:s14], [sflag:$0x1] =	stream.indirect_vreg.gather [hbm4b:s1+s3], $0x80, v50, vm0, $0xb8;
	[tilespmem:$0x1E800] =	vst v63  }
0xd5: {  	s19 =	simm.s32 $0x1A400;
	v49 =	vadd.s32 v39, v49  }
0xd6: {  	[tilespmem:s19], [sflag:$0x1] =	stream.indirect_vreg.gather [hbm4b:s6+s3], $0x80, v50, vm0, $0xb8;
	[tilespmem:$0x1E800] =	vst v63  }
0xd7: {  	s21 =	simm.s32 $0x1AC00  }
0xd8: {  	[tilespmem:s21], [sflag:$0x1] =	stream.indirect_vreg.gather [hbm4b:s7+s3], $0x80, v50, vm0, $0xb8;
	[tilespmem:$0x1E800] =	vst v63  }
0xd9: {  	s22 =	simm.s32 $0x1B400  }
0xda: {  	[tilespmem:s22], [sflag:$0x1] =	stream.indirect_vreg.gather [hbm4b:s1+s3], $0x80, v49, vm0, $0xb8;
	[tilespmem:$0x1E800] =	vst v63  }
0xdb: {  	s24 =	simm.s32 $0x1BC00  }
0xdc: {  	[tilespmem:s24], [sflag:$0x1] =	stream.indirect_vreg.gather [hbm4b:s6+s3], $0x80, v49, vm0, $0xb8;
	[tilespmem:$0x1E800] =	vst v63  }
0xdd: {  	s25 =	simm.s32 $0x1C400  }
0xde: {  	[tilespmem:s25], [sflag:$0x1] =	stream.indirect_vreg.gather [hbm4b:s7+s3], $0x80, v49, vm0, $0xb8;
	[tilespmem:$0x1E800] =	vst v63  }
0xdf: {  	v49 =	vld.idx.msk [tilespmem:v0+s3+$0x0], $0xffff;
	_ =	sdelay $0x4  }
0xe0: {  	v49 =	vshrl.u32 v49, $0x6;
	_ =	sdelay $0x4  }
0xe1: {  	v50 =	vld.idx.msk [tilespmem:v49+s26+$0x0], $0xffff  }
0xe2: {  	v51 =	vadd.s32 $0x241, v49;
	_ =	sdelay $0x3  }
0xe3: {  	[tilespmem:$0x1DE80] =	vst v50  }
0xe4: {  	v50 =	vld.idx.msk [tilespmem:v51+s26+$0x0], $0xffff  }
0xe5: {  	v54 =	vadd.s32 $0x482, v49;
	_ =	sdelay $0x3  }
0xe6: {  	[tilespmem:$0x1DFA1] =	vst v50  }
0xe7: {  	v50 =	vld.idx.msk [tilespmem:v54+s26+$0x0], $0xffff  }
0xe8: {  	v49 =	vadd.s32 $0x6C3, v49;
	_ =	sdelay $0x3  }
0xe9: {  	[tilespmem:$0x1E0C2] =	vst v50  }
0xea: {  	v49 =	vld.idx.msk [tilespmem:v49+s26+$0x0], $0xffff;
	_ =	sdelay $0x4  }
0xeb: {  	[tilespmem:$0x1E1E3] =	vst v49  }
0xec: {  	v49 =	vld.idx.msk [tilespmem:v1+s3+$0x0], $0xffff;
	_ =	sdelay $0x4  }
0xed: {  	v49 =	vshrl.u32 v49, $0x6;
	_ =	sdelay $0x4  }
0xee: {  	v50 =	vld.idx.msk [tilespmem:v49+s26+$0x0], $0xffff  }
0xef: {  	v55 =	vadd.s32 $0x241, v49;
	_ =	sdelay $0x3  }
0xf0: {  	[tilespmem:$0x1DE90] =	vst v50  }
0xf1: {  	v50 =	vld.idx.msk [tilespmem:v55+s26+$0x0], $0xffff  }
0xf2: {  	v56 =	vadd.s32 $0x482, v49;
	_ =	sdelay $0x3  }
0xf3: {  	[tilespmem:$0x1DFB1] =	vst v50  }
0xf4: {  	v50 =	vld.idx.msk [tilespmem:v56+s26+$0x0], $0xffff  }
0xf5: {  	v49 =	vadd.s32 $0x6C3, v49;
	_ =	sdelay $0x3  }
0xf6: {  	[tilespmem:$0x1E0D2] =	vst v50  }
0xf7: {  	v49 =	vld.idx.msk [tilespmem:v49+s26+$0x0], $0xffff;
	_ =	sdelay $0x4  }
0xf8: {  	[tilespmem:$0x1E1F3] =	vst v49  }
0xf9: {  	v49 =	vld.idx.msk [tilespmem:v2+s3+$0x0], $0xffff;
	_ =	sdelay $0x4  }
0xfa: {  	v49 =	vshrl.u32 v49, $0x6;
	_ =	sdelay $0x4  }
0xfb: {  	v50 =	vld.idx.msk [tilespmem:v49+s26+$0x0], $0xffff  }
0xfc: {  	v57 =	vadd.s32 $0x241, v49;
	_ =	sdelay $0x3  }
0xfd: {  	[tilespmem:$0x1DEA0] =	vst v50  }
0xfe: {  	v50 =	vld.idx.msk [tilespmem:v57+s26+$0x0], $0xffff  }
0xff: {  	v58 =	vadd.s32 $0x482, v49;
	_ =	sdelay $0x3  }
0x100: {  	[tilespmem:$0x1DFC1] =	vst v50  }
0x101: {  	v50 =	vld.idx.msk [tilespmem:v58+s26+$0x0], $0xffff  }
0x102: {  	v49 =	vadd.s32 $0x6C3, v49;
	_ =	sdelay $0x3  }
0x103: {  	[tilespmem:$0x1E0E2] =	vst v50  }
0x104: {  	v49 =	vld.idx.msk [tilespmem:v49+s26+$0x0], $0xffff;
	_ =	sdelay $0x4  }
0x105: {  	[tilespmem:$0x1E203] =	vst v49  }
0x106: {  	v49 =	vld.idx.msk [tilespmem:v3+s3+$0x0], $0xffff;
	_ =	sdelay $0x4  }
0x107: {  	v49 =	vshrl.u32 v49, $0x6;
	_ =	sdelay $0x4  }
0x108: {  	v50 =	vld.idx.msk [tilespmem:v49+s26+$0x0], $0xffff  }
0x109: {  	v59 =	vadd.s32 $0x241, v49;
	_ =	sdelay $0x3  }
0x10a: {  	[tilespmem:$0x1DEB0] =	vst v50  }
0x10b: {  	v50 =	vld.idx.msk [tilespmem:v59+s26+$0x0], $0xffff  }
0x10c: {  	v60 =	vadd.s32 $0x482, v49;
	_ =	sdelay $0x3  }
0x10d: {  	[tilespmem:$0x1DFD1] =	vst v50  }
0x10e: {  	v50 =	vld.idx.msk [tilespmem:v60+s26+$0x0], $0xffff  }
0x10f: {  	v49 =	vadd.s32 $0x6C3, v49;
	_ =	sdelay $0x3  }
0x110: {  	[tilespmem:$0x1E0F2] =	vst v50  }
0x111: {  	v49 =	vld.idx.msk [tilespmem:v49+s26+$0x0], $0xffff;
	_ =	sdelay $0x4  }
0x112: {  	[tilespmem:$0x1E213] =	vst v49  }
0x113: {  	_ =	swait.ge [sflag:s31], $0xC000  }
0x114: {  	[sflag:s31] =	ssyncset.done $0x0  }
0x115: {  	s30 =	simm.s32 $0x4C00;
	s29 =	rddreg [dreg:$0x7];
	[sflag:s31] =	ssyncadd.s32 $0xFFFF4000  }
0x116: {  	[hbm4b:s29+s3] =	stream.linear.scatter [tilespmem:s30], [sflag:$0x2], $0xC000, $0x38;
	[tilespmem:$0x1E800] =	vst v63  }
0x117: {  	_ =	swait.ge [sflag:s2], $0xC000  }
0x118: {  	[sflag:s2] =	ssyncset.done $0x0  }
0x119: {  	[sflag:s2] =	ssyncadd.s32 $0xFFFF4000  }
0x11a: {  	v61 =	vld [tilespmem:s4+$0xFFFFFFC0];
	_ =	sdelay $0x4  }
0x11b: {  	v62 =	vshrl.u32 v61, $0x3  }
0x11c: {  	v50 =	vmul.u32 $0x30, v62  }
0x11d: {  	v49 =	vand.u32 $0x7, v61  }
0x11e: {  	v49 =	vor.u32 v49, v50  }
0x11f: {  	v50 =	vperm.xlane v49, v38;
	_ =	sdelay $0x1  }
0x120: {  	v50 =	vadd.s32 v39, v50;
	_ =	sdelay $0x3  }
0x121: {  	v49 =	vperm.xlane v49, v40  }
0x122: {  	[tilespmem:s30], [sflag:$0x1] =	stream.indirect_vreg.gather [hbm4b:s1+s3], $0x80, v50, vm0, $0xb8;
	[tilespmem:$0x1E800] =	vst v63  }
0x123: {  	s8 =	simm.s32 $0x5400;
	v49 =	vadd.s32 v39, v49  }
0x124: {  	[tilespmem:s8], [sflag:$0x1] =	stream.indirect_vreg.gather [hbm4b:s6+s3], $0x80, v50, vm0, $0xb8;
	[tilespmem:$0x1E800] =	vst v63  }
0x125: {  	s8 =	simm.s32 $0x5C00  }
0x126: {  	[tilespmem:s8], [sflag:$0x1] =	stream.indirect_vreg.gather [hbm4b:s7+s3], $0x80, v50, vm0, $0xb8;
	[tilespmem:$0x1E800] =	vst v63  }
0x127: {  	s9 =	simm.s32 $0x6400  }
0x128: {  	[tilespmem:s9], [sflag:$0x1] =	stream.indirect_vreg.gather [hbm4b:s1+s3], $0x80, v49, vm0, $0xb8;
	[tilespmem:$0x1E800] =	vst v63  }
0x129: {  	s10 =	simm.s32 $0x6C00  }
0x12a: {  	[tilespmem:s10], [sflag:$0x1] =	stream.indirect_vreg.gather [hbm4b:s6+s3], $0x80, v49, vm0, $0xb8;
	[tilespmem:$0x1E800] =	vst v63  }
0x12b: {  	s11 =	simm.s32 $0x7400;
	s5 =	rddreg [dreg:$0x14]  }
0x12c: {  	[tilespmem:s11], [sflag:$0x1] =	stream.indirect_vreg.gather [hbm4b:s7+s3], $0x80, v49, vm0, $0xb8;
	[tilespmem:$0x1E800] =	vst v63  }
0x12d: {  	v49 =	vld [tilespmem:s5+$0x10];
	_ =	sdelay $0x4  }
0x12e: {  	v63 =	vshrl.u32 v49, $0x3  }
0x12f: {  	v50 =	vmul.u32 $0x30, v63  }
0x130: {  	v49 =	vand.u32 $0x7, v49  }
0x131: {  	v49 =	vor.u32 v49, v50  }
0x132: {  	v50 =	vperm.xlane v49, v38;
	_ =	sdelay $0x1  }
0x133: {  	v50 =	vadd.s32 v39, v50;
	_ =	sdelay $0x3  }
0x134: {  	s12 =	simm.s32 $0x7C00;
	v49 =	vperm.xlane v49, v40  }
0x135: {  	[tilespmem:s12], [sflag:$0x1] =	stream.indirect_vreg.gather [hbm4b:s1+s3], $0x80, v50, vm0, $0xb8;
	[tilespmem:$0x1E800] =	vst v63  }
0x136: {  	v49 =	vadd.s32 v39, v49;
	s12 =	simm.s32 $0x8400  }
0x137: {  	[tilespmem:s12], [sflag:$0x1] =	stream.indirect_vreg.gather [hbm4b:s6+s3], $0x80, v50, vm0, $0xb8;
	[tilespmem:$0x1E800] =	vst v63  }
0x138: {  	s13 =	simm.s32 $0x8C00  }
0x139: {  	[tilespmem:s13], [sflag:$0x1] =	stream.indirect_vreg.gather [hbm4b:s7+s3], $0x80, v50, vm0, $0xb8;
	[tilespmem:$0x1E800] =	vst v63  }
0x13a: {  	s14 =	simm.s32 $0x9400  }
0x13b: {  	[tilespmem:s14], [sflag:$0x1] =	stream.indirect_vreg.gather [hbm4b:s1+s3], $0x80, v49, vm0, $0xb8;
	[tilespmem:$0x1E800] =	vst v63  }
0x13c: {  	s22 =	simm.s32 $0x9C00  }
0x13d: {  	[tilespmem:s22], [sflag:$0x1] =	stream.indirect_vreg.gather [hbm4b:s6+s3], $0x80, v49, vm0, $0xb8;
	[tilespmem:$0x1E800] =	vst v63  }
0x13e: {  	s17 =	simm.s32 $0xA400  }
0x13f: {  	[tilespmem:s17], [sflag:$0x1] =	stream.indirect_vreg.gather [hbm4b:s7+s3], $0x80, v49, vm0, $0xb8;
	[tilespmem:$0x1E800] =	vst v63  }
0x140: {  	v49 =	vld [tilespmem:s5+$0x20];
	_ =	sdelay $0x4  }
0x141: {  	v52 =	vshrl.u32 v49, $0x3  }
0x142: {  	v50 =	vmul.u32 $0x30, v52  }
0x143: {  	v49 =	vand.u32 $0x7, v49  }
0x144: {  	v49 =	vor.u32 v49, v50  }
0x145: {  	v50 =	vperm.xlane v49, v38;
	_ =	sdelay $0x1  }
0x146: {  	v50 =	vadd.s32 v39, v50;
	_ =	sdelay $0x3  }
0x147: {  	s23 =	simm.s32 $0xAC00;
	v49 =	vperm.xlane v49, v40  }
0x148: {  	[tilespmem:s23], [sflag:$0x1] =	stream.indirect_vreg.gather [hbm4b:s1+s3], $0x80, v50, vm0, $0xb8;
	[tilespmem:$0x1E800] =	vst v63  }
0x149: {  	v49 =	vadd.s32 v39, v49;
	s23 =	simm.s32 $0xB400  }
0x14a: {  	[tilespmem:s23], [sflag:$0x1] =	stream.indirect_vreg.gather [hbm4b:s6+s3], $0x80, v50, vm0, $0xb8;
	[tilespmem:$0x1E800] =	vst v63  }
0x14b: {  	s24 =	simm.s32 $0xBC00  }
0x14c: {  	[tilespmem:s24], [sflag:$0x1] =	stream.indirect_vreg.gather [hbm4b:s7+s3], $0x80, v50, vm0, $0xb8;
	[tilespmem:$0x1E800] =	vst v63  }
0x14d: {  	s25 =	simm.s32 $0xC400  }
0x14e: {  	[tilespmem:s25], [sflag:$0x1] =	stream.indirect_vreg.gather [hbm4b:s1+s3], $0x80, v49, vm0, $0xb8;
	[tilespmem:$0x1E800] =	vst v63  }
0x14f: {  	s29 =	simm.s32 $0xCC00  }
0x150: {  	[tilespmem:s29], [sflag:$0x1] =	stream.indirect_vreg.gather [hbm4b:s6+s3], $0x80, v49, vm0, $0xb8;
	[tilespmem:$0x1E800] =	vst v63  }
0x151: {  	s30 =	simm.s32 $0xD400  }
0x152: {  	[tilespmem:s30], [sflag:$0x1] =	stream.indirect_vreg.gather [hbm4b:s7+s3], $0x80, v49, vm0, $0xb8;
	[tilespmem:$0x1E800] =	vst v63  }
0x153: {  	v49 =	vld [tilespmem:s5+$0x30];
	_ =	sdelay $0x4  }
0x154: {  	v53 =	vshrl.u32 v49, $0x3  }
0x155: {  	v50 =	vmul.u32 $0x30, v53  }
0x156: {  	v49 =	vand.u32 $0x7, v49  }
0x157: {  	v49 =	vor.u32 v49, v50  }
0x158: {  	v50 =	vperm.xlane v49, v38;
	_ =	sdelay $0x1  }
0x159: {  	v50 =	vadd.s32 v39, v50;
	_ =	sdelay $0x3  }
0x15a: {  	s15 =	simm.s32 $0xDC00;
	v49 =	vperm.xlane v49, v40  }
0x15b: {  	[tilespmem:s15], [sflag:$0x1] =	stream.indirect_vreg.gather [hbm4b:s1+s3], $0x80, v50, vm0, $0xb8;
	[tilespmem:$0x1E800] =	vst v63  }
0x15c: {  	s17 =	simm.s32 $0xE400;
	v49 =	vadd.s32 v39, v49  }
0x15d: {  	[tilespmem:s17], [sflag:$0x1] =	stream.indirect_vreg.gather [hbm4b:s6+s3], $0x80, v50, vm0, $0xb8;
	[tilespmem:$0x1E800] =	vst v63  }
0x15e: {  	s21 =	simm.s32 $0xEC00  }
0x15f: {  	[tilespmem:s21], [sflag:$0x1] =	stream.indirect_vreg.gather [hbm4b:s7+s3], $0x80, v50, vm0, $0xb8;
	[tilespmem:$0x1E800] =	vst v63  }
0x160: {  	s5 =	simm.s32 $0xF400  }
0x161: {  	[tilespmem:s5], [sflag:$0x1] =	stream.indirect_vreg.gather [hbm4b:s1+s3], $0x80, v49, vm0, $0xb8;
	[tilespmem:$0x1E800] =	vst v63  }
0x162: {  	s28 =	simm.s32 $0xFC00  }
0x163: {  	[tilespmem:s28], [sflag:$0x1] =	stream.indirect_vreg.gather [hbm4b:s6+s3], $0x80, v49, vm0, $0xb8;
	[tilespmem:$0x1E800] =	vst v63  }
0x164: {  	s16 =	simm.s32 $0x10400  }
0x165: {  	[tilespmem:s16], [sflag:$0x1] =	stream.indirect_vreg.gather [hbm4b:s7+s3], $0x80, v49, vm0, $0xb8;
	[tilespmem:$0x1E800] =	vst v63  }
0x166: {  	v49 =	vld.idx.msk [tilespmem:v4+s3+$0x0], $0xffff;
	_ =	sdelay $0x4  }
0x167: {  	v49 =	vshrl.u32 v49, $0x6;
	_ =	sdelay $0x4  }
0x168: {  	v50 =	vld.idx.msk [tilespmem:v49+s26+$0x0], $0xffff  }
0x169: {  	v54 =	vadd.s32 $0x241, v49;
	_ =	sdelay $0x3  }
0x16a: {  	[tilespmem:$0x1DEC0] =	vst v50  }
0x16b: {  	v50 =	vld.idx.msk [tilespmem:v54+s26+$0x0], $0xffff  }
0x16c: {  	v55 =	vadd.s32 $0x482, v49;
	_ =	sdelay $0x3  }
0x16d: {  	[tilespmem:$0x1DFE1] =	vst v50  }
0x16e: {  	v50 =	vld.idx.msk [tilespmem:v55+s26+$0x0], $0xffff  }
0x16f: {  	v49 =	vadd.s32 $0x6C3, v49;
	_ =	sdelay $0x3  }
0x170: {  	[tilespmem:$0x1E102] =	vst v50  }
0x171: {  	v49 =	vld.idx.msk [tilespmem:v49+s26+$0x0], $0xffff;
	_ =	sdelay $0x4  }
0x172: {  	[tilespmem:$0x1E223] =	vst v49  }
0x173: {  	v49 =	vld.idx.msk [tilespmem:v5+s3+$0x0], $0xffff;
	_ =	sdelay $0x4  }
0x174: {  	v49 =	vshrl.u32 v49, $0x6;
	_ =	sdelay $0x4  }
0x175: {  	v50 =	vld.idx.msk [tilespmem:v49+s26+$0x0], $0xffff  }
0x176: {  	v56 =	vadd.s32 $0x241, v49;
	_ =	sdelay $0x3  }
0x177: {  	[tilespmem:$0x1DED0] =	vst v50  }
0x178: {  	v50 =	vld.idx.msk [tilespmem:v56+s26+$0x0], $0xffff  }
0x179: {  	v57 =	vadd.s32 $0x482, v49;
	_ =	sdelay $0x3  }
0x17a: {  	[tilespmem:$0x1DFF1] =	vst v50  }
0x17b: {  	v50 =	vld.idx.msk [tilespmem:v57+s26+$0x0], $0xffff  }
0x17c: {  	v49 =	vadd.s32 $0x6C3, v49;
	_ =	sdelay $0x3  }
0x17d: {  	[tilespmem:$0x1E112] =	vst v50  }
0x17e: {  	v49 =	vld.idx.msk [tilespmem:v49+s26+$0x0], $0xffff;
	_ =	sdelay $0x4  }
0x17f: {  	[tilespmem:$0x1E233] =	vst v49  }
0x180: {  	v49 =	vld.idx.msk [tilespmem:v6+s3+$0x0], $0xffff;
	_ =	sdelay $0x4  }
0x181: {  	v49 =	vshrl.u32 v49, $0x6;
	_ =	sdelay $0x4  }
0x182: {  	v50 =	vld.idx.msk [tilespmem:v49+s26+$0x0], $0xffff  }
0x183: {  	v58 =	vadd.s32 $0x241, v49;
	_ =	sdelay $0x3  }
0x184: {  	[tilespmem:$0x1DEE0] =	vst v50  }
0x185: {  	v50 =	vld.idx.msk [tilespmem:v58+s26+$0x0], $0xffff  }
0x186: {  	v59 =	vadd.s32 $0x482, v49;
	_ =	sdelay $0x3  }
0x187: {  	[tilespmem:$0x1E001] =	vst v50  }
0x188: {  	v50 =	vld.idx.msk [tilespmem:v59+s26+$0x0], $0xffff  }
0x189: {  	v49 =	vadd.s32 $0x6C3, v49;
	_ =	sdelay $0x3  }
0x18a: {  	[tilespmem:$0x1E122] =	vst v50  }
0x18b: {  	v49 =	vld.idx.msk [tilespmem:v49+s26+$0x0], $0xffff;
	_ =	sdelay $0x4  }
0x18c: {  	[tilespmem:$0x1E243] =	vst v49  }
0x18d: {  	v49 =	vld.idx.msk [tilespmem:v7+s3+$0x0], $0xffff;
	_ =	sdelay $0x4  }
0x18e: {  	v49 =	vshrl.u32 v49, $0x6;
	_ =	sdelay $0x4  }
0x18f: {  	v50 =	vld.idx.msk [tilespmem:v49+s26+$0x0], $0xffff  }
0x190: {  	v60 =	vadd.s32 $0x241, v49;
	_ =	sdelay $0x3  }
0x191: {  	[tilespmem:$0x1DEF0] =	vst v50  }
0x192: {  	v50 =	vld.idx.msk [tilespmem:v60+s26+$0x0], $0xffff  }
0x193: {  	v61 =	vadd.s32 $0x482, v49;
	_ =	sdelay $0x3  }
0x194: {  	[tilespmem:$0x1E011] =	vst v50  }
0x195: {  	v50 =	vld.idx.msk [tilespmem:v61+s26+$0x0], $0xffff  }
0x196: {  	v49 =	vadd.s32 $0x6C3, v49;
	_ =	sdelay $0x3  }
0x197: {  	[tilespmem:$0x1E132] =	vst v50  }
0x198: {  	v49 =	vld.idx.msk [tilespmem:v49+s26+$0x0], $0xffff;
	_ =	sdelay $0x4  }
0x199: {  	[tilespmem:$0x1E253] =	vst v49  }
0x19a: {  	_ =	swait.ge [sflag:s31], $0xC000  }
0x19b: {  	s18 =	simm.s32 $0x10C00;
	[sflag:s31] =	ssyncset.done $0x0  }
0x19c: {  	s15 =	simm.s32 $0x3;
	s16 =	rddreg [dreg:$0x8];
	[sflag:s31] =	ssyncadd.s32 $0xFFFF4000  }
0x19d: {  	[hbm4b:s16+s3] =	stream.linear.scatter [tilespmem:s18], [sflag:$0x3], $0xC000, $0x38;
	[tilespmem:$0x1E800] =	vst v63  }
0x19e: {  	_ =	swait.ge [sflag:s15], $0xC000  }
0x19f: {  	[sflag:s15] =	ssyncset.done $0x0  }
0x1a0: {  	[sflag:s15] =	ssyncadd.s32 $0xFFFF4000  }
0x1a1: {  	v62 =	vld [tilespmem:s4+$0x0];
	_ =	sdelay $0x4  }
0x1a2: {  	v63 =	vshrl.u32 v62, $0x3  }
0x1a3: {  	v50 =	vmul.u32 $0x30, v63  }
0x1a4: {  	v49 =	vand.u32 $0x7, v62  }
0x1a5: {  	v49 =	vor.u32 v49, v50  }
0x1a6: {  	v50 =	vperm.xlane v49, v38;
	_ =	sdelay $0x1  }
0x1a7: {  	v50 =	vadd.s32 v39, v50;
	_ =	sdelay $0x3  }
0x1a8: {  	v49 =	vperm.xlane v49, v40  }
0x1a9: {  	[tilespmem:s18], [sflag:$0x1] =	stream.indirect_vreg.gather [hbm4b:s1+s3], $0x80, v50, vm0, $0xb8;
	[tilespmem:$0x1E800] =	vst v63  }
0x1aa: {  	s16 =	simm.s32 $0x11400;
	v49 =	vadd.s32 v39, v49  }
0x1ab: {  	[tilespmem:s16], [sflag:$0x1] =	stream.indirect_vreg.gather [hbm4b:s6+s3], $0x80, v50, vm0, $0xb8;
	[tilespmem:$0x1E800] =	vst v63  }
0x1ac: {  	s20 =	simm.s32 $0x11C00  }
0x1ad: {  	[tilespmem:s20], [sflag:$0x1] =	stream.indirect_vreg.gather [hbm4b:s7+s3], $0x80, v50, vm0, $0xb8;
	[tilespmem:$0x1E800] =	vst v63  }
0x1ae: {  	s28 =	simm.s32 $0x12400  }
0x1af: {  	[tilespmem:s28], [sflag:$0x1] =	stream.indirect_vreg.gather [hbm4b:s1+s3], $0x80, v49, vm0, $0xb8;
	[tilespmem:$0x1E800] =	vst v63  }
0x1b0: {  	s18 =	simm.s32 $0x12C00  }
0x1b1: {  	[tilespmem:s18], [sflag:$0x1] =	stream.indirect_vreg.gather [hbm4b:s6+s3], $0x80, v49, vm0, $0xb8;
	[tilespmem:$0x1E800] =	vst v63  }
0x1b2: {  	s20 =	simm.s32 $0x13400  }
0x1b3: {  	[tilespmem:s20], [sflag:$0x1] =	stream.indirect_vreg.gather [hbm4b:s7+s3], $0x80, v49, vm0, $0xb8;
	[tilespmem:$0x1E800] =	vst v63  }
0x1b4: {  	v49 =	vld [tilespmem:s4+$0x10];
	_ =	sdelay $0x4  }
0x1b5: {  	v52 =	vshrl.u32 v49, $0x3  }
0x1b6: {  	v50 =	vmul.u32 $0x30, v52  }
0x1b7: {  	v49 =	vand.u32 $0x7, v49  }
0x1b8: {  	v49 =	vor.u32 v49, v50  }
0x1b9: {  	v50 =	vperm.xlane v49, v38;
	_ =	sdelay $0x1  }
0x1ba: {  	v50 =	vadd.s32 v39, v50;
	_ =	sdelay $0x3  }
0x1bb: {  	s19 =	simm.s32 $0x13C00;
	v49 =	vperm.xlane v49, v40  }
0x1bc: {  	[tilespmem:s19], [sflag:$0x1] =	stream.indirect_vreg.gather [hbm4b:s1+s3], $0x80, v50, vm0, $0xb8;
	[tilespmem:$0x1E800] =	vst v63  }
0x1bd: {  	v49 =	vadd.s32 v39, v49;
	s19 =	simm.s32 $0x14400  }
0x1be: {  	[tilespmem:s19], [sflag:$0x1] =	stream.indirect_vreg.gather [hbm4b:s6+s3], $0x80, v50, vm0, $0xb8;
	[tilespmem:$0x1E800] =	vst v63  }
0x1bf: {  	s19 =	simm.s32 $0x14C00  }
0x1c0: {  	[tilespmem:s19], [sflag:$0x1] =	stream.indirect_vreg.gather [hbm4b:s7+s3], $0x80, v50, vm0, $0xb8;
	[tilespmem:$0x1E800] =	vst v63  }
0x1c1: {  	s19 =	simm.s32 $0x15400  }
0x1c2: {  	[tilespmem:s19], [sflag:$0x1] =	stream.indirect_vreg.gather [hbm4b:s1+s3], $0x80, v49, vm0, $0xb8;
	[tilespmem:$0x1E800] =	vst v63  }
0x1c3: {  	s19 =	simm.s32 $0x15C00  }
0x1c4: {  	[tilespmem:s19], [sflag:$0x1] =	stream.indirect_vreg.gather [hbm4b:s6+s3], $0x80, v49, vm0, $0xb8;
	[tilespmem:$0x1E800] =	vst v63  }
0x1c5: {  	s19 =	simm.s32 $0x16400  }
0x1c6: {  	[tilespmem:s19], [sflag:$0x1] =	stream.indirect_vreg.gather [hbm4b:s7+s3], $0x80, v49, vm0, $0xb8;
	[tilespmem:$0x1E800] =	vst v63  }
0x1c7: {  	v49 =	vld [tilespmem:s4+$0x20];
	_ =	sdelay $0x4  }
0x1c8: {  	v53 =	vshrl.u32 v49, $0x3  }
0x1c9: {  	v50 =	vmul.u32 $0x30, v53  }
0x1ca: {  	v49 =	vand.u32 $0x7, v49  }
0x1cb: {  	v49 =	vor.u32 v49, v50  }
0x1cc: {  	v50 =	vperm.xlane v49, v38;
	_ =	sdelay $0x1  }
0x1cd: {  	v50 =	vadd.s32 v39, v50;
	_ =	sdelay $0x3  }
0x1ce: {  	s19 =	simm.s32 $0x16C00;
	v49 =	vperm.xlane v49, v40  }
0x1cf: {  	[tilespmem:s19], [sflag:$0x1] =	stream.indirect_vreg.gather [hbm4b:s1+s3], $0x80, v50, vm0, $0xb8;
	[tilespmem:$0x1E800] =	vst v63  }
0x1d0: {  	v49 =	vadd.s32 v39, v49;
	s19 =	simm.s32 $0x17400  }
0x1d1: {  	[tilespmem:s19], [sflag:$0x1] =	stream.indirect_vreg.gather [hbm4b:s6+s3], $0x80, v50, vm0, $0xb8;
	[tilespmem:$0x1E800] =	vst v63  }
0x1d2: {  	s19 =	simm.s32 $0x17C00  }
0x1d3: {  	[tilespmem:s19], [sflag:$0x1] =	stream.indirect_vreg.gather [hbm4b:s7+s3], $0x80, v50, vm0, $0xb8;
	[tilespmem:$0x1E800] =	vst v63  }
0x1d4: {  	s19 =	simm.s32 $0x18400  }
0x1d5: {  	[tilespmem:s19], [sflag:$0x1] =	stream.indirect_vreg.gather [hbm4b:s1+s3], $0x80, v49, vm0, $0xb8;
	[tilespmem:$0x1E800] =	vst v63  }
0x1d6: {  	s19 =	simm.s32 $0x18C00  }
0x1d7: {  	[tilespmem:s19], [sflag:$0x1] =	stream.indirect_vreg.gather [hbm4b:s6+s3], $0x80, v49, vm0, $0xb8;
	[tilespmem:$0x1E800] =	vst v63  }
0x1d8: {  	s19 =	simm.s32 $0x19400  }
0x1d9: {  	[tilespmem:s19], [sflag:$0x1] =	stream.indirect_vreg.gather [hbm4b:s7+s3], $0x80, v49, vm0, $0xb8;
	[tilespmem:$0x1E800] =	vst v63  }
0x1da: {  	v49 =	vld [tilespmem:s4+$0x30];
	_ =	sdelay $0x4  }
0x1db: {  	v54 =	vshrl.u32 v49, $0x3  }
0x1dc: {  	v50 =	vmul.u32 $0x30, v54  }
0x1dd: {  	v49 =	vand.u32 $0x7, v49  }
0x1de: {  	v49 =	vor.u32 v49, v50  }
0x1df: {  	v50 =	vperm.xlane v49, v38;
	_ =	sdelay $0x1  }
0x1e0: {  	v50 =	vadd.s32 v39, v50;
	_ =	sdelay $0x3  }
0x1e1: {  	s19 =	simm.s32 $0x19C00;
	v49 =	vperm.xlane v49, v40  }
0x1e2: {  	[tilespmem:s19], [sflag:$0x1] =	stream.indirect_vreg.gather [hbm4b:s1+s3], $0x80, v50, vm0, $0xb8;
	[tilespmem:$0x1E800] =	vst v63  }
0x1e3: {  	v49 =	vadd.s32 v39, v49;
	s19 =	simm.s32 $0x1A400  }
0x1e4: {  	[tilespmem:s19], [sflag:$0x1] =	stream.indirect_vreg.gather [hbm4b:s6+s3], $0x80, v50, vm0, $0xb8;
	[tilespmem:$0x1E800] =	vst v63  }
0x1e5: {  	s19 =	simm.s32 $0x1AC00  }
0x1e6: {  	[tilespmem:s19], [sflag:$0x1] =	stream.indirect_vreg.gather [hbm4b:s7+s3], $0x80, v50, vm0, $0xb8;
	[tilespmem:$0x1E800] =	vst v63  }
0x1e7: {  	s19 =	simm.s32 $0x1B400  }
0x1e8: {  	[tilespmem:s19], [sflag:$0x1] =	stream.indirect_vreg.gather [hbm4b:s1+s3], $0x80, v49, vm0, $0xb8;
	[tilespmem:$0x1E800] =	vst v63  }
0x1e9: {  	s19 =	simm.s32 $0x1BC00  }
0x1ea: {  	[tilespmem:s19], [sflag:$0x1] =	stream.indirect_vreg.gather [hbm4b:s6+s3], $0x80, v49, vm0, $0xb8;
	[tilespmem:$0x1E800] =	vst v63  }
0x1eb: {  	s19 =	simm.s32 $0x1C400  }
0x1ec: {  	[tilespmem:s19], [sflag:$0x1] =	stream.indirect_vreg.gather [hbm4b:s7+s3], $0x80, v49, vm0, $0xb8;
	[tilespmem:$0x1E800] =	vst v63  }
0x1ed: {  	v49 =	vld.idx.msk [tilespmem:v8+s3+$0x0], $0xffff;
	_ =	sdelay $0x4  }
0x1ee: {  	v49 =	vshrl.u32 v49, $0x6;
	_ =	sdelay $0x4  }
0x1ef: {  	v50 =	vld.idx.msk [tilespmem:v49+s26+$0x0], $0xffff  }
0x1f0: {  	v55 =	vadd.s32 $0x241, v49;
	_ =	sdelay $0x3  }
0x1f1: {  	[tilespmem:$0x1DF00] =	vst v50  }
0x1f2: {  	v50 =	vld.idx.msk [tilespmem:v55+s26+$0x0], $0xffff  }
0x1f3: {  	v56 =	vadd.s32 $0x482, v49;
	_ =	sdelay $0x3  }
0x1f4: {  	[tilespmem:$0x1E021] =	vst v50  }
0x1f5: {  	v50 =	vld.idx.msk [tilespmem:v56+s26+$0x0], $0xffff  }
0x1f6: {  	v49 =	vadd.s32 $0x6C3, v49;
	_ =	sdelay $0x3  }
0x1f7: {  	[tilespmem:$0x1E142] =	vst v50  }
0x1f8: {  	v49 =	vld.idx.msk [tilespmem:v49+s26+$0x0], $0xffff;
	_ =	sdelay $0x4  }
0x1f9: {  	[tilespmem:$0x1E263] =	vst v49  }
0x1fa: {  	v49 =	vld.idx.msk [tilespmem:v9+s3+$0x0], $0xffff;
	_ =	sdelay $0x4  }
0x1fb: {  	v49 =	vshrl.u32 v49, $0x6;
	_ =	sdelay $0x4  }
0x1fc: {  	v50 =	vld.idx.msk [tilespmem:v49+s26+$0x0], $0xffff  }
0x1fd: {  	v57 =	vadd.s32 $0x241, v49;
	_ =	sdelay $0x3  }
0x1fe: {  	[tilespmem:$0x1DF10] =	vst v50  }
0x1ff: {  	v50 =	vld.idx.msk [tilespmem:v57+s26+$0x0], $0xffff  }
0x200: {  	v58 =	vadd.s32 $0x482, v49;
	_ =	sdelay $0x3  }
0x201: {  	[tilespmem:$0x1E031] =	vst v50  }
0x202: {  	v50 =	vld.idx.msk [tilespmem:v58+s26+$0x0], $0xffff  }
0x203: {  	v49 =	vadd.s32 $0x6C3, v49;
	_ =	sdelay $0x3  }
0x204: {  	[tilespmem:$0x1E152] =	vst v50  }
0x205: {  	v49 =	vld.idx.msk [tilespmem:v49+s26+$0x0], $0xffff;
	_ =	sdelay $0x4  }
0x206: {  	[tilespmem:$0x1E273] =	vst v49  }
0x207: {  	v49 =	vld.idx.msk [tilespmem:v10+s3+$0x0], $0xffff;
	_ =	sdelay $0x4  }
0x208: {  	v49 =	vshrl.u32 v49, $0x6;
	_ =	sdelay $0x4  }
0x209: {  	v50 =	vld.idx.msk [tilespmem:v49+s26+$0x0], $0xffff  }
0x20a: {  	v59 =	vadd.s32 $0x241, v49;
	_ =	sdelay $0x3  }
0x20b: {  	[tilespmem:$0x1DF20] =	vst v50  }
0x20c: {  	v50 =	vld.idx.msk [tilespmem:v59+s26+$0x0], $0xffff  }
0x20d: {  	v60 =	vadd.s32 $0x482, v49;
	_ =	sdelay $0x3  }
0x20e: {  	[tilespmem:$0x1E041] =	vst v50  }
0x20f: {  	v50 =	vld.idx.msk [tilespmem:v60+s26+$0x0], $0xffff  }
0x210: {  	v49 =	vadd.s32 $0x6C3, v49;
	_ =	sdelay $0x3  }
0x211: {  	[tilespmem:$0x1E162] =	vst v50  }
0x212: {  	v49 =	vld.idx.msk [tilespmem:v49+s26+$0x0], $0xffff;
	_ =	sdelay $0x4  }
0x213: {  	[tilespmem:$0x1E283] =	vst v49  }
0x214: {  	v49 =	vld.idx.msk [tilespmem:v11+s3+$0x0], $0xffff;
	_ =	sdelay $0x4  }
0x215: {  	v49 =	vshrl.u32 v49, $0x6;
	_ =	sdelay $0x4  }
0x216: {  	v50 =	vld.idx.msk [tilespmem:v49+s26+$0x0], $0xffff  }
0x217: {  	v61 =	vadd.s32 $0x241, v49;
	_ =	sdelay $0x3  }
0x218: {  	[tilespmem:$0x1DF30] =	vst v50  }
0x219: {  	v50 =	vld.idx.msk [tilespmem:v61+s26+$0x0], $0xffff  }
0x21a: {  	v62 =	vadd.s32 $0x482, v49;
	_ =	sdelay $0x3  }
0x21b: {  	[tilespmem:$0x1E051] =	vst v50  }
0x21c: {  	v50 =	vld.idx.msk [tilespmem:v62+s26+$0x0], $0xffff  }
0x21d: {  	v49 =	vadd.s32 $0x6C3, v49;
	_ =	sdelay $0x3  }
0x21e: {  	[tilespmem:$0x1E172] =	vst v50  }
0x21f: {  	v49 =	vld.idx.msk [tilespmem:v49+s26+$0x0], $0xffff;
	_ =	sdelay $0x4  }
0x220: {  	[tilespmem:$0x1E293] =	vst v49  }
0x221: {  	_ =	swait.ge [sflag:s31], $0xC000  }
0x222: {  	[sflag:s31] =	ssyncset.done $0x0  }
0x223: {  	s0 =	simm.s32 $0x4C00;
	s19 =	rddreg [dreg:$0x9];
	[sflag:s31] =	ssyncadd.s32 $0xFFFF4000  }
0x224: {  	[hbm4b:s19+s3] =	stream.linear.scatter [tilespmem:s0], [sflag:$0x2], $0xC000, $0x38;
	[tilespmem:$0x1E800] =	vst v63  }
0x225: {  	_ =	swait.ge [sflag:s2], $0xC000  }
0x226: {  	[sflag:s2] =	ssyncset.done $0x0  }
0x227: {  	[sflag:s2] =	ssyncadd.s32 $0xFFFF4000  }
0x228: {  	v63 =	vld [tilespmem:s4+$0x40];
	_ =	sdelay $0x4  }
0x229: {  	v52 =	vshrl.u32 v63, $0x3  }
0x22a: {  	v50 =	vmul.u32 $0x30, v52  }
0x22b: {  	v49 =	vand.u32 $0x7, v63  }
0x22c: {  	v49 =	vor.u32 v49, v50  }
0x22d: {  	v50 =	vperm.xlane v49, v38;
	_ =	sdelay $0x1  }
0x22e: {  	v50 =	vadd.s32 v39, v50;
	_ =	sdelay $0x3  }
0x22f: {  	v49 =	vperm.xlane v49, v40  }
0x230: {  	[tilespmem:s0], [sflag:$0x1] =	stream.indirect_vreg.gather [hbm4b:s1+s3], $0x80, v50, vm0, $0xb8;
	[tilespmem:$0x1E800] =	vst v63  }
0x231: {  	s19 =	simm.s32 $0x5400;
	v49 =	vadd.s32 v39, v49  }
0x232: {  	[tilespmem:s19], [sflag:$0x1] =	stream.indirect_vreg.gather [hbm4b:s6+s3], $0x80, v50, vm0, $0xb8;
	[tilespmem:$0x1E800] =	vst v63  }
0x233: {  	_ = 	snop  }
0x234: {  	[tilespmem:s8], [sflag:$0x1] =	stream.indirect_vreg.gather [hbm4b:s7+s3], $0x80, v50, vm0, $0xb8;
	[tilespmem:$0x1E800] =	vst v63  }
0x235: {  	_ = 	snop  }
0x236: {  	[tilespmem:s9], [sflag:$0x1] =	stream.indirect_vreg.gather [hbm4b:s1+s3], $0x80, v49, vm0, $0xb8;
	[tilespmem:$0x1E800] =	vst v63  }
0x237: {  	_ = 	snop  }
0x238: {  	[tilespmem:s10], [sflag:$0x1] =	stream.indirect_vreg.gather [hbm4b:s6+s3], $0x80, v49, vm0, $0xb8;
	[tilespmem:$0x1E800] =	vst v63  }
0x239: {  	s10 =	rddreg [dreg:$0x15]  }
0x23a: {  	[tilespmem:s11], [sflag:$0x1] =	stream.indirect_vreg.gather [hbm4b:s7+s3], $0x80, v49, vm0, $0xb8;
	[tilespmem:$0x1E800] =	vst v63  }
0x23b: {  	v49 =	vld [tilespmem:s10+$0x10];
	_ =	sdelay $0x4  }
0x23c: {  	v53 =	vshrl.u32 v49, $0x3  }
0x23d: {  	v50 =	vmul.u32 $0x30, v53  }
0x23e: {  	v49 =	vand.u32 $0x7, v49  }
0x23f: {  	v49 =	vor.u32 v49, v50  }
0x240: {  	v50 =	vperm.xlane v49, v38;
	_ =	sdelay $0x1  }
0x241: {  	v50 =	vadd.s32 v39, v50;
	_ =	sdelay $0x3  }
0x242: {  	s11 =	simm.s32 $0x7C00;
	v49 =	vperm.xlane v49, v40  }
0x243: {  	[tilespmem:s11], [sflag:$0x1] =	stream.indirect_vreg.gather [hbm4b:s1+s3], $0x80, v50, vm0, $0xb8;
	[tilespmem:$0x1E800] =	vst v63  }
0x244: {  	v49 =	vadd.s32 v39, v49  }
0x245: {  	[tilespmem:s12], [sflag:$0x1] =	stream.indirect_vreg.gather [hbm4b:s6+s3], $0x80, v50, vm0, $0xb8;
	[tilespmem:$0x1E800] =	vst v63  }
0x246: {  	_ = 	snop  }
0x247: {  	[tilespmem:s13], [sflag:$0x1] =	stream.indirect_vreg.gather [hbm4b:s7+s3], $0x80, v50, vm0, $0xb8;
	[tilespmem:$0x1E800] =	vst v63  }
0x248: {  	_ = 	snop  }
0x249: {  	[tilespmem:s14], [sflag:$0x1] =	stream.indirect_vreg.gather [hbm4b:s1+s3], $0x80, v49, vm0, $0xb8;
	[tilespmem:$0x1E800] =	vst v63  }
0x24a: {  	_ = 	snop  }
0x24b: {  	[tilespmem:s22], [sflag:$0x1] =	stream.indirect_vreg.gather [hbm4b:s6+s3], $0x80, v49, vm0, $0xb8;
	[tilespmem:$0x1E800] =	vst v63  }
0x24c: {  	s14 =	simm.s32 $0xA400  }
0x24d: {  	[tilespmem:s14], [sflag:$0x1] =	stream.indirect_vreg.gather [hbm4b:s7+s3], $0x80, v49, vm0, $0xb8;
	[tilespmem:$0x1E800] =	vst v63  }
0x24e: {  	v49 =	vld [tilespmem:s10+$0x20];
	_ =	sdelay $0x4  }
0x24f: {  	v54 =	vshrl.u32 v49, $0x3  }
0x250: {  	v50 =	vmul.u32 $0x30, v54  }
0x251: {  	v49 =	vand.u32 $0x7, v49  }
0x252: {  	v49 =	vor.u32 v49, v50  }
0x253: {  	v50 =	vperm.xlane v49, v38;
	_ =	sdelay $0x1  }
0x254: {  	v50 =	vadd.s32 v39, v50;
	_ =	sdelay $0x3  }
0x255: {  	s8 =	simm.s32 $0xAC00;
	v49 =	vperm.xlane v49, v40  }
0x256: {  	[tilespmem:s8], [sflag:$0x1] =	stream.indirect_vreg.gather [hbm4b:s1+s3], $0x80, v50, vm0, $0xb8;
	[tilespmem:$0x1E800] =	vst v63  }
0x257: {  	v49 =	vadd.s32 v39, v49  }
0x258: {  	[tilespmem:s23], [sflag:$0x1] =	stream.indirect_vreg.gather [hbm4b:s6+s3], $0x80, v50, vm0, $0xb8;
	[tilespmem:$0x1E800] =	vst v63  }
0x259: {  	_ = 	snop  }
0x25a: {  	[tilespmem:s24], [sflag:$0x1] =	stream.indirect_vreg.gather [hbm4b:s7+s3], $0x80, v50, vm0, $0xb8;
	[tilespmem:$0x1E800] =	vst v63  }
0x25b: {  	_ = 	snop  }
0x25c: {  	[tilespmem:s25], [sflag:$0x1] =	stream.indirect_vreg.gather [hbm4b:s1+s3], $0x80, v49, vm0, $0xb8;
	[tilespmem:$0x1E800] =	vst v63  }
0x25d: {  	_ = 	snop  }
0x25e: {  	[tilespmem:s29], [sflag:$0x1] =	stream.indirect_vreg.gather [hbm4b:s6+s3], $0x80, v49, vm0, $0xb8;
	[tilespmem:$0x1E800] =	vst v63  }
0x25f: {  	_ = 	snop  }
0x260: {  	[tilespmem:s30], [sflag:$0x1] =	stream.indirect_vreg.gather [hbm4b:s7+s3], $0x80, v49, vm0, $0xb8;
	[tilespmem:$0x1E800] =	vst v63  }
0x261: {  	v49 =	vld [tilespmem:s10+$0x30];
	_ =	sdelay $0x4  }
0x262: {  	v55 =	vshrl.u32 v49, $0x3  }
0x263: {  	v50 =	vmul.u32 $0x30, v55  }
0x264: {  	v49 =	vand.u32 $0x7, v49  }
0x265: {  	v49 =	vor.u32 v49, v50  }
0x266: {  	v50 =	vperm.xlane v49, v38;
	_ =	sdelay $0x1  }
0x267: {  	v50 =	vadd.s32 v39, v50;
	_ =	sdelay $0x3  }
0x268: {  	s9 =	simm.s32 $0xDC00;
	v49 =	vperm.xlane v49, v40  }
0x269: {  	[tilespmem:s9], [sflag:$0x1] =	stream.indirect_vreg.gather [hbm4b:s1+s3], $0x80, v50, vm0, $0xb8;
	[tilespmem:$0x1E800] =	vst v63  }
0x26a: {  	v49 =	vadd.s32 v39, v49  }
0x26b: {  	[tilespmem:s17], [sflag:$0x1] =	stream.indirect_vreg.gather [hbm4b:s6+s3], $0x80, v50, vm0, $0xb8;
	[tilespmem:$0x1E800] =	vst v63  }
0x26c: {  	_ = 	snop  }
0x26d: {  	[tilespmem:s21], [sflag:$0x1] =	stream.indirect_vreg.gather [hbm4b:s7+s3], $0x80, v50, vm0, $0xb8;
	[tilespmem:$0x1E800] =	vst v63  }
0x26e: {  	_ = 	snop  }
0x26f: {  	[tilespmem:s5], [sflag:$0x1] =	stream.indirect_vreg.gather [hbm4b:s1+s3], $0x80, v49, vm0, $0xb8;
	[tilespmem:$0x1E800] =	vst v63  }
0x270: {  	s10 =	simm.s32 $0xFC00  }
0x271: {  	[tilespmem:s10], [sflag:$0x1] =	stream.indirect_vreg.gather [hbm4b:s6+s3], $0x80, v49, vm0, $0xb8;
	[tilespmem:$0x1E800] =	vst v63  }
0x272: {  	s11 =	simm.s32 $0x10400  }
0x273: {  	[tilespmem:s11], [sflag:$0x1] =	stream.indirect_vreg.gather [hbm4b:s7+s3], $0x80, v49, vm0, $0xb8;
	[tilespmem:$0x1E800] =	vst v63  }
0x274: {  	v49 =	vld.idx.msk [tilespmem:v12+s3+$0x0], $0xffff;
	_ =	sdelay $0x4  }
0x275: {  	v49 =	vshrl.u32 v49, $0x6;
	_ =	sdelay $0x4  }
0x276: {  	v50 =	vld.idx.msk [tilespmem:v49+s26+$0x0], $0xffff  }
0x277: {  	v56 =	vadd.s32 $0x241, v49;
	_ =	sdelay $0x3  }
0x278: {  	[tilespmem:$0x1DF40] =	vst v50  }
0x279: {  	v50 =	vld.idx.msk [tilespmem:v56+s26+$0x0], $0xffff  }
0x27a: {  	v57 =	vadd.s32 $0x482, v49;
	_ =	sdelay $0x3  }
0x27b: {  	[tilespmem:$0x1E061] =	vst v50  }
0x27c: {  	v50 =	vld.idx.msk [tilespmem:v57+s26+$0x0], $0xffff  }
0x27d: {  	v49 =	vadd.s32 $0x6C3, v49;
	_ =	sdelay $0x3  }
0x27e: {  	[tilespmem:$0x1E182] =	vst v50  }
0x27f: {  	v49 =	vld.idx.msk [tilespmem:v49+s26+$0x0], $0xffff;
	_ =	sdelay $0x4  }
0x280: {  	[tilespmem:$0x1E2A3] =	vst v49  }
0x281: {  	v49 =	vld.idx.msk [tilespmem:v13+s3+$0x0], $0xffff;
	_ =	sdelay $0x4  }
0x282: {  	v49 =	vshrl.u32 v49, $0x6;
	_ =	sdelay $0x4  }
0x283: {  	v50 =	vld.idx.msk [tilespmem:v49+s26+$0x0], $0xffff  }
0x284: {  	v58 =	vadd.s32 $0x241, v49;
	_ =	sdelay $0x3  }
0x285: {  	[tilespmem:$0x1DF50] =	vst v50  }
0x286: {  	v50 =	vld.idx.msk [tilespmem:v58+s26+$0x0], $0xffff  }
0x287: {  	v59 =	vadd.s32 $0x482, v49;
	_ =	sdelay $0x3  }
0x288: {  	[tilespmem:$0x1E071] =	vst v50  }
0x289: {  	v50 =	vld.idx.msk [tilespmem:v59+s26+$0x0], $0xffff  }
0x28a: {  	v49 =	vadd.s32 $0x6C3, v49;
	_ =	sdelay $0x3  }
0x28b: {  	[tilespmem:$0x1E192] =	vst v50  }
0x28c: {  	v49 =	vld.idx.msk [tilespmem:v49+s26+$0x0], $0xffff;
	_ =	sdelay $0x4  }
0x28d: {  	[tilespmem:$0x1E2B3] =	vst v49  }
0x28e: {  	v49 =	vld.idx.msk [tilespmem:v14+s3+$0x0], $0xffff;
	_ =	sdelay $0x4  }
0x28f: {  	v49 =	vshrl.u32 v49, $0x6;
	_ =	sdelay $0x4  }
0x290: {  	v50 =	vld.idx.msk [tilespmem:v49+s26+$0x0], $0xffff  }
0x291: {  	v60 =	vadd.s32 $0x241, v49;
	_ =	sdelay $0x3  }
0x292: {  	[tilespmem:$0x1DF60] =	vst v50  }
0x293: {  	v50 =	vld.idx.msk [tilespmem:v60+s26+$0x0], $0xffff  }
0x294: {  	v61 =	vadd.s32 $0x482, v49;
	_ =	sdelay $0x3  }
0x295: {  	[tilespmem:$0x1E081] =	vst v50  }
0x296: {  	v50 =	vld.idx.msk [tilespmem:v61+s26+$0x0], $0xffff  }
0x297: {  	v49 =	vadd.s32 $0x6C3, v49;
	_ =	sdelay $0x3  }
0x298: {  	[tilespmem:$0x1E1A2] =	vst v50  }
0x299: {  	v49 =	vld.idx.msk [tilespmem:v49+s26+$0x0], $0xffff;
	_ =	sdelay $0x4  }
0x29a: {  	[tilespmem:$0x1E2C3] =	vst v49  }
0x29b: {  	v49 =	vld.idx.msk [tilespmem:v15+s3+$0x0], $0xffff;
	_ =	sdelay $0x4  }
0x29c: {  	v49 =	vshrl.u32 v49, $0x6;
	_ =	sdelay $0x4  }
0x29d: {  	v50 =	vld.idx.msk [tilespmem:v49+s26+$0x0], $0xffff  }
0x29e: {  	v62 =	vadd.s32 $0x241, v49;
	_ =	sdelay $0x3  }
0x29f: {  	[tilespmem:$0x1DF70] =	vst v50  }
0x2a0: {  	v50 =	vld.idx.msk [tilespmem:v62+s26+$0x0], $0xffff  }
0x2a1: {  	v63 =	vadd.s32 $0x482, v49;
	_ =	sdelay $0x3  }
0x2a2: {  	[tilespmem:$0x1E091] =	vst v50  }
0x2a3: {  	v50 =	vld.idx.msk [tilespmem:v63+s26+$0x0], $0xffff  }
0x2a4: {  	v49 =	vadd.s32 $0x6C3, v49;
	_ =	sdelay $0x3  }
0x2a5: {  	[tilespmem:$0x1E1B2] =	vst v50  }
0x2a6: {  	v49 =	vld.idx.msk [tilespmem:v49+s26+$0x0], $0xffff;
	_ =	sdelay $0x4  }
0x2a7: {  	[tilespmem:$0x1E2D3] =	vst v49  }
0x2a8: {  	_ =	swait.ge [sflag:s31], $0xC000  }
0x2a9: {  	[sflag:s31] =	ssyncset.done $0x0  }
0x2aa: {  	s14 =	simm.s32 $0x10C00;
	s12 =	rddreg [dreg:$0xa];
	[sflag:s31] =	ssyncadd.s32 $0xFFFF4000  }
0x2ab: {  	[hbm4b:s12+s3] =	stream.linear.scatter [tilespmem:s14], [sflag:$0x3], $0xC000, $0x38;
	[tilespmem:$0x1E800] =	vst v63  }
0x2ac: {  	_ =	swait.ge [sflag:s15], $0xC000  }
0x2ad: {  	[sflag:s15] =	ssyncset.done $0x0  }
0x2ae: {  	[sflag:s15] =	ssyncadd.s32 $0xFFFF4000  }
0x2af: {  	v53 =	vld [tilespmem:s4+$0x80];
	_ =	sdelay $0x4  }
0x2b0: {  	v54 =	vshrl.u32 v53, $0x3  }
0x2b1: {  	v50 =	vmul.u32 $0x30, v54  }
0x2b2: {  	v49 =	vand.u32 $0x7, v53  }
0x2b3: {  	v49 =	vor.u32 v49, v50  }
0x2b4: {  	v50 =	vperm.xlane v49, v38;
	_ =	sdelay $0x1  }
0x2b5: {  	v50 =	vadd.s32 v39, v50;
	_ =	sdelay $0x3  }
0x2b6: {  	v49 =	vperm.xlane v49, v40  }
0x2b7: {  	[tilespmem:s14], [sflag:$0x1] =	stream.indirect_vreg.gather [hbm4b:s1+s3], $0x80, v50, vm0, $0xb8;
	[tilespmem:$0x1E800] =	vst v63  }
0x2b8: {  	v49 =	vadd.s32 v39, v49  }
0x2b9: {  	[tilespmem:s16], [sflag:$0x1] =	stream.indirect_vreg.gather [hbm4b:s6+s3], $0x80, v50, vm0, $0xb8;
	[tilespmem:$0x1E800] =	vst v63  }
0x2ba: {  	s17 =	simm.s32 $0x11C00  }
0x2bb: {  	[tilespmem:s17], [sflag:$0x1] =	stream.indirect_vreg.gather [hbm4b:s7+s3], $0x80, v50, vm0, $0xb8;
	[tilespmem:$0x1E800] =	vst v63  }
0x2bc: {  	_ = 	snop  }
0x2bd: {  	[tilespmem:s28], [sflag:$0x1] =	stream.indirect_vreg.gather [hbm4b:s1+s3], $0x80, v49, vm0, $0xb8;
	[tilespmem:$0x1E800] =	vst v63  }
0x2be: {  	_ = 	snop  }
0x2bf: {  	[tilespmem:s18], [sflag:$0x1] =	stream.indirect_vreg.gather [hbm4b:s6+s3], $0x80, v49, vm0, $0xb8;
	[tilespmem:$0x1E800] =	vst v63  }
0x2c0: {  	s18 =	rddreg [dreg:$0x16]  }
0x2c1: {  	[tilespmem:s20], [sflag:$0x1] =	stream.indirect_vreg.gather [hbm4b:s7+s3], $0x80, v49, vm0, $0xb8;
	[tilespmem:$0x1E800] =	vst v63  }
0x2c2: {  	v49 =	vld [tilespmem:s18+$0x10];
	_ =	sdelay $0x4  }
0x2c3: {  	v55 =	vshrl.u32 v49, $0x3  }
0x2c4: {  	v50 =	vmul.u32 $0x30, v55  }
0x2c5: {  	v49 =	vand.u32 $0x7, v49  }
0x2c6: {  	v49 =	vor.u32 v49, v50  }
0x2c7: {  	v50 =	vperm.xlane v49, v38;
	_ =	sdelay $0x1  }
0x2c8: {  	v50 =	vadd.s32 v39, v50;
	_ =	sdelay $0x3  }
0x2c9: {  	s11 =	simm.s32 $0x13C00;
	v49 =	vperm.xlane v49, v40  }
0x2ca: {  	[tilespmem:s11], [sflag:$0x1] =	stream.indirect_vreg.gather [hbm4b:s1+s3], $0x80, v50, vm0, $0xb8;
	[tilespmem:$0x1E800] =	vst v63  }
0x2cb: {  	s20 =	simm.s32 $0x14400;
	v49 =	vadd.s32 v39, v49  }
0x2cc: {  	[tilespmem:s20], [sflag:$0x1] =	stream.indirect_vreg.gather [hbm4b:s6+s3], $0x80, v50, vm0, $0xb8;
	[tilespmem:$0x1E800] =	vst v63  }
0x2cd: {  	s9 =	simm.s32 $0x14C00  }
0x2ce: {  	[tilespmem:s9], [sflag:$0x1] =	stream.indirect_vreg.gather [hbm4b:s7+s3], $0x80, v50, vm0, $0xb8;
	[tilespmem:$0x1E800] =	vst v63  }
0x2cf: {  	s12 =	simm.s32 $0x15400  }
0x2d0: {  	[tilespmem:s12], [sflag:$0x1] =	stream.indirect_vreg.gather [hbm4b:s1+s3], $0x80, v49, vm0, $0xb8;
	[tilespmem:$0x1E800] =	vst v63  }
0x2d1: {  	s0 =	simm.s32 $0x15C00  }
0x2d2: {  	[tilespmem:s0], [sflag:$0x1] =	stream.indirect_vreg.gather [hbm4b:s6+s3], $0x80, v49, vm0, $0xb8;
	[tilespmem:$0x1E800] =	vst v63  }
0x2d3: {  	s14 =	simm.s32 $0x16400  }
0x2d4: {  	[tilespmem:s14], [sflag:$0x1] =	stream.indirect_vreg.gather [hbm4b:s7+s3], $0x80, v49, vm0, $0xb8;
	[tilespmem:$0x1E800] =	vst v63  }
0x2d5: {  	v49 =	vld [tilespmem:s18+$0x20];
	_ =	sdelay $0x4  }
0x2d6: {  	v56 =	vshrl.u32 v49, $0x3  }
0x2d7: {  	v50 =	vmul.u32 $0x30, v56  }
0x2d8: {  	v49 =	vand.u32 $0x7, v49  }
0x2d9: {  	v49 =	vor.u32 v49, v50  }
0x2da: {  	v50 =	vperm.xlane v49, v38;
	_ =	sdelay $0x1  }
0x2db: {  	v50 =	vadd.s32 v39, v50;
	_ =	sdelay $0x3  }
0x2dc: {  	s16 =	simm.s32 $0x16C00;
	v49 =	vperm.xlane v49, v40  }
0x2dd: {  	[tilespmem:s16], [sflag:$0x1] =	stream.indirect_vreg.gather [hbm4b:s1+s3], $0x80, v50, vm0, $0xb8;
	[tilespmem:$0x1E800] =	vst v63  }
0x2de: {  	s8 =	simm.s32 $0x17400;
	v49 =	vadd.s32 v39, v49  }
0x2df: {  	[tilespmem:s8], [sflag:$0x1] =	stream.indirect_vreg.gather [hbm4b:s6+s3], $0x80, v50, vm0, $0xb8;
	[tilespmem:$0x1E800] =	vst v63  }
0x2e0: {  	s17 =	simm.s32 $0x17C00  }
0x2e1: {  	[tilespmem:s17], [sflag:$0x1] =	stream.indirect_vreg.gather [hbm4b:s7+s3], $0x80, v50, vm0, $0xb8;
	[tilespmem:$0x1E800] =	vst v63  }
0x2e2: {  	s5 =	simm.s32 $0x18400  }
0x2e3: {  	[tilespmem:s5], [sflag:$0x1] =	stream.indirect_vreg.gather [hbm4b:s1+s3], $0x80, v49, vm0, $0xb8;
	[tilespmem:$0x1E800] =	vst v63  }
0x2e4: {  	s10 =	simm.s32 $0x18C00  }
0x2e5: {  	[tilespmem:s10], [sflag:$0x1] =	stream.indirect_vreg.gather [hbm4b:s6+s3], $0x80, v49, vm0, $0xb8;
	[tilespmem:$0x1E800] =	vst v63  }
0x2e6: {  	s11 =	simm.s32 $0x19400  }
0x2e7: {  	[tilespmem:s11], [sflag:$0x1] =	stream.indirect_vreg.gather [hbm4b:s7+s3], $0x80, v49, vm0, $0xb8;
	[tilespmem:$0x1E800] =	vst v63  }
0x2e8: {  	v49 =	vld [tilespmem:s18+$0x30];
	_ =	sdelay $0x4  }
0x2e9: {  	v57 =	vshrl.u32 v49, $0x3  }
0x2ea: {  	v50 =	vmul.u32 $0x30, v57  }
0x2eb: {  	v49 =	vand.u32 $0x7, v49  }
0x2ec: {  	v49 =	vor.u32 v49, v50  }
0x2ed: {  	v50 =	vperm.xlane v49, v38;
	_ =	sdelay $0x1  }
0x2ee: {  	v50 =	vadd.s32 v39, v50;
	_ =	sdelay $0x3  }
0x2ef: {  	s18 =	simm.s32 $0x19C00;
	v49 =	vperm.xlane v49, v40  }
0x2f0: {  	[tilespmem:s18], [sflag:$0x1] =	stream.indirect_vreg.gather [hbm4b:s1+s3], $0x80, v50, vm0, $0xb8;
	[tilespmem:$0x1E800] =	vst v63  }
0x2f1: {  	s19 =	simm.s32 $0x1A400;
	v49 =	vadd.s32 v39, v49  }
0x2f2: {  	[tilespmem:s19], [sflag:$0x1] =	stream.indirect_vreg.gather [hbm4b:s6+s3], $0x80, v50, vm0, $0xb8;
	[tilespmem:$0x1E800] =	vst v63  }
0x2f3: {  	s12 =	simm.s32 $0x1AC00  }
0x2f4: {  	[tilespmem:s12], [sflag:$0x1] =	stream.indirect_vreg.gather [hbm4b:s7+s3], $0x80, v50, vm0, $0xb8;
	[tilespmem:$0x1E800] =	vst v63  }
0x2f5: {  	s14 =	simm.s32 $0x1B400  }
0x2f6: {  	[tilespmem:s14], [sflag:$0x1] =	stream.indirect_vreg.gather [hbm4b:s1+s3], $0x80, v49, vm0, $0xb8;
	[tilespmem:$0x1E800] =	vst v63  }
0x2f7: {  	s17 =	simm.s32 $0x1BC00  }
0x2f8: {  	[tilespmem:s17], [sflag:$0x1] =	stream.indirect_vreg.gather [hbm4b:s6+s3], $0x80, v49, vm0, $0xb8;
	[tilespmem:$0x1E800] =	vst v63  }
0x2f9: {  	s19 =	simm.s32 $0x1C400  }
0x2fa: {  	[tilespmem:s19], [sflag:$0x1] =	stream.indirect_vreg.gather [hbm4b:s7+s3], $0x80, v49, vm0, $0xb8;
	[tilespmem:$0x1E800] =	vst v63  }
0x2fb: {  	v49 =	vld.idx.msk [tilespmem:v16+s3+$0x0], $0xffff;
	_ =	sdelay $0x4  }
0x2fc: {  	v49 =	vshrl.u32 v49, $0x6;
	_ =	sdelay $0x4  }
0x2fd: {  	v50 =	vld.idx.msk [tilespmem:v49+s26+$0x0], $0xffff  }
0x2fe: {  	v58 =	vadd.s32 $0x241, v49;
	_ =	sdelay $0x3  }
0x2ff: {  	[tilespmem:$0x1DF80] =	vst v50  }
0x300: {  	v50 =	vld.idx.msk [tilespmem:v58+s26+$0x0], $0xffff  }
0x301: {  	v59 =	vadd.s32 $0x482, v49;
	_ =	sdelay $0x3  }
0x302: {  	[tilespmem:$0x1E0A1] =	vst v50  }
0x303: {  	v50 =	vld.idx.msk [tilespmem:v59+s26+$0x0], $0xffff  }
0x304: {  	v49 =	vadd.s32 $0x6C3, v49;
	_ =	sdelay $0x3  }
0x305: {  	[tilespmem:$0x1E1C2] =	vst v50  }
0x306: {  	v49 =	vld.idx.msk [tilespmem:v49+s26+$0x0], $0xffff;
	_ =	sdelay $0x4  }
0x307: {  	[tilespmem:$0x1E2E3] =	vst v49  }
0x308: {  	v49 =	vld.idx.msk [tilespmem:v17+s3+$0x0], $0xffff;
	_ =	sdelay $0x4  }
0x309: {  	v49 =	vshrl.u32 v49, $0x6;
	_ =	sdelay $0x4  }
0x30a: {  	v50 =	vld.idx.msk [tilespmem:v49+s26+$0x0], $0xffff  }
0x30b: {  	v60 =	vadd.s32 $0x241, v49;
	_ =	sdelay $0x3  }
0x30c: {  	[tilespmem:$0x1DF90] =	vst v50  }
0x30d: {  	v50 =	vld.idx.msk [tilespmem:v60+s26+$0x0], $0xffff  }
0x30e: {  	v61 =	vadd.s32 $0x482, v49;
	_ =	sdelay $0x3  }
0x30f: {  	[tilespmem:$0x1E0B1] =	vst v50  }
0x310: {  	v50 =	vld.idx.msk [tilespmem:v61+s26+$0x0], $0xffff  }
0x311: {  	v49 =	vadd.s32 $0x6C3, v49;
	_ =	sdelay $0x3  }
0x312: {  	[tilespmem:$0x1E1D2] =	vst v50  }
0x313: {  	v49 =	vld.idx.msk [tilespmem:v49+s26+$0x0], $0xffff;
	_ =	sdelay $0x4  }
0x314: {  	[tilespmem:$0x1E2F3] =	vst v49  }
0x315: {  	v49 =	vld.idx.msk [tilespmem:v18+s3+$0x0], $0xffff;
	_ =	sdelay $0x4  }
0x316: {  	v49 =	vshrl.u32 v49, $0x6;
	_ =	sdelay $0x4  }
0x317: {  	v50 =	vld.idx.msk [tilespmem:v49+s26+$0x0], $0xffff  }
0x318: {  	v62 =	vadd.s32 $0x241, v49;
	_ =	sdelay $0x2  }
0x319: {  	s16 =	simm.s32 $0x1DE80  }
0x31a: {  	[tilespmem:v41+s16+$0x0] =	vst.idx.msk $0x1, v50  }
0x31b: {  	v50 =	vld.idx.msk [tilespmem:v62+s26+$0x0], $0xffff  }
0x31c: {  	v63 =	vadd.s32 $0x482, v49;
	_ =	sdelay $0x3  }
0x31d: {  	[tilespmem:v42+s16+$0x0] =	vst.idx.msk $0x1, v50  }
0x31e: {  	v50 =	vld.idx.msk [tilespmem:v63+s26+$0x0], $0xffff  }
0x31f: {  	v49 =	vadd.s32 $0x6C3, v49;
	_ =	sdelay $0x3  }
0x320: {  	[tilespmem:v43+s16+$0x0] =	vst.idx.msk $0x1, v50  }
0x321: {  	v49 =	vld.idx.msk [tilespmem:v49+s26+$0x0], $0xffff;
	_ =	sdelay $0x4  }
0x322: {  	[tilespmem:v44+s16+$0x0] =	vst.idx.msk $0x1, v49  }
0x323: {  	v49 =	vld.idx.msk [tilespmem:v19+s3+$0x0], $0xffff;
	_ =	sdelay $0x4  }
0x324: {  	v49 =	vshrl.u32 v49, $0x6  }
0x325: {  	v53 =	vadd.s32 $0x904, v49;
	_ =	sdelay $0x4  }
0x326: {  	v50 =	vld.idx.msk [tilespmem:v53+s26+$0x0], $0xffff  }
0x327: {  	v54 =	vadd.s32 $0xB45, v49;
	_ =	sdelay $0x3  }
0x328: {  	[tilespmem:$0x1E304] =	vst v50  }
0x329: {  	v50 =	vld.idx.msk [tilespmem:v54+s26+$0x0], $0xffff  }
0x32a: {  	v55 =	vadd.s32 $0xD86, v49;
	_ =	sdelay $0x3  }
0x32b: {  	[tilespmem:$0x1E425] =	vst v50  }
0x32c: {  	v50 =	vld.idx.msk [tilespmem:v55+s26+$0x0], $0xffff  }
0x32d: {  	v49 =	vadd.s32 $0xFC7, v49;
	_ =	sdelay $0x3  }
0x32e: {  	[tilespmem:$0x1E546] =	vst v50  }
0x32f: {  	v49 =	vld.idx.msk [tilespmem:v49+s26+$0x0], $0xffff;
	_ =	sdelay $0x4  }
0x330: {  	[tilespmem:$0x1E667] =	vst v49  }
0x331: {  	_ =	swait.ge [sflag:s31], $0xC000  }
0x332: {  	[sflag:s31] =	ssyncset.done $0x0  }
0x333: {  	s14 =	simm.s32 $0x4C00;
	s12 =	rddreg [dreg:$0xb];
	[sflag:s31] =	ssyncadd.s32 $0xFFFF4000  }
0x334: {  	[hbm4b:s12+s3] =	stream.linear.scatter [tilespmem:s14], [sflag:$0x2], $0xC000, $0x38;
	[tilespmem:$0x1E800] =	vst v63  }
0x335: {  	_ =	swait.ge [sflag:s2], $0xC000  }
0x336: {  	[sflag:s2] =	ssyncset.done $0x0  }
0x337: {  	[sflag:s2] =	ssyncadd.s32 $0xFFFF4000  }
0x338: {  	v56 =	vld [tilespmem:s4+$0xC0];
	_ =	sdelay $0x4  }
0x339: {  	v57 =	vshrl.u32 v56, $0x3  }
0x33a: {  	v50 =	vmul.u32 $0x30, v57  }
0x33b: {  	v49 =	vand.u32 $0x7, v56  }
0x33c: {  	v49 =	vor.u32 v49, v50  }
0x33d: {  	v50 =	vperm.xlane v49, v38;
	_ =	sdelay $0x1  }
0x33e: {  	v50 =	vadd.s32 v39, v50;
	_ =	sdelay $0x3  }
0x33f: {  	v49 =	vperm.xlane v49, v40  }
0x340: {  	[tilespmem:s14], [sflag:$0x1] =	stream.indirect_vreg.gather [hbm4b:s1+s3], $0x80, v50, vm0, $0xb8;
	[tilespmem:$0x1E800] =	vst v63  }
0x341: {  	s17 =	simm.s32 $0x5400;
	v49 =	vadd.s32 v39, v49  }
0x342: {  	[tilespmem:s17], [sflag:$0x1] =	stream.indirect_vreg.gather [hbm4b:s6+s3], $0x80, v50, vm0, $0xb8;
	[tilespmem:$0x1E800] =	vst v63  }
0x343: {  	s19 =	simm.s32 $0x5C00  }
0x344: {  	[tilespmem:s19], [sflag:$0x1] =	stream.indirect_vreg.gather [hbm4b:s7+s3], $0x80, v50, vm0, $0xb8;
	[tilespmem:$0x1E800] =	vst v63  }
0x345: {  	s17 =	simm.s32 $0x6400  }
0x346: {  	[tilespmem:s17], [sflag:$0x1] =	stream.indirect_vreg.gather [hbm4b:s1+s3], $0x80, v49, vm0, $0xb8;
	[tilespmem:$0x1E800] =	vst v63  }
0x347: {  	s19 =	simm.s32 $0x6C00  }
0x348: {  	[tilespmem:s19], [sflag:$0x1] =	stream.indirect_vreg.gather [hbm4b:s6+s3], $0x80, v49, vm0, $0xb8;
	[tilespmem:$0x1E800] =	vst v63  }
0x349: {  	s12 =	simm.s32 $0x7400;
	s19 =	rddreg [dreg:$0x17]  }
0x34a: {  	[tilespmem:s12], [sflag:$0x1] =	stream.indirect_vreg.gather [hbm4b:s7+s3], $0x80, v49, vm0, $0xb8;
	[tilespmem:$0x1E800] =	vst v63  }
0x34b: {  	v49 =	vld [tilespmem:s19+$0x10];
	_ =	sdelay $0x4  }
0x34c: {  	v58 =	vshrl.u32 v49, $0x3  }
0x34d: {  	v50 =	vmul.u32 $0x30, v58  }
0x34e: {  	v49 =	vand.u32 $0x7, v49  }
0x34f: {  	v49 =	vor.u32 v49, v50  }
0x350: {  	v50 =	vperm.xlane v49, v38;
	_ =	sdelay $0x1  }
0x351: {  	v50 =	vadd.s32 v39, v50;
	_ =	sdelay $0x3  }
0x352: {  	s17 =	simm.s32 $0x7C00;
	v49 =	vperm.xlane v49, v40  }
0x353: {  	[tilespmem:s17], [sflag:$0x1] =	stream.indirect_vreg.gather [hbm4b:s1+s3], $0x80, v50, vm0, $0xb8;
	[tilespmem:$0x1E800] =	vst v63  }
0x354: {  	v49 =	vadd.s32 v39, v49;
	s17 =	simm.s32 $0x8400  }
0x355: {  	[tilespmem:s17], [sflag:$0x1] =	stream.indirect_vreg.gather [hbm4b:s6+s3], $0x80, v50, vm0, $0xb8;
	[tilespmem:$0x1E800] =	vst v63  }
0x356: {  	s17 =	simm.s32 $0x8C00  }
0x357: {  	[tilespmem:s17], [sflag:$0x1] =	stream.indirect_vreg.gather [hbm4b:s7+s3], $0x80, v50, vm0, $0xb8;
	[tilespmem:$0x1E800] =	vst v63  }
0x358: {  	s13 =	simm.s32 $0x9400  }
0x359: {  	[tilespmem:s13], [sflag:$0x1] =	stream.indirect_vreg.gather [hbm4b:s1+s3], $0x80, v49, vm0, $0xb8;
	[tilespmem:$0x1E800] =	vst v63  }
0x35a: {  	s22 =	simm.s32 $0x9C00  }
0x35b: {  	[tilespmem:s22], [sflag:$0x1] =	stream.indirect_vreg.gather [hbm4b:s6+s3], $0x80, v49, vm0, $0xb8;
	[tilespmem:$0x1E800] =	vst v63  }
0x35c: {  	s22 =	simm.s32 $0xA400  }
0x35d: {  	[tilespmem:s22], [sflag:$0x1] =	stream.indirect_vreg.gather [hbm4b:s7+s3], $0x80, v49, vm0, $0xb8;
	[tilespmem:$0x1E800] =	vst v63  }
0x35e: {  	v49 =	vld [tilespmem:s19+$0x20];
	_ =	sdelay $0x4  }
0x35f: {  	v59 =	vshrl.u32 v49, $0x3  }
0x360: {  	v50 =	vmul.u32 $0x30, v59  }
0x361: {  	v49 =	vand.u32 $0x7, v49  }
0x362: {  	v49 =	vor.u32 v49, v50  }
0x363: {  	v50 =	vperm.xlane v49, v38;
	_ =	sdelay $0x1  }
0x364: {  	v50 =	vadd.s32 v39, v50;
	_ =	sdelay $0x3  }
0x365: {  	s22 =	simm.s32 $0xAC00;
	v49 =	vperm.xlane v49, v40  }
0x366: {  	[tilespmem:s22], [sflag:$0x1] =	stream.indirect_vreg.gather [hbm4b:s1+s3], $0x80, v50, vm0, $0xb8;
	[tilespmem:$0x1E800] =	vst v63  }
0x367: {  	s23 =	simm.s32 $0xB400;
	v49 =	vadd.s32 v39, v49  }
0x368: {  	[tilespmem:s23], [sflag:$0x1] =	stream.indirect_vreg.gather [hbm4b:s6+s3], $0x80, v50, vm0, $0xb8;
	[tilespmem:$0x1E800] =	vst v63  }
0x369: {  	s24 =	simm.s32 $0xBC00  }
0x36a: {  	[tilespmem:s24], [sflag:$0x1] =	stream.indirect_vreg.gather [hbm4b:s7+s3], $0x80, v50, vm0, $0xb8;
	[tilespmem:$0x1E800] =	vst v63  }
0x36b: {  	s25 =	simm.s32 $0xC400  }
0x36c: {  	[tilespmem:s25], [sflag:$0x1] =	stream.indirect_vreg.gather [hbm4b:s1+s3], $0x80, v49, vm0, $0xb8;
	[tilespmem:$0x1E800] =	vst v63  }
0x36d: {  	s29 =	simm.s32 $0xCC00  }
0x36e: {  	[tilespmem:s29], [sflag:$0x1] =	stream.indirect_vreg.gather [hbm4b:s6+s3], $0x80, v49, vm0, $0xb8;
	[tilespmem:$0x1E800] =	vst v63  }
0x36f: {  	s29 =	simm.s32 $0xD400  }
0x370: {  	[tilespmem:s29], [sflag:$0x1] =	stream.indirect_vreg.gather [hbm4b:s7+s3], $0x80, v49, vm0, $0xb8;
	[tilespmem:$0x1E800] =	vst v63  }
0x371: {  	v49 =	vld [tilespmem:s19+$0x30];
	_ =	sdelay $0x4  }
0x372: {  	v60 =	vshrl.u32 v49, $0x3  }
0x373: {  	v50 =	vmul.u32 $0x30, v60  }
0x374: {  	v49 =	vand.u32 $0x7, v49  }
0x375: {  	v49 =	vor.u32 v49, v50  }
0x376: {  	v50 =	vperm.xlane v49, v38;
	_ =	sdelay $0x1  }
0x377: {  	v50 =	vadd.s32 v39, v50;
	_ =	sdelay $0x3  }
0x378: {  	s29 =	simm.s32 $0xDC00;
	v49 =	vperm.xlane v49, v40  }
0x379: {  	[tilespmem:s29], [sflag:$0x1] =	stream.indirect_vreg.gather [hbm4b:s1+s3], $0x80, v50, vm0, $0xb8;
	[tilespmem:$0x1E800] =	vst v63  }
0x37a: {  	s30 =	simm.s32 $0xE400;
	v49 =	vadd.s32 v39, v49  }
0x37b: {  	[tilespmem:s30], [sflag:$0x1] =	stream.indirect_vreg.gather [hbm4b:s6+s3], $0x80, v50, vm0, $0xb8;
	[tilespmem:$0x1E800] =	vst v63  }
0x37c: {  	s30 =	simm.s32 $0xEC00  }
0x37d: {  	[tilespmem:s30], [sflag:$0x1] =	stream.indirect_vreg.gather [hbm4b:s7+s3], $0x80, v50, vm0, $0xb8;
	[tilespmem:$0x1E800] =	vst v63  }
0x37e: {  	s19 =	simm.s32 $0xF400  }
0x37f: {  	[tilespmem:s19], [sflag:$0x1] =	stream.indirect_vreg.gather [hbm4b:s1+s3], $0x80, v49, vm0, $0xb8;
	[tilespmem:$0x1E800] =	vst v63  }
0x380: {  	s19 =	simm.s32 $0xFC00  }
0x381: {  	[tilespmem:s19], [sflag:$0x1] =	stream.indirect_vreg.gather [hbm4b:s6+s3], $0x80, v49, vm0, $0xb8;
	[tilespmem:$0x1E800] =	vst v63  }
0x382: {  	s19 =	simm.s32 $0x10400  }
0x383: {  	[tilespmem:s19], [sflag:$0x1] =	stream.indirect_vreg.gather [hbm4b:s7+s3], $0x80, v49, vm0, $0xb8;
	[tilespmem:$0x1E800] =	vst v63  }
0x384: {  	v49 =	vld.idx.msk [tilespmem:v20+s3+$0x0], $0xffff;
	_ =	sdelay $0x4  }
0x385: {  	v49 =	vshrl.u32 v49, $0x6  }
0x386: {  	v61 =	vadd.s32 $0x904, v49;
	_ =	sdelay $0x4  }
0x387: {  	v50 =	vld.idx.msk [tilespmem:v61+s26+$0x0], $0xffff  }
0x388: {  	v62 =	vadd.s32 $0xB45, v49;
	_ =	sdelay $0x3  }
0x389: {  	[tilespmem:$0x1E314] =	vst v50  }
0x38a: {  	v50 =	vld.idx.msk [tilespmem:v62+s26+$0x0], $0xffff  }
0x38b: {  	v63 =	vadd.s32 $0xD86, v49;
	_ =	sdelay $0x3  }
0x38c: {  	[tilespmem:$0x1E435] =	vst v50  }
0x38d: {  	v50 =	vld.idx.msk [tilespmem:v63+s26+$0x0], $0xffff  }
0x38e: {  	v49 =	vadd.s32 $0xFC7, v49;
	_ =	sdelay $0x3  }
0x38f: {  	[tilespmem:$0x1E556] =	vst v50  }
0x390: {  	v49 =	vld.idx.msk [tilespmem:v49+s26+$0x0], $0xffff;
	_ =	sdelay $0x4  }
0x391: {  	[tilespmem:$0x1E677] =	vst v49  }
0x392: {  	v49 =	vld.idx.msk [tilespmem:v21+s3+$0x0], $0xffff;
	_ =	sdelay $0x4  }
0x393: {  	v49 =	vshrl.u32 v49, $0x6  }
0x394: {  	v53 =	vadd.s32 $0x904, v49;
	_ =	sdelay $0x4  }
0x395: {  	v50 =	vld.idx.msk [tilespmem:v53+s26+$0x0], $0xffff  }
0x396: {  	v54 =	vadd.s32 $0xB45, v49;
	_ =	sdelay $0x3  }
0x397: {  	[tilespmem:$0x1E324] =	vst v50  }
0x398: {  	v50 =	vld.idx.msk [tilespmem:v54+s26+$0x0], $0xffff  }
0x399: {  	v55 =	vadd.s32 $0xD86, v49;
	_ =	sdelay $0x3  }
0x39a: {  	[tilespmem:$0x1E445] =	vst v50  }
0x39b: {  	v50 =	vld.idx.msk [tilespmem:v55+s26+$0x0], $0xffff  }
0x39c: {  	v49 =	vadd.s32 $0xFC7, v49;
	_ =	sdelay $0x3  }
0x39d: {  	[tilespmem:$0x1E566] =	vst v50  }
0x39e: {  	v49 =	vld.idx.msk [tilespmem:v49+s26+$0x0], $0xffff;
	_ =	sdelay $0x4  }
0x39f: {  	[tilespmem:$0x1E687] =	vst v49  }
0x3a0: {  	v49 =	vld.idx.msk [tilespmem:v22+s3+$0x0], $0xffff;
	_ =	sdelay $0x4  }
0x3a1: {  	v49 =	vshrl.u32 v49, $0x6  }
0x3a2: {  	v56 =	vadd.s32 $0x904, v49;
	_ =	sdelay $0x4  }
0x3a3: {  	v50 =	vld.idx.msk [tilespmem:v56+s26+$0x0], $0xffff  }
0x3a4: {  	v57 =	vadd.s32 $0xB45, v49;
	_ =	sdelay $0x3  }
0x3a5: {  	[tilespmem:$0x1E334] =	vst v50  }
0x3a6: {  	v50 =	vld.idx.msk [tilespmem:v57+s26+$0x0], $0xffff  }
0x3a7: {  	v58 =	vadd.s32 $0xD86, v49;
	_ =	sdelay $0x3  }
0x3a8: {  	[tilespmem:$0x1E455] =	vst v50  }
0x3a9: {  	v50 =	vld.idx.msk [tilespmem:v58+s26+$0x0], $0xffff  }
0x3aa: {  	v49 =	vadd.s32 $0xFC7, v49;
	_ =	sdelay $0x3  }
0x3ab: {  	[tilespmem:$0x1E576] =	vst v50  }
0x3ac: {  	v49 =	vld.idx.msk [tilespmem:v49+s26+$0x0], $0xffff;
	_ =	sdelay $0x4  }
0x3ad: {  	[tilespmem:$0x1E697] =	vst v49  }
0x3ae: {  	v49 =	vld.idx.msk [tilespmem:v23+s3+$0x0], $0xffff;
	_ =	sdelay $0x4  }
0x3af: {  	v49 =	vshrl.u32 v49, $0x6  }
0x3b0: {  	v59 =	vadd.s32 $0x904, v49;
	_ =	sdelay $0x4  }
0x3b1: {  	v50 =	vld.idx.msk [tilespmem:v59+s26+$0x0], $0xffff  }
0x3b2: {  	v60 =	vadd.s32 $0xB45, v49;
	_ =	sdelay $0x3  }
0x3b3: {  	[tilespmem:$0x1E344] =	vst v50  }
0x3b4: {  	v50 =	vld.idx.msk [tilespmem:v60+s26+$0x0], $0xffff  }
0x3b5: {  	v61 =	vadd.s32 $0xD86, v49;
	_ =	sdelay $0x3  }
0x3b6: {  	[tilespmem:$0x1E465] =	vst v50  }
0x3b7: {  	v50 =	vld.idx.msk [tilespmem:v61+s26+$0x0], $0xffff  }
0x3b8: {  	v49 =	vadd.s32 $0xFC7, v49;
	_ =	sdelay $0x3  }
0x3b9: {  	[tilespmem:$0x1E586] =	vst v50  }
0x3ba: {  	v49 =	vld.idx.msk [tilespmem:v49+s26+$0x0], $0xffff;
	_ =	sdelay $0x4  }
0x3bb: {  	[tilespmem:$0x1E6A7] =	vst v49  }
0x3bc: {  	_ =	swait.ge [sflag:s31], $0xC000  }
0x3bd: {  	[sflag:s31] =	ssyncset.done $0x0  }
0x3be: {  	s21 =	simm.s32 $0x10C00;
	s13 =	rddreg [dreg:$0xc];
	[sflag:s31] =	ssyncadd.s32 $0xFFFF4000  }
0x3bf: {  	[hbm4b:s13+s3] =	stream.linear.scatter [tilespmem:s21], [sflag:$0x3], $0xC000, $0x38;
	[tilespmem:$0x1E800] =	vst v63  }
0x3c0: {  	_ =	swait.ge [sflag:s15], $0xC000  }
0x3c1: {  	[sflag:s15] =	ssyncset.done $0x0  }
0x3c2: {  	[sflag:s15] =	ssyncadd.s32 $0xFFFF4000  }
0x3c3: {  	v62 =	vld [tilespmem:s4+$0x100];
	_ =	sdelay $0x4  }
0x3c4: {  	v63 =	vshrl.u32 v62, $0x3  }
0x3c5: {  	v50 =	vmul.u32 $0x30, v63  }
0x3c6: {  	v49 =	vand.u32 $0x7, v62  }
0x3c7: {  	v49 =	vor.u32 v49, v50  }
0x3c8: {  	v50 =	vperm.xlane v49, v38;
	_ =	sdelay $0x1  }
0x3c9: {  	v50 =	vadd.s32 v39, v50;
	_ =	sdelay $0x3  }
0x3ca: {  	v49 =	vperm.xlane v49, v40  }
0x3cb: {  	[tilespmem:s21], [sflag:$0x1] =	stream.indirect_vreg.gather [hbm4b:s1+s3], $0x80, v50, vm0, $0xb8;
	[tilespmem:$0x1E800] =	vst v63  }
0x3cc: {  	s13 =	simm.s32 $0x11400;
	v49 =	vadd.s32 v39, v49  }
0x3cd: {  	[tilespmem:s13], [sflag:$0x1] =	stream.indirect_vreg.gather [hbm4b:s6+s3], $0x80, v50, vm0, $0xb8;
	[tilespmem:$0x1E800] =	vst v63  }
0x3ce: {  	s13 =	simm.s32 $0x11C00  }
0x3cf: {  	[tilespmem:s13], [sflag:$0x1] =	stream.indirect_vreg.gather [hbm4b:s7+s3], $0x80, v50, vm0, $0xb8;
	[tilespmem:$0x1E800] =	vst v63  }
0x3d0: {  	s19 =	simm.s32 $0x12400  }
0x3d1: {  	[tilespmem:s19], [sflag:$0x1] =	stream.indirect_vreg.gather [hbm4b:s1+s3], $0x80, v49, vm0, $0xb8;
	[tilespmem:$0x1E800] =	vst v63  }
0x3d2: {  	s28 =	simm.s32 $0x12C00  }
0x3d3: {  	[tilespmem:s28], [sflag:$0x1] =	stream.indirect_vreg.gather [hbm4b:s6+s3], $0x80, v49, vm0, $0xb8;
	[tilespmem:$0x1E800] =	vst v63  }
0x3d4: {  	s19 =	simm.s32 $0x13400  }
0x3d5: {  	[tilespmem:s19], [sflag:$0x1] =	stream.indirect_vreg.gather [hbm4b:s7+s3], $0x80, v49, vm0, $0xb8;
	[tilespmem:$0x1E800] =	vst v63  }
0x3d6: {  	s19 =	rddreg [dreg:$0x18]  }
0x3d7: {  	v49 =	vld [tilespmem:s19+$0x10];
	_ =	sdelay $0x4  }
0x3d8: {  	v52 =	vshrl.u32 v49, $0x3  }
0x3d9: {  	v50 =	vmul.u32 $0x30, v52  }
0x3da: {  	v49 =	vand.u32 $0x7, v49  }
0x3db: {  	v49 =	vor.u32 v49, v50  }
0x3dc: {  	v50 =	vperm.xlane v49, v38;
	_ =	sdelay $0x1  }
0x3dd: {  	v50 =	vadd.s32 v39, v50;
	_ =	sdelay $0x3  }
0x3de: {  	s28 =	simm.s32 $0x13C00;
	v49 =	vperm.xlane v49, v40  }
0x3df: {  	[tilespmem:s28], [sflag:$0x1] =	stream.indirect_vreg.gather [hbm4b:s1+s3], $0x80, v50, vm0, $0xb8;
	[tilespmem:$0x1E800] =	vst v63  }
0x3e0: {  	v49 =	vadd.s32 v39, v49  }
0x3e1: {  	[tilespmem:s20], [sflag:$0x1] =	stream.indirect_vreg.gather [hbm4b:s6+s3], $0x80, v50, vm0, $0xb8;
	[tilespmem:$0x1E800] =	vst v63  }
0x3e2: {  	_ = 	snop  }
0x3e3: {  	[tilespmem:s9], [sflag:$0x1] =	stream.indirect_vreg.gather [hbm4b:s7+s3], $0x80, v50, vm0, $0xb8;
	[tilespmem:$0x1E800] =	vst v63  }
0x3e4: {  	s13 =	simm.s32 $0x15400  }
0x3e5: {  	[tilespmem:s13], [sflag:$0x1] =	stream.indirect_vreg.gather [hbm4b:s1+s3], $0x80, v49, vm0, $0xb8;
	[tilespmem:$0x1E800] =	vst v63  }
0x3e6: {  	_ = 	snop  }
0x3e7: {  	[tilespmem:s0], [sflag:$0x1] =	stream.indirect_vreg.gather [hbm4b:s6+s3], $0x80, v49, vm0, $0xb8;
	[tilespmem:$0x1E800] =	vst v63  }
0x3e8: {  	s20 =	simm.s32 $0x16400  }
0x3e9: {  	[tilespmem:s20], [sflag:$0x1] =	stream.indirect_vreg.gather [hbm4b:s7+s3], $0x80, v49, vm0, $0xb8;
	[tilespmem:$0x1E800] =	vst v63  }
0x3ea: {  	v49 =	vld [tilespmem:s19+$0x20];
	_ =	sdelay $0x4  }
0x3eb: {  	v53 =	vshrl.u32 v49, $0x3  }
0x3ec: {  	v50 =	vmul.u32 $0x30, v53  }
0x3ed: {  	v49 =	vand.u32 $0x7, v49  }
0x3ee: {  	v49 =	vor.u32 v49, v50  }
0x3ef: {  	v50 =	vperm.xlane v49, v38;
	_ =	sdelay $0x1  }
0x3f0: {  	v50 =	vadd.s32 v39, v50;
	_ =	sdelay $0x3  }
0x3f1: {  	s28 =	simm.s32 $0x16C00;
	v49 =	vperm.xlane v49, v40  }
0x3f2: {  	[tilespmem:s28], [sflag:$0x1] =	stream.indirect_vreg.gather [hbm4b:s1+s3], $0x80, v50, vm0, $0xb8;
	[tilespmem:$0x1E800] =	vst v63  }
0x3f3: {  	v49 =	vadd.s32 v39, v49  }
0x3f4: {  	[tilespmem:s8], [sflag:$0x1] =	stream.indirect_vreg.gather [hbm4b:s6+s3], $0x80, v50, vm0, $0xb8;
	[tilespmem:$0x1E800] =	vst v63  }
0x3f5: {  	s9 =	simm.s32 $0x17C00  }
0x3f6: {  	[tilespmem:s9], [sflag:$0x1] =	stream.indirect_vreg.gather [hbm4b:s7+s3], $0x80, v50, vm0, $0xb8;
	[tilespmem:$0x1E800] =	vst v63  }
0x3f7: {  	_ = 	snop  }
0x3f8: {  	[tilespmem:s5], [sflag:$0x1] =	stream.indirect_vreg.gather [hbm4b:s1+s3], $0x80, v49, vm0, $0xb8;
	[tilespmem:$0x1E800] =	vst v63  }
0x3f9: {  	_ = 	snop  }
0x3fa: {  	[tilespmem:s10], [sflag:$0x1] =	stream.indirect_vreg.gather [hbm4b:s6+s3], $0x80, v49, vm0, $0xb8;
	[tilespmem:$0x1E800] =	vst v63  }
0x3fb: {  	_ = 	snop  }
0x3fc: {  	[tilespmem:s11], [sflag:$0x1] =	stream.indirect_vreg.gather [hbm4b:s7+s3], $0x80, v49, vm0, $0xb8;
	[tilespmem:$0x1E800] =	vst v63  }
0x3fd: {  	v49 =	vld [tilespmem:s19+$0x30];
	_ =	sdelay $0x4  }
0x3fe: {  	v54 =	vshrl.u32 v49, $0x3  }
0x3ff: {  	v50 =	vmul.u32 $0x30, v54  }
0x400: {  	v49 =	vand.u32 $0x7, v49  }
0x401: {  	v49 =	vor.u32 v49, v50  }
0x402: {  	v50 =	vperm.xlane v49, v38;
	_ =	sdelay $0x1  }
0x403: {  	v50 =	vadd.s32 v39, v50;
	_ =	sdelay $0x3  }
0x404: {  	s13 =	simm.s32 $0x19C00;
	v49 =	vperm.xlane v49, v40  }
0x405: {  	[tilespmem:s13], [sflag:$0x1] =	stream.indirect_vreg.gather [hbm4b:s1+s3], $0x80, v50, vm0, $0xb8;
	[tilespmem:$0x1E800] =	vst v63  }
0x406: {  	s19 =	simm.s32 $0x1A400;
	v49 =	vadd.s32 v39, v49  }
0x407: {  	[tilespmem:s19], [sflag:$0x1] =	stream.indirect_vreg.gather [hbm4b:s6+s3], $0x80, v50, vm0, $0xb8;
	[tilespmem:$0x1E800] =	vst v63  }
0x408: {  	s18 =	simm.s32 $0x1AC00  }
0x409: {  	[tilespmem:s18], [sflag:$0x1] =	stream.indirect_vreg.gather [hbm4b:s7+s3], $0x80, v50, vm0, $0xb8;
	[tilespmem:$0x1E800] =	vst v63  }
0x40a: {  	s20 =	simm.s32 $0x1B400  }
0x40b: {  	[tilespmem:s20], [sflag:$0x1] =	stream.indirect_vreg.gather [hbm4b:s1+s3], $0x80, v49, vm0, $0xb8;
	[tilespmem:$0x1E800] =	vst v63  }
0x40c: {  	s28 =	simm.s32 $0x1BC00  }
0x40d: {  	[tilespmem:s28], [sflag:$0x1] =	stream.indirect_vreg.gather [hbm4b:s6+s3], $0x80, v49, vm0, $0xb8;
	[tilespmem:$0x1E800] =	vst v63  }
0x40e: {  	s5 =	simm.s32 $0x1C400  }
0x40f: {  	[tilespmem:s5], [sflag:$0x1] =	stream.indirect_vreg.gather [hbm4b:s7+s3], $0x80, v49, vm0, $0xb8;
	[tilespmem:$0x1E800] =	vst v63  }
0x410: {  	v49 =	vld.idx.msk [tilespmem:v24+s3+$0x0], $0xffff;
	_ =	sdelay $0x4  }
0x411: {  	v49 =	vshrl.u32 v49, $0x6  }
0x412: {  	v55 =	vadd.s32 $0x904, v49;
	_ =	sdelay $0x4  }
0x413: {  	v50 =	vld.idx.msk [tilespmem:v55+s26+$0x0], $0xffff  }
0x414: {  	v56 =	vadd.s32 $0xB45, v49;
	_ =	sdelay $0x3  }
0x415: {  	[tilespmem:$0x1E354] =	vst v50  }
0x416: {  	v50 =	vld.idx.msk [tilespmem:v56+s26+$0x0], $0xffff  }
0x417: {  	v57 =	vadd.s32 $0xD86, v49;
	_ =	sdelay $0x3  }
0x418: {  	[tilespmem:$0x1E475] =	vst v50  }
0x419: {  	v50 =	vld.idx.msk [tilespmem:v57+s26+$0x0], $0xffff  }
0x41a: {  	v49 =	vadd.s32 $0xFC7, v49;
	_ =	sdelay $0x3  }
0x41b: {  	[tilespmem:$0x1E596] =	vst v50  }
0x41c: {  	v49 =	vld.idx.msk [tilespmem:v49+s26+$0x0], $0xffff;
	_ =	sdelay $0x4  }
0x41d: {  	[tilespmem:$0x1E6B7] =	vst v49  }
0x41e: {  	v49 =	vld.idx.msk [tilespmem:v25+s3+$0x0], $0xffff;
	_ =	sdelay $0x4  }
0x41f: {  	v49 =	vshrl.u32 v49, $0x6  }
0x420: {  	v58 =	vadd.s32 $0x904, v49;
	_ =	sdelay $0x4  }
0x421: {  	v50 =	vld.idx.msk [tilespmem:v58+s26+$0x0], $0xffff  }
0x422: {  	v59 =	vadd.s32 $0xB45, v49;
	_ =	sdelay $0x3  }
0x423: {  	[tilespmem:$0x1E364] =	vst v50  }
0x424: {  	v50 =	vld.idx.msk [tilespmem:v59+s26+$0x0], $0xffff  }
0x425: {  	v60 =	vadd.s32 $0xD86, v49;
	_ =	sdelay $0x3  }
0x426: {  	[tilespmem:$0x1E485] =	vst v50  }
0x427: {  	v50 =	vld.idx.msk [tilespmem:v60+s26+$0x0], $0xffff  }
0x428: {  	v49 =	vadd.s32 $0xFC7, v49;
	_ =	sdelay $0x3  }
0x429: {  	[tilespmem:$0x1E5A6] =	vst v50  }
0x42a: {  	v49 =	vld.idx.msk [tilespmem:v49+s26+$0x0], $0xffff;
	_ =	sdelay $0x4  }
0x42b: {  	[tilespmem:$0x1E6C7] =	vst v49  }
0x42c: {  	v49 =	vld.idx.msk [tilespmem:v26+s3+$0x0], $0xffff;
	_ =	sdelay $0x4  }
0x42d: {  	v49 =	vshrl.u32 v49, $0x6  }
0x42e: {  	v61 =	vadd.s32 $0x904, v49;
	_ =	sdelay $0x4  }
0x42f: {  	v50 =	vld.idx.msk [tilespmem:v61+s26+$0x0], $0xffff  }
0x430: {  	v62 =	vadd.s32 $0xB45, v49;
	_ =	sdelay $0x3  }
0x431: {  	[tilespmem:$0x1E374] =	vst v50  }
0x432: {  	v50 =	vld.idx.msk [tilespmem:v62+s26+$0x0], $0xffff  }
0x433: {  	v63 =	vadd.s32 $0xD86, v49;
	_ =	sdelay $0x3  }
0x434: {  	[tilespmem:$0x1E495] =	vst v50  }
0x435: {  	v50 =	vld.idx.msk [tilespmem:v63+s26+$0x0], $0xffff  }
0x436: {  	v49 =	vadd.s32 $0xFC7, v49;
	_ =	sdelay $0x3  }
0x437: {  	[tilespmem:$0x1E5B6] =	vst v50  }
0x438: {  	v49 =	vld.idx.msk [tilespmem:v49+s26+$0x0], $0xffff;
	_ =	sdelay $0x4  }
0x439: {  	[tilespmem:$0x1E6D7] =	vst v49  }
0x43a: {  	v49 =	vld.idx.msk [tilespmem:v27+s3+$0x0], $0xffff;
	_ =	sdelay $0x4  }
0x43b: {  	v49 =	vshrl.u32 v49, $0x6  }
0x43c: {  	v54 =	vadd.s32 $0x904, v49;
	_ =	sdelay $0x4  }
0x43d: {  	v50 =	vld.idx.msk [tilespmem:v54+s26+$0x0], $0xffff  }
0x43e: {  	v55 =	vadd.s32 $0xB45, v49;
	_ =	sdelay $0x3  }
0x43f: {  	[tilespmem:$0x1E384] =	vst v50  }
0x440: {  	v50 =	vld.idx.msk [tilespmem:v55+s26+$0x0], $0xffff  }
0x441: {  	v56 =	vadd.s32 $0xD86, v49;
	_ =	sdelay $0x3  }
0x442: {  	[tilespmem:$0x1E4A5] =	vst v50  }
0x443: {  	v50 =	vld.idx.msk [tilespmem:v56+s26+$0x0], $0xffff  }
0x444: {  	v49 =	vadd.s32 $0xFC7, v49;
	_ =	sdelay $0x3  }
0x445: {  	[tilespmem:$0x1E5C6] =	vst v50  }
0x446: {  	v49 =	vld.idx.msk [tilespmem:v49+s26+$0x0], $0xffff;
	_ =	sdelay $0x4  }
0x447: {  	[tilespmem:$0x1E6E7] =	vst v49  }
0x448: {  	_ =	swait.ge [sflag:s31], $0xC000  }
0x449: {  	[sflag:s31] =	ssyncset.done $0x0  }
0x44a: {  	s14 =	simm.s32 $0x4C00;
	s8 =	rddreg [dreg:$0xd];
	[sflag:s31] =	ssyncadd.s32 $0xFFFF4000  }
0x44b: {  	[hbm4b:s8+s3] =	stream.linear.scatter [tilespmem:s14], [sflag:$0x2], $0xC000, $0x38;
	[tilespmem:$0x1E800] =	vst v63  }
0x44c: {  	_ =	swait.ge [sflag:s2], $0xC000  }
0x44d: {  	[sflag:s2] =	ssyncset.done $0x0  }
0x44e: {  	[sflag:s2] =	ssyncadd.s32 $0xFFFF4000  }
0x44f: {  	v57 =	vld [tilespmem:s4+$0x140];
	_ =	sdelay $0x4  }
0x450: {  	v58 =	vshrl.u32 v57, $0x3  }
0x451: {  	v50 =	vmul.u32 $0x30, v58  }
0x452: {  	v49 =	vand.u32 $0x7, v57  }
0x453: {  	v49 =	vor.u32 v49, v50  }
0x454: {  	v50 =	vperm.xlane v49, v38;
	_ =	sdelay $0x1  }
0x455: {  	v50 =	vadd.s32 v39, v50;
	_ =	sdelay $0x3  }
0x456: {  	v49 =	vperm.xlane v49, v40  }
0x457: {  	[tilespmem:s14], [sflag:$0x1] =	stream.indirect_vreg.gather [hbm4b:s1+s3], $0x80, v50, vm0, $0xb8;
	[tilespmem:$0x1E800] =	vst v63  }
0x458: {  	s9 =	simm.s32 $0x5400;
	v49 =	vadd.s32 v39, v49  }
0x459: {  	[tilespmem:s9], [sflag:$0x1] =	stream.indirect_vreg.gather [hbm4b:s6+s3], $0x80, v50, vm0, $0xb8;
	[tilespmem:$0x1E800] =	vst v63  }
0x45a: {  	s10 =	simm.s32 $0x5C00  }
0x45b: {  	[tilespmem:s10], [sflag:$0x1] =	stream.indirect_vreg.gather [hbm4b:s7+s3], $0x80, v50, vm0, $0xb8;
	[tilespmem:$0x1E800] =	vst v63  }
0x45c: {  	s11 =	simm.s32 $0x6400  }
0x45d: {  	[tilespmem:s11], [sflag:$0x1] =	stream.indirect_vreg.gather [hbm4b:s1+s3], $0x80, v49, vm0, $0xb8;
	[tilespmem:$0x1E800] =	vst v63  }
0x45e: {  	s13 =	simm.s32 $0x6C00  }
0x45f: {  	[tilespmem:s13], [sflag:$0x1] =	stream.indirect_vreg.gather [hbm4b:s6+s3], $0x80, v49, vm0, $0xb8;
	[tilespmem:$0x1E800] =	vst v63  }
0x460: {  	s18 =	rddreg [dreg:$0x19]  }
0x461: {  	[tilespmem:s12], [sflag:$0x1] =	stream.indirect_vreg.gather [hbm4b:s7+s3], $0x80, v49, vm0, $0xb8;
	[tilespmem:$0x1E800] =	vst v63  }
0x462: {  	v49 =	vld [tilespmem:s18+$0x10];
	_ =	sdelay $0x4  }
0x463: {  	v59 =	vshrl.u32 v49, $0x3  }
0x464: {  	v50 =	vmul.u32 $0x30, v59  }
0x465: {  	v49 =	vand.u32 $0x7, v49  }
0x466: {  	v49 =	vor.u32 v49, v50  }
0x467: {  	v50 =	vperm.xlane v49, v38;
	_ =	sdelay $0x1  }
0x468: {  	v50 =	vadd.s32 v39, v50;
	_ =	sdelay $0x3  }
0x469: {  	s20 =	simm.s32 $0x7C00;
	v49 =	vperm.xlane v49, v40  }
0x46a: {  	[tilespmem:s20], [sflag:$0x1] =	stream.indirect_vreg.gather [hbm4b:s1+s3], $0x80, v50, vm0, $0xb8;
	[tilespmem:$0x1E800] =	vst v63  }
0x46b: {  	s28 =	simm.s32 $0x8400;
	v49 =	vadd.s32 v39, v49  }
0x46c: {  	[tilespmem:s28], [sflag:$0x1] =	stream.indirect_vreg.gather [hbm4b:s6+s3], $0x80, v50, vm0, $0xb8;
	[tilespmem:$0x1E800] =	vst v63  }
0x46d: {  	_ = 	snop  }
0x46e: {  	[tilespmem:s17], [sflag:$0x1] =	stream.indirect_vreg.gather [hbm4b:s7+s3], $0x80, v50, vm0, $0xb8;
	[tilespmem:$0x1E800] =	vst v63  }
0x46f: {  	s5 =	simm.s32 $0x9400  }
0x470: {  	[tilespmem:s5], [sflag:$0x1] =	stream.indirect_vreg.gather [hbm4b:s1+s3], $0x80, v49, vm0, $0xb8;
	[tilespmem:$0x1E800] =	vst v63  }
0x471: {  	s9 =	simm.s32 $0x9C00  }
0x472: {  	[tilespmem:s9], [sflag:$0x1] =	stream.indirect_vreg.gather [hbm4b:s6+s3], $0x80, v49, vm0, $0xb8;
	[tilespmem:$0x1E800] =	vst v63  }
0x473: {  	s10 =	simm.s32 $0xA400  }
0x474: {  	[tilespmem:s10], [sflag:$0x1] =	stream.indirect_vreg.gather [hbm4b:s7+s3], $0x80, v49, vm0, $0xb8;
	[tilespmem:$0x1E800] =	vst v63  }
0x475: {  	v49 =	vld [tilespmem:s18+$0x20];
	_ =	sdelay $0x4  }
0x476: {  	v60 =	vshrl.u32 v49, $0x3  }
0x477: {  	v50 =	vmul.u32 $0x30, v60  }
0x478: {  	v49 =	vand.u32 $0x7, v49  }
0x479: {  	v49 =	vor.u32 v49, v50  }
0x47a: {  	v50 =	vperm.xlane v49, v38;
	_ =	sdelay $0x1  }
0x47b: {  	v50 =	vadd.s32 v39, v50;
	_ =	sdelay $0x3  }
0x47c: {  	s11 =	simm.s32 $0xAC00;
	v49 =	vperm.xlane v49, v40  }
0x47d: {  	[tilespmem:s11], [sflag:$0x1] =	stream.indirect_vreg.gather [hbm4b:s1+s3], $0x80, v50, vm0, $0xb8;
	[tilespmem:$0x1E800] =	vst v63  }
0x47e: {  	s22 =	simm.s32 $0xB400;
	v49 =	vadd.s32 v39, v49  }
0x47f: {  	[tilespmem:s22], [sflag:$0x1] =	stream.indirect_vreg.gather [hbm4b:s6+s3], $0x80, v50, vm0, $0xb8;
	[tilespmem:$0x1E800] =	vst v63  }
0x480: {  	s23 =	simm.s32 $0xBC00  }
0x481: {  	[tilespmem:s23], [sflag:$0x1] =	stream.indirect_vreg.gather [hbm4b:s7+s3], $0x80, v50, vm0, $0xb8;
	[tilespmem:$0x1E800] =	vst v63  }
0x482: {  	s24 =	simm.s32 $0xC400  }
0x483: {  	[tilespmem:s24], [sflag:$0x1] =	stream.indirect_vreg.gather [hbm4b:s1+s3], $0x80, v49, vm0, $0xb8;
	[tilespmem:$0x1E800] =	vst v63  }
0x484: {  	s25 =	simm.s32 $0xCC00  }
0x485: {  	[tilespmem:s25], [sflag:$0x1] =	stream.indirect_vreg.gather [hbm4b:s6+s3], $0x80, v49, vm0, $0xb8;
	[tilespmem:$0x1E800] =	vst v63  }
0x486: {  	s12 =	simm.s32 $0xD400  }
0x487: {  	[tilespmem:s12], [sflag:$0x1] =	stream.indirect_vreg.gather [hbm4b:s7+s3], $0x80, v49, vm0, $0xb8;
	[tilespmem:$0x1E800] =	vst v63  }
0x488: {  	v49 =	vld [tilespmem:s18+$0x30];
	_ =	sdelay $0x4  }
0x489: {  	v61 =	vshrl.u32 v49, $0x3  }
0x48a: {  	v50 =	vmul.u32 $0x30, v61  }
0x48b: {  	v49 =	vand.u32 $0x7, v49  }
0x48c: {  	v49 =	vor.u32 v49, v50  }
0x48d: {  	v50 =	vperm.xlane v49, v38;
	_ =	sdelay $0x1  }
0x48e: {  	v50 =	vadd.s32 v39, v50;
	_ =	sdelay $0x3  }
0x48f: {  	s17 =	simm.s32 $0xDC00;
	v49 =	vperm.xlane v49, v40  }
0x490: {  	[tilespmem:s17], [sflag:$0x1] =	stream.indirect_vreg.gather [hbm4b:s1+s3], $0x80, v50, vm0, $0xb8;
	[tilespmem:$0x1E800] =	vst v63  }
0x491: {  	s29 =	simm.s32 $0xE400;
	v49 =	vadd.s32 v39, v49  }
0x492: {  	[tilespmem:s29], [sflag:$0x1] =	stream.indirect_vreg.gather [hbm4b:s6+s3], $0x80, v50, vm0, $0xb8;
	[tilespmem:$0x1E800] =	vst v63  }
0x493: {  	s30 =	simm.s32 $0xEC00  }
0x494: {  	[tilespmem:s30], [sflag:$0x1] =	stream.indirect_vreg.gather [hbm4b:s7+s3], $0x80, v50, vm0, $0xb8;
	[tilespmem:$0x1E800] =	vst v63  }
0x495: {  	s18 =	simm.s32 $0xF400  }
0x496: {  	[tilespmem:s18], [sflag:$0x1] =	stream.indirect_vreg.gather [hbm4b:s1+s3], $0x80, v49, vm0, $0xb8;
	[tilespmem:$0x1E800] =	vst v63  }
0x497: {  	s19 =	simm.s32 $0xFC00  }
0x498: {  	[tilespmem:s19], [sflag:$0x1] =	stream.indirect_vreg.gather [hbm4b:s6+s3], $0x80, v49, vm0, $0xb8;
	[tilespmem:$0x1E800] =	vst v63  }
0x499: {  	s20 =	simm.s32 $0x10400  }
0x49a: {  	[tilespmem:s20], [sflag:$0x1] =	stream.indirect_vreg.gather [hbm4b:s7+s3], $0x80, v49, vm0, $0xb8;
	[tilespmem:$0x1E800] =	vst v63  }
0x49b: {  	v49 =	vld.idx.msk [tilespmem:v28+s3+$0x0], $0xffff;
	_ =	sdelay $0x4  }
0x49c: {  	v49 =	vshrl.u32 v49, $0x6  }
0x49d: {  	v62 =	vadd.s32 $0x904, v49;
	_ =	sdelay $0x4  }
0x49e: {  	v50 =	vld.idx.msk [tilespmem:v62+s26+$0x0], $0xffff  }
0x49f: {  	v63 =	vadd.s32 $0xB45, v49;
	_ =	sdelay $0x3  }
0x4a0: {  	[tilespmem:$0x1E394] =	vst v50  }
0x4a1: {  	v50 =	vld.idx.msk [tilespmem:v63+s26+$0x0], $0xffff  }
0x4a2: {  	v54 =	vadd.s32 $0xD86, v49;
	_ =	sdelay $0x3  }
0x4a3: {  	[tilespmem:$0x1E4B5] =	vst v50  }
0x4a4: {  	v50 =	vld.idx.msk [tilespmem:v54+s26+$0x0], $0xffff  }
0x4a5: {  	v49 =	vadd.s32 $0xFC7, v49;
	_ =	sdelay $0x3  }
0x4a6: {  	[tilespmem:$0x1E5D6] =	vst v50  }
0x4a7: {  	v49 =	vld.idx.msk [tilespmem:v49+s26+$0x0], $0xffff;
	_ =	sdelay $0x4  }
0x4a8: {  	[tilespmem:$0x1E6F7] =	vst v49  }
0x4a9: {  	v49 =	vld.idx.msk [tilespmem:v29+s3+$0x0], $0xffff;
	_ =	sdelay $0x4  }
0x4aa: {  	v49 =	vshrl.u32 v49, $0x6  }
0x4ab: {  	v55 =	vadd.s32 $0x904, v49;
	_ =	sdelay $0x4  }
0x4ac: {  	v50 =	vld.idx.msk [tilespmem:v55+s26+$0x0], $0xffff  }
0x4ad: {  	v56 =	vadd.s32 $0xB45, v49;
	_ =	sdelay $0x3  }
0x4ae: {  	[tilespmem:$0x1E3A4] =	vst v50  }
0x4af: {  	v50 =	vld.idx.msk [tilespmem:v56+s26+$0x0], $0xffff  }
0x4b0: {  	v57 =	vadd.s32 $0xD86, v49;
	_ =	sdelay $0x3  }
0x4b1: {  	[tilespmem:$0x1E4C5] =	vst v50  }
0x4b2: {  	v50 =	vld.idx.msk [tilespmem:v57+s26+$0x0], $0xffff  }
0x4b3: {  	v49 =	vadd.s32 $0xFC7, v49;
	_ =	sdelay $0x3  }
0x4b4: {  	[tilespmem:$0x1E5E6] =	vst v50  }
0x4b5: {  	v49 =	vld.idx.msk [tilespmem:v49+s26+$0x0], $0xffff;
	_ =	sdelay $0x4  }
0x4b6: {  	[tilespmem:$0x1E707] =	vst v49  }
0x4b7: {  	v49 =	vld.idx.msk [tilespmem:v30+s3+$0x0], $0xffff;
	_ =	sdelay $0x4  }
0x4b8: {  	v49 =	vshrl.u32 v49, $0x6  }
0x4b9: {  	v58 =	vadd.s32 $0x904, v49;
	_ =	sdelay $0x4  }
0x4ba: {  	v50 =	vld.idx.msk [tilespmem:v58+s26+$0x0], $0xffff  }
0x4bb: {  	v59 =	vadd.s32 $0xB45, v49;
	_ =	sdelay $0x3  }
0x4bc: {  	[tilespmem:$0x1E3B4] =	vst v50  }
0x4bd: {  	v50 =	vld.idx.msk [tilespmem:v59+s26+$0x0], $0xffff  }
0x4be: {  	v60 =	vadd.s32 $0xD86, v49;
	_ =	sdelay $0x3  }
0x4bf: {  	[tilespmem:$0x1E4D5] =	vst v50  }
0x4c0: {  	v50 =	vld.idx.msk [tilespmem:v60+s26+$0x0], $0xffff  }
0x4c1: {  	v49 =	vadd.s32 $0xFC7, v49;
	_ =	sdelay $0x3  }
0x4c2: {  	[tilespmem:$0x1E5F6] =	vst v50  }
0x4c3: {  	v49 =	vld.idx.msk [tilespmem:v49+s26+$0x0], $0xffff;
	_ =	sdelay $0x4  }
0x4c4: {  	[tilespmem:$0x1E717] =	vst v49  }
0x4c5: {  	v49 =	vld.idx.msk [tilespmem:v31+s3+$0x0], $0xffff;
	_ =	sdelay $0x4  }
0x4c6: {  	v49 =	vshrl.u32 v49, $0x6  }
0x4c7: {  	v61 =	vadd.s32 $0x904, v49;
	_ =	sdelay $0x4  }
0x4c8: {  	v50 =	vld.idx.msk [tilespmem:v61+s26+$0x0], $0xffff  }
0x4c9: {  	v62 =	vadd.s32 $0xB45, v49;
	_ =	sdelay $0x3  }
0x4ca: {  	[tilespmem:$0x1E3C4] =	vst v50  }
0x4cb: {  	v50 =	vld.idx.msk [tilespmem:v62+s26+$0x0], $0xffff  }
0x4cc: {  	v63 =	vadd.s32 $0xD86, v49;
	_ =	sdelay $0x3  }
0x4cd: {  	[tilespmem:$0x1E4E5] =	vst v50  }
0x4ce: {  	v50 =	vld.idx.msk [tilespmem:v63+s26+$0x0], $0xffff  }
0x4cf: {  	v49 =	vadd.s32 $0xFC7, v49;
	_ =	sdelay $0x3  }
0x4d0: {  	[tilespmem:$0x1E606] =	vst v50  }
0x4d1: {  	v49 =	vld.idx.msk [tilespmem:v49+s26+$0x0], $0xffff;
	_ =	sdelay $0x4  }
0x4d2: {  	[tilespmem:$0x1E727] =	vst v49  }
0x4d3: {  	s8 =	rddreg [dreg:$0x1a];
	_ =	swait.ge [sflag:s31], $0xC000  }
0x4d4: {  	[sflag:s31] =	ssyncset.done $0x0  }
0x4d5: {  	s22 =	rddreg [dreg:$0xe];
	[sflag:s31] =	ssyncadd.s32 $0xFFFF4000  }
0x4d6: {  	[hbm4b:s22+s3] =	stream.linear.scatter [tilespmem:s21], [sflag:$0x3], $0xC000, $0x38;
	[tilespmem:$0x1E800] =	vst v63  }
0x4d7: {  	_ =	swait.ge [sflag:s15], $0xC000  }
0x4d8: {  	[sflag:s15] =	ssyncset.done $0x0  }
0x4d9: {  	[sflag:s15] =	ssyncadd.s32 $0xFFFF4000  }
0x4da: {  	v53 =	vld.msk [tilespmem:s4+$0x180], $0xff;
	_ =	sdelay $0x4  }
0x4db: {  	v54 =	vshrl.u32 v53, $0x3  }
0x4dc: {  	v50 =	vmul.u32 $0x30, v54  }
0x4dd: {  	v49 =	vand.u32 $0x7, v53  }
0x4de: {  	v49 =	vor.u32 v49, v50  }
0x4df: {  	v49 =	vperm.xlane v49, v38;
	_ =	sdelay $0x1  }
0x4e0: {  	v49 =	vadd.s32 v39, v49;
	_ =	sdelay $0x4  }
0x4e1: {  	[tilespmem:s21], [sflag:$0x1] =	stream.indirect_vreg.gather [hbm4b:s1+s3], $0x80, v49, vm0, $0xb8;
	[tilespmem:$0x1E800] =	vst v63  }
0x4e2: {  	s23 =	simm.s32 $0x11400  }
0x4e3: {  	[tilespmem:s23], [sflag:$0x1] =	stream.indirect_vreg.gather [hbm4b:s6+s3], $0x80, v49, vm0, $0xb8;
	[tilespmem:$0x1E800] =	vst v63  }
0x4e4: {  	s24 =	simm.s32 $0x11C00  }
0x4e5: {  	[tilespmem:s24], [sflag:$0x1] =	stream.indirect_vreg.gather [hbm4b:s7+s3], $0x80, v49, vm0, $0xb8;
	[tilespmem:$0x1E800] =	vst v63  }
0x4e6: {  	v49 =	vld.idx.msk [tilespmem:v32+s3+$0x0], $0xffff;
	_ =	sdelay $0x4  }
0x4e7: {  	v49 =	vshrl.u32 v49, $0x6  }
0x4e8: {  	v55 =	vadd.s32 $0x904, v49;
	_ =	sdelay $0x4  }
0x4e9: {  	v50 =	vld.idx.msk [tilespmem:v55+s26+$0x0], $0xffff  }
0x4ea: {  	v56 =	vadd.s32 $0xB45, v49;
	_ =	sdelay $0x3  }
0x4eb: {  	[tilespmem:$0x1E3D4] =	vst v50  }
0x4ec: {  	v50 =	vld.idx.msk [tilespmem:v56+s26+$0x0], $0xffff  }
0x4ed: {  	v57 =	vadd.s32 $0xD86, v49;
	_ =	sdelay $0x3  }
0x4ee: {  	[tilespmem:$0x1E4F5] =	vst v50  }
0x4ef: {  	v50 =	vld.idx.msk [tilespmem:v57+s26+$0x0], $0xffff  }
0x4f0: {  	v49 =	vadd.s32 $0xFC7, v49;
	_ =	sdelay $0x3  }
0x4f1: {  	[tilespmem:$0x1E616] =	vst v50  }
0x4f2: {  	v49 =	vld.idx.msk [tilespmem:v49+s26+$0x0], $0xffff;
	_ =	sdelay $0x4  }
0x4f3: {  	[tilespmem:$0x1E737] =	vst v49  }
0x4f4: {  	v49 =	vld.idx.msk [tilespmem:v33+s3+$0x0], $0xffff;
	_ =	sdelay $0x4  }
0x4f5: {  	v49 =	vshrl.u32 v49, $0x6  }
0x4f6: {  	v58 =	vadd.s32 $0x904, v49;
	_ =	sdelay $0x4  }
0x4f7: {  	v50 =	vld.idx.msk [tilespmem:v58+s26+$0x0], $0xffff  }
0x4f8: {  	v59 =	vadd.s32 $0xB45, v49;
	_ =	sdelay $0x3  }
0x4f9: {  	[tilespmem:$0x1E3E4] =	vst v50  }
0x4fa: {  	v50 =	vld.idx.msk [tilespmem:v59+s26+$0x0], $0xffff  }
0x4fb: {  	v60 =	vadd.s32 $0xD86, v49;
	_ =	sdelay $0x3  }
0x4fc: {  	[tilespmem:$0x1E505] =	vst v50  }
0x4fd: {  	v50 =	vld.idx.msk [tilespmem:v60+s26+$0x0], $0xffff  }
0x4fe: {  	v49 =	vadd.s32 $0xFC7, v49;
	_ =	sdelay $0x3  }
0x4ff: {  	[tilespmem:$0x1E626] =	vst v50  }
0x500: {  	v49 =	vld.idx.msk [tilespmem:v49+s26+$0x0], $0xffff;
	_ =	sdelay $0x4  }
0x501: {  	[tilespmem:$0x1E747] =	vst v49  }
0x502: {  	v49 =	vld.idx.msk [tilespmem:v34+s3+$0x0], $0xffff;
	_ =	sdelay $0x4  }
0x503: {  	v49 =	vshrl.u32 v49, $0x6  }
0x504: {  	v61 =	vadd.s32 $0x904, v49;
	_ =	sdelay $0x4  }
0x505: {  	v50 =	vld.idx.msk [tilespmem:v61+s26+$0x0], $0xffff  }
0x506: {  	v62 =	vadd.s32 $0xB45, v49;
	_ =	sdelay $0x3  }
0x507: {  	[tilespmem:$0x1E3F4] =	vst v50  }
0x508: {  	v50 =	vld.idx.msk [tilespmem:v62+s26+$0x0], $0xffff  }
0x509: {  	v63 =	vadd.s32 $0xD86, v49;
	_ =	sdelay $0x3  }
0x50a: {  	[tilespmem:$0x1E515] =	vst v50  }
0x50b: {  	v50 =	vld.idx.msk [tilespmem:v63+s26+$0x0], $0xffff  }
0x50c: {  	v49 =	vadd.s32 $0xFC7, v49;
	_ =	sdelay $0x3  }
0x50d: {  	[tilespmem:$0x1E636] =	vst v50  }
0x50e: {  	v49 =	vld.idx.msk [tilespmem:v49+s26+$0x0], $0xffff;
	_ =	sdelay $0x4  }
0x50f: {  	[tilespmem:$0x1E757] =	vst v49  }
0x510: {  	v49 =	vld.idx.msk [tilespmem:v35+s3+$0x0], $0xffff;
	_ =	sdelay $0x4  }
0x511: {  	v49 =	vshrl.u32 v49, $0x6  }
0x512: {  	v54 =	vadd.s32 $0x904, v49;
	_ =	sdelay $0x4  }
0x513: {  	v50 =	vld.idx.msk [tilespmem:v54+s26+$0x0], $0xffff  }
0x514: {  	v55 =	vadd.s32 $0xB45, v49;
	_ =	sdelay $0x3  }
0x515: {  	[tilespmem:$0x1E404] =	vst v50  }
0x516: {  	v50 =	vld.idx.msk [tilespmem:v55+s26+$0x0], $0xffff  }
0x517: {  	v56 =	vadd.s32 $0xD86, v49;
	_ =	sdelay $0x3  }
0x518: {  	[tilespmem:$0x1E525] =	vst v50  }
0x519: {  	v50 =	vld.idx.msk [tilespmem:v56+s26+$0x0], $0xffff  }
0x51a: {  	v49 =	vadd.s32 $0xFC7, v49;
	_ =	sdelay $0x3  }
0x51b: {  	[tilespmem:$0x1E646] =	vst v50  }
0x51c: {  	v49 =	vld.idx.msk [tilespmem:v49+s26+$0x0], $0xffff;
	_ =	sdelay $0x4  }
0x51d: {  	[tilespmem:$0x1E767] =	vst v49  }
0x51e: {  	_ =	swait.ge [sflag:s31], $0xC000  }
0x51f: {  	[sflag:s31] =	ssyncset.done $0x0  }
0x520: {  	s25 =	rddreg [dreg:$0xf];
	[sflag:s31] =	ssyncadd.s32 $0xFFFF4000  }
0x521: {  	[hbm4b:s25+s3] =	stream.linear.scatter [tilespmem:s14], [sflag:$0x2], $0xC000, $0x38;
	[tilespmem:$0x1E800] =	vst v63  }
0x522: {  	v57 =	vld.idx.msk [tilespmem:v36+s3+$0x0], $0xffff;
	_ =	sdelay $0x4  }
0x523: {  	v49 =	vshrl.u32 v57, $0x6  }
0x524: {  	v58 =	vadd.s32 $0x904, v49;
	_ =	sdelay $0x4  }
0x525: {  	v50 =	vld.idx.msk [tilespmem:v58+s26+$0x0], $0xffff  }
0x526: {  	v59 =	vadd.s32 $0xB45, v49;
	_ =	sdelay $0x3  }
0x527: {  	[tilespmem:$0x1E414] =	vst v50  }
0x528: {  	v50 =	vld.idx.msk [tilespmem:v59+s26+$0x0], $0xffff  }
0x529: {  	v60 =	vadd.s32 $0xD86, v49;
	_ =	sdelay $0x3  }
0x52a: {  	[tilespmem:$0x1E535] =	vst v50  }
0x52b: {  	v50 =	vld.idx.msk [tilespmem:v60+s26+$0x0], $0xffff  }
0x52c: {  	v49 =	vadd.s32 $0xFC7, v49;
	_ =	sdelay $0x3  }
0x52d: {  	[tilespmem:$0x1E656] =	vst v50  }
0x52e: {  	v49 =	vld.idx.msk [tilespmem:v49+s26+$0x0], $0xffff;
	_ =	sdelay $0x4  }
0x52f: {  	[tilespmem:$0x1E777] =	vst v49  }
0x530: {  	v49 =	vld.idx.msk [tilespmem:v37+s3+$0x0], $0xffff;
	_ =	sdelay $0x4  }
0x531: {  	v49 =	vshrl.u32 v49, $0x6  }
0x532: {  	v61 =	vadd.s32 $0x904, v49;
	_ =	sdelay $0x4  }
0x533: {  	v50 =	vld.idx.msk [tilespmem:v61+s26+$0x0], $0xffff  }
0x534: {  	v62 =	vadd.s32 $0xB45, v49;
	_ =	sdelay $0x3  }
0x535: {  	[tilespmem:v45+s16+$0x0] =	vst.idx.msk $0x1, v50  }
0x536: {  	v50 =	vld.idx.msk [tilespmem:v62+s26+$0x0], $0xffff  }
0x537: {  	v63 =	vadd.s32 $0xD86, v49;
	_ =	sdelay $0x3  }
0x538: {  	[tilespmem:v46+s16+$0x0] =	vst.idx.msk $0x1, v50  }
0x539: {  	v50 =	vld.idx.msk [tilespmem:v63+s26+$0x0], $0xffff  }
0x53a: {  	v49 =	vadd.s32 $0xFC7, v49;
	_ =	sdelay $0x3  }
0x53b: {  	[tilespmem:v47+s16+$0x0] =	vst.idx.msk $0x1, v50  }
0x53c: {  	v49 =	vld.idx.msk [tilespmem:v49+s26+$0x0], $0xffff;
	_ =	sdelay $0x4  }
0x53d: {  	[tilespmem:v48+s16+$0x0] =	vst.idx.msk $0x1, v49  }
0x53e: {  	_ =	swait.ge [sflag:s31], $0x1800  }
0x53f: {  	s20 =	simm.s32 @!p0 $0x0;
	[sflag:s31] =	ssyncset.done $0x0  }
0x540: {  	s21 =	simm.s32 @!p0 $0x10C00;
	s19 =	rddreg [dreg:$0x10];
	[sflag:s31] =	ssyncadd.s32 $0xFFFFE800  }
0x541: {  	[hbm4b:s19+s20] =	stream.linear.scatter @!p0 [tilespmem:s21], [sflag:$0x4], $0x1800, $0x38;
	[tilespmem:$0x1E800] =	vst v63  }
0x542: {  	s19 =	simm.s32 @!p0 $0x4  }
0x543: {  	_ =	swait.ge @!p0 [sflag:s19], $0x1800  }
0x544: {  	[sflag:s19] =	ssyncset.done @!p0 $0x0  }
0x545: {  	[sflag:s19] =	ssyncadd.s32 @!p0 $0xFFFFE800  }
0x546: {  	s13 =	sadd.s32 $0xFFFFFFFF, s8;
	_ =	swait.ge [sflag:s2], $0xC000  }
0x547: {  	p1 =	sne.s32 s13, $0x0;
	s29 =	simm.s32 $0x4;
	[sflag:s2] =	ssyncset.done $0x0  }
.Ltmp0:
0x548: {  	s28 =	rddreg [dreg:$0x11];
	[sflag:s2] =	ssyncadd.s32 $0xFFFF4000;
	(pc) =	sbr.rel @p1 .LBB2_1-.Ltmp0, $4  }
0x549: {  	[hbm4b:s28+s3] =	stream.linear.scatter [tilespmem:s16], [sflag:$0x4], $0x908, $0x38;
	[tilespmem:$0x1E800] =	vst v63  }
0x54a: {  	_ =	swait.ge [sflag:s29], $0x908  }
0x54b: {  	s30 =	simm.s32 $0x4;
	[sflag:s29] =	ssyncset.done $0x0  }
0x54c: {  	[sflag:s30] =	ssyncadd.s32 $0xFFFFF6F8  }
0x54d: {  	_ =	sfence.sel $0x180000  }
0x54e: {  	[bflag:$0x0] =	sbarrier.arrive $0xFFFF  }
0x54f: {  	_ =	strace $0x90000047  }
0x550: {  	s0 =	stileid.u32;
	[bflag:$0x2] =	sbarrier.arrive $0xFFFF  }
0x551: {  	p0 =	sne.s32 s0, $0x0;
	s0 =	rddreg [dreg:$0x4]  }
0x552: {  	s0 =	sadd.s32 @!p0 $0x100000, s0  }
0x553: {  	[sflag:s0] =	ssyncadd.tile.s32 @!p0 $0x1;
	_ =	shalt  }
.Lfunc_end2:
_tile_overlayer_lowered:
.L_overlay_start_2:
0x554: {  	(tag) =	ssettag $0x2  }
0x555: {  	s0 =	rddreg [dreg:$0x0];
	s2 =	stileid.u32  }
0x556: {  	s1 =	rddreg [dreg:$0x1];
	p0 =	sne.s32 s2, $0x0  }
0x557: {  	s3 =	rddreg [dreg:$0x2];
	[bflag:$0x3] =	sbarrier.arrive $0xFFFF;
	s2 =	simm.s32 @!p0 $0x1C04  }
0x558: {  	[timem:s3], [sflag:s2] =	dma.local @!p0 [hbm:s0], s1  }
0x559: {  	s0 =	simm.s32 @!p0 $0x4  }
0x55a: {  	_ =	swait.ge @!p0 [sflag:s0], s1  }
0x55b: {  	s1 =	ssub.s32 @!p0 $0x0, s1;
	[sflag:s0] =	ssyncset.done @!p0 $0x0  }
0x55c: {  	[sflag:s0] =	ssyncadd.s32 @!p0 s1  }
0x55d: {  	[bflag:$0x3] =	sbarrier.arrive $0xFFFF  }
0x55e: {  	_ =	shalt  }

</sc_bundles>
